<compile_context>
chip_gen: v7x
topology: tpu7x:2x2x1
jax: 0.10.2.dev20260603
libtpu: 0.0.44.dev20260713+nightly
codegen_flags: <defaults>
</compile_context>

<pallas_src>
import functools

import jax
import jax.numpy as jnp
from jax.experimental import pallas as pl
from jax.experimental.pallas import tpu as pltpu
from jax.experimental.pallas import tpu_sc as plsc

N_NODES = 10000
N_EDGES = 320000
LATENT = 64
GDIM = 8

NC, NS = 2, 16
NW = NC * NS
CHUNK = 128
SLOTS = 4
E_PAD = 327680
NP = 10240
BN = 2048
NBN = NP // BN
N_ACC = NP
ROWS_PER_TILE = N_ACC // NS
TSTAGE_PER_TILE = 2 * NP // NS


def _relu(x):
    return jnp.maximum(x, 0.0)


def _ln(x, scale, bias, eps=1e-6):
    m = jnp.mean(x, axis=-1, keepdims=True)
    xc = x - m
    v = jnp.mean(xc * xc, axis=-1, keepdims=True)
    return xc * jax.lax.rsqrt(v + eps) * scale + bias


def _enc_body(nodes_ref, wenc_ref, benc_ref, wproj_ref, gmat_ref, wg_ref,
              brows_ref, n_ref, p_ref, cvec_ref):
    n = jnp.dot(nodes_ref[...], wenc_ref[...],
                preferred_element_type=jnp.float32) + benc_ref[...]
    n_ref[...] = n
    p_ref[...] = jnp.dot(n, wproj_ref[...],
                         preferred_element_type=jnp.float32)
    c = jnp.dot(gmat_ref[...], wg_ref[...],
                preferred_element_type=jnp.float32) + brows_ref[...]
    cvec_ref[...] = jnp.concatenate([c, c], axis=1)


def _encoder_call(nodes, wenc, benc, wproj, gmat, wg, brows):
    full = lambda i: (0, 0)
    return pl.pallas_call(
        _enc_body,
        grid=(NBN,),
        in_specs=[
            pl.BlockSpec((BN, 128), lambda i: (i, 0)),
            pl.BlockSpec((128, LATENT), full),
            pl.BlockSpec((1, LATENT), full),
            pl.BlockSpec((LATENT, 2 * LATENT), full),
            pl.BlockSpec((4, 4 * GDIM), full),
            pl.BlockSpec((4 * GDIM, LATENT), full),
            pl.BlockSpec((4, LATENT), full),
        ],
        out_specs=[
            pl.BlockSpec((BN, LATENT), lambda i: (i, 0)),
            pl.BlockSpec((BN, 2 * LATENT), lambda i: (i, 0)),
            pl.BlockSpec((4, 2 * LATENT), full),
        ],
        out_shape=[
            jax.ShapeDtypeStruct((NP, LATENT), jnp.float32),
            jax.ShapeDtypeStruct((NP, 2 * LATENT), jnp.float32),
            jax.ShapeDtypeStruct((4, 2 * LATENT), jnp.float32),
        ],
    )(nodes, wenc, benc, wproj, gmat, wg, brows)


BE2 = 2048
NBE2 = (E_PAD // 2) // BE2
EPAIR = N_EDGES // 2


def _edge_body(has_e, ce_row, row_base, gs_ref, gr_ref, e_ref, w1e_ref,
               w2_ref, b2_ref, w3_ref, b3_ref, ce_ref, out_ref):
    x = gs_ref[...] + gr_ref[...] + ce_ref[ce_row:ce_row + 1, :]
    if has_e:
        x = x + jnp.dot(e_ref[...], w1e_ref[...],
                        preferred_element_type=jnp.float32)
    h1 = _relu(x)
    h2 = _relu(jnp.dot(h1, w2_ref[...],
                       preferred_element_type=jnp.float32) + b2_ref[...])
    y = jnp.dot(h2, w3_ref[...],
                preferred_element_type=jnp.float32) + b3_ref[...]
    rows = row_base + pl.program_id(0) * BE2 + jax.lax.broadcasted_iota(
        jnp.int32, (BE2, 1), 0)
    out_ref[...] = jnp.where(rows < EPAIR, y, 0.0)


def _edge_call(gv, e_prev, w1e, w2, b2, w3, b3, cvec, ce_row, row_base):
    has_e = e_prev is not None
    nblk = gv.shape[0] // (2 * BE2)
    full = lambda i: (0, 0)
    blk = lambda i: (i, 0)
    D = 2 * LATENT
    in_specs = [
        pl.BlockSpec((BE2, D), blk),
        pl.BlockSpec((BE2, D), lambda i: (i + nblk, 0)),
    ]
    args = [gv, gv]
    if has_e:
        in_specs += [pl.BlockSpec((BE2, D), blk),
                     pl.BlockSpec((D, D), full)]
        args += [e_prev, w1e]
    in_specs += [
        pl.BlockSpec((D, D), full),
        pl.BlockSpec((1, D), full),
        pl.BlockSpec((D, D), full),
        pl.BlockSpec((1, D), full),
        pl.BlockSpec((4, D), full),
    ]
    args += [w2, b2, w3, b3, cvec]
    body = functools.partial(_edge_body, has_e, ce_row, row_base)
    if not has_e:
        def body(gs, gr, w2r, b2r, w3r, b3r, cer, outr):
            _edge_body(False, ce_row, row_base, gs, gr, None, None, w2r,
                       b2r, w3r, b3r, cer, outr)
    return pl.pallas_call(
        body,
        grid=(nblk,),
        in_specs=in_specs,
        out_specs=pl.BlockSpec((BE2, D), blk),
        out_shape=jax.ShapeDtypeStruct((nblk * BE2, D), jnp.float32),
    )(*args)


def _node_body(final, cn_row, n_ref, r0_ref, r1_ref, a1_ref, bmat_ref,
               w2_ref, b2_ref, w3_ref, b3_ref, cn_ref, lns_ref, lnb_ref,
               wnext_ref, bnext_ref, *out_refs):
    n = n_ref[...]
    recv = r0_ref[...] + r1_ref[...]
    m1 = _relu(jnp.dot(n, a1_ref[...], preferred_element_type=jnp.float32)
               + jnp.dot(recv, bmat_ref[...],
                         preferred_element_type=jnp.float32)
               + cn_ref[cn_row:cn_row + 1, :LATENT])
    m2 = _relu(jnp.dot(m1, w2_ref[...],
                       preferred_element_type=jnp.float32) + b2_ref[...])
    nn = jnp.dot(m2, w3_ref[...],
                 preferred_element_type=jnp.float32) + b3_ref[...]
    y = _ln(nn + n, lns_ref[...], lnb_ref[...])
    if final:
        out_refs[0][...] = jnp.dot(
            y, wnext_ref[...], preferred_element_type=jnp.float32
        ) + bnext_ref[...]
    else:
        out_refs[0][...] = y
        out_refs[1][...] = jnp.dot(y, wnext_ref[...],
                                   preferred_element_type=jnp.float32)


def _node_call(final, n, r0, r1, a1, bmat, w2, b2, w3, b3, cvec, cn_row,
               lns, lnb, wnext, bnext):
    full = lambda i: (0, 0)
    blk = lambda i: (i, 0)
    next_cols = 128 if final else 2 * LATENT
    in_specs = [
        pl.BlockSpec((BN, LATENT), blk),
        pl.BlockSpec((BN, LATENT), blk),
        pl.BlockSpec((BN, LATENT), blk),
        pl.BlockSpec((LATENT, LATENT), full),
        pl.BlockSpec((LATENT, LATENT), full),
        pl.BlockSpec((LATENT, LATENT), full),
        pl.BlockSpec((1, LATENT), full),
        pl.BlockSpec((LATENT, LATENT), full),
        pl.BlockSpec((1, LATENT), full),
        pl.BlockSpec((4, 2 * LATENT), full),
        pl.BlockSpec((1, LATENT), full),
        pl.BlockSpec((1, LATENT), full),
        pl.BlockSpec((LATENT, next_cols), full),
        pl.BlockSpec((1, 128), full),
    ]
    if final:
        out_specs = pl.BlockSpec((BN, 128), blk)
        out_shape = jax.ShapeDtypeStruct((NP, 128), jnp.float32)
    else:
        out_specs = [pl.BlockSpec((BN, LATENT), blk),
                     pl.BlockSpec((BN, 2 * LATENT), blk)]
        out_shape = [
            jax.ShapeDtypeStruct((NP, LATENT), jnp.float32),
            jax.ShapeDtypeStruct((NP, 2 * LATENT), jnp.float32)]
    return pl.pallas_call(
        functools.partial(_node_body, final, cn_row),
        grid=(NBN,),
        in_specs=in_specs,
        out_specs=out_specs,
        out_shape=out_shape,
    )(n, r0, r1, a1, bmat, w2, b2, w3, b3, cvec, lns, lnb, wnext, bnext)


def _sc_mesh():
    return plsc.VectorSubcoreMesh(core_axis_name="c", subcore_axis_name="s",
                                  num_cores=NC, num_subcores=NS)


def _gather_rows(table, idx2):
    n_total = idx2.shape[0]
    n_chunks = n_total // (NW * CHUNK)
    n_iters = n_chunks // SLOTS

    def body(t_hbm, idx_hbm, out_hbm, tsh, *scr):
        ibufs = scr[:SLOTS]
        rbufs = scr[SLOTS:2 * SLOTS]
        sems = scr[2 * SLOTS:3 * SLOTS]
        sid = jax.lax.axis_index("s")
        wid = sid * NC + jax.lax.axis_index("c")
        t0 = sid * TSTAGE_PER_TILE
        pltpu.sync_copy(t_hbm.at[pl.ds(t0, TSTAGE_PER_TILE)],
                        tsh.at[pl.ds(t0, TSTAGE_PER_TILE)])
        plsc.subcore_barrier()
        base = wid * n_chunks * CHUNK

        def it(i, carry):
            offs = [base + (i * SLOTS + k) * CHUNK for k in range(SLOTS)]
            his = [pltpu.async_copy(idx_hbm.at[pl.ds(offs[k], CHUNK)],
                                    ibufs[k], sems[k]) for k in range(SLOTS)]
            hgs = []
            for k in range(SLOTS):
                his[k].wait()
                hgs.append(pltpu.async_copy(tsh.at[ibufs[k]], rbufs[k],
                                            sems[k]))
            hss = []
            for k in range(SLOTS):
                hgs[k].wait()
                hss.append(pltpu.async_copy(
                    rbufs[k], out_hbm.at[pl.ds(offs[k], CHUNK)], sems[k]))
            for k in range(SLOTS):
                hss[k].wait()
            return carry

        jax.lax.fori_loop(0, n_iters, it, 0)

    scratch = ([pltpu.VMEM((CHUNK,), jnp.int32) for _ in range(SLOTS)]
               + [pltpu.VMEM((CHUNK, LATENT), jnp.float32)
                  for _ in range(SLOTS)]
               + [pltpu.SemaphoreType.DMA for _ in range(SLOTS)])
    return pl.kernel(
        body,
        out_type=jax.ShapeDtypeStruct((n_total, LATENT), jnp.float32),
        mesh=_sc_mesh(),
        scratch_types=[pltpu.VMEM_SHARED((2 * NP, LATENT), jnp.float32)]
        + scratch,
        compiler_params=pltpu.CompilerParams(use_tc_tiling_on_sc=False),
    )(table, idx2)


def _segment_partials(e_new, receivers_p, init):
    n_chunks = e_new.shape[0] // (NW * CHUNK)
    n_iters = n_chunks // SLOTS

    def body(e_hbm, idx_hbm, z_hbm, out_hbm, acc, *scr):
        ibufs = scr[:SLOTS]
        rbufs = scr[SLOTS:2 * SLOTS]
        isems = scr[2 * SLOTS:3 * SLOTS]
        rsems = scr[3 * SLOTS:4 * SLOTS]
        cid = jax.lax.axis_index("c")
        sid = jax.lax.axis_index("s")
        wid = sid * NC + cid
        r0 = sid * ROWS_PER_TILE
        pltpu.sync_copy(z_hbm.at[cid, pl.ds(r0, ROWS_PER_TILE)],
                        acc.at[pl.ds(r0, ROWS_PER_TILE)])
        plsc.subcore_barrier()
        base = wid * n_chunks * CHUNK

        def it(i, carry):
            offs = [base + (i * SLOTS + k) * CHUNK for k in range(SLOTS)]
            his = [pltpu.async_copy(idx_hbm.at[pl.ds(offs[k], CHUNK)],
                                    ibufs[k], isems[k]) for k in range(SLOTS)]
            hrs = [pltpu.async_copy(e_hbm.at[pl.ds(offs[k], CHUNK)],
                                    rbufs[k], rsems[k]) for k in range(SLOTS)]
            for k in range(SLOTS):
                his[k].wait()
                hrs[k].wait()
                pltpu.sync_copy(rbufs[k], acc.at[ibufs[k]], add=True)
            return carry

        jax.lax.fori_loop(0, n_iters, it, 0)
        plsc.subcore_barrier()
        pltpu.sync_copy(acc.at[pl.ds(r0, ROWS_PER_TILE)],
                        out_hbm.at[cid, pl.ds(r0, ROWS_PER_TILE)])

    scratch = ([pltpu.VMEM_SHARED((N_ACC, LATENT), jnp.float32)]
               + [pltpu.VMEM((CHUNK,), jnp.int32) for _ in range(SLOTS)]
               + [pltpu.VMEM((CHUNK, LATENT), jnp.float32)
                  for _ in range(SLOTS)]
               + [pltpu.SemaphoreType.DMA for _ in range(2 * SLOTS)])
    return pl.kernel(
        body,
        out_type=jax.ShapeDtypeStruct((NC, N_ACC, LATENT), jnp.float32),
        mesh=_sc_mesh(),
        scratch_types=scratch,
        compiler_params=pltpu.CompilerParams(use_tc_tiling_on_sc=False),
    )(e_new, receivers_p, init)


def kernel(nodes, senders, receivers, globals_, params):
    f32 = jnp.float32
    enc = params["encoder"]
    dec = params["decoder"]
    steps = params["steps"]

    pad = E_PAD - N_EDGES
    senders_p = jnp.concatenate(
        [senders, jnp.zeros((pad,), senders.dtype)]).astype(jnp.int32)
    receivers_p = jnp.concatenate(
        [receivers, jnp.zeros((pad,), receivers.dtype)]).astype(jnp.int32)
    EH = E_PAD // 2
    idxA = jnp.concatenate(
        [2 * senders_p[:EH], 2 * receivers_p[:EH] + 1])
    idxB = jnp.concatenate(
        [2 * senders_p[EH:], 2 * receivers_p[EH:] + 1])
    recvA, recvB = receivers_p[:EH], receivers_p[EH:]
    acczeros = jnp.zeros((NC, N_ACC, LATENT), f32)

    g0 = globals_[0].astype(f32)

    e0W1 = steps[0]["edge_mlp"][0]["W"]
    w1s0, w1r0, w1g0 = e0W1[:64], e0W1[64:128], e0W1[128:136]
    e1W1 = steps[1]["edge_mlp"][0]["W"]
    w1e1, w1s1, w1r1, w1g1 = (e1W1[:64], e1W1[64:128], e1W1[128:192],
                              e1W1[192:200])
    n0W1 = steps[0]["node_mlp"][0]["W"]
    a10, bm0, wgn0 = n0W1[:64], n0W1[64:128], n0W1[128:136]
    n1W1 = steps[1]["node_mlp"][0]["W"]
    a11, bm1, wgn1 = n1W1[:64], n1W1[64:128], n1W1[128:136]

    gmat = jnp.zeros((4, 4 * GDIM), f32)
    gmat = gmat.at[0, 0:8].set(g0)
    gmat = gmat.at[1, 8:16].set(g0)
    gmat = gmat.at[2, 16:24].set(2.0 * g0)
    gmat = gmat.at[3, 24:32].set(2.0 * g0)
    wg_all = jnp.concatenate([w1g0, wgn0, w1g1, wgn1], axis=0)
    brows = jnp.stack([
        steps[0]["edge_mlp"][0]["b"], steps[0]["node_mlp"][0]["b"],
        steps[1]["edge_mlp"][0]["b"], steps[1]["node_mlp"][0]["b"]])

    row = lambda b: b.reshape(1, -1)

    def bdiag(w):
        z = jnp.zeros((2 * LATENT, 2 * LATENT), f32)
        return z.at[:LATENT, :LATENT].set(w).at[LATENT:, LATENT:].set(w)

    def brow(b):
        return jnp.tile(b.reshape(1, -1), (1, 2))

    wproj0 = jnp.concatenate([w1s0, w1r0], axis=1)
    wproj1 = jnp.concatenate([w1s1, w1r1], axis=1)

    nodes_p = jnp.concatenate(
        [nodes, jnp.zeros((NP - N_NODES, nodes.shape[1]), f32)])
    n0, p0, cvec = _encoder_call(
        nodes_p, enc["W"], row(enc["b"]), wproj0, gmat, wg_all, brows)

    def half_step(table, e_prev_halves, em, w1e_bd, ce_row):
        gA = _gather_rows(table, idxA).reshape(EH, 2 * LATENT)
        gB = _gather_rows(table, idxB).reshape(EH, 2 * LATENT)
        eh = (None, None) if e_prev_halves is None else e_prev_halves
        eA = _edge_call(gA, eh[0], w1e_bd, bdiag(em[1]["W"]),
                        brow(em[1]["b"]), bdiag(em[2]["W"]),
                        brow(em[2]["b"]), cvec, ce_row, 0)
        partA = _segment_partials(eA.reshape(EH, LATENT), recvA, acczeros)
        eB = _edge_call(gB, eh[1], w1e_bd, bdiag(em[1]["W"]),
                        brow(em[1]["b"]), bdiag(em[2]["W"]),
                        brow(em[2]["b"]), cvec, ce_row, EH // 2)
        part = _segment_partials(eB.reshape(EH, LATENT), recvB, partA)
        return (eA, eB), part

    em0 = steps[0]["edge_mlp"]
    e0h, part0 = half_step(p0.reshape(2 * NP, LATENT), None, em0, None, 0)
    nm0 = steps[0]["node_mlp"]
    n1, p1 = _node_call(
        False, n0, part0[0], part0[1], a10, bm0, nm0[1]["W"],
        row(nm0[1]["b"]), nm0[2]["W"], row(nm0[2]["b"]), cvec, 1,
        row(steps[0]["ln_scale"]), row(steps[0]["ln_bias"]),
        wproj1, jnp.zeros((1, 128), f32))

    em1 = steps[1]["edge_mlp"]
    _, part1 = half_step(p1.reshape(2 * NP, LATENT), e0h, em1,
                         bdiag(w1e1), 2)
    nm1 = steps[1]["node_mlp"]
    out = _node_call(
        True, n1, part1[0], part1[1], a11, bm1, nm1[1]["W"],
        row(nm1[1]["b"]), nm1[2]["W"], row(nm1[2]["b"]), cvec, 3,
        row(steps[1]["ln_scale"]), row(steps[1]["ln_bias"]),
        dec["W"], row(dec["b"]))
    return out[:N_NODES]

# --- scband reference (transcript-rebuilt; emitter-appended) ---
"""Pipeline reference for scband-graph-conv-net-54116587930156 (READ-ONLY COPY).

The authoritative reference and input builder live on the scoring server;
editing this copy changes nothing except your own understanding.
"""

import jax, jax.numpy as jnp
import numpy as np

N_NODES = 10000
N_EDGES = 320000
IN_FEATURES = 128
LATENT = 64
HIDDEN = 64
NUM_MLP_LAYERS = 2
STEPS = 2
GLOBAL_DIM = 8
MLP_SIZES = [HIDDEN] * NUM_MLP_LAYERS + [LATENT]


def _dense_init(key, fan_in, fan_out):
    k1, _ = jax.random.split(key)
    scale = 1.0 / np.sqrt(fan_in)
    W = jax.random.uniform(k1, (fan_in, fan_out), minval=-scale, maxval=scale, dtype=jnp.float32)
    b = jnp.zeros((fan_out,), jnp.float32)
    return {"W": W, "b": b}


def _mlp_init(key, in_dim, sizes):
    layers = []
    d = in_dim
    for s in sizes:
        key, sub = jax.random.split(key)
        layers.append(_dense_init(sub, d, s))
        d = s
    return layers


def setup_inputs(seed: int = 0) -> dict:
    key = jax.random.key(seed)
    ks = jax.random.split(key, 8)
    nodes = jax.random.normal(ks[0], (N_NODES, IN_FEATURES), dtype=jnp.float32)
    senders = jax.random.randint(ks[1], (N_EDGES,), 0, N_NODES)
    receivers = jax.random.randint(ks[2], (N_EDGES,), 0, N_NODES)
    globals_ = jax.random.normal(ks[3], (1, GLOBAL_DIM), dtype=jnp.float32)
    params = {
        "encoder": _dense_init(ks[4], IN_FEATURES, LATENT),
        "decoder": _dense_init(ks[5], LATENT, IN_FEATURES),
        "steps": [],
    }
    for step in range(STEPS):
        kk = jax.random.fold_in(ks[6], step)
        k_e, k_n = jax.random.split(kk)
        edge_in = (LATENT if step > 0 else 0) + 2 * LATENT + GLOBAL_DIM
        node_in = LATENT + LATENT + GLOBAL_DIM
        params["steps"].append({
            "edge_mlp": _mlp_init(k_e, edge_in, MLP_SIZES),
            "node_mlp": _mlp_init(k_n, node_in, MLP_SIZES),
            "ln_scale": jnp.ones((LATENT,), jnp.float32),
            "ln_bias": jnp.zeros((LATENT,), jnp.float32),
        })
    return {"nodes": nodes, "senders": senders, "receivers": receivers, "globals_": globals_, "params": params}


def _mlp_apply(layers, x):
    for i, layer in enumerate(layers):
        x = x @ layer["W"] + layer["b"]
        if i < len(layers) - 1:
            x = jax.nn.relu(x)
    return x


def _layer_norm(x, scale, bias, eps=1e-6):
    mean = jnp.mean(x, axis=-1, keepdims=True)
    var = jnp.var(x, axis=-1, keepdims=True)
    return (x - mean) * jax.lax.rsqrt(var + eps) * scale + bias


def reference(nodes, senders, receivers, globals_, params):
    # embedder: GraphMapFeatures(embed_node_fn=Dense(latent_size))
    n = nodes @ params["encoder"]["W"] + params["encoder"]["b"]
    g = globals_.reshape(globals_.shape[0], -1)
    e = None
    N = n.shape[0]
    E = senders.shape[0]
    for step_params in params["steps"]:
        # single graph: broadcast globals to every edge / node (jraph repeat semantics)
        g_e = jnp.broadcast_to(g[0], (E, g.shape[1]))
        g_n = jnp.broadcast_to(g[0], (N, g.shape[1]))
        # edge update: MLP on concat(edges?, sender nodes, receiver nodes, globals)
        sent_nodes = jnp.take(n, senders, axis=0)
        recv_nodes = jnp.take(n, receivers, axis=0)
        if e is not None:
            edge_in = jnp.concatenate([e, sent_nodes, recv_nodes, g_e], axis=1)
        else:
            edge_in = jnp.concatenate([sent_nodes, recv_nodes, g_e], axis=1)
        e_new = _mlp_apply(step_params["edge_mlp"], edge_in)
        # node update: default jraph aggregation is segment_sum of updated edges
        received = jax.ops.segment_sum(e_new, receivers, num_segments=N)
        node_in = jnp.concatenate([n, received, g_n], axis=1)
        n_new = _mlp_apply(step_params["node_mlp"], node_in)
        # skip connections (add_graphs_tuples adds nodes, edges, globals)
        n = n_new + n
        e = e_new if e is None else e_new + e
        g = g + g
        # layer norm on nodes
        n = _layer_norm(n, step_params["ln_scale"], step_params["ln_bias"])
    # decoder: GraphMapFeatures(embed_node_fn=Dense(in_features))
    out_nodes = n @ params["decoder"]["W"] + params["decoder"]["b"]
    return out_nodes

if __name__ == "__main__":
    import jax
    _d = setup_inputs()
    print(jax.jit(kernel)(*tuple(_d.values())))

</pallas_src>

<mosaic_0001>
#map = affine_map<(d0, d1) -> (0, 0)>
#map1 = affine_map<(d0, d1) -> (0)>
#map2 = affine_map<(d0, d1) -> (0, 0, 0)>
module attributes {stable_mosaic.version = 14 : i64} {
  func.func @body(%arg0: i32, %arg1: i32, %arg2: memref<163840x64xf32, #tpu.memory_space<hbm>>, %arg3: memref<163840xi32, #tpu.memory_space<hbm>>, %arg4: memref<2x10240x64xf32, #tpu.memory_space<hbm>>, %arg5: memref<2x10240x64xf32, #tpu.memory_space<hbm>>, %arg6: memref<10240x64xf32, #tpu.memory_space<vmem_shared>>, %arg7: memref<128xi32, #tpu.memory_space<vmem>>, %arg8: memref<128xi32, #tpu.memory_space<vmem>>, %arg9: memref<128xi32, #tpu.memory_space<vmem>>, %arg10: memref<128xi32, #tpu.memory_space<vmem>>, %arg11: memref<128x64xf32, #tpu.memory_space<vmem>>, %arg12: memref<128x64xf32, #tpu.memory_space<vmem>>, %arg13: memref<128x64xf32, #tpu.memory_space<vmem>>, %arg14: memref<128x64xf32, #tpu.memory_space<vmem>>, %arg15: memref<!tpu.dma_semaphore, #tpu.memory_space<semaphore_mem>>, %arg16: memref<!tpu.dma_semaphore, #tpu.memory_space<semaphore_mem>>, %arg17: memref<!tpu.dma_semaphore, #tpu.memory_space<semaphore_mem>>, %arg18: memref<!tpu.dma_semaphore, #tpu.memory_space<semaphore_mem>>, %arg19: memref<!tpu.dma_semaphore, #tpu.memory_space<semaphore_mem>>, %arg20: memref<!tpu.dma_semaphore, #tpu.memory_space<semaphore_mem>>, %arg21: memref<!tpu.dma_semaphore, #tpu.memory_space<semaphore_mem>>, %arg22: memref<!tpu.dma_semaphore, #tpu.memory_space<semaphore_mem>>) attributes {dimension_semantics = [#tpu.dimension_semantics<core_parallel>, #tpu.dimension_semantics<subcore_parallel>], iteration_bounds = array<i64: 2, 16>, scalar_prefetch = 0 : i64, scratch_operands = 17 : i64, tpu.core_type = #tpu.core_type<sc_vector_subcore>, window_params = [{transform_indices = #map}, {transform_indices = #map1}, {transform_indices = #map2}, {transform_indices = #map2}]} {
    %mul3A = arith.constant 2 : i32
    %mul3A_0 = arith.muli %arg1, %mul3A : i32
    %add3A = arith.addi %mul3A_0, %arg0 : i32
    %mul3A_1 = arith.constant 640 : i32
    %mul3A_2 = arith.muli %arg1, %mul3A_1 : i32
    "tpu.region"() ({
      %run_scoped3A = tpu.sem_alloc : memref<!tpu.dma_semaphore, #tpu.memory_space<semaphore_mem>>
      %dma_start3A = arith.constant 0 : i32
      %dma_start3A_13 = tpu.memref_slice %arg6[%mul3A_2, %dma_start3A] : memref<10240x64xf32, #tpu.memory_space<vmem_shared>> -> memref<640x64xf32, #tpu.memory_space<vmem_shared>>
      %dma_start3A_14 = arith.constant 0 : i32
      %dma_start3A_15 = tpu.memref_slice %arg4[%arg0, %mul3A_2, %dma_start3A_14] : memref<2x10240x64xf32, #tpu.memory_space<hbm>> -> memref<1x640x64xf32, #tpu.memory_space<hbm>>
      %dma_start3A_16 = tpu.memref_squeeze %dma_start3A_15 : memref<1x640x64xf32, #tpu.memory_space<hbm>> -> memref<640x64xf32, #tpu.memory_space<hbm>>
      tpu.enqueue_dma source(%dma_start3A_16 : memref<640x64xf32, #tpu.memory_space<hbm>>) target(%dma_start3A_13 : memref<640x64xf32, #tpu.memory_space<vmem_shared>>) target_semaphore(%run_scoped3A : memref<!tpu.dma_semaphore, #tpu.memory_space<semaphore_mem>>)
      %dma_wait3A = arith.constant 0 : i32
      %dma_wait3A_17 = tpu.memref_slice %arg6[%mul3A_2, %dma_wait3A] : memref<10240x64xf32, #tpu.memory_space<vmem_shared>> -> memref<640x64xf32, #tpu.memory_space<vmem_shared>>
      %dma_wait3A_18 = arith.constant 0 : i32
      %dma_wait3A_19 = tpu.memref_slice %arg4[%arg0, %mul3A_2, %dma_wait3A_18] : memref<2x10240x64xf32, #tpu.memory_space<hbm>> -> memref<1x640x64xf32, #tpu.memory_space<hbm>>
      %dma_wait3A_20 = tpu.memref_squeeze %dma_wait3A_19 : memref<1x640x64xf32, #tpu.memory_space<hbm>> -> memref<640x64xf32, #tpu.memory_space<hbm>>
      tpu.wait_dma2 semaphore(%run_scoped3A : memref<!tpu.dma_semaphore, #tpu.memory_space<semaphore_mem>>) src(%dma_wait3A_20 : memref<640x64xf32, #tpu.memory_space<hbm>>) dst(%dma_wait3A_17 : memref<640x64xf32, #tpu.memory_space<vmem_shared>>)
      tpu.yield
    }) : () -> ()
    %barrier3A = arith.constant 0 : index
    tpu.barrier barrier_id(%barrier3A)
    %mul3A_3 = arith.constant 40 : i32
    %mul3A_4 = arith.muli %add3A, %mul3A_3 : i32
    %mul3A_5 = arith.constant 128 : i32
    %mul3A_6 = arith.muli %mul3A_4, %mul3A_5 : i32
    %scan3A = arith.constant 0 : i32
    %scan3A_7 = arith.constant 0 : i32
    %scan3A_8 = arith.constant 10 : i32
    %scan3A_9 = arith.addi %scan3A_7, %scan3A_8 : i32
    %scan3A_10 = arith.constant 1 : i32
    scf.for %scan3A_13 = %scan3A_7 to %scan3A_9 step %scan3A_10  : i32 {
      %mul3A_14 = arith.constant 4 : i32
      %mul3A_15 = arith.muli %scan3A_13, %mul3A_14 : i32
      %add3A_16 = arith.constant 0 : i32
      %add3A_17 = arith.addi %mul3A_15, %add3A_16 : i32
      %mul3A_18 = arith.constant 128 : i32
      %mul3A_19 = arith.muli %add3A_17, %mul3A_18 : i32
      %add3A_20 = arith.addi %mul3A_6, %mul3A_19 : i32
      %mul3A_21 = arith.constant 4 : i32
      %mul3A_22 = arith.muli %scan3A_13, %mul3A_21 : i32
      %add3A_23 = arith.constant 1 : i32
      %add3A_24 = arith.addi %mul3A_22, %add3A_23 : i32
      %mul3A_25 = arith.constant 128 : i32
      %mul3A_26 = arith.muli %add3A_24, %mul3A_25 : i32
      %add3A_27 = arith.addi %mul3A_6, %mul3A_26 : i32
      %mul3A_28 = arith.constant 4 : i32
      %mul3A_29 = arith.muli %scan3A_13, %mul3A_28 : i32
      %add3A_30 = arith.constant 2 : i32
      %add3A_31 = arith.addi %mul3A_29, %add3A_30 : i32
      %mul3A_32 = arith.constant 128 : i32
      %mul3A_33 = arith.muli %add3A_31, %mul3A_32 : i32
      %add3A_34 = arith.addi %mul3A_6, %mul3A_33 : i32
      %mul3A_35 = arith.constant 4 : i32
      %mul3A_36 = arith.muli %scan3A_13, %mul3A_35 : i32
      %add3A_37 = arith.constant 3 : i32
      %add3A_38 = arith.addi %mul3A_36, %add3A_37 : i32
      %mul3A_39 = arith.constant 128 : i32
      %mul3A_40 = arith.muli %add3A_38, %mul3A_39 : i32
      %add3A_41 = arith.addi %mul3A_6, %mul3A_40 : i32
      %dma_start3A = tpu.memref_slice %arg3[%add3A_20] : memref<163840xi32, #tpu.memory_space<hbm>> -> memref<128xi32, #tpu.memory_space<hbm>>
      %dma_start3A_42 = tpu.memref_slice %arg3[%add3A_20] : memref<163840xi32, #tpu.memory_space<hbm>> -> memref<128xi32, #tpu.memory_space<hbm>>
      tpu.enqueue_dma source(%dma_start3A_42 : memref<128xi32, #tpu.memory_space<hbm>>) target(%arg7 : memref<128xi32, #tpu.memory_space<vmem>>) target_semaphore(%arg15 : memref<!tpu.dma_semaphore, #tpu.memory_space<semaphore_mem>>)
      %dma_start3A_43 = tpu.memref_slice %arg3[%add3A_27] : memref<163840xi32, #tpu.memory_space<hbm>> -> memref<128xi32, #tpu.memory_space<hbm>>
      %dma_start3A_44 = tpu.memref_slice %arg3[%add3A_27] : memref<163840xi32, #tpu.memory_space<hbm>> -> memref<128xi32, #tpu.memory_space<hbm>>
      tpu.enqueue_dma source(%dma_start3A_44 : memref<128xi32, #tpu.memory_space<hbm>>) target(%arg8 : memref<128xi32, #tpu.memory_space<vmem>>) target_semaphore(%arg16 : memref<!tpu.dma_semaphore, #tpu.memory_space<semaphore_mem>>)
      %dma_start3A_45 = tpu.memref_slice %arg3[%add3A_34] : memref<163840xi32, #tpu.memory_space<hbm>> -> memref<128xi32, #tpu.memory_space<hbm>>
      %dma_start3A_46 = tpu.memref_slice %arg3[%add3A_34] : memref<163840xi32, #tpu.memory_space<hbm>> -> memref<128xi32, #tpu.memory_space<hbm>>
      tpu.enqueue_dma source(%dma_start3A_46 : memref<128xi32, #tpu.memory_space<hbm>>) target(%arg9 : memref<128xi32, #tpu.memory_space<vmem>>) target_semaphore(%arg17 : memref<!tpu.dma_semaphore, #tpu.memory_space<semaphore_mem>>)
      %dma_start3A_47 = tpu.memref_slice %arg3[%add3A_41] : memref<163840xi32, #tpu.memory_space<hbm>> -> memref<128xi32, #tpu.memory_space<hbm>>
      %dma_start3A_48 = tpu.memref_slice %arg3[%add3A_41] : memref<163840xi32, #tpu.memory_space<hbm>> -> memref<128xi32, #tpu.memory_space<hbm>>
      tpu.enqueue_dma source(%dma_start3A_48 : memref<128xi32, #tpu.memory_space<hbm>>) target(%arg10 : memref<128xi32, #tpu.memory_space<vmem>>) target_semaphore(%arg18 : memref<!tpu.dma_semaphore, #tpu.memory_space<semaphore_mem>>)
      %dma_start3A_49 = arith.constant 0 : i32
      %dma_start3A_50 = tpu.memref_slice %arg2[%add3A_20, %dma_start3A_49] : memref<163840x64xf32, #tpu.memory_space<hbm>> -> memref<128x64xf32, #tpu.memory_space<hbm>>
      %dma_start3A_51 = arith.constant 0 : i32
      %dma_start3A_52 = tpu.memref_slice %arg2[%add3A_20, %dma_start3A_51] : memref<163840x64xf32, #tpu.memory_space<hbm>> -> memref<128x64xf32, #tpu.memory_space<hbm>>
      tpu.enqueue_dma source(%dma_start3A_52 : memref<128x64xf32, #tpu.memory_space<hbm>>) target(%arg11 : memref<128x64xf32, #tpu.memory_space<vmem>>) target_semaphore(%arg19 : memref<!tpu.dma_semaphore, #tpu.memory_space<semaphore_mem>>)
      %dma_start3A_53 = arith.constant 0 : i32
      %dma_start3A_54 = tpu.memref_slice %arg2[%add3A_27, %dma_start3A_53] : memref<163840x64xf32, #tpu.memory_space<hbm>> -> memref<128x64xf32, #tpu.memory_space<hbm>>
      %dma_start3A_55 = arith.constant 0 : i32
      %dma_start3A_56 = tpu.memref_slice %arg2[%add3A_27, %dma_start3A_55] : memref<163840x64xf32, #tpu.memory_space<hbm>> -> memref<128x64xf32, #tpu.memory_space<hbm>>
      tpu.enqueue_dma source(%dma_start3A_56 : memref<128x64xf32, #tpu.memory_space<hbm>>) target(%arg12 : memref<128x64xf32, #tpu.memory_space<vmem>>) target_semaphore(%arg20 : memref<!tpu.dma_semaphore, #tpu.memory_space<semaphore_mem>>)
      %dma_start3A_57 = arith.constant 0 : i32
      %dma_start3A_58 = tpu.memref_slice %arg2[%add3A_34, %dma_start3A_57] : memref<163840x64xf32, #tpu.memory_space<hbm>> -> memref<128x64xf32, #tpu.memory_space<hbm>>
      %dma_start3A_59 = arith.constant 0 : i32
      %dma_start3A_60 = tpu.memref_slice %arg2[%add3A_34, %dma_start3A_59] : memref<163840x64xf32, #tpu.memory_space<hbm>> -> memref<128x64xf32, #tpu.memory_space<hbm>>
      tpu.enqueue_dma source(%dma_start3A_60 : memref<128x64xf32, #tpu.memory_space<hbm>>) target(%arg13 : memref<128x64xf32, #tpu.memory_space<vmem>>) target_semaphore(%arg21 : memref<!tpu.dma_semaphore, #tpu.memory_space<semaphore_mem>>)
      %dma_start3A_61 = arith.constant 0 : i32
      %dma_start3A_62 = tpu.memref_slice %arg2[%add3A_41, %dma_start3A_61] : memref<163840x64xf32, #tpu.memory_space<hbm>> -> memref<128x64xf32, #tpu.memory_space<hbm>>
      %dma_start3A_63 = arith.constant 0 : i32
      %dma_start3A_64 = tpu.memref_slice %arg2[%add3A_41, %dma_start3A_63] : memref<163840x64xf32, #tpu.memory_space<hbm>> -> memref<128x64xf32, #tpu.memory_space<hbm>>
      tpu.enqueue_dma source(%dma_start3A_64 : memref<128x64xf32, #tpu.memory_space<hbm>>) target(%arg14 : memref<128x64xf32, #tpu.memory_space<vmem>>) target_semaphore(%arg22 : memref<!tpu.dma_semaphore, #tpu.memory_space<semaphore_mem>>)
      %dma_wait3A = tpu.memref_slice %arg3[%add3A_20] : memref<163840xi32, #tpu.memory_space<hbm>> -> memref<128xi32, #tpu.memory_space<hbm>>
      %dma_wait3A_65 = tpu.memref_slice %arg3[%add3A_20] : memref<163840xi32, #tpu.memory_space<hbm>> -> memref<128xi32, #tpu.memory_space<hbm>>
      tpu.wait_dma2 semaphore(%arg15 : memref<!tpu.dma_semaphore, #tpu.memory_space<semaphore_mem>>) src(%dma_wait3A_65 : memref<128xi32, #tpu.memory_space<hbm>>) dst(%arg7 : memref<128xi32, #tpu.memory_space<vmem>>)
      %dma_wait3A_66 = arith.constant 0 : i32
      %dma_wait3A_67 = tpu.memref_slice %arg2[%add3A_20, %dma_wait3A_66] : memref<163840x64xf32, #tpu.memory_space<hbm>> -> memref<128x64xf32, #tpu.memory_space<hbm>>
      %dma_wait3A_68 = arith.constant 0 : i32
      %dma_wait3A_69 = tpu.memref_slice %arg2[%add3A_20, %dma_wait3A_68] : memref<163840x64xf32, #tpu.memory_space<hbm>> -> memref<128x64xf32, #tpu.memory_space<hbm>>
      tpu.wait_dma2 semaphore(%arg19 : memref<!tpu.dma_semaphore, #tpu.memory_space<semaphore_mem>>) src(%dma_wait3A_69 : memref<128x64xf32, #tpu.memory_space<hbm>>) dst(%arg11 : memref<128x64xf32, #tpu.memory_space<vmem>>)
      "tpu.region"() ({
        %run_scoped3A = tpu.sem_alloc : memref<!tpu.dma_semaphore, #tpu.memory_space<semaphore_mem>>
        %dma_start3A_88 = arith.constant 0 : i32
        %dma_start3A_89 = arith.constant 0 : i32
        %dma_start3A_90 = tpu.memref_slice %arg6[%dma_start3A_88, %dma_start3A_89] : memref<10240x64xf32, #tpu.memory_space<vmem_shared>> -> memref<10240x64xf32, #tpu.memory_space<vmem_shared>>
        tpu.enqueue_indirect_dma source(%arg11 : memref<128x64xf32, #tpu.memory_space<vmem>>) target(%dma_start3A_90 : memref<10240x64xf32, #tpu.memory_space<vmem_shared>>) offsets(%arg7 : memref<128xi32, #tpu.memory_space<vmem>>) semaphore(%run_scoped3A : memref<!tpu.dma_semaphore, #tpu.memory_space<semaphore_mem>>) {add = true}
        %dma_wait3A_91 = arith.constant 0 : i32
        %dma_wait3A_92 = arith.constant 0 : i32
        %dma_wait3A_93 = tpu.memref_slice %arg6[%dma_wait3A_91, %dma_wait3A_92] : memref<10240x64xf32, #tpu.memory_space<vmem_shared>> -> memref<10240x64xf32, #tpu.memory_space<vmem_shared>>
        tpu.wait_indirect_dma semaphore(%run_scoped3A : memref<!tpu.dma_semaphore, #tpu.memory_space<semaphore_mem>>) src(%arg11 : memref<128x64xf32, #tpu.memory_space<vmem>>) dst(%dma_wait3A_93 : memref<10240x64xf32, #tpu.memory_space<vmem_shared>>)
        tpu.yield
      }) : () -> ()
      %dma_wait3A_70 = tpu.memref_slice %arg3[%add3A_27] : memref<163840xi32, #tpu.memory_space<hbm>> -> memref<128xi32, #tpu.memory_space<hbm>>
      %dma_wait3A_71 = tpu.memref_slice %arg3[%add3A_27] : memref<163840xi32, #tpu.memory_space<hbm>> -> memref<128xi32, #tpu.memory_space<hbm>>
      tpu.wait_dma2 semaphore(%arg16 : memref<!tpu.dma_semaphore, #tpu.memory_space<semaphore_mem>>) src(%dma_wait3A_71 : memref<128xi32, #tpu.memory_space<hbm>>) dst(%arg8 : memref<128xi32, #tpu.memory_space<vmem>>)
      %dma_wait3A_72 = arith.constant 0 : i32
      %dma_wait3A_73 = tpu.memref_slice %arg2[%add3A_27, %dma_wait3A_72] : memref<163840x64xf32, #tpu.memory_space<hbm>> -> memref<128x64xf32, #tpu.memory_space<hbm>>
      %dma_wait3A_74 = arith.constant 0 : i32
      %dma_wait3A_75 = tpu.memref_slice %arg2[%add3A_27, %dma_wait3A_74] : memref<163840x64xf32, #tpu.memory_space<hbm>> -> memref<128x64xf32, #tpu.memory_space<hbm>>
      tpu.wait_dma2 semaphore(%arg20 : memref<!tpu.dma_semaphore, #tpu.memory_space<semaphore_mem>>) src(%dma_wait3A_75 : memref<128x64xf32, #tpu.memory_space<hbm>>) dst(%arg12 : memref<128x64xf32, #tpu.memory_space<vmem>>)
      "tpu.region"() ({
        %run_scoped3A = tpu.sem_alloc : memref<!tpu.dma_semaphore, #tpu.memory_space<semaphore_mem>>
        %dma_start3A_88 = arith.constant 0 : i32
        %dma_start3A_89 = arith.constant 0 : i32
        %dma_start3A_90 = tpu.memref_slice %arg6[%dma_start3A_88, %dma_start3A_89] : memref<10240x64xf32, #tpu.memory_space<vmem_shared>> -> memref<10240x64xf32, #tpu.memory_space<vmem_shared>>
        tpu.enqueue_indirect_dma source(%arg12 : memref<128x64xf32, #tpu.memory_space<vmem>>) target(%dma_start3A_90 : memref<10240x64xf32, #tpu.memory_space<vmem_shared>>) offsets(%arg8 : memref<128xi32, #tpu.memory_space<vmem>>) semaphore(%run_scoped3A : memref<!tpu.dma_semaphore, #tpu.memory_space<semaphore_mem>>) {add = true}
        %dma_wait3A_91 = arith.constant 0 : i32
        %dma_wait3A_92 = arith.constant 0 : i32
        %dma_wait3A_93 = tpu.memref_slice %arg6[%dma_wait3A_91, %dma_wait3A_92] : memref<10240x64xf32, #tpu.memory_space<vmem_shared>> -> memref<10240x64xf32, #tpu.memory_space<vmem_shared>>
        tpu.wait_indirect_dma semaphore(%run_scoped3A : memref<!tpu.dma_semaphore, #tpu.memory_space<semaphore_mem>>) src(%arg12 : memref<128x64xf32, #tpu.memory_space<vmem>>) dst(%dma_wait3A_93 : memref<10240x64xf32, #tpu.memory_space<vmem_shared>>)
        tpu.yield
      }) : () -> ()
      %dma_wait3A_76 = tpu.memref_slice %arg3[%add3A_34] : memref<163840xi32, #tpu.memory_space<hbm>> -> memref<128xi32, #tpu.memory_space<hbm>>
      %dma_wait3A_77 = tpu.memref_slice %arg3[%add3A_34] : memref<163840xi32, #tpu.memory_space<hbm>> -> memref<128xi32, #tpu.memory_space<hbm>>
      tpu.wait_dma2 semaphore(%arg17 : memref<!tpu.dma_semaphore, #tpu.memory_space<semaphore_mem>>) src(%dma_wait3A_77 : memref<128xi32, #tpu.memory_space<hbm>>) dst(%arg9 : memref<128xi32, #tpu.memory_space<vmem>>)
      %dma_wait3A_78 = arith.constant 0 : i32
      %dma_wait3A_79 = tpu.memref_slice %arg2[%add3A_34, %dma_wait3A_78] : memref<163840x64xf32, #tpu.memory_space<hbm>> -> memref<128x64xf32, #tpu.memory_space<hbm>>
      %dma_wait3A_80 = arith.constant 0 : i32
      %dma_wait3A_81 = tpu.memref_slice %arg2[%add3A_34, %dma_wait3A_80] : memref<163840x64xf32, #tpu.memory_space<hbm>> -> memref<128x64xf32, #tpu.memory_space<hbm>>
      tpu.wait_dma2 semaphore(%arg21 : memref<!tpu.dma_semaphore, #tpu.memory_space<semaphore_mem>>) src(%dma_wait3A_81 : memref<128x64xf32, #tpu.memory_space<hbm>>) dst(%arg13 : memref<128x64xf32, #tpu.memory_space<vmem>>)
      "tpu.region"() ({
        %run_scoped3A = tpu.sem_alloc : memref<!tpu.dma_semaphore, #tpu.memory_space<semaphore_mem>>
        %dma_start3A_88 = arith.constant 0 : i32
        %dma_start3A_89 = arith.constant 0 : i32
        %dma_start3A_90 = tpu.memref_slice %arg6[%dma_start3A_88, %dma_start3A_89] : memref<10240x64xf32, #tpu.memory_space<vmem_shared>> -> memref<10240x64xf32, #tpu.memory_space<vmem_shared>>
        tpu.enqueue_indirect_dma source(%arg13 : memref<128x64xf32, #tpu.memory_space<vmem>>) target(%dma_start3A_90 : memref<10240x64xf32, #tpu.memory_space<vmem_shared>>) offsets(%arg9 : memref<128xi32, #tpu.memory_space<vmem>>) semaphore(%run_scoped3A : memref<!tpu.dma_semaphore, #tpu.memory_space<semaphore_mem>>) {add = true}
        %dma_wait3A_91 = arith.constant 0 : i32
        %dma_wait3A_92 = arith.constant 0 : i32
        %dma_wait3A_93 = tpu.memref_slice %arg6[%dma_wait3A_91, %dma_wait3A_92] : memref<10240x64xf32, #tpu.memory_space<vmem_shared>> -> memref<10240x64xf32, #tpu.memory_space<vmem_shared>>
        tpu.wait_indirect_dma semaphore(%run_scoped3A : memref<!tpu.dma_semaphore, #tpu.memory_space<semaphore_mem>>) src(%arg13 : memref<128x64xf32, #tpu.memory_space<vmem>>) dst(%dma_wait3A_93 : memref<10240x64xf32, #tpu.memory_space<vmem_shared>>)
        tpu.yield
      }) : () -> ()
      %dma_wait3A_82 = tpu.memref_slice %arg3[%add3A_41] : memref<163840xi32, #tpu.memory_space<hbm>> -> memref<128xi32, #tpu.memory_space<hbm>>
      %dma_wait3A_83 = tpu.memref_slice %arg3[%add3A_41] : memref<163840xi32, #tpu.memory_space<hbm>> -> memref<128xi32, #tpu.memory_space<hbm>>
      tpu.wait_dma2 semaphore(%arg18 : memref<!tpu.dma_semaphore, #tpu.memory_space<semaphore_mem>>) src(%dma_wait3A_83 : memref<128xi32, #tpu.memory_space<hbm>>) dst(%arg10 : memref<128xi32, #tpu.memory_space<vmem>>)
      %dma_wait3A_84 = arith.constant 0 : i32
      %dma_wait3A_85 = tpu.memref_slice %arg2[%add3A_41, %dma_wait3A_84] : memref<163840x64xf32, #tpu.memory_space<hbm>> -> memref<128x64xf32, #tpu.memory_space<hbm>>
      %dma_wait3A_86 = arith.constant 0 : i32
      %dma_wait3A_87 = tpu.memref_slice %arg2[%add3A_41, %dma_wait3A_86] : memref<163840x64xf32, #tpu.memory_space<hbm>> -> memref<128x64xf32, #tpu.memory_space<hbm>>
      tpu.wait_dma2 semaphore(%arg22 : memref<!tpu.dma_semaphore, #tpu.memory_space<semaphore_mem>>) src(%dma_wait3A_87 : memref<128x64xf32, #tpu.memory_space<hbm>>) dst(%arg14 : memref<128x64xf32, #tpu.memory_space<vmem>>)
      "tpu.region"() ({
        %run_scoped3A = tpu.sem_alloc : memref<!tpu.dma_semaphore, #tpu.memory_space<semaphore_mem>>
        %dma_start3A_88 = arith.constant 0 : i32
        %dma_start3A_89 = arith.constant 0 : i32
        %dma_start3A_90 = tpu.memref_slice %arg6[%dma_start3A_88, %dma_start3A_89] : memref<10240x64xf32, #tpu.memory_space<vmem_shared>> -> memref<10240x64xf32, #tpu.memory_space<vmem_shared>>
        tpu.enqueue_indirect_dma source(%arg14 : memref<128x64xf32, #tpu.memory_space<vmem>>) target(%dma_start3A_90 : memref<10240x64xf32, #tpu.memory_space<vmem_shared>>) offsets(%arg10 : memref<128xi32, #tpu.memory_space<vmem>>) semaphore(%run_scoped3A : memref<!tpu.dma_semaphore, #tpu.memory_space<semaphore_mem>>) {add = true}
        %dma_wait3A_91 = arith.constant 0 : i32
        %dma_wait3A_92 = arith.constant 0 : i32
        %dma_wait3A_93 = tpu.memref_slice %arg6[%dma_wait3A_91, %dma_wait3A_92] : memref<10240x64xf32, #tpu.memory_space<vmem_shared>> -> memref<10240x64xf32, #tpu.memory_space<vmem_shared>>
        tpu.wait_indirect_dma semaphore(%run_scoped3A : memref<!tpu.dma_semaphore, #tpu.memory_space<semaphore_mem>>) src(%arg14 : memref<128x64xf32, #tpu.memory_space<vmem>>) dst(%dma_wait3A_93 : memref<10240x64xf32, #tpu.memory_space<vmem_shared>>)
        tpu.yield
      }) : () -> ()
    }
    %scan3A_11 = arith.constant 10 : i32
    %barrier3A_12 = arith.constant 0 : index
    tpu.barrier barrier_id(%barrier3A_12)
    "tpu.region"() ({
      %run_scoped3A = tpu.sem_alloc : memref<!tpu.dma_semaphore, #tpu.memory_space<semaphore_mem>>
      %dma_start3A = arith.constant 0 : i32
      %dma_start3A_13 = tpu.memref_slice %arg5[%arg0, %mul3A_2, %dma_start3A] : memref<2x10240x64xf32, #tpu.memory_space<hbm>> -> memref<1x640x64xf32, #tpu.memory_space<hbm>>
      %dma_start3A_14 = tpu.memref_squeeze %dma_start3A_13 : memref<1x640x64xf32, #tpu.memory_space<hbm>> -> memref<640x64xf32, #tpu.memory_space<hbm>>
      %dma_start3A_15 = arith.constant 0 : i32
      %dma_start3A_16 = tpu.memref_slice %arg6[%mul3A_2, %dma_start3A_15] : memref<10240x64xf32, #tpu.memory_space<vmem_shared>> -> memref<640x64xf32, #tpu.memory_space<vmem_shared>>
      tpu.enqueue_dma source(%dma_start3A_16 : memref<640x64xf32, #tpu.memory_space<vmem_shared>>) target(%dma_start3A_14 : memref<640x64xf32, #tpu.memory_space<hbm>>) target_semaphore(%run_scoped3A : memref<!tpu.dma_semaphore, #tpu.memory_space<semaphore_mem>>)
      %dma_wait3A = arith.constant 0 : i32
      %dma_wait3A_17 = tpu.memref_slice %arg5[%arg0, %mul3A_2, %dma_wait3A] : memref<2x10240x64xf32, #tpu.memory_space<hbm>> -> memref<1x640x64xf32, #tpu.memory_space<hbm>>
      %dma_wait3A_18 = tpu.memref_squeeze %dma_wait3A_17 : memref<1x640x64xf32, #tpu.memory_space<hbm>> -> memref<640x64xf32, #tpu.memory_space<hbm>>
      %dma_wait3A_19 = arith.constant 0 : i32
      %dma_wait3A_20 = tpu.memref_slice %arg6[%mul3A_2, %dma_wait3A_19] : memref<10240x64xf32, #tpu.memory_space<vmem_shared>> -> memref<640x64xf32, #tpu.memory_space<vmem_shared>>
      tpu.wait_dma2 semaphore(%run_scoped3A : memref<!tpu.dma_semaphore, #tpu.memory_space<semaphore_mem>>) src(%dma_wait3A_20 : memref<640x64xf32, #tpu.memory_space<vmem_shared>>) dst(%dma_wait3A_18 : memref<640x64xf32, #tpu.memory_space<hbm>>)
      tpu.yield
    }) : () -> ()
    return
  }
}

#map = affine_map<(d0, d1) -> (0, 0)>
#map1 = affine_map<(d0, d1) -> (0)>
module attributes {stable_mosaic.version = 14 : i64} {
  func.func @body(%arg0: i32, %arg1: i32, %arg2: memref<20480x64xf32, #tpu.memory_space<hbm>>, %arg3: memref<327680xi32, #tpu.memory_space<hbm>>, %arg4: memref<327680x64xf32, #tpu.memory_space<hbm>>, %arg5: memref<20480x64xf32, #tpu.memory_space<vmem_shared>>, %arg6: memref<128xi32, #tpu.memory_space<vmem>>, %arg7: memref<128xi32, #tpu.memory_space<vmem>>, %arg8: memref<128xi32, #tpu.memory_space<vmem>>, %arg9: memref<128xi32, #tpu.memory_space<vmem>>, %arg10: memref<128x64xf32, #tpu.memory_space<vmem>>, %arg11: memref<128x64xf32, #tpu.memory_space<vmem>>, %arg12: memref<128x64xf32, #tpu.memory_space<vmem>>, %arg13: memref<128x64xf32, #tpu.memory_space<vmem>>, %arg14: memref<!tpu.dma_semaphore, #tpu.memory_space<semaphore_mem>>, %arg15: memref<!tpu.dma_semaphore, #tpu.memory_space<semaphore_mem>>, %arg16: memref<!tpu.dma_semaphore, #tpu.memory_space<semaphore_mem>>, %arg17: memref<!tpu.dma_semaphore, #tpu.memory_space<semaphore_mem>>) attributes {dimension_semantics = [#tpu.dimension_semantics<core_parallel>, #tpu.dimension_semantics<subcore_parallel>], iteration_bounds = array<i64: 2, 16>, scalar_prefetch = 0 : i64, scratch_operands = 13 : i64, tpu.core_type = #tpu.core_type<sc_vector_subcore>, window_params = [{transform_indices = #map}, {transform_indices = #map1}, {transform_indices = #map}]} {
    %mul3A = arith.constant 2 : i32
    %mul3A_0 = arith.muli %arg1, %mul3A : i32
    %add3A = arith.addi %mul3A_0, %arg0 : i32
    %mul3A_1 = arith.constant 1280 : i32
    %mul3A_2 = arith.muli %arg1, %mul3A_1 : i32
    "tpu.region"() ({
      %run_scoped3A = tpu.sem_alloc : memref<!tpu.dma_semaphore, #tpu.memory_space<semaphore_mem>>
      %dma_start3A = arith.constant 0 : i32
      %dma_start3A_12 = tpu.memref_slice %arg5[%mul3A_2, %dma_start3A] : memref<20480x64xf32, #tpu.memory_space<vmem_shared>> -> memref<1280x64xf32, #tpu.memory_space<vmem_shared>>
      %dma_start3A_13 = arith.constant 0 : i32
      %dma_start3A_14 = tpu.memref_slice %arg2[%mul3A_2, %dma_start3A_13] : memref<20480x64xf32, #tpu.memory_space<hbm>> -> memref<1280x64xf32, #tpu.memory_space<hbm>>
      tpu.enqueue_dma source(%dma_start3A_14 : memref<1280x64xf32, #tpu.memory_space<hbm>>) target(%dma_start3A_12 : memref<1280x64xf32, #tpu.memory_space<vmem_shared>>) target_semaphore(%run_scoped3A : memref<!tpu.dma_semaphore, #tpu.memory_space<semaphore_mem>>)
      %dma_wait3A = arith.constant 0 : i32
      %dma_wait3A_15 = tpu.memref_slice %arg5[%mul3A_2, %dma_wait3A] : memref<20480x64xf32, #tpu.memory_space<vmem_shared>> -> memref<1280x64xf32, #tpu.memory_space<vmem_shared>>
      %dma_wait3A_16 = arith.constant 0 : i32
      %dma_wait3A_17 = tpu.memref_slice %arg2[%mul3A_2, %dma_wait3A_16] : memref<20480x64xf32, #tpu.memory_space<hbm>> -> memref<1280x64xf32, #tpu.memory_space<hbm>>
      tpu.wait_dma2 semaphore(%run_scoped3A : memref<!tpu.dma_semaphore, #tpu.memory_space<semaphore_mem>>) src(%dma_wait3A_17 : memref<1280x64xf32, #tpu.memory_space<hbm>>) dst(%dma_wait3A_15 : memref<1280x64xf32, #tpu.memory_space<vmem_shared>>)
      tpu.yield
    }) : () -> ()
    %barrier3A = arith.constant 0 : index
    tpu.barrier barrier_id(%barrier3A)
    %mul3A_3 = arith.constant 80 : i32
    %mul3A_4 = arith.muli %add3A, %mul3A_3 : i32
    %mul3A_5 = arith.constant 128 : i32
    %mul3A_6 = arith.muli %mul3A_4, %mul3A_5 : i32
    %scan3A = arith.constant 0 : i32
    %scan3A_7 = arith.constant 0 : i32
    %scan3A_8 = arith.constant 20 : i32
    %scan3A_9 = arith.addi %scan3A_7, %scan3A_8 : i32
    %scan3A_10 = arith.constant 1 : i32
    scf.for %scan3A_12 = %scan3A_7 to %scan3A_9 step %scan3A_10  : i32 {
      %mul3A_13 = arith.constant 4 : i32
      %mul3A_14 = arith.muli %scan3A_12, %mul3A_13 : i32
      %add3A_15 = arith.constant 0 : i32
      %add3A_16 = arith.addi %mul3A_14, %add3A_15 : i32
      %mul3A_17 = arith.constant 128 : i32
      %mul3A_18 = arith.muli %add3A_16, %mul3A_17 : i32
      %add3A_19 = arith.addi %mul3A_6, %mul3A_18 : i32
      %mul3A_20 = arith.constant 4 : i32
      %mul3A_21 = arith.muli %scan3A_12, %mul3A_20 : i32
      %add3A_22 = arith.constant 1 : i32
      %add3A_23 = arith.addi %mul3A_21, %add3A_22 : i32
      %mul3A_24 = arith.constant 128 : i32
      %mul3A_25 = arith.muli %add3A_23, %mul3A_24 : i32
      %add3A_26 = arith.addi %mul3A_6, %mul3A_25 : i32
      %mul3A_27 = arith.constant 4 : i32
      %mul3A_28 = arith.muli %scan3A_12, %mul3A_27 : i32
      %add3A_29 = arith.constant 2 : i32
      %add3A_30 = arith.addi %mul3A_28, %add3A_29 : i32
      %mul3A_31 = arith.constant 128 : i32
      %mul3A_32 = arith.muli %add3A_30, %mul3A_31 : i32
      %add3A_33 = arith.addi %mul3A_6, %mul3A_32 : i32
      %mul3A_34 = arith.constant 4 : i32
      %mul3A_35 = arith.muli %scan3A_12, %mul3A_34 : i32
      %add3A_36 = arith.constant 3 : i32
      %add3A_37 = arith.addi %mul3A_35, %add3A_36 : i32
      %mul3A_38 = arith.constant 128 : i32
      %mul3A_39 = arith.muli %add3A_37, %mul3A_38 : i32
      %add3A_40 = arith.addi %mul3A_6, %mul3A_39 : i32
      %dma_start3A = tpu.memref_slice %arg3[%add3A_19] : memref<327680xi32, #tpu.memory_space<hbm>> -> memref<128xi32, #tpu.memory_space<hbm>>
      %dma_start3A_41 = tpu.memref_slice %arg3[%add3A_19] : memref<327680xi32, #tpu.memory_space<hbm>> -> memref<128xi32, #tpu.memory_space<hbm>>
      tpu.enqueue_dma source(%dma_start3A_41 : memref<128xi32, #tpu.memory_space<hbm>>) target(%arg6 : memref<128xi32, #tpu.memory_space<vmem>>) target_semaphore(%arg14 : memref<!tpu.dma_semaphore, #tpu.memory_space<semaphore_mem>>)
      %dma_start3A_42 = tpu.memref_slice %arg3[%add3A_26] : memref<327680xi32, #tpu.memory_space<hbm>> -> memref<128xi32, #tpu.memory_space<hbm>>
      %dma_start3A_43 = tpu.memref_slice %arg3[%add3A_26] : memref<327680xi32, #tpu.memory_space<hbm>> -> memref<128xi32, #tpu.memory_space<hbm>>
      tpu.enqueue_dma source(%dma_start3A_43 : memref<128xi32, #tpu.memory_space<hbm>>) target(%arg7 : memref<128xi32, #tpu.memory_space<vmem>>) target_semaphore(%arg15 : memref<!tpu.dma_semaphore, #tpu.memory_space<semaphore_mem>>)
      %dma_start3A_44 = tpu.memref_slice %arg3[%add3A_33] : memref<327680xi32, #tpu.memory_space<hbm>> -> memref<128xi32, #tpu.memory_space<hbm>>
      %dma_start3A_45 = tpu.memref_slice %arg3[%add3A_33] : memref<327680xi32, #tpu.memory_space<hbm>> -> memref<128xi32, #tpu.memory_space<hbm>>
      tpu.enqueue_dma source(%dma_start3A_45 : memref<128xi32, #tpu.memory_space<hbm>>) target(%arg8 : memref<128xi32, #tpu.memory_space<vmem>>) target_semaphore(%arg16 : memref<!tpu.dma_semaphore, #tpu.memory_space<semaphore_mem>>)
      %dma_start3A_46 = tpu.memref_slice %arg3[%add3A_40] : memref<327680xi32, #tpu.memory_space<hbm>> -> memref<128xi32, #tpu.memory_space<hbm>>
      %dma_start3A_47 = tpu.memref_slice %arg3[%add3A_40] : memref<327680xi32, #tpu.memory_space<hbm>> -> memref<128xi32, #tpu.memory_space<hbm>>
      tpu.enqueue_dma source(%dma_start3A_47 : memref<128xi32, #tpu.memory_space<hbm>>) target(%arg9 : memref<128xi32, #tpu.memory_space<vmem>>) target_semaphore(%arg17 : memref<!tpu.dma_semaphore, #tpu.memory_space<semaphore_mem>>)
      %dma_wait3A = tpu.memref_slice %arg3[%add3A_19] : memref<327680xi32, #tpu.memory_space<hbm>> -> memref<128xi32, #tpu.memory_space<hbm>>
      %dma_wait3A_48 = tpu.memref_slice %arg3[%add3A_19] : memref<327680xi32, #tpu.memory_space<hbm>> -> memref<128xi32, #tpu.memory_space<hbm>>
      tpu.wait_dma2 semaphore(%arg14 : memref<!tpu.dma_semaphore, #tpu.memory_space<semaphore_mem>>) src(%dma_wait3A_48 : memref<128xi32, #tpu.memory_space<hbm>>) dst(%arg6 : memref<128xi32, #tpu.memory_space<vmem>>)
      %dma_start3A_49 = arith.constant 0 : i32
      %dma_start3A_50 = arith.constant 0 : i32
      %dma_start3A_51 = tpu.memref_slice %arg5[%dma_start3A_49, %dma_start3A_50] : memref<20480x64xf32, #tpu.memory_space<vmem_shared>> -> memref<20480x64xf32, #tpu.memory_space<vmem_shared>>
      tpu.enqueue_indirect_dma source(%dma_start3A_51 : memref<20480x64xf32, #tpu.memory_space<vmem_shared>>) target(%arg10 : memref<128x64xf32, #tpu.memory_space<vmem>>) offsets(%arg6 : memref<128xi32, #tpu.memory_space<vmem>>) semaphore(%arg14 : memref<!tpu.dma_semaphore, #tpu.memory_space<semaphore_mem>>)
      %dma_wait3A_52 = tpu.memref_slice %arg3[%add3A_26] : memref<327680xi32, #tpu.memory_space<hbm>> -> memref<128xi32, #tpu.memory_space<hbm>>
      %dma_wait3A_53 = tpu.memref_slice %arg3[%add3A_26] : memref<327680xi32, #tpu.memory_space<hbm>> -> memref<128xi32, #tpu.memory_space<hbm>>
      tpu.wait_dma2 semaphore(%arg15 : memref<!tpu.dma_semaphore, #tpu.memory_space<semaphore_mem>>) src(%dma_wait3A_53 : memref<128xi32, #tpu.memory_space<hbm>>) dst(%arg7 : memref<128xi32, #tpu.memory_space<vmem>>)
      %dma_start3A_54 = arith.constant 0 : i32
      %dma_start3A_55 = arith.constant 0 : i32
      %dma_start3A_56 = tpu.memref_slice %arg5[%dma_start3A_54, %dma_start3A_55] : memref<20480x64xf32, #tpu.memory_space<vmem_shared>> -> memref<20480x64xf32, #tpu.memory_space<vmem_shared>>
      tpu.enqueue_indirect_dma source(%dma_start3A_56 : memref<20480x64xf32, #tpu.memory_space<vmem_shared>>) target(%arg11 : memref<128x64xf32, #tpu.memory_space<vmem>>) offsets(%arg7 : memref<128xi32, #tpu.memory_space<vmem>>) semaphore(%arg15 : memref<!tpu.dma_semaphore, #tpu.memory_space<semaphore_mem>>)
      %dma_wait3A_57 = tpu.memref_slice %arg3[%add3A_33] : memref<327680xi32, #tpu.memory_space<hbm>> -> memref<128xi32, #tpu.memory_space<hbm>>
      %dma_wait3A_58 = tpu.memref_slice %arg3[%add3A_33] : memref<327680xi32, #tpu.memory_space<hbm>> -> memref<128xi32, #tpu.memory_space<hbm>>
      tpu.wait_dma2 semaphore(%arg16 : memref<!tpu.dma_semaphore, #tpu.memory_space<semaphore_mem>>) src(%dma_wait3A_58 : memref<128xi32, #tpu.memory_space<hbm>>) dst(%arg8 : memref<128xi32, #tpu.memory_space<vmem>>)
      %dma_start3A_59 = arith.constant 0 : i32
      %dma_start3A_60 = arith.constant 0 : i32
      %dma_start3A_61 = tpu.memref_slice %arg5[%dma_start3A_59, %dma_start3A_60] : memref<20480x64xf32, #tpu.memory_space<vmem_shared>> -> memref<20480x64xf32, #tpu.memory_space<vmem_shared>>
      tpu.enqueue_indirect_dma source(%dma_start3A_61 : memref<20480x64xf32, #tpu.memory_space<vmem_shared>>) target(%arg12 : memref<128x64xf32, #tpu.memory_space<vmem>>) offsets(%arg8 : memref<128xi32, #tpu.memory_space<vmem>>) semaphore(%arg16 : memref<!tpu.dma_semaphore, #tpu.memory_space<semaphore_mem>>)
      %dma_wait3A_62 = tpu.memref_slice %arg3[%add3A_40] : memref<327680xi32, #tpu.memory_space<hbm>> -> memref<128xi32, #tpu.memory_space<hbm>>
      %dma_wait3A_63 = tpu.memref_slice %arg3[%add3A_40] : memref<327680xi32, #tpu.memory_space<hbm>> -> memref<128xi32, #tpu.memory_space<hbm>>
      tpu.wait_dma2 semaphore(%arg17 : memref<!tpu.dma_semaphore, #tpu.memory_space<semaphore_mem>>) src(%dma_wait3A_63 : memref<128xi32, #tpu.memory_space<hbm>>) dst(%arg9 : memref<128xi32, #tpu.memory_space<vmem>>)
      %dma_start3A_64 = arith.constant 0 : i32
      %dma_start3A_65 = arith.constant 0 : i32
      %dma_start3A_66 = tpu.memref_slice %arg5[%dma_start3A_64, %dma_start3A_65] : memref<20480x64xf32, #tpu.memory_space<vmem_shared>> -> memref<20480x64xf32, #tpu.memory_space<vmem_shared>>
      tpu.enqueue_indirect_dma source(%dma_start3A_66 : memref<20480x64xf32, #tpu.memory_space<vmem_shared>>) target(%arg13 : memref<128x64xf32, #tpu.memory_space<vmem>>) offsets(%arg9 : memref<128xi32, #tpu.memory_space<vmem>>) semaphore(%arg17 : memref<!tpu.dma_semaphore, #tpu.memory_space<semaphore_mem>>)
      %dma_wait3A_67 = arith.constant 0 : i32
      %dma_wait3A_68 = arith.constant 0 : i32
      %dma_wait3A_69 = tpu.memref_slice %arg5[%dma_wait3A_67, %dma_wait3A_68] : memref<20480x64xf32, #tpu.memory_space<vmem_shared>> -> memref<20480x64xf32, #tpu.memory_space<vmem_shared>>
      tpu.wait_indirect_dma semaphore(%arg14 : memref<!tpu.dma_semaphore, #tpu.memory_space<semaphore_mem>>) src(%dma_wait3A_69 : memref<20480x64xf32, #tpu.memory_space<vmem_shared>>) dst(%arg10 : memref<128x64xf32, #tpu.memory_space<vmem>>)
      %dma_start3A_70 = arith.constant 0 : i32
      %dma_start3A_71 = tpu.memref_slice %arg4[%add3A_19, %dma_start3A_70] : memref<327680x64xf32, #tpu.memory_space<hbm>> -> memref<128x64xf32, #tpu.memory_space<hbm>>
      %dma_start3A_72 = arith.constant 0 : i32
      %dma_start3A_73 = tpu.memref_slice %arg4[%add3A_19, %dma_start3A_72] : memref<327680x64xf32, #tpu.memory_space<hbm>> -> memref<128x64xf32, #tpu.memory_space<hbm>>
      tpu.enqueue_dma source(%arg10 : memref<128x64xf32, #tpu.memory_space<vmem>>) target(%dma_start3A_73 : memref<128x64xf32, #tpu.memory_space<hbm>>) target_semaphore(%arg14 : memref<!tpu.dma_semaphore, #tpu.memory_space<semaphore_mem>>)
      %dma_wait3A_74 = arith.constant 0 : i32
      %dma_wait3A_75 = arith.constant 0 : i32
      %dma_wait3A_76 = tpu.memref_slice %arg5[%dma_wait3A_74, %dma_wait3A_75] : memref<20480x64xf32, #tpu.memory_space<vmem_shared>> -> memref<20480x64xf32, #tpu.memory_space<vmem_shared>>
      tpu.wait_indirect_dma semaphore(%arg15 : memref<!tpu.dma_semaphore, #tpu.memory_space<semaphore_mem>>) src(%dma_wait3A_76 : memref<20480x64xf32, #tpu.memory_space<vmem_shared>>) dst(%arg11 : memref<128x64xf32, #tpu.memory_space<vmem>>)
      %dma_start3A_77 = arith.constant 0 : i32
      %dma_start3A_78 = tpu.memref_slice %arg4[%add3A_26, %dma_start3A_77] : memref<327680x64xf32, #tpu.memory_space<hbm>> -> memref<128x64xf32, #tpu.memory_space<hbm>>
      %dma_start3A_79 = arith.constant 0 : i32
      %dma_start3A_80 = tpu.memref_slice %arg4[%add3A_26, %dma_start3A_79] : memref<327680x64xf32, #tpu.memory_space<hbm>> -> memref<128x64xf32, #tpu.memory_space<hbm>>
      tpu.enqueue_dma source(%arg11 : memref<128x64xf32, #tpu.memory_space<vmem>>) target(%dma_start3A_80 : memref<128x64xf32, #tpu.memory_space<hbm>>) target_semaphore(%arg15 : memref<!tpu.dma_semaphore, #tpu.memory_space<semaphore_mem>>)
      %dma_wait3A_81 = arith.constant 0 : i32
      %dma_wait3A_82 = arith.constant 0 : i32
      %dma_wait3A_83 = tpu.memref_slice %arg5[%dma_wait3A_81, %dma_wait3A_82] : memref<20480x64xf32, #tpu.memory_space<vmem_shared>> -> memref<20480x64xf32, #tpu.memory_space<vmem_shared>>
      tpu.wait_indirect_dma semaphore(%arg16 : memref<!tpu.dma_semaphore, #tpu.memory_space<semaphore_mem>>) src(%dma_wait3A_83 : memref<20480x64xf32, #tpu.memory_space<vmem_shared>>) dst(%arg12 : memref<128x64xf32, #tpu.memory_space<vmem>>)
      %dma_start3A_84 = arith.constant 0 : i32
      %dma_start3A_85 = tpu.memref_slice %arg4[%add3A_33, %dma_start3A_84] : memref<327680x64xf32, #tpu.memory_space<hbm>> -> memref<128x64xf32, #tpu.memory_space<hbm>>
      %dma_start3A_86 = arith.constant 0 : i32
      %dma_start3A_87 = tpu.memref_slice %arg4[%add3A_33, %dma_start3A_86] : memref<327680x64xf32, #tpu.memory_space<hbm>> -> memref<128x64xf32, #tpu.memory_space<hbm>>
      tpu.enqueue_dma source(%arg12 : memref<128x64xf32, #tpu.memory_space<vmem>>) target(%dma_start3A_87 : memref<128x64xf32, #tpu.memory_space<hbm>>) target_semaphore(%arg16 : memref<!tpu.dma_semaphore, #tpu.memory_space<semaphore_mem>>)
      %dma_wait3A_88 = arith.constant 0 : i32
      %dma_wait3A_89 = arith.constant 0 : i32
      %dma_wait3A_90 = tpu.memref_slice %arg5[%dma_wait3A_88, %dma_wait3A_89] : memref<20480x64xf32, #tpu.memory_space<vmem_shared>> -> memref<20480x64xf32, #tpu.memory_space<vmem_shared>>
      tpu.wait_indirect_dma semaphore(%arg17 : memref<!tpu.dma_semaphore, #tpu.memory_space<semaphore_mem>>) src(%dma_wait3A_90 : memref<20480x64xf32, #tpu.memory_space<vmem_shared>>) dst(%arg13 : memref<128x64xf32, #tpu.memory_space<vmem>>)
      %dma_start3A_91 = arith.constant 0 : i32
      %dma_start3A_92 = tpu.memref_slice %arg4[%add3A_40, %dma_start3A_91] : memref<327680x64xf32, #tpu.memory_space<hbm>> -> memref<128x64xf32, #tpu.memory_space<hbm>>
      %dma_start3A_93 = arith.constant 0 : i32
      %dma_start3A_94 = tpu.memref_slice %arg4[%add3A_40, %dma_start3A_93] : memref<327680x64xf32, #tpu.memory_space<hbm>> -> memref<128x64xf32, #tpu.memory_space<hbm>>
      tpu.enqueue_dma source(%arg13 : memref<128x64xf32, #tpu.memory_space<vmem>>) target(%dma_start3A_94 : memref<128x64xf32, #tpu.memory_space<hbm>>) target_semaphore(%arg17 : memref<!tpu.dma_semaphore, #tpu.memory_space<semaphore_mem>>)
      %dma_wait3A_95 = arith.constant 0 : i32
      %dma_wait3A_96 = tpu.memref_slice %arg4[%add3A_19, %dma_wait3A_95] : memref<327680x64xf32, #tpu.memory_space<hbm>> -> memref<128x64xf32, #tpu.memory_space<hbm>>
      %dma_wait3A_97 = arith.constant 0 : i32
      %dma_wait3A_98 = tpu.memref_slice %arg4[%add3A_19, %dma_wait3A_97] : memref<327680x64xf32, #tpu.memory_space<hbm>> -> memref<128x64xf32, #tpu.memory_space<hbm>>
      tpu.wait_dma2 semaphore(%arg14 : memref<!tpu.dma_semaphore, #tpu.memory_space<semaphore_mem>>) src(%arg10 : memref<128x64xf32, #tpu.memory_space<vmem>>) dst(%dma_wait3A_98 : memref<128x64xf32, #tpu.memory_space<hbm>>)
      %dma_wait3A_99 = arith.constant 0 : i32
      %dma_wait3A_100 = tpu.memref_slice %arg4[%add3A_26, %dma_wait3A_99] : memref<327680x64xf32, #tpu.memory_space<hbm>> -> memref<128x64xf32, #tpu.memory_space<hbm>>
      %dma_wait3A_101 = arith.constant 0 : i32
      %dma_wait3A_102 = tpu.memref_slice %arg4[%add3A_26, %dma_wait3A_101] : memref<327680x64xf32, #tpu.memory_space<hbm>> -> memref<128x64xf32, #tpu.memory_space<hbm>>
      tpu.wait_dma2 semaphore(%arg15 : memref<!tpu.dma_semaphore, #tpu.memory_space<semaphore_mem>>) src(%arg11 : memref<128x64xf32, #tpu.memory_space<vmem>>) dst(%dma_wait3A_102 : memref<128x64xf32, #tpu.memory_space<hbm>>)
      %dma_wait3A_103 = arith.constant 0 : i32
      %dma_wait3A_104 = tpu.memref_slice %arg4[%add3A_33, %dma_wait3A_103] : memref<327680x64xf32, #tpu.memory_space<hbm>> -> memref<128x64xf32, #tpu.memory_space<hbm>>
      %dma_wait3A_105 = arith.constant 0 : i32
      %dma_wait3A_106 = tpu.memref_slice %arg4[%add3A_33, %dma_wait3A_105] : memref<327680x64xf32, #tpu.memory_space<hbm>> -> memref<128x64xf32, #tpu.memory_space<hbm>>
      tpu.wait_dma2 semaphore(%arg16 : memref<!tpu.dma_semaphore, #tpu.memory_space<semaphore_mem>>) src(%arg12 : memref<128x64xf32, #tpu.memory_space<vmem>>) dst(%dma_wait3A_106 : memref<128x64xf32, #tpu.memory_space<hbm>>)
      %dma_wait3A_107 = arith.constant 0 : i32
      %dma_wait3A_108 = tpu.memref_slice %arg4[%add3A_40, %dma_wait3A_107] : memref<327680x64xf32, #tpu.memory_space<hbm>> -> memref<128x64xf32, #tpu.memory_space<hbm>>
      %dma_wait3A_109 = arith.constant 0 : i32
      %dma_wait3A_110 = tpu.memref_slice %arg4[%add3A_40, %dma_wait3A_109] : memref<327680x64xf32, #tpu.memory_space<hbm>> -> memref<128x64xf32, #tpu.memory_space<hbm>>
      tpu.wait_dma2 semaphore(%arg17 : memref<!tpu.dma_semaphore, #tpu.memory_space<semaphore_mem>>) src(%arg13 : memref<128x64xf32, #tpu.memory_space<vmem>>) dst(%dma_wait3A_110 : memref<128x64xf32, #tpu.memory_space<hbm>>)
    }
    %scan3A_11 = arith.constant 20 : i32
    return
  }
}

#map = affine_map<(d0, d1) -> (0, 0)>
#map1 = affine_map<(d0, d1) -> (0)>
module attributes {stable_mosaic.version = 14 : i64} {
  func.func @body(%arg0: i32, %arg1: i32, %arg2: memref<20480x64xf32, #tpu.memory_space<hbm>>, %arg3: memref<327680xi32, #tpu.memory_space<hbm>>, %arg4: memref<327680x64xf32, #tpu.memory_space<hbm>>, %arg5: memref<20480x64xf32, #tpu.memory_space<vmem_shared>>, %arg6: memref<128xi32, #tpu.memory_space<vmem>>, %arg7: memref<128xi32, #tpu.memory_space<vmem>>, %arg8: memref<128xi32, #tpu.memory_space<vmem>>, %arg9: memref<128xi32, #tpu.memory_space<vmem>>, %arg10: memref<128x64xf32, #tpu.memory_space<vmem>>, %arg11: memref<128x64xf32, #tpu.memory_space<vmem>>, %arg12: memref<128x64xf32, #tpu.memory_space<vmem>>, %arg13: memref<128x64xf32, #tpu.memory_space<vmem>>, %arg14: memref<!tpu.dma_semaphore, #tpu.memory_space<semaphore_mem>>, %arg15: memref<!tpu.dma_semaphore, #tpu.memory_space<semaphore_mem>>, %arg16: memref<!tpu.dma_semaphore, #tpu.memory_space<semaphore_mem>>, %arg17: memref<!tpu.dma_semaphore, #tpu.memory_space<semaphore_mem>>) attributes {dimension_semantics = [#tpu.dimension_semantics<core_parallel>, #tpu.dimension_semantics<subcore_parallel>], iteration_bounds = array<i64: 2, 16>, scalar_prefetch = 0 : i64, scratch_operands = 13 : i64, tpu.core_type = #tpu.core_type<sc_vector_subcore>, window_params = [{transform_indices = #map}, {transform_indices = #map1}, {transform_indices = #map}]} {
    %mul3A = arith.constant 2 : i32
    %mul3A_0 = arith.muli %arg1, %mul3A : i32
    %add3A = arith.addi %mul3A_0, %arg0 : i32
    %mul3A_1 = arith.constant 1280 : i32
    %mul3A_2 = arith.muli %arg1, %mul3A_1 : i32
    "tpu.region"() ({
      %run_scoped3A = tpu.sem_alloc : memref<!tpu.dma_semaphore, #tpu.memory_space<semaphore_mem>>
      %dma_start3A = arith.constant 0 : i32
      %dma_start3A_12 = tpu.memref_slice %arg5[%mul3A_2, %dma_start3A] : memref<20480x64xf32, #tpu.memory_space<vmem_shared>> -> memref<1280x64xf32, #tpu.memory_space<vmem_shared>>
      %dma_start3A_13 = arith.constant 0 : i32
      %dma_start3A_14 = tpu.memref_slice %arg2[%mul3A_2, %dma_start3A_13] : memref<20480x64xf32, #tpu.memory_space<hbm>> -> memref<1280x64xf32, #tpu.memory_space<hbm>>
      tpu.enqueue_dma source(%dma_start3A_14 : memref<1280x64xf32, #tpu.memory_space<hbm>>) target(%dma_start3A_12 : memref<1280x64xf32, #tpu.memory_space<vmem_shared>>) target_semaphore(%run_scoped3A : memref<!tpu.dma_semaphore, #tpu.memory_space<semaphore_mem>>)
      %dma_wait3A = arith.constant 0 : i32
      %dma_wait3A_15 = tpu.memref_slice %arg5[%mul3A_2, %dma_wait3A] : memref<20480x64xf32, #tpu.memory_space<vmem_shared>> -> memref<1280x64xf32, #tpu.memory_space<vmem_shared>>
      %dma_wait3A_16 = arith.constant 0 : i32
      %dma_wait3A_17 = tpu.memref_slice %arg2[%mul3A_2, %dma_wait3A_16] : memref<20480x64xf32, #tpu.memory_space<hbm>> -> memref<1280x64xf32, #tpu.memory_space<hbm>>
      tpu.wait_dma2 semaphore(%run_scoped3A : memref<!tpu.dma_semaphore, #tpu.memory_space<semaphore_mem>>) src(%dma_wait3A_17 : memref<1280x64xf32, #tpu.memory_space<hbm>>) dst(%dma_wait3A_15 : memref<1280x64xf32, #tpu.memory_space<vmem_shared>>)
      tpu.yield
    }) : () -> ()
    %barrier3A = arith.constant 0 : index
    tpu.barrier barrier_id(%barrier3A)
    %mul3A_3 = arith.constant 80 : i32
    %mul3A_4 = arith.muli %add3A, %mul3A_3 : i32
    %mul3A_5 = arith.constant 128 : i32
    %mul3A_6 = arith.muli %mul3A_4, %mul3A_5 : i32
    %scan3A = arith.constant 0 : i32
    %scan3A_7 = arith.constant 0 : i32
    %scan3A_8 = arith.constant 20 : i32
    %scan3A_9 = arith.addi %scan3A_7, %scan3A_8 : i32
    %scan3A_10 = arith.constant 1 : i32
    scf.for %scan3A_12 = %scan3A_7 to %scan3A_9 step %scan3A_10  : i32 {
      %mul3A_13 = arith.constant 4 : i32
      %mul3A_14 = arith.muli %scan3A_12, %mul3A_13 : i32
      %add3A_15 = arith.constant 0 : i32
      %add3A_16 = arith.addi %mul3A_14, %add3A_15 : i32
      %mul3A_17 = arith.constant 128 : i32
      %mul3A_18 = arith.muli %add3A_16, %mul3A_17 : i32
      %add3A_19 = arith.addi %mul3A_6, %mul3A_18 : i32
      %mul3A_20 = arith.constant 4 : i32
      %mul3A_21 = arith.muli %scan3A_12, %mul3A_20 : i32
      %add3A_22 = arith.constant 1 : i32
      %add3A_23 = arith.addi %mul3A_21, %add3A_22 : i32
      %mul3A_24 = arith.constant 128 : i32
      %mul3A_25 = arith.muli %add3A_23, %mul3A_24 : i32
      %add3A_26 = arith.addi %mul3A_6, %mul3A_25 : i32
      %mul3A_27 = arith.constant 4 : i32
      %mul3A_28 = arith.muli %scan3A_12, %mul3A_27 : i32
      %add3A_29 = arith.constant 2 : i32
      %add3A_30 = arith.addi %mul3A_28, %add3A_29 : i32
      %mul3A_31 = arith.constant 128 : i32
      %mul3A_32 = arith.muli %add3A_30, %mul3A_31 : i32
      %add3A_33 = arith.addi %mul3A_6, %mul3A_32 : i32
      %mul3A_34 = arith.constant 4 : i32
      %mul3A_35 = arith.muli %scan3A_12, %mul3A_34 : i32
      %add3A_36 = arith.constant 3 : i32
      %add3A_37 = arith.addi %mul3A_35, %add3A_36 : i32
      %mul3A_38 = arith.constant 128 : i32
      %mul3A_39 = arith.muli %add3A_37, %mul3A_38 : i32
      %add3A_40 = arith.addi %mul3A_6, %mul3A_39 : i32
      %dma_start3A = tpu.memref_slice %arg3[%add3A_19] : memref<327680xi32, #tpu.memory_space<hbm>> -> memref<128xi32, #tpu.memory_space<hbm>>
      %dma_start3A_41 = tpu.memref_slice %arg3[%add3A_19] : memref<327680xi32, #tpu.memory_space<hbm>> -> memref<128xi32, #tpu.memory_space<hbm>>
      tpu.enqueue_dma source(%dma_start3A_41 : memref<128xi32, #tpu.memory_space<hbm>>) target(%arg6 : memref<128xi32, #tpu.memory_space<vmem>>) target_semaphore(%arg14 : memref<!tpu.dma_semaphore, #tpu.memory_space<semaphore_mem>>)
      %dma_start3A_42 = tpu.memref_slice %arg3[%add3A_26] : memref<327680xi32, #tpu.memory_space<hbm>> -> memref<128xi32, #tpu.memory_space<hbm>>
      %dma_start3A_43 = tpu.memref_slice %arg3[%add3A_26] : memref<327680xi32, #tpu.memory_space<hbm>> -> memref<128xi32, #tpu.memory_space<hbm>>
      tpu.enqueue_dma source(%dma_start3A_43 : memref<128xi32, #tpu.memory_space<hbm>>) target(%arg7 : memref<128xi32, #tpu.memory_space<vmem>>) target_semaphore(%arg15 : memref<!tpu.dma_semaphore, #tpu.memory_space<semaphore_mem>>)
      %dma_start3A_44 = tpu.memref_slice %arg3[%add3A_33] : memref<327680xi32, #tpu.memory_space<hbm>> -> memref<128xi32, #tpu.memory_space<hbm>>
      %dma_start3A_45 = tpu.memref_slice %arg3[%add3A_33] : memref<327680xi32, #tpu.memory_space<hbm>> -> memref<128xi32, #tpu.memory_space<hbm>>
      tpu.enqueue_dma source(%dma_start3A_45 : memref<128xi32, #tpu.memory_space<hbm>>) target(%arg8 : memref<128xi32, #tpu.memory_space<vmem>>) target_semaphore(%arg16 : memref<!tpu.dma_semaphore, #tpu.memory_space<semaphore_mem>>)
      %dma_start3A_46 = tpu.memref_slice %arg3[%add3A_40] : memref<327680xi32, #tpu.memory_space<hbm>> -> memref<128xi32, #tpu.memory_space<hbm>>
      %dma_start3A_47 = tpu.memref_slice %arg3[%add3A_40] : memref<327680xi32, #tpu.memory_space<hbm>> -> memref<128xi32, #tpu.memory_space<hbm>>
      tpu.enqueue_dma source(%dma_start3A_47 : memref<128xi32, #tpu.memory_space<hbm>>) target(%arg9 : memref<128xi32, #tpu.memory_space<vmem>>) target_semaphore(%arg17 : memref<!tpu.dma_semaphore, #tpu.memory_space<semaphore_mem>>)
      %dma_wait3A = tpu.memref_slice %arg3[%add3A_19] : memref<327680xi32, #tpu.memory_space<hbm>> -> memref<128xi32, #tpu.memory_space<hbm>>
      %dma_wait3A_48 = tpu.memref_slice %arg3[%add3A_19] : memref<327680xi32, #tpu.memory_space<hbm>> -> memref<128xi32, #tpu.memory_space<hbm>>
      tpu.wait_dma2 semaphore(%arg14 : memref<!tpu.dma_semaphore, #tpu.memory_space<semaphore_mem>>) src(%dma_wait3A_48 : memref<128xi32, #tpu.memory_space<hbm>>) dst(%arg6 : memref<128xi32, #tpu.memory_space<vmem>>)
      %dma_start3A_49 = arith.constant 0 : i32
      %dma_start3A_50 = arith.constant 0 : i32
      %dma_start3A_51 = tpu.memref_slice %arg5[%dma_start3A_49, %dma_start3A_50] : memref<20480x64xf32, #tpu.memory_space<vmem_shared>> -> memref<20480x64xf32, #tpu.memory_space<vmem_shared>>
      tpu.enqueue_indirect_dma source(%dma_start3A_51 : memref<20480x64xf32, #tpu.memory_space<vmem_shared>>) target(%arg10 : memref<128x64xf32, #tpu.memory_space<vmem>>) offsets(%arg6 : memref<128xi32, #tpu.memory_space<vmem>>) semaphore(%arg14 : memref<!tpu.dma_semaphore, #tpu.memory_space<semaphore_mem>>)
      %dma_wait3A_52 = tpu.memref_slice %arg3[%add3A_26] : memref<327680xi32, #tpu.memory_space<hbm>> -> memref<128xi32, #tpu.memory_space<hbm>>
      %dma_wait3A_53 = tpu.memref_slice %arg3[%add3A_26] : memref<327680xi32, #tpu.memory_space<hbm>> -> memref<128xi32, #tpu.memory_space<hbm>>
      tpu.wait_dma2 semaphore(%arg15 : memref<!tpu.dma_semaphore, #tpu.memory_space<semaphore_mem>>) src(%dma_wait3A_53 : memref<128xi32, #tpu.memory_space<hbm>>) dst(%arg7 : memref<128xi32, #tpu.memory_space<vmem>>)
      %dma_start3A_54 = arith.constant 0 : i32
      %dma_start3A_55 = arith.constant 0 : i32
      %dma_start3A_56 = tpu.memref_slice %arg5[%dma_start3A_54, %dma_start3A_55] : memref<20480x64xf32, #tpu.memory_space<vmem_shared>> -> memref<20480x64xf32, #tpu.memory_space<vmem_shared>>
      tpu.enqueue_indirect_dma source(%dma_start3A_56 : memref<20480x64xf32, #tpu.memory_space<vmem_shared>>) target(%arg11 : memref<128x64xf32, #tpu.memory_space<vmem>>) offsets(%arg7 : memref<128xi32, #tpu.memory_space<vmem>>) semaphore(%arg15 : memref<!tpu.dma_semaphore, #tpu.memory_space<semaphore_mem>>)
      %dma_wait3A_57 = tpu.memref_slice %arg3[%add3A_33] : memref<327680xi32, #tpu.memory_space<hbm>> -> memref<128xi32, #tpu.memory_space<hbm>>
      %dma_wait3A_58 = tpu.memref_slice %arg3[%add3A_33] : memref<327680xi32, #tpu.memory_space<hbm>> -> memref<128xi32, #tpu.memory_space<hbm>>
      tpu.wait_dma2 semaphore(%arg16 : memref<!tpu.dma_semaphore, #tpu.memory_space<semaphore_mem>>) src(%dma_wait3A_58 : memref<128xi32, #tpu.memory_space<hbm>>) dst(%arg8 : memref<128xi32, #tpu.memory_space<vmem>>)
      %dma_start3A_59 = arith.constant 0 : i32
      %dma_start3A_60 = arith.constant 0 : i32
      %dma_start3A_61 = tpu.memref_slice %arg5[%dma_start3A_59, %dma_start3A_60] : memref<20480x64xf32, #tpu.memory_space<vmem_shared>> -> memref<20480x64xf32, #tpu.memory_space<vmem_shared>>
      tpu.enqueue_indirect_dma source(%dma_start3A_61 : memref<20480x64xf32, #tpu.memory_space<vmem_shared>>) target(%arg12 : memref<128x64xf32, #tpu.memory_space<vmem>>) offsets(%arg8 : memref<128xi32, #tpu.memory_space<vmem>>) semaphore(%arg16 : memref<!tpu.dma_semaphore, #tpu.memory_space<semaphore_mem>>)
      %dma_wait3A_62 = tpu.memref_slice %arg3[%add3A_40] : memref<327680xi32, #tpu.memory_space<hbm>> -> memref<128xi32, #tpu.memory_space<hbm>>
      %dma_wait3A_63 = tpu.memref_slice %arg3[%add3A_40] : memref<327680xi32, #tpu.memory_space<hbm>> -> memref<128xi32, #tpu.memory_space<hbm>>
      tpu.wait_dma2 semaphore(%arg17 : memref<!tpu.dma_semaphore, #tpu.memory_space<semaphore_mem>>) src(%dma_wait3A_63 : memref<128xi32, #tpu.memory_space<hbm>>) dst(%arg9 : memref<128xi32, #tpu.memory_space<vmem>>)
      %dma_start3A_64 = arith.constant 0 : i32
      %dma_start3A_65 = arith.constant 0 : i32
      %dma_start3A_66 = tpu.memref_slice %arg5[%dma_start3A_64, %dma_start3A_65] : memref<20480x64xf32, #tpu.memory_space<vmem_shared>> -> memref<20480x64xf32, #tpu.memory_space<vmem_shared>>
      tpu.enqueue_indirect_dma source(%dma_start3A_66 : memref<20480x64xf32, #tpu.memory_space<vmem_shared>>) target(%arg13 : memref<128x64xf32, #tpu.memory_space<vmem>>) offsets(%arg9 : memref<128xi32, #tpu.memory_space<vmem>>) semaphore(%arg17 : memref<!tpu.dma_semaphore, #tpu.memory_space<semaphore_mem>>)
      %dma_wait3A_67 = arith.constant 0 : i32
      %dma_wait3A_68 = arith.constant 0 : i32
      %dma_wait3A_69 = tpu.memref_slice %arg5[%dma_wait3A_67, %dma_wait3A_68] : memref<20480x64xf32, #tpu.memory_space<vmem_shared>> -> memref<20480x64xf32, #tpu.memory_space<vmem_shared>>
      tpu.wait_indirect_dma semaphore(%arg14 : memref<!tpu.dma_semaphore, #tpu.memory_space<semaphore_mem>>) src(%dma_wait3A_69 : memref<20480x64xf32, #tpu.memory_space<vmem_shared>>) dst(%arg10 : memref<128x64xf32, #tpu.memory_space<vmem>>)
      %dma_start3A_70 = arith.constant 0 : i32
      %dma_start3A_71 = tpu.memref_slice %arg4[%add3A_19, %dma_start3A_70] : memref<327680x64xf32, #tpu.memory_space<hbm>> -> memref<128x64xf32, #tpu.memory_space<hbm>>
      %dma_start3A_72 = arith.constant 0 : i32
      %dma_start3A_73 = tpu.memref_slice %arg4[%add3A_19, %dma_start3A_72] : memref<327680x64xf32, #tpu.memory_space<hbm>> -> memref<128x64xf32, #tpu.memory_space<hbm>>
      tpu.enqueue_dma source(%arg10 : memref<128x64xf32, #tpu.memory_space<vmem>>) target(%dma_start3A_73 : memref<128x64xf32, #tpu.memory_space<hbm>>) target_semaphore(%arg14 : memref<!tpu.dma_semaphore, #tpu.memory_space<semaphore_mem>>)
      %dma_wait3A_74 = arith.constant 0 : i32
      %dma_wait3A_75 = arith.constant 0 : i32
      %dma_wait3A_76 = tpu.memref_slice %arg5[%dma_wait3A_74, %dma_wait3A_75] : memref<20480x64xf32, #tpu.memory_space<vmem_shared>> -> memref<20480x64xf32, #tpu.memory_space<vmem_shared>>
      tpu.wait_indirect_dma semaphore(%arg15 : memref<!tpu.dma_semaphore, #tpu.memory_space<semaphore_mem>>) src(%dma_wait3A_76 : memref<20480x64xf32, #tpu.memory_space<vmem_shared>>) dst(%arg11 : memref<128x64xf32, #tpu.memory_space<vmem>>)
      %dma_start3A_77 = arith.constant 0 : i32
      %dma_start3A_78 = tpu.memref_slice %arg4[%add3A_26, %dma_start3A_77] : memref<327680x64xf32, #tpu.memory_space<hbm>> -> memref<128x64xf32, #tpu.memory_space<hbm>>
      %dma_start3A_79 = arith.constant 0 : i32
      %dma_start3A_80 = tpu.memref_slice %arg4[%add3A_26, %dma_start3A_79] : memref<327680x64xf32, #tpu.memory_space<hbm>> -> memref<128x64xf32, #tpu.memory_space<hbm>>
      tpu.enqueue_dma source(%arg11 : memref<128x64xf32, #tpu.memory_space<vmem>>) target(%dma_start3A_80 : memref<128x64xf32, #tpu.memory_space<hbm>>) target_semaphore(%arg15 : memref<!tpu.dma_semaphore, #tpu.memory_space<semaphore_mem>>)
      %dma_wait3A_81 = arith.constant 0 : i32
      %dma_wait3A_82 = arith.constant 0 : i32
      %dma_wait3A_83 = tpu.memref_slice %arg5[%dma_wait3A_81, %dma_wait3A_82] : memref<20480x64xf32, #tpu.memory_space<vmem_shared>> -> memref<20480x64xf32, #tpu.memory_space<vmem_shared>>
      tpu.wait_indirect_dma semaphore(%arg16 : memref<!tpu.dma_semaphore, #tpu.memory_space<semaphore_mem>>) src(%dma_wait3A_83 : memref<20480x64xf32, #tpu.memory_space<vmem_shared>>) dst(%arg12 : memref<128x64xf32, #tpu.memory_space<vmem>>)
      %dma_start3A_84 = arith.constant 0 : i32
      %dma_start3A_85 = tpu.memref_slice %arg4[%add3A_33, %dma_start3A_84] : memref<327680x64xf32, #tpu.memory_space<hbm>> -> memref<128x64xf32, #tpu.memory_space<hbm>>
      %dma_start3A_86 = arith.constant 0 : i32
      %dma_start3A_87 = tpu.memref_slice %arg4[%add3A_33, %dma_start3A_86] : memref<327680x64xf32, #tpu.memory_space<hbm>> -> memref<128x64xf32, #tpu.memory_space<hbm>>
      tpu.enqueue_dma source(%arg12 : memref<128x64xf32, #tpu.memory_space<vmem>>) target(%dma_start3A_87 : memref<128x64xf32, #tpu.memory_space<hbm>>) target_semaphore(%arg16 : memref<!tpu.dma_semaphore, #tpu.memory_space<semaphore_mem>>)
      %dma_wait3A_88 = arith.constant 0 : i32
      %dma_wait3A_89 = arith.constant 0 : i32
      %dma_wait3A_90 = tpu.memref_slice %arg5[%dma_wait3A_88, %dma_wait3A_89] : memref<20480x64xf32, #tpu.memory_space<vmem_shared>> -> memref<20480x64xf32, #tpu.memory_space<vmem_shared>>
      tpu.wait_indirect_dma semaphore(%arg17 : memref<!tpu.dma_semaphore, #tpu.memory_space<semaphore_mem>>) src(%dma_wait3A_90 : memref<20480x64xf32, #tpu.memory_space<vmem_shared>>) dst(%arg13 : memref<128x64xf32, #tpu.memory_space<vmem>>)
      %dma_start3A_91 = arith.constant 0 : i32
      %dma_start3A_92 = tpu.memref_slice %arg4[%add3A_40, %dma_start3A_91] : memref<327680x64xf32, #tpu.memory_space<hbm>> -> memref<128x64xf32, #tpu.memory_space<hbm>>
      %dma_start3A_93 = arith.constant 0 : i32
      %dma_start3A_94 = tpu.memref_slice %arg4[%add3A_40, %dma_start3A_93] : memref<327680x64xf32, #tpu.memory_space<hbm>> -> memref<128x64xf32, #tpu.memory_space<hbm>>
      tpu.enqueue_dma source(%arg13 : memref<128x64xf32, #tpu.memory_space<vmem>>) target(%dma_start3A_94 : memref<128x64xf32, #tpu.memory_space<hbm>>) target_semaphore(%arg17 : memref<!tpu.dma_semaphore, #tpu.memory_space<semaphore_mem>>)
      %dma_wait3A_95 = arith.constant 0 : i32
      %dma_wait3A_96 = tpu.memref_slice %arg4[%add3A_19, %dma_wait3A_95] : memref<327680x64xf32, #tpu.memory_space<hbm>> -> memref<128x64xf32, #tpu.memory_space<hbm>>
      %dma_wait3A_97 = arith.constant 0 : i32
      %dma_wait3A_98 = tpu.memref_slice %arg4[%add3A_19, %dma_wait3A_97] : memref<327680x64xf32, #tpu.memory_space<hbm>> -> memref<128x64xf32, #tpu.memory_space<hbm>>
      tpu.wait_dma2 semaphore(%arg14 : memref<!tpu.dma_semaphore, #tpu.memory_space<semaphore_mem>>) src(%arg10 : memref<128x64xf32, #tpu.memory_space<vmem>>) dst(%dma_wait3A_98 : memref<128x64xf32, #tpu.memory_space<hbm>>)
      %dma_wait3A_99 = arith.constant 0 : i32
      %dma_wait3A_100 = tpu.memref_slice %arg4[%add3A_26, %dma_wait3A_99] : memref<327680x64xf32, #tpu.memory_space<hbm>> -> memref<128x64xf32, #tpu.memory_space<hbm>>
      %dma_wait3A_101 = arith.constant 0 : i32
      %dma_wait3A_102 = tpu.memref_slice %arg4[%add3A_26, %dma_wait3A_101] : memref<327680x64xf32, #tpu.memory_space<hbm>> -> memref<128x64xf32, #tpu.memory_space<hbm>>
      tpu.wait_dma2 semaphore(%arg15 : memref<!tpu.dma_semaphore, #tpu.memory_space<semaphore_mem>>) src(%arg11 : memref<128x64xf32, #tpu.memory_space<vmem>>) dst(%dma_wait3A_102 : memref<128x64xf32, #tpu.memory_space<hbm>>)
      %dma_wait3A_103 = arith.constant 0 : i32
      %dma_wait3A_104 = tpu.memref_slice %arg4[%add3A_33, %dma_wait3A_103] : memref<327680x64xf32, #tpu.memory_space<hbm>> -> memref<128x64xf32, #tpu.memory_space<hbm>>
      %dma_wait3A_105 = arith.constant 0 : i32
      %dma_wait3A_106 = tpu.memref_slice %arg4[%add3A_33, %dma_wait3A_105] : memref<327680x64xf32, #tpu.memory_space<hbm>> -> memref<128x64xf32, #tpu.memory_space<hbm>>
      tpu.wait_dma2 semaphore(%arg16 : memref<!tpu.dma_semaphore, #tpu.memory_space<semaphore_mem>>) src(%arg12 : memref<128x64xf32, #tpu.memory_space<vmem>>) dst(%dma_wait3A_106 : memref<128x64xf32, #tpu.memory_space<hbm>>)
      %dma_wait3A_107 = arith.constant 0 : i32
      %dma_wait3A_108 = tpu.memref_slice %arg4[%add3A_40, %dma_wait3A_107] : memref<327680x64xf32, #tpu.memory_space<hbm>> -> memref<128x64xf32, #tpu.memory_space<hbm>>
      %dma_wait3A_109 = arith.constant 0 : i32
      %dma_wait3A_110 = tpu.memref_slice %arg4[%add3A_40, %dma_wait3A_109] : memref<327680x64xf32, #tpu.memory_space<hbm>> -> memref<128x64xf32, #tpu.memory_space<hbm>>
      tpu.wait_dma2 semaphore(%arg17 : memref<!tpu.dma_semaphore, #tpu.memory_space<semaphore_mem>>) src(%arg13 : memref<128x64xf32, #tpu.memory_space<vmem>>) dst(%dma_wait3A_110 : memref<128x64xf32, #tpu.memory_space<hbm>>)
    }
    %scan3A_11 = arith.constant 20 : i32
    return
  }
}

#map = affine_map<(d0, d1) -> (0, 0)>
#map1 = affine_map<(d0, d1) -> (0)>
#map2 = affine_map<(d0, d1) -> (0, 0, 0)>
module attributes {stable_mosaic.version = 14 : i64} {
  func.func @body(%arg0: i32, %arg1: i32, %arg2: memref<163840x64xf32, #tpu.memory_space<hbm>>, %arg3: memref<163840xi32, #tpu.memory_space<hbm>>, %arg4: memref<2x10240x64xf32, #tpu.memory_space<hbm>>, %arg5: memref<2x10240x64xf32, #tpu.memory_space<hbm>>, %arg6: memref<10240x64xf32, #tpu.memory_space<vmem_shared>>, %arg7: memref<128xi32, #tpu.memory_space<vmem>>, %arg8: memref<128xi32, #tpu.memory_space<vmem>>, %arg9: memref<128xi32, #tpu.memory_space<vmem>>, %arg10: memref<128xi32, #tpu.memory_space<vmem>>, %arg11: memref<128x64xf32, #tpu.memory_space<vmem>>, %arg12: memref<128x64xf32, #tpu.memory_space<vmem>>, %arg13: memref<128x64xf32, #tpu.memory_space<vmem>>, %arg14: memref<128x64xf32, #tpu.memory_space<vmem>>, %arg15: memref<!tpu.dma_semaphore, #tpu.memory_space<semaphore_mem>>, %arg16: memref<!tpu.dma_semaphore, #tpu.memory_space<semaphore_mem>>, %arg17: memref<!tpu.dma_semaphore, #tpu.memory_space<semaphore_mem>>, %arg18: memref<!tpu.dma_semaphore, #tpu.memory_space<semaphore_mem>>, %arg19: memref<!tpu.dma_semaphore, #tpu.memory_space<semaphore_mem>>, %arg20: memref<!tpu.dma_semaphore, #tpu.memory_space<semaphore_mem>>, %arg21: memref<!tpu.dma_semaphore, #tpu.memory_space<semaphore_mem>>, %arg22: memref<!tpu.dma_semaphore, #tpu.memory_space<semaphore_mem>>) attributes {dimension_semantics = [#tpu.dimension_semantics<core_parallel>, #tpu.dimension_semantics<subcore_parallel>], iteration_bounds = array<i64: 2, 16>, scalar_prefetch = 0 : i64, scratch_operands = 17 : i64, tpu.core_type = #tpu.core_type<sc_vector_subcore>, window_params = [{transform_indices = #map}, {transform_indices = #map1}, {transform_indices = #map2}, {transform_indices = #map2}]} {
    %mul3A = arith.constant 2 : i32
    %mul3A_0 = arith.muli %arg1, %mul3A : i32
    %add3A = arith.addi %mul3A_0, %arg0 : i32
    %mul3A_1 = arith.constant 640 : i32
    %mul3A_2 = arith.muli %arg1, %mul3A_1 : i32
    "tpu.region"() ({
      %run_scoped3A = tpu.sem_alloc : memref<!tpu.dma_semaphore, #tpu.memory_space<semaphore_mem>>
      %dma_start3A = arith.constant 0 : i32
      %dma_start3A_13 = tpu.memref_slice %arg6[%mul3A_2, %dma_start3A] : memref<10240x64xf32, #tpu.memory_space<vmem_shared>> -> memref<640x64xf32, #tpu.memory_space<vmem_shared>>
      %dma_start3A_14 = arith.constant 0 : i32
      %dma_start3A_15 = tpu.memref_slice %arg4[%arg0, %mul3A_2, %dma_start3A_14] : memref<2x10240x64xf32, #tpu.memory_space<hbm>> -> memref<1x640x64xf32, #tpu.memory_space<hbm>>
      %dma_start3A_16 = tpu.memref_squeeze %dma_start3A_15 : memref<1x640x64xf32, #tpu.memory_space<hbm>> -> memref<640x64xf32, #tpu.memory_space<hbm>>
      tpu.enqueue_dma source(%dma_start3A_16 : memref<640x64xf32, #tpu.memory_space<hbm>>) target(%dma_start3A_13 : memref<640x64xf32, #tpu.memory_space<vmem_shared>>) target_semaphore(%run_scoped3A : memref<!tpu.dma_semaphore, #tpu.memory_space<semaphore_mem>>)
      %dma_wait3A = arith.constant 0 : i32
      %dma_wait3A_17 = tpu.memref_slice %arg6[%mul3A_2, %dma_wait3A] : memref<10240x64xf32, #tpu.memory_space<vmem_shared>> -> memref<640x64xf32, #tpu.memory_space<vmem_shared>>
      %dma_wait3A_18 = arith.constant 0 : i32
      %dma_wait3A_19 = tpu.memref_slice %arg4[%arg0, %mul3A_2, %dma_wait3A_18] : memref<2x10240x64xf32, #tpu.memory_space<hbm>> -> memref<1x640x64xf32, #tpu.memory_space<hbm>>
      %dma_wait3A_20 = tpu.memref_squeeze %dma_wait3A_19 : memref<1x640x64xf32, #tpu.memory_space<hbm>> -> memref<640x64xf32, #tpu.memory_space<hbm>>
      tpu.wait_dma2 semaphore(%run_scoped3A : memref<!tpu.dma_semaphore, #tpu.memory_space<semaphore_mem>>) src(%dma_wait3A_20 : memref<640x64xf32, #tpu.memory_space<hbm>>) dst(%dma_wait3A_17 : memref<640x64xf32, #tpu.memory_space<vmem_shared>>)
      tpu.yield
    }) : () -> ()
    %barrier3A = arith.constant 0 : index
    tpu.barrier barrier_id(%barrier3A)
    %mul3A_3 = arith.constant 40 : i32
    %mul3A_4 = arith.muli %add3A, %mul3A_3 : i32
    %mul3A_5 = arith.constant 128 : i32
    %mul3A_6 = arith.muli %mul3A_4, %mul3A_5 : i32
    %scan3A = arith.constant 0 : i32
    %scan3A_7 = arith.constant 0 : i32
    %scan3A_8 = arith.constant 10 : i32
    %scan3A_9 = arith.addi %scan3A_7, %scan3A_8 : i32
    %scan3A_10 = arith.constant 1 : i32
    scf.for %scan3A_13 = %scan3A_7 to %scan3A_9 step %scan3A_10  : i32 {
      %mul3A_14 = arith.constant 4 : i32
      %mul3A_15 = arith.muli %scan3A_13, %mul3A_14 : i32
      %add3A_16 = arith.constant 0 : i32
      %add3A_17 = arith.addi %mul3A_15, %add3A_16 : i32
      %mul3A_18 = arith.constant 128 : i32
      %mul3A_19 = arith.muli %add3A_17, %mul3A_18 : i32
      %add3A_20 = arith.addi %mul3A_6, %mul3A_19 : i32
      %mul3A_21 = arith.constant 4 : i32
      %mul3A_22 = arith.muli %scan3A_13, %mul3A_21 : i32
      %add3A_23 = arith.constant 1 : i32
      %add3A_24 = arith.addi %mul3A_22, %add3A_23 : i32
      %mul3A_25 = arith.constant 128 : i32
      %mul3A_26 = arith.muli %add3A_24, %mul3A_25 : i32
      %add3A_27 = arith.addi %mul3A_6, %mul3A_26 : i32
      %mul3A_28 = arith.constant 4 : i32
      %mul3A_29 = arith.muli %scan3A_13, %mul3A_28 : i32
      %add3A_30 = arith.constant 2 : i32
      %add3A_31 = arith.addi %mul3A_29, %add3A_30 : i32
      %mul3A_32 = arith.constant 128 : i32
      %mul3A_33 = arith.muli %add3A_31, %mul3A_32 : i32
      %add3A_34 = arith.addi %mul3A_6, %mul3A_33 : i32
      %mul3A_35 = arith.constant 4 : i32
      %mul3A_36 = arith.muli %scan3A_13, %mul3A_35 : i32
      %add3A_37 = arith.constant 3 : i32
      %add3A_38 = arith.addi %mul3A_36, %add3A_37 : i32
      %mul3A_39 = arith.constant 128 : i32
      %mul3A_40 = arith.muli %add3A_38, %mul3A_39 : i32
      %add3A_41 = arith.addi %mul3A_6, %mul3A_40 : i32
      %dma_start3A = tpu.memref_slice %arg3[%add3A_20] : memref<163840xi32, #tpu.memory_space<hbm>> -> memref<128xi32, #tpu.memory_space<hbm>>
      %dma_start3A_42 = tpu.memref_slice %arg3[%add3A_20] : memref<163840xi32, #tpu.memory_space<hbm>> -> memref<128xi32, #tpu.memory_space<hbm>>
      tpu.enqueue_dma source(%dma_start3A_42 : memref<128xi32, #tpu.memory_space<hbm>>) target(%arg7 : memref<128xi32, #tpu.memory_space<vmem>>) target_semaphore(%arg15 : memref<!tpu.dma_semaphore, #tpu.memory_space<semaphore_mem>>)
      %dma_start3A_43 = tpu.memref_slice %arg3[%add3A_27] : memref<163840xi32, #tpu.memory_space<hbm>> -> memref<128xi32, #tpu.memory_space<hbm>>
      %dma_start3A_44 = tpu.memref_slice %arg3[%add3A_27] : memref<163840xi32, #tpu.memory_space<hbm>> -> memref<128xi32, #tpu.memory_space<hbm>>
      tpu.enqueue_dma source(%dma_start3A_44 : memref<128xi32, #tpu.memory_space<hbm>>) target(%arg8 : memref<128xi32, #tpu.memory_space<vmem>>) target_semaphore(%arg16 : memref<!tpu.dma_semaphore, #tpu.memory_space<semaphore_mem>>)
      %dma_start3A_45 = tpu.memref_slice %arg3[%add3A_34] : memref<163840xi32, #tpu.memory_space<hbm>> -> memref<128xi32, #tpu.memory_space<hbm>>
      %dma_start3A_46 = tpu.memref_slice %arg3[%add3A_34] : memref<163840xi32, #tpu.memory_space<hbm>> -> memref<128xi32, #tpu.memory_space<hbm>>
      tpu.enqueue_dma source(%dma_start3A_46 : memref<128xi32, #tpu.memory_space<hbm>>) target(%arg9 : memref<128xi32, #tpu.memory_space<vmem>>) target_semaphore(%arg17 : memref<!tpu.dma_semaphore, #tpu.memory_space<semaphore_mem>>)
      %dma_start3A_47 = tpu.memref_slice %arg3[%add3A_41] : memref<163840xi32, #tpu.memory_space<hbm>> -> memref<128xi32, #tpu.memory_space<hbm>>
      %dma_start3A_48 = tpu.memref_slice %arg3[%add3A_41] : memref<163840xi32, #tpu.memory_space<hbm>> -> memref<128xi32, #tpu.memory_space<hbm>>
      tpu.enqueue_dma source(%dma_start3A_48 : memref<128xi32, #tpu.memory_space<hbm>>) target(%arg10 : memref<128xi32, #tpu.memory_space<vmem>>) target_semaphore(%arg18 : memref<!tpu.dma_semaphore, #tpu.memory_space<semaphore_mem>>)
      %dma_start3A_49 = arith.constant 0 : i32
      %dma_start3A_50 = tpu.memref_slice %arg2[%add3A_20, %dma_start3A_49] : memref<163840x64xf32, #tpu.memory_space<hbm>> -> memref<128x64xf32, #tpu.memory_space<hbm>>
      %dma_start3A_51 = arith.constant 0 : i32
      %dma_start3A_52 = tpu.memref_slice %arg2[%add3A_20, %dma_start3A_51] : memref<163840x64xf32, #tpu.memory_space<hbm>> -> memref<128x64xf32, #tpu.memory_space<hbm>>
      tpu.enqueue_dma source(%dma_start3A_52 : memref<128x64xf32, #tpu.memory_space<hbm>>) target(%arg11 : memref<128x64xf32, #tpu.memory_space<vmem>>) target_semaphore(%arg19 : memref<!tpu.dma_semaphore, #tpu.memory_space<semaphore_mem>>)
      %dma_start3A_53 = arith.constant 0 : i32
      %dma_start3A_54 = tpu.memref_slice %arg2[%add3A_27, %dma_start3A_53] : memref<163840x64xf32, #tpu.memory_space<hbm>> -> memref<128x64xf32, #tpu.memory_space<hbm>>
      %dma_start3A_55 = arith.constant 0 : i32
      %dma_start3A_56 = tpu.memref_slice %arg2[%add3A_27, %dma_start3A_55] : memref<163840x64xf32, #tpu.memory_space<hbm>> -> memref<128x64xf32, #tpu.memory_space<hbm>>
      tpu.enqueue_dma source(%dma_start3A_56 : memref<128x64xf32, #tpu.memory_space<hbm>>) target(%arg12 : memref<128x64xf32, #tpu.memory_space<vmem>>) target_semaphore(%arg20 : memref<!tpu.dma_semaphore, #tpu.memory_space<semaphore_mem>>)
      %dma_start3A_57 = arith.constant 0 : i32
      %dma_start3A_58 = tpu.memref_slice %arg2[%add3A_34, %dma_start3A_57] : memref<163840x64xf32, #tpu.memory_space<hbm>> -> memref<128x64xf32, #tpu.memory_space<hbm>>
      %dma_start3A_59 = arith.constant 0 : i32
      %dma_start3A_60 = tpu.memref_slice %arg2[%add3A_34, %dma_start3A_59] : memref<163840x64xf32, #tpu.memory_space<hbm>> -> memref<128x64xf32, #tpu.memory_space<hbm>>
      tpu.enqueue_dma source(%dma_start3A_60 : memref<128x64xf32, #tpu.memory_space<hbm>>) target(%arg13 : memref<128x64xf32, #tpu.memory_space<vmem>>) target_semaphore(%arg21 : memref<!tpu.dma_semaphore, #tpu.memory_space<semaphore_mem>>)
      %dma_start3A_61 = arith.constant 0 : i32
      %dma_start3A_62 = tpu.memref_slice %arg2[%add3A_41, %dma_start3A_61] : memref<163840x64xf32, #tpu.memory_space<hbm>> -> memref<128x64xf32, #tpu.memory_space<hbm>>
      %dma_start3A_63 = arith.constant 0 : i32
      %dma_start3A_64 = tpu.memref_slice %arg2[%add3A_41, %dma_start3A_63] : memref<163840x64xf32, #tpu.memory_space<hbm>> -> memref<128x64xf32, #tpu.memory_space<hbm>>
      tpu.enqueue_dma source(%dma_start3A_64 : memref<128x64xf32, #tpu.memory_space<hbm>>) target(%arg14 : memref<128x64xf32, #tpu.memory_space<vmem>>) target_semaphore(%arg22 : memref<!tpu.dma_semaphore, #tpu.memory_space<semaphore_mem>>)
      %dma_wait3A = tpu.memref_slice %arg3[%add3A_20] : memref<163840xi32, #tpu.memory_space<hbm>> -> memref<128xi32, #tpu.memory_space<hbm>>
      %dma_wait3A_65 = tpu.memref_slice %arg3[%add3A_20] : memref<163840xi32, #tpu.memory_space<hbm>> -> memref<128xi32, #tpu.memory_space<hbm>>
      tpu.wait_dma2 semaphore(%arg15 : memref<!tpu.dma_semaphore, #tpu.memory_space<semaphore_mem>>) src(%dma_wait3A_65 : memref<128xi32, #tpu.memory_space<hbm>>) dst(%arg7 : memref<128xi32, #tpu.memory_space<vmem>>)
      %dma_wait3A_66 = arith.constant 0 : i32
      %dma_wait3A_67 = tpu.memref_slice %arg2[%add3A_20, %dma_wait3A_66] : memref<163840x64xf32, #tpu.memory_space<hbm>> -> memref<128x64xf32, #tpu.memory_space<hbm>>
      %dma_wait3A_68 = arith.constant 0 : i32
      %dma_wait3A_69 = tpu.memref_slice %arg2[%add3A_20, %dma_wait3A_68] : memref<163840x64xf32, #tpu.memory_space<hbm>> -> memref<128x64xf32, #tpu.memory_space<hbm>>
      tpu.wait_dma2 semaphore(%arg19 : memref<!tpu.dma_semaphore, #tpu.memory_space<semaphore_mem>>) src(%dma_wait3A_69 : memref<128x64xf32, #tpu.memory_space<hbm>>) dst(%arg11 : memref<128x64xf32, #tpu.memory_space<vmem>>)
      "tpu.region"() ({
        %run_scoped3A = tpu.sem_alloc : memref<!tpu.dma_semaphore, #tpu.memory_space<semaphore_mem>>
        %dma_start3A_88 = arith.constant 0 : i32
        %dma_start3A_89 = arith.constant 0 : i32
        %dma_start3A_90 = tpu.memref_slice %arg6[%dma_start3A_88, %dma_start3A_89] : memref<10240x64xf32, #tpu.memory_space<vmem_shared>> -> memref<10240x64xf32, #tpu.memory_space<vmem_shared>>
        tpu.enqueue_indirect_dma source(%arg11 : memref<128x64xf32, #tpu.memory_space<vmem>>) target(%dma_start3A_90 : memref<10240x64xf32, #tpu.memory_space<vmem_shared>>) offsets(%arg7 : memref<128xi32, #tpu.memory_space<vmem>>) semaphore(%run_scoped3A : memref<!tpu.dma_semaphore, #tpu.memory_space<semaphore_mem>>) {add = true}
        %dma_wait3A_91 = arith.constant 0 : i32
        %dma_wait3A_92 = arith.constant 0 : i32
        %dma_wait3A_93 = tpu.memref_slice %arg6[%dma_wait3A_91, %dma_wait3A_92] : memref<10240x64xf32, #tpu.memory_space<vmem_shared>> -> memref<10240x64xf32, #tpu.memory_space<vmem_shared>>
        tpu.wait_indirect_dma semaphore(%run_scoped3A : memref<!tpu.dma_semaphore, #tpu.memory_space<semaphore_mem>>) src(%arg11 : memref<128x64xf32, #tpu.memory_space<vmem>>) dst(%dma_wait3A_93 : memref<10240x64xf32, #tpu.memory_space<vmem_shared>>)
        tpu.yield
      }) : () -> ()
      %dma_wait3A_70 = tpu.memref_slice %arg3[%add3A_27] : memref<163840xi32, #tpu.memory_space<hbm>> -> memref<128xi32, #tpu.memory_space<hbm>>
      %dma_wait3A_71 = tpu.memref_slice %arg3[%add3A_27] : memref<163840xi32, #tpu.memory_space<hbm>> -> memref<128xi32, #tpu.memory_space<hbm>>
      tpu.wait_dma2 semaphore(%arg16 : memref<!tpu.dma_semaphore, #tpu.memory_space<semaphore_mem>>) src(%dma_wait3A_71 : memref<128xi32, #tpu.memory_space<hbm>>) dst(%arg8 : memref<128xi32, #tpu.memory_space<vmem>>)
      %dma_wait3A_72 = arith.constant 0 : i32
      %dma_wait3A_73 = tpu.memref_slice %arg2[%add3A_27, %dma_wait3A_72] : memref<163840x64xf32, #tpu.memory_space<hbm>> -> memref<128x64xf32, #tpu.memory_space<hbm>>
      %dma_wait3A_74 = arith.constant 0 : i32
      %dma_wait3A_75 = tpu.memref_slice %arg2[%add3A_27, %dma_wait3A_74] : memref<163840x64xf32, #tpu.memory_space<hbm>> -> memref<128x64xf32, #tpu.memory_space<hbm>>
      tpu.wait_dma2 semaphore(%arg20 : memref<!tpu.dma_semaphore, #tpu.memory_space<semaphore_mem>>) src(%dma_wait3A_75 : memref<128x64xf32, #tpu.memory_space<hbm>>) dst(%arg12 : memref<128x64xf32, #tpu.memory_space<vmem>>)
      "tpu.region"() ({
        %run_scoped3A = tpu.sem_alloc : memref<!tpu.dma_semaphore, #tpu.memory_space<semaphore_mem>>
        %dma_start3A_88 = arith.constant 0 : i32
        %dma_start3A_89 = arith.constant 0 : i32
        %dma_start3A_90 = tpu.memref_slice %arg6[%dma_start3A_88, %dma_start3A_89] : memref<10240x64xf32, #tpu.memory_space<vmem_shared>> -> memref<10240x64xf32, #tpu.memory_space<vmem_shared>>
        tpu.enqueue_indirect_dma source(%arg12 : memref<128x64xf32, #tpu.memory_space<vmem>>) target(%dma_start3A_90 : memref<10240x64xf32, #tpu.memory_space<vmem_shared>>) offsets(%arg8 : memref<128xi32, #tpu.memory_space<vmem>>) semaphore(%run_scoped3A : memref<!tpu.dma_semaphore, #tpu.memory_space<semaphore_mem>>) {add = true}
        %dma_wait3A_91 = arith.constant 0 : i32
        %dma_wait3A_92 = arith.constant 0 : i32
        %dma_wait3A_93 = tpu.memref_slice %arg6[%dma_wait3A_91, %dma_wait3A_92] : memref<10240x64xf32, #tpu.memory_space<vmem_shared>> -> memref<10240x64xf32, #tpu.memory_space<vmem_shared>>
        tpu.wait_indirect_dma semaphore(%run_scoped3A : memref<!tpu.dma_semaphore, #tpu.memory_space<semaphore_mem>>) src(%arg12 : memref<128x64xf32, #tpu.memory_space<vmem>>) dst(%dma_wait3A_93 : memref<10240x64xf32, #tpu.memory_space<vmem_shared>>)
        tpu.yield
      }) : () -> ()
      %dma_wait3A_76 = tpu.memref_slice %arg3[%add3A_34] : memref<163840xi32, #tpu.memory_space<hbm>> -> memref<128xi32, #tpu.memory_space<hbm>>
      %dma_wait3A_77 = tpu.memref_slice %arg3[%add3A_34] : memref<163840xi32, #tpu.memory_space<hbm>> -> memref<128xi32, #tpu.memory_space<hbm>>
      tpu.wait_dma2 semaphore(%arg17 : memref<!tpu.dma_semaphore, #tpu.memory_space<semaphore_mem>>) src(%dma_wait3A_77 : memref<128xi32, #tpu.memory_space<hbm>>) dst(%arg9 : memref<128xi32, #tpu.memory_space<vmem>>)
      %dma_wait3A_78 = arith.constant 0 : i32
      %dma_wait3A_79 = tpu.memref_slice %arg2[%add3A_34, %dma_wait3A_78] : memref<163840x64xf32, #tpu.memory_space<hbm>> -> memref<128x64xf32, #tpu.memory_space<hbm>>
      %dma_wait3A_80 = arith.constant 0 : i32
      %dma_wait3A_81 = tpu.memref_slice %arg2[%add3A_34, %dma_wait3A_80] : memref<163840x64xf32, #tpu.memory_space<hbm>> -> memref<128x64xf32, #tpu.memory_space<hbm>>
      tpu.wait_dma2 semaphore(%arg21 : memref<!tpu.dma_semaphore, #tpu.memory_space<semaphore_mem>>) src(%dma_wait3A_81 : memref<128x64xf32, #tpu.memory_space<hbm>>) dst(%arg13 : memref<128x64xf32, #tpu.memory_space<vmem>>)
      "tpu.region"() ({
        %run_scoped3A = tpu.sem_alloc : memref<!tpu.dma_semaphore, #tpu.memory_space<semaphore_mem>>
        %dma_start3A_88 = arith.constant 0 : i32
        %dma_start3A_89 = arith.constant 0 : i32
        %dma_start3A_90 = tpu.memref_slice %arg6[%dma_start3A_88, %dma_start3A_89] : memref<10240x64xf32, #tpu.memory_space<vmem_shared>> -> memref<10240x64xf32, #tpu.memory_space<vmem_shared>>
        tpu.enqueue_indirect_dma source(%arg13 : memref<128x64xf32, #tpu.memory_space<vmem>>) target(%dma_start3A_90 : memref<10240x64xf32, #tpu.memory_space<vmem_shared>>) offsets(%arg9 : memref<128xi32, #tpu.memory_space<vmem>>) semaphore(%run_scoped3A : memref<!tpu.dma_semaphore, #tpu.memory_space<semaphore_mem>>) {add = true}
        %dma_wait3A_91 = arith.constant 0 : i32
        %dma_wait3A_92 = arith.constant 0 : i32
        %dma_wait3A_93 = tpu.memref_slice %arg6[%dma_wait3A_91, %dma_wait3A_92] : memref<10240x64xf32, #tpu.memory_space<vmem_shared>> -> memref<10240x64xf32, #tpu.memory_space<vmem_shared>>
        tpu.wait_indirect_dma semaphore(%run_scoped3A : memref<!tpu.dma_semaphore, #tpu.memory_space<semaphore_mem>>) src(%arg13 : memref<128x64xf32, #tpu.memory_space<vmem>>) dst(%dma_wait3A_93 : memref<10240x64xf32, #tpu.memory_space<vmem_shared>>)
        tpu.yield
      }) : () -> ()
      %dma_wait3A_82 = tpu.memref_slice %arg3[%add3A_41] : memref<163840xi32, #tpu.memory_space<hbm>> -> memref<128xi32, #tpu.memory_space<hbm>>
      %dma_wait3A_83 = tpu.memref_slice %arg3[%add3A_41] : memref<163840xi32, #tpu.memory_space<hbm>> -> memref<128xi32, #tpu.memory_space<hbm>>
      tpu.wait_dma2 semaphore(%arg18 : memref<!tpu.dma_semaphore, #tpu.memory_space<semaphore_mem>>) src(%dma_wait3A_83 : memref<128xi32, #tpu.memory_space<hbm>>) dst(%arg10 : memref<128xi32, #tpu.memory_space<vmem>>)
      %dma_wait3A_84 = arith.constant 0 : i32
      %dma_wait3A_85 = tpu.memref_slice %arg2[%add3A_41, %dma_wait3A_84] : memref<163840x64xf32, #tpu.memory_space<hbm>> -> memref<128x64xf32, #tpu.memory_space<hbm>>
      %dma_wait3A_86 = arith.constant 0 : i32
      %dma_wait3A_87 = tpu.memref_slice %arg2[%add3A_41, %dma_wait3A_86] : memref<163840x64xf32, #tpu.memory_space<hbm>> -> memref<128x64xf32, #tpu.memory_space<hbm>>
      tpu.wait_dma2 semaphore(%arg22 : memref<!tpu.dma_semaphore, #tpu.memory_space<semaphore_mem>>) src(%dma_wait3A_87 : memref<128x64xf32, #tpu.memory_space<hbm>>) dst(%arg14 : memref<128x64xf32, #tpu.memory_space<vmem>>)
      "tpu.region"() ({
        %run_scoped3A = tpu.sem_alloc : memref<!tpu.dma_semaphore, #tpu.memory_space<semaphore_mem>>
        %dma_start3A_88 = arith.constant 0 : i32
        %dma_start3A_89 = arith.constant 0 : i32
        %dma_start3A_90 = tpu.memref_slice %arg6[%dma_start3A_88, %dma_start3A_89] : memref<10240x64xf32, #tpu.memory_space<vmem_shared>> -> memref<10240x64xf32, #tpu.memory_space<vmem_shared>>
        tpu.enqueue_indirect_dma source(%arg14 : memref<128x64xf32, #tpu.memory_space<vmem>>) target(%dma_start3A_90 : memref<10240x64xf32, #tpu.memory_space<vmem_shared>>) offsets(%arg10 : memref<128xi32, #tpu.memory_space<vmem>>) semaphore(%run_scoped3A : memref<!tpu.dma_semaphore, #tpu.memory_space<semaphore_mem>>) {add = true}
        %dma_wait3A_91 = arith.constant 0 : i32
        %dma_wait3A_92 = arith.constant 0 : i32
        %dma_wait3A_93 = tpu.memref_slice %arg6[%dma_wait3A_91, %dma_wait3A_92] : memref<10240x64xf32, #tpu.memory_space<vmem_shared>> -> memref<10240x64xf32, #tpu.memory_space<vmem_shared>>
        tpu.wait_indirect_dma semaphore(%run_scoped3A : memref<!tpu.dma_semaphore, #tpu.memory_space<semaphore_mem>>) src(%arg14 : memref<128x64xf32, #tpu.memory_space<vmem>>) dst(%dma_wait3A_93 : memref<10240x64xf32, #tpu.memory_space<vmem_shared>>)
        tpu.yield
      }) : () -> ()
    }
    %scan3A_11 = arith.constant 10 : i32
    %barrier3A_12 = arith.constant 0 : index
    tpu.barrier barrier_id(%barrier3A_12)
    "tpu.region"() ({
      %run_scoped3A = tpu.sem_alloc : memref<!tpu.dma_semaphore, #tpu.memory_space<semaphore_mem>>
      %dma_start3A = arith.constant 0 : i32
      %dma_start3A_13 = tpu.memref_slice %arg5[%arg0, %mul3A_2, %dma_start3A] : memref<2x10240x64xf32, #tpu.memory_space<hbm>> -> memref<1x640x64xf32, #tpu.memory_space<hbm>>
      %dma_start3A_14 = tpu.memref_squeeze %dma_start3A_13 : memref<1x640x64xf32, #tpu.memory_space<hbm>> -> memref<640x64xf32, #tpu.memory_space<hbm>>
      %dma_start3A_15 = arith.constant 0 : i32
      %dma_start3A_16 = tpu.memref_slice %arg6[%mul3A_2, %dma_start3A_15] : memref<10240x64xf32, #tpu.memory_space<vmem_shared>> -> memref<640x64xf32, #tpu.memory_space<vmem_shared>>
      tpu.enqueue_dma source(%dma_start3A_16 : memref<640x64xf32, #tpu.memory_space<vmem_shared>>) target(%dma_start3A_14 : memref<640x64xf32, #tpu.memory_space<hbm>>) target_semaphore(%run_scoped3A : memref<!tpu.dma_semaphore, #tpu.memory_space<semaphore_mem>>)
      %dma_wait3A = arith.constant 0 : i32
      %dma_wait3A_17 = tpu.memref_slice %arg5[%arg0, %mul3A_2, %dma_wait3A] : memref<2x10240x64xf32, #tpu.memory_space<hbm>> -> memref<1x640x64xf32, #tpu.memory_space<hbm>>
      %dma_wait3A_18 = tpu.memref_squeeze %dma_wait3A_17 : memref<1x640x64xf32, #tpu.memory_space<hbm>> -> memref<640x64xf32, #tpu.memory_space<hbm>>
      %dma_wait3A_19 = arith.constant 0 : i32
      %dma_wait3A_20 = tpu.memref_slice %arg6[%mul3A_2, %dma_wait3A_19] : memref<10240x64xf32, #tpu.memory_space<vmem_shared>> -> memref<640x64xf32, #tpu.memory_space<vmem_shared>>
      tpu.wait_dma2 semaphore(%run_scoped3A : memref<!tpu.dma_semaphore, #tpu.memory_space<semaphore_mem>>) src(%dma_wait3A_20 : memref<640x64xf32, #tpu.memory_space<vmem_shared>>) dst(%dma_wait3A_18 : memref<640x64xf32, #tpu.memory_space<hbm>>)
      tpu.yield
    }) : () -> ()
    return
  }
}

#map = affine_map<(d0, d1) -> (0, 0)>
#map1 = affine_map<(d0, d1) -> (0)>
module attributes {stable_mosaic.version = 14 : i64} {
  func.func @body(%arg0: i32, %arg1: i32, %arg2: memref<20480x64xf32, #tpu.memory_space<hbm>>, %arg3: memref<327680xi32, #tpu.memory_space<hbm>>, %arg4: memref<327680x64xf32, #tpu.memory_space<hbm>>, %arg5: memref<20480x64xf32, #tpu.memory_space<vmem_shared>>, %arg6: memref<128xi32, #tpu.memory_space<vmem>>, %arg7: memref<128xi32, #tpu.memory_space<vmem>>, %arg8: memref<128xi32, #tpu.memory_space<vmem>>, %arg9: memref<128xi32, #tpu.memory_space<vmem>>, %arg10: memref<128x64xf32, #tpu.memory_space<vmem>>, %arg11: memref<128x64xf32, #tpu.memory_space<vmem>>, %arg12: memref<128x64xf32, #tpu.memory_space<vmem>>, %arg13: memref<128x64xf32, #tpu.memory_space<vmem>>, %arg14: memref<!tpu.dma_semaphore, #tpu.memory_space<semaphore_mem>>, %arg15: memref<!tpu.dma_semaphore, #tpu.memory_space<semaphore_mem>>, %arg16: memref<!tpu.dma_semaphore, #tpu.memory_space<semaphore_mem>>, %arg17: memref<!tpu.dma_semaphore, #tpu.memory_space<semaphore_mem>>) attributes {dimension_semantics = [#tpu.dimension_semantics<core_parallel>, #tpu.dimension_semantics<subcore_parallel>], iteration_bounds = array<i64: 2, 16>, scalar_prefetch = 0 : i64, scratch_operands = 13 : i64, tpu.core_type = #tpu.core_type<sc_vector_subcore>, window_params = [{transform_indices = #map}, {transform_indices = #map1}, {transform_indices = #map}]} {
    %mul3A = arith.constant 2 : i32
    %mul3A_0 = arith.muli %arg1, %mul3A : i32
    %add3A = arith.addi %mul3A_0, %arg0 : i32
    %mul3A_1 = arith.constant 1280 : i32
    %mul3A_2 = arith.muli %arg1, %mul3A_1 : i32
    "tpu.region"() ({
      %run_scoped3A = tpu.sem_alloc : memref<!tpu.dma_semaphore, #tpu.memory_space<semaphore_mem>>
      %dma_start3A = arith.constant 0 : i32
      %dma_start3A_12 = tpu.memref_slice %arg5[%mul3A_2, %dma_start3A] : memref<20480x64xf32, #tpu.memory_space<vmem_shared>> -> memref<1280x64xf32, #tpu.memory_space<vmem_shared>>
      %dma_start3A_13 = arith.constant 0 : i32
      %dma_start3A_14 = tpu.memref_slice %arg2[%mul3A_2, %dma_start3A_13] : memref<20480x64xf32, #tpu.memory_space<hbm>> -> memref<1280x64xf32, #tpu.memory_space<hbm>>
      tpu.enqueue_dma source(%dma_start3A_14 : memref<1280x64xf32, #tpu.memory_space<hbm>>) target(%dma_start3A_12 : memref<1280x64xf32, #tpu.memory_space<vmem_shared>>) target_semaphore(%run_scoped3A : memref<!tpu.dma_semaphore, #tpu.memory_space<semaphore_mem>>)
      %dma_wait3A = arith.constant 0 : i32
      %dma_wait3A_15 = tpu.memref_slice %arg5[%mul3A_2, %dma_wait3A] : memref<20480x64xf32, #tpu.memory_space<vmem_shared>> -> memref<1280x64xf32, #tpu.memory_space<vmem_shared>>
      %dma_wait3A_16 = arith.constant 0 : i32
      %dma_wait3A_17 = tpu.memref_slice %arg2[%mul3A_2, %dma_wait3A_16] : memref<20480x64xf32, #tpu.memory_space<hbm>> -> memref<1280x64xf32, #tpu.memory_space<hbm>>
      tpu.wait_dma2 semaphore(%run_scoped3A : memref<!tpu.dma_semaphore, #tpu.memory_space<semaphore_mem>>) src(%dma_wait3A_17 : memref<1280x64xf32, #tpu.memory_space<hbm>>) dst(%dma_wait3A_15 : memref<1280x64xf32, #tpu.memory_space<vmem_shared>>)
      tpu.yield
    }) : () -> ()
    %barrier3A = arith.constant 0 : index
    tpu.barrier barrier_id(%barrier3A)
    %mul3A_3 = arith.constant 80 : i32
    %mul3A_4 = arith.muli %add3A, %mul3A_3 : i32
    %mul3A_5 = arith.constant 128 : i32
    %mul3A_6 = arith.muli %mul3A_4, %mul3A_5 : i32
    %scan3A = arith.constant 0 : i32
    %scan3A_7 = arith.constant 0 : i32
    %scan3A_8 = arith.constant 20 : i32
    %scan3A_9 = arith.addi %scan3A_7, %scan3A_8 : i32
    %scan3A_10 = arith.constant 1 : i32
    scf.for %scan3A_12 = %scan3A_7 to %scan3A_9 step %scan3A_10  : i32 {
      %mul3A_13 = arith.constant 4 : i32
      %mul3A_14 = arith.muli %scan3A_12, %mul3A_13 : i32
      %add3A_15 = arith.constant 0 : i32
      %add3A_16 = arith.addi %mul3A_14, %add3A_15 : i32
      %mul3A_17 = arith.constant 128 : i32
      %mul3A_18 = arith.muli %add3A_16, %mul3A_17 : i32
      %add3A_19 = arith.addi %mul3A_6, %mul3A_18 : i32
      %mul3A_20 = arith.constant 4 : i32
      %mul3A_21 = arith.muli %scan3A_12, %mul3A_20 : i32
      %add3A_22 = arith.constant 1 : i32
      %add3A_23 = arith.addi %mul3A_21, %add3A_22 : i32
      %mul3A_24 = arith.constant 128 : i32
      %mul3A_25 = arith.muli %add3A_23, %mul3A_24 : i32
      %add3A_26 = arith.addi %mul3A_6, %mul3A_25 : i32
      %mul3A_27 = arith.constant 4 : i32
      %mul3A_28 = arith.muli %scan3A_12, %mul3A_27 : i32
      %add3A_29 = arith.constant 2 : i32
      %add3A_30 = arith.addi %mul3A_28, %add3A_29 : i32
      %mul3A_31 = arith.constant 128 : i32
      %mul3A_32 = arith.muli %add3A_30, %mul3A_31 : i32
      %add3A_33 = arith.addi %mul3A_6, %mul3A_32 : i32
      %mul3A_34 = arith.constant 4 : i32
      %mul3A_35 = arith.muli %scan3A_12, %mul3A_34 : i32
      %add3A_36 = arith.constant 3 : i32
      %add3A_37 = arith.addi %mul3A_35, %add3A_36 : i32
      %mul3A_38 = arith.constant 128 : i32
      %mul3A_39 = arith.muli %add3A_37, %mul3A_38 : i32
      %add3A_40 = arith.addi %mul3A_6, %mul3A_39 : i32
      %dma_start3A = tpu.memref_slice %arg3[%add3A_19] : memref<327680xi32, #tpu.memory_space<hbm>> -> memref<128xi32, #tpu.memory_space<hbm>>
      %dma_start3A_41 = tpu.memref_slice %arg3[%add3A_19] : memref<327680xi32, #tpu.memory_space<hbm>> -> memref<128xi32, #tpu.memory_space<hbm>>
      tpu.enqueue_dma source(%dma_start3A_41 : memref<128xi32, #tpu.memory_space<hbm>>) target(%arg6 : memref<128xi32, #tpu.memory_space<vmem>>) target_semaphore(%arg14 : memref<!tpu.dma_semaphore, #tpu.memory_space<semaphore_mem>>)
      %dma_start3A_42 = tpu.memref_slice %arg3[%add3A_26] : memref<327680xi32, #tpu.memory_space<hbm>> -> memref<128xi32, #tpu.memory_space<hbm>>
      %dma_start3A_43 = tpu.memref_slice %arg3[%add3A_26] : memref<327680xi32, #tpu.memory_space<hbm>> -> memref<128xi32, #tpu.memory_space<hbm>>
      tpu.enqueue_dma source(%dma_start3A_43 : memref<128xi32, #tpu.memory_space<hbm>>) target(%arg7 : memref<128xi32, #tpu.memory_space<vmem>>) target_semaphore(%arg15 : memref<!tpu.dma_semaphore, #tpu.memory_space<semaphore_mem>>)
      %dma_start3A_44 = tpu.memref_slice %arg3[%add3A_33] : memref<327680xi32, #tpu.memory_space<hbm>> -> memref<128xi32, #tpu.memory_space<hbm>>
      %dma_start3A_45 = tpu.memref_slice %arg3[%add3A_33] : memref<327680xi32, #tpu.memory_space<hbm>> -> memref<128xi32, #tpu.memory_space<hbm>>
      tpu.enqueue_dma source(%dma_start3A_45 : memref<128xi32, #tpu.memory_space<hbm>>) target(%arg8 : memref<128xi32, #tpu.memory_space<vmem>>) target_semaphore(%arg16 : memref<!tpu.dma_semaphore, #tpu.memory_space<semaphore_mem>>)
      %dma_start3A_46 = tpu.memref_slice %arg3[%add3A_40] : memref<327680xi32, #tpu.memory_space<hbm>> -> memref<128xi32, #tpu.memory_space<hbm>>
      %dma_start3A_47 = tpu.memref_slice %arg3[%add3A_40] : memref<327680xi32, #tpu.memory_space<hbm>> -> memref<128xi32, #tpu.memory_space<hbm>>
      tpu.enqueue_dma source(%dma_start3A_47 : memref<128xi32, #tpu.memory_space<hbm>>) target(%arg9 : memref<128xi32, #tpu.memory_space<vmem>>) target_semaphore(%arg17 : memref<!tpu.dma_semaphore, #tpu.memory_space<semaphore_mem>>)
      %dma_wait3A = tpu.memref_slice %arg3[%add3A_19] : memref<327680xi32, #tpu.memory_space<hbm>> -> memref<128xi32, #tpu.memory_space<hbm>>
      %dma_wait3A_48 = tpu.memref_slice %arg3[%add3A_19] : memref<327680xi32, #tpu.memory_space<hbm>> -> memref<128xi32, #tpu.memory_space<hbm>>
      tpu.wait_dma2 semaphore(%arg14 : memref<!tpu.dma_semaphore, #tpu.memory_space<semaphore_mem>>) src(%dma_wait3A_48 : memref<128xi32, #tpu.memory_space<hbm>>) dst(%arg6 : memref<128xi32, #tpu.memory_space<vmem>>)
      %dma_start3A_49 = arith.constant 0 : i32
      %dma_start3A_50 = arith.constant 0 : i32
      %dma_start3A_51 = tpu.memref_slice %arg5[%dma_start3A_49, %dma_start3A_50] : memref<20480x64xf32, #tpu.memory_space<vmem_shared>> -> memref<20480x64xf32, #tpu.memory_space<vmem_shared>>
      tpu.enqueue_indirect_dma source(%dma_start3A_51 : memref<20480x64xf32, #tpu.memory_space<vmem_shared>>) target(%arg10 : memref<128x64xf32, #tpu.memory_space<vmem>>) offsets(%arg6 : memref<128xi32, #tpu.memory_space<vmem>>) semaphore(%arg14 : memref<!tpu.dma_semaphore, #tpu.memory_space<semaphore_mem>>)
      %dma_wait3A_52 = tpu.memref_slice %arg3[%add3A_26] : memref<327680xi32, #tpu.memory_space<hbm>> -> memref<128xi32, #tpu.memory_space<hbm>>
      %dma_wait3A_53 = tpu.memref_slice %arg3[%add3A_26] : memref<327680xi32, #tpu.memory_space<hbm>> -> memref<128xi32, #tpu.memory_space<hbm>>
      tpu.wait_dma2 semaphore(%arg15 : memref<!tpu.dma_semaphore, #tpu.memory_space<semaphore_mem>>) src(%dma_wait3A_53 : memref<128xi32, #tpu.memory_space<hbm>>) dst(%arg7 : memref<128xi32, #tpu.memory_space<vmem>>)
      %dma_start3A_54 = arith.constant 0 : i32
      %dma_start3A_55 = arith.constant 0 : i32
      %dma_start3A_56 = tpu.memref_slice %arg5[%dma_start3A_54, %dma_start3A_55] : memref<20480x64xf32, #tpu.memory_space<vmem_shared>> -> memref<20480x64xf32, #tpu.memory_space<vmem_shared>>
      tpu.enqueue_indirect_dma source(%dma_start3A_56 : memref<20480x64xf32, #tpu.memory_space<vmem_shared>>) target(%arg11 : memref<128x64xf32, #tpu.memory_space<vmem>>) offsets(%arg7 : memref<128xi32, #tpu.memory_space<vmem>>) semaphore(%arg15 : memref<!tpu.dma_semaphore, #tpu.memory_space<semaphore_mem>>)
      %dma_wait3A_57 = tpu.memref_slice %arg3[%add3A_33] : memref<327680xi32, #tpu.memory_space<hbm>> -> memref<128xi32, #tpu.memory_space<hbm>>
      %dma_wait3A_58 = tpu.memref_slice %arg3[%add3A_33] : memref<327680xi32, #tpu.memory_space<hbm>> -> memref<128xi32, #tpu.memory_space<hbm>>
      tpu.wait_dma2 semaphore(%arg16 : memref<!tpu.dma_semaphore, #tpu.memory_space<semaphore_mem>>) src(%dma_wait3A_58 : memref<128xi32, #tpu.memory_space<hbm>>) dst(%arg8 : memref<128xi32, #tpu.memory_space<vmem>>)
      %dma_start3A_59 = arith.constant 0 : i32
      %dma_start3A_60 = arith.constant 0 : i32
      %dma_start3A_61 = tpu.memref_slice %arg5[%dma_start3A_59, %dma_start3A_60] : memref<20480x64xf32, #tpu.memory_space<vmem_shared>> -> memref<20480x64xf32, #tpu.memory_space<vmem_shared>>
      tpu.enqueue_indirect_dma source(%dma_start3A_61 : memref<20480x64xf32, #tpu.memory_space<vmem_shared>>) target(%arg12 : memref<128x64xf32, #tpu.memory_space<vmem>>) offsets(%arg8 : memref<128xi32, #tpu.memory_space<vmem>>) semaphore(%arg16 : memref<!tpu.dma_semaphore, #tpu.memory_space<semaphore_mem>>)
      %dma_wait3A_62 = tpu.memref_slice %arg3[%add3A_40] : memref<327680xi32, #tpu.memory_space<hbm>> -> memref<128xi32, #tpu.memory_space<hbm>>
      %dma_wait3A_63 = tpu.memref_slice %arg3[%add3A_40] : memref<327680xi32, #tpu.memory_space<hbm>> -> memref<128xi32, #tpu.memory_space<hbm>>
      tpu.wait_dma2 semaphore(%arg17 : memref<!tpu.dma_semaphore, #tpu.memory_space<semaphore_mem>>) src(%dma_wait3A_63 : memref<128xi32, #tpu.memory_space<hbm>>) dst(%arg9 : memref<128xi32, #tpu.memory_space<vmem>>)
      %dma_start3A_64 = arith.constant 0 : i32
      %dma_start3A_65 = arith.constant 0 : i32
      %dma_start3A_66 = tpu.memref_slice %arg5[%dma_start3A_64, %dma_start3A_65] : memref<20480x64xf32, #tpu.memory_space<vmem_shared>> -> memref<20480x64xf32, #tpu.memory_space<vmem_shared>>
      tpu.enqueue_indirect_dma source(%dma_start3A_66 : memref<20480x64xf32, #tpu.memory_space<vmem_shared>>) target(%arg13 : memref<128x64xf32, #tpu.memory_space<vmem>>) offsets(%arg9 : memref<128xi32, #tpu.memory_space<vmem>>) semaphore(%arg17 : memref<!tpu.dma_semaphore, #tpu.memory_space<semaphore_mem>>)
      %dma_wait3A_67 = arith.constant 0 : i32
      %dma_wait3A_68 = arith.constant 0 : i32
      %dma_wait3A_69 = tpu.memref_slice %arg5[%dma_wait3A_67, %dma_wait3A_68] : memref<20480x64xf32, #tpu.memory_space<vmem_shared>> -> memref<20480x64xf32, #tpu.memory_space<vmem_shared>>
      tpu.wait_indirect_dma semaphore(%arg14 : memref<!tpu.dma_semaphore, #tpu.memory_space<semaphore_mem>>) src(%dma_wait3A_69 : memref<20480x64xf32, #tpu.memory_space<vmem_shared>>) dst(%arg10 : memref<128x64xf32, #tpu.memory_space<vmem>>)
      %dma_start3A_70 = arith.constant 0 : i32
      %dma_start3A_71 = tpu.memref_slice %arg4[%add3A_19, %dma_start3A_70] : memref<327680x64xf32, #tpu.memory_space<hbm>> -> memref<128x64xf32, #tpu.memory_space<hbm>>
      %dma_start3A_72 = arith.constant 0 : i32
      %dma_start3A_73 = tpu.memref_slice %arg4[%add3A_19, %dma_start3A_72] : memref<327680x64xf32, #tpu.memory_space<hbm>> -> memref<128x64xf32, #tpu.memory_space<hbm>>
      tpu.enqueue_dma source(%arg10 : memref<128x64xf32, #tpu.memory_space<vmem>>) target(%dma_start3A_73 : memref<128x64xf32, #tpu.memory_space<hbm>>) target_semaphore(%arg14 : memref<!tpu.dma_semaphore, #tpu.memory_space<semaphore_mem>>)
      %dma_wait3A_74 = arith.constant 0 : i32
      %dma_wait3A_75 = arith.constant 0 : i32
      %dma_wait3A_76 = tpu.memref_slice %arg5[%dma_wait3A_74, %dma_wait3A_75] : memref<20480x64xf32, #tpu.memory_space<vmem_shared>> -> memref<20480x64xf32, #tpu.memory_space<vmem_shared>>
      tpu.wait_indirect_dma semaphore(%arg15 : memref<!tpu.dma_semaphore, #tpu.memory_space<semaphore_mem>>) src(%dma_wait3A_76 : memref<20480x64xf32, #tpu.memory_space<vmem_shared>>) dst(%arg11 : memref<128x64xf32, #tpu.memory_space<vmem>>)
      %dma_start3A_77 = arith.constant 0 : i32
      %dma_start3A_78 = tpu.memref_slice %arg4[%add3A_26, %dma_start3A_77] : memref<327680x64xf32, #tpu.memory_space<hbm>> -> memref<128x64xf32, #tpu.memory_space<hbm>>
      %dma_start3A_79 = arith.constant 0 : i32
      %dma_start3A_80 = tpu.memref_slice %arg4[%add3A_26, %dma_start3A_79] : memref<327680x64xf32, #tpu.memory_space<hbm>> -> memref<128x64xf32, #tpu.memory_space<hbm>>
      tpu.enqueue_dma source(%arg11 : memref<128x64xf32, #tpu.memory_space<vmem>>) target(%dma_start3A_80 : memref<128x64xf32, #tpu.memory_space<hbm>>) target_semaphore(%arg15 : memref<!tpu.dma_semaphore, #tpu.memory_space<semaphore_mem>>)
      %dma_wait3A_81 = arith.constant 0 : i32
      %dma_wait3A_82 = arith.constant 0 : i32
      %dma_wait3A_83 = tpu.memref_slice %arg5[%dma_wait3A_81, %dma_wait3A_82] : memref<20480x64xf32, #tpu.memory_space<vmem_shared>> -> memref<20480x64xf32, #tpu.memory_space<vmem_shared>>
      tpu.wait_indirect_dma semaphore(%arg16 : memref<!tpu.dma_semaphore, #tpu.memory_space<semaphore_mem>>) src(%dma_wait3A_83 : memref<20480x64xf32, #tpu.memory_space<vmem_shared>>) dst(%arg12 : memref<128x64xf32, #tpu.memory_space<vmem>>)
      %dma_start3A_84 = arith.constant 0 : i32
      %dma_start3A_85 = tpu.memref_slice %arg4[%add3A_33, %dma_start3A_84] : memref<327680x64xf32, #tpu.memory_space<hbm>> -> memref<128x64xf32, #tpu.memory_space<hbm>>
      %dma_start3A_86 = arith.constant 0 : i32
      %dma_start3A_87 = tpu.memref_slice %arg4[%add3A_33, %dma_start3A_86] : memref<327680x64xf32, #tpu.memory_space<hbm>> -> memref<128x64xf32, #tpu.memory_space<hbm>>
      tpu.enqueue_dma source(%arg12 : memref<128x64xf32, #tpu.memory_space<vmem>>) target(%dma_start3A_87 : memref<128x64xf32, #tpu.memory_space<hbm>>) target_semaphore(%arg16 : memref<!tpu.dma_semaphore, #tpu.memory_space<semaphore_mem>>)
      %dma_wait3A_88 = arith.constant 0 : i32
      %dma_wait3A_89 = arith.constant 0 : i32
      %dma_wait3A_90 = tpu.memref_slice %arg5[%dma_wait3A_88, %dma_wait3A_89] : memref<20480x64xf32, #tpu.memory_space<vmem_shared>> -> memref<20480x64xf32, #tpu.memory_space<vmem_shared>>
      tpu.wait_indirect_dma semaphore(%arg17 : memref<!tpu.dma_semaphore, #tpu.memory_space<semaphore_mem>>) src(%dma_wait3A_90 : memref<20480x64xf32, #tpu.memory_space<vmem_shared>>) dst(%arg13 : memref<128x64xf32, #tpu.memory_space<vmem>>)
      %dma_start3A_91 = arith.constant 0 : i32
      %dma_start3A_92 = tpu.memref_slice %arg4[%add3A_40, %dma_start3A_91] : memref<327680x64xf32, #tpu.memory_space<hbm>> -> memref<128x64xf32, #tpu.memory_space<hbm>>
      %dma_start3A_93 = arith.constant 0 : i32
      %dma_start3A_94 = tpu.memref_slice %arg4[%add3A_40, %dma_start3A_93] : memref<327680x64xf32, #tpu.memory_space<hbm>> -> memref<128x64xf32, #tpu.memory_space<hbm>>
      tpu.enqueue_dma source(%arg13 : memref<128x64xf32, #tpu.memory_space<vmem>>) target(%dma_start3A_94 : memref<128x64xf32, #tpu.memory_space<hbm>>) target_semaphore(%arg17 : memref<!tpu.dma_semaphore, #tpu.memory_space<semaphore_mem>>)
      %dma_wait3A_95 = arith.constant 0 : i32
      %dma_wait3A_96 = tpu.memref_slice %arg4[%add3A_19, %dma_wait3A_95] : memref<327680x64xf32, #tpu.memory_space<hbm>> -> memref<128x64xf32, #tpu.memory_space<hbm>>
      %dma_wait3A_97 = arith.constant 0 : i32
      %dma_wait3A_98 = tpu.memref_slice %arg4[%add3A_19, %dma_wait3A_97] : memref<327680x64xf32, #tpu.memory_space<hbm>> -> memref<128x64xf32, #tpu.memory_space<hbm>>
      tpu.wait_dma2 semaphore(%arg14 : memref<!tpu.dma_semaphore, #tpu.memory_space<semaphore_mem>>) src(%arg10 : memref<128x64xf32, #tpu.memory_space<vmem>>) dst(%dma_wait3A_98 : memref<128x64xf32, #tpu.memory_space<hbm>>)
      %dma_wait3A_99 = arith.constant 0 : i32
      %dma_wait3A_100 = tpu.memref_slice %arg4[%add3A_26, %dma_wait3A_99] : memref<327680x64xf32, #tpu.memory_space<hbm>> -> memref<128x64xf32, #tpu.memory_space<hbm>>
      %dma_wait3A_101 = arith.constant 0 : i32
      %dma_wait3A_102 = tpu.memref_slice %arg4[%add3A_26, %dma_wait3A_101] : memref<327680x64xf32, #tpu.memory_space<hbm>> -> memref<128x64xf32, #tpu.memory_space<hbm>>
      tpu.wait_dma2 semaphore(%arg15 : memref<!tpu.dma_semaphore, #tpu.memory_space<semaphore_mem>>) src(%arg11 : memref<128x64xf32, #tpu.memory_space<vmem>>) dst(%dma_wait3A_102 : memref<128x64xf32, #tpu.memory_space<hbm>>)
      %dma_wait3A_103 = arith.constant 0 : i32
      %dma_wait3A_104 = tpu.memref_slice %arg4[%add3A_33, %dma_wait3A_103] : memref<327680x64xf32, #tpu.memory_space<hbm>> -> memref<128x64xf32, #tpu.memory_space<hbm>>
      %dma_wait3A_105 = arith.constant 0 : i32
      %dma_wait3A_106 = tpu.memref_slice %arg4[%add3A_33, %dma_wait3A_105] : memref<327680x64xf32, #tpu.memory_space<hbm>> -> memref<128x64xf32, #tpu.memory_space<hbm>>
      tpu.wait_dma2 semaphore(%arg16 : memref<!tpu.dma_semaphore, #tpu.memory_space<semaphore_mem>>) src(%arg12 : memref<128x64xf32, #tpu.memory_space<vmem>>) dst(%dma_wait3A_106 : memref<128x64xf32, #tpu.memory_space<hbm>>)
      %dma_wait3A_107 = arith.constant 0 : i32
      %dma_wait3A_108 = tpu.memref_slice %arg4[%add3A_40, %dma_wait3A_107] : memref<327680x64xf32, #tpu.memory_space<hbm>> -> memref<128x64xf32, #tpu.memory_space<hbm>>
      %dma_wait3A_109 = arith.constant 0 : i32
      %dma_wait3A_110 = tpu.memref_slice %arg4[%add3A_40, %dma_wait3A_109] : memref<327680x64xf32, #tpu.memory_space<hbm>> -> memref<128x64xf32, #tpu.memory_space<hbm>>
      tpu.wait_dma2 semaphore(%arg17 : memref<!tpu.dma_semaphore, #tpu.memory_space<semaphore_mem>>) src(%arg13 : memref<128x64xf32, #tpu.memory_space<vmem>>) dst(%dma_wait3A_110 : memref<128x64xf32, #tpu.memory_space<hbm>>)
    }
    %scan3A_11 = arith.constant 20 : i32
    return
  }
}

#map = affine_map<(d0, d1) -> (0, 0)>
#map1 = affine_map<(d0, d1) -> (0)>
module attributes {stable_mosaic.version = 14 : i64} {
  func.func @body(%arg0: i32, %arg1: i32, %arg2: memref<20480x64xf32, #tpu.memory_space<hbm>>, %arg3: memref<327680xi32, #tpu.memory_space<hbm>>, %arg4: memref<327680x64xf32, #tpu.memory_space<hbm>>, %arg5: memref<20480x64xf32, #tpu.memory_space<vmem_shared>>, %arg6: memref<128xi32, #tpu.memory_space<vmem>>, %arg7: memref<128xi32, #tpu.memory_space<vmem>>, %arg8: memref<128xi32, #tpu.memory_space<vmem>>, %arg9: memref<128xi32, #tpu.memory_space<vmem>>, %arg10: memref<128x64xf32, #tpu.memory_space<vmem>>, %arg11: memref<128x64xf32, #tpu.memory_space<vmem>>, %arg12: memref<128x64xf32, #tpu.memory_space<vmem>>, %arg13: memref<128x64xf32, #tpu.memory_space<vmem>>, %arg14: memref<!tpu.dma_semaphore, #tpu.memory_space<semaphore_mem>>, %arg15: memref<!tpu.dma_semaphore, #tpu.memory_space<semaphore_mem>>, %arg16: memref<!tpu.dma_semaphore, #tpu.memory_space<semaphore_mem>>, %arg17: memref<!tpu.dma_semaphore, #tpu.memory_space<semaphore_mem>>) attributes {dimension_semantics = [#tpu.dimension_semantics<core_parallel>, #tpu.dimension_semantics<subcore_parallel>], iteration_bounds = array<i64: 2, 16>, scalar_prefetch = 0 : i64, scratch_operands = 13 : i64, tpu.core_type = #tpu.core_type<sc_vector_subcore>, window_params = [{transform_indices = #map}, {transform_indices = #map1}, {transform_indices = #map}]} {
    %mul3A = arith.constant 2 : i32
    %mul3A_0 = arith.muli %arg1, %mul3A : i32
    %add3A = arith.addi %mul3A_0, %arg0 : i32
    %mul3A_1 = arith.constant 1280 : i32
    %mul3A_2 = arith.muli %arg1, %mul3A_1 : i32
    "tpu.region"() ({
      %run_scoped3A = tpu.sem_alloc : memref<!tpu.dma_semaphore, #tpu.memory_space<semaphore_mem>>
      %dma_start3A = arith.constant 0 : i32
      %dma_start3A_12 = tpu.memref_slice %arg5[%mul3A_2, %dma_start3A] : memref<20480x64xf32, #tpu.memory_space<vmem_shared>> -> memref<1280x64xf32, #tpu.memory_space<vmem_shared>>
      %dma_start3A_13 = arith.constant 0 : i32
      %dma_start3A_14 = tpu.memref_slice %arg2[%mul3A_2, %dma_start3A_13] : memref<20480x64xf32, #tpu.memory_space<hbm>> -> memref<1280x64xf32, #tpu.memory_space<hbm>>
      tpu.enqueue_dma source(%dma_start3A_14 : memref<1280x64xf32, #tpu.memory_space<hbm>>) target(%dma_start3A_12 : memref<1280x64xf32, #tpu.memory_space<vmem_shared>>) target_semaphore(%run_scoped3A : memref<!tpu.dma_semaphore, #tpu.memory_space<semaphore_mem>>)
      %dma_wait3A = arith.constant 0 : i32
      %dma_wait3A_15 = tpu.memref_slice %arg5[%mul3A_2, %dma_wait3A] : memref<20480x64xf32, #tpu.memory_space<vmem_shared>> -> memref<1280x64xf32, #tpu.memory_space<vmem_shared>>
      %dma_wait3A_16 = arith.constant 0 : i32
      %dma_wait3A_17 = tpu.memref_slice %arg2[%mul3A_2, %dma_wait3A_16] : memref<20480x64xf32, #tpu.memory_space<hbm>> -> memref<1280x64xf32, #tpu.memory_space<hbm>>
      tpu.wait_dma2 semaphore(%run_scoped3A : memref<!tpu.dma_semaphore, #tpu.memory_space<semaphore_mem>>) src(%dma_wait3A_17 : memref<1280x64xf32, #tpu.memory_space<hbm>>) dst(%dma_wait3A_15 : memref<1280x64xf32, #tpu.memory_space<vmem_shared>>)
      tpu.yield
    }) : () -> ()
    %barrier3A = arith.constant 0 : index
    tpu.barrier barrier_id(%barrier3A)
    %mul3A_3 = arith.constant 80 : i32
    %mul3A_4 = arith.muli %add3A, %mul3A_3 : i32
    %mul3A_5 = arith.constant 128 : i32
    %mul3A_6 = arith.muli %mul3A_4, %mul3A_5 : i32
    %scan3A = arith.constant 0 : i32
    %scan3A_7 = arith.constant 0 : i32
    %scan3A_8 = arith.constant 20 : i32
    %scan3A_9 = arith.addi %scan3A_7, %scan3A_8 : i32
    %scan3A_10 = arith.constant 1 : i32
    scf.for %scan3A_12 = %scan3A_7 to %scan3A_9 step %scan3A_10  : i32 {
      %mul3A_13 = arith.constant 4 : i32
      %mul3A_14 = arith.muli %scan3A_12, %mul3A_13 : i32
      %add3A_15 = arith.constant 0 : i32
      %add3A_16 = arith.addi %mul3A_14, %add3A_15 : i32
      %mul3A_17 = arith.constant 128 : i32
      %mul3A_18 = arith.muli %add3A_16, %mul3A_17 : i32
      %add3A_19 = arith.addi %mul3A_6, %mul3A_18 : i32
      %mul3A_20 = arith.constant 4 : i32
      %mul3A_21 = arith.muli %scan3A_12, %mul3A_20 : i32
      %add3A_22 = arith.constant 1 : i32
      %add3A_23 = arith.addi %mul3A_21, %add3A_22 : i32
      %mul3A_24 = arith.constant 128 : i32
      %mul3A_25 = arith.muli %add3A_23, %mul3A_24 : i32
      %add3A_26 = arith.addi %mul3A_6, %mul3A_25 : i32
      %mul3A_27 = arith.constant 4 : i32
      %mul3A_28 = arith.muli %scan3A_12, %mul3A_27 : i32
      %add3A_29 = arith.constant 2 : i32
      %add3A_30 = arith.addi %mul3A_28, %add3A_29 : i32
      %mul3A_31 = arith.constant 128 : i32
      %mul3A_32 = arith.muli %add3A_30, %mul3A_31 : i32
      %add3A_33 = arith.addi %mul3A_6, %mul3A_32 : i32
      %mul3A_34 = arith.constant 4 : i32
      %mul3A_35 = arith.muli %scan3A_12, %mul3A_34 : i32
      %add3A_36 = arith.constant 3 : i32
      %add3A_37 = arith.addi %mul3A_35, %add3A_36 : i32
      %mul3A_38 = arith.constant 128 : i32
      %mul3A_39 = arith.muli %add3A_37, %mul3A_38 : i32
      %add3A_40 = arith.addi %mul3A_6, %mul3A_39 : i32
      %dma_start3A = tpu.memref_slice %arg3[%add3A_19] : memref<327680xi32, #tpu.memory_space<hbm>> -> memref<128xi32, #tpu.memory_space<hbm>>
      %dma_start3A_41 = tpu.memref_slice %arg3[%add3A_19] : memref<327680xi32, #tpu.memory_space<hbm>> -> memref<128xi32, #tpu.memory_space<hbm>>
      tpu.enqueue_dma source(%dma_start3A_41 : memref<128xi32, #tpu.memory_space<hbm>>) target(%arg6 : memref<128xi32, #tpu.memory_space<vmem>>) target_semaphore(%arg14 : memref<!tpu.dma_semaphore, #tpu.memory_space<semaphore_mem>>)
      %dma_start3A_42 = tpu.memref_slice %arg3[%add3A_26] : memref<327680xi32, #tpu.memory_space<hbm>> -> memref<128xi32, #tpu.memory_space<hbm>>
      %dma_start3A_43 = tpu.memref_slice %arg3[%add3A_26] : memref<327680xi32, #tpu.memory_space<hbm>> -> memref<128xi32, #tpu.memory_space<hbm>>
      tpu.enqueue_dma source(%dma_start3A_43 : memref<128xi32, #tpu.memory_space<hbm>>) target(%arg7 : memref<128xi32, #tpu.memory_space<vmem>>) target_semaphore(%arg15 : memref<!tpu.dma_semaphore, #tpu.memory_space<semaphore_mem>>)
      %dma_start3A_44 = tpu.memref_slice %arg3[%add3A_33] : memref<327680xi32, #tpu.memory_space<hbm>> -> memref<128xi32, #tpu.memory_space<hbm>>
      %dma_start3A_45 = tpu.memref_slice %arg3[%add3A_33] : memref<327680xi32, #tpu.memory_space<hbm>> -> memref<128xi32, #tpu.memory_space<hbm>>
      tpu.enqueue_dma source(%dma_start3A_45 : memref<128xi32, #tpu.memory_space<hbm>>) target(%arg8 : memref<128xi32, #tpu.memory_space<vmem>>) target_semaphore(%arg16 : memref<!tpu.dma_semaphore, #tpu.memory_space<semaphore_mem>>)
      %dma_start3A_46 = tpu.memref_slice %arg3[%add3A_40] : memref<327680xi32, #tpu.memory_space<hbm>> -> memref<128xi32, #tpu.memory_space<hbm>>
      %dma_start3A_47 = tpu.memref_slice %arg3[%add3A_40] : memref<327680xi32, #tpu.memory_space<hbm>> -> memref<128xi32, #tpu.memory_space<hbm>>
      tpu.enqueue_dma source(%dma_start3A_47 : memref<128xi32, #tpu.memory_space<hbm>>) target(%arg9 : memref<128xi32, #tpu.memory_space<vmem>>) target_semaphore(%arg17 : memref<!tpu.dma_semaphore, #tpu.memory_space<semaphore_mem>>)
      %dma_wait3A = tpu.memref_slice %arg3[%add3A_19] : memref<327680xi32, #tpu.memory_space<hbm>> -> memref<128xi32, #tpu.memory_space<hbm>>
      %dma_wait3A_48 = tpu.memref_slice %arg3[%add3A_19] : memref<327680xi32, #tpu.memory_space<hbm>> -> memref<128xi32, #tpu.memory_space<hbm>>
      tpu.wait_dma2 semaphore(%arg14 : memref<!tpu.dma_semaphore, #tpu.memory_space<semaphore_mem>>) src(%dma_wait3A_48 : memref<128xi32, #tpu.memory_space<hbm>>) dst(%arg6 : memref<128xi32, #tpu.memory_space<vmem>>)
      %dma_start3A_49 = arith.constant 0 : i32
      %dma_start3A_50 = arith.constant 0 : i32
      %dma_start3A_51 = tpu.memref_slice %arg5[%dma_start3A_49, %dma_start3A_50] : memref<20480x64xf32, #tpu.memory_space<vmem_shared>> -> memref<20480x64xf32, #tpu.memory_space<vmem_shared>>
      tpu.enqueue_indirect_dma source(%dma_start3A_51 : memref<20480x64xf32, #tpu.memory_space<vmem_shared>>) target(%arg10 : memref<128x64xf32, #tpu.memory_space<vmem>>) offsets(%arg6 : memref<128xi32, #tpu.memory_space<vmem>>) semaphore(%arg14 : memref<!tpu.dma_semaphore, #tpu.memory_space<semaphore_mem>>)
      %dma_wait3A_52 = tpu.memref_slice %arg3[%add3A_26] : memref<327680xi32, #tpu.memory_space<hbm>> -> memref<128xi32, #tpu.memory_space<hbm>>
      %dma_wait3A_53 = tpu.memref_slice %arg3[%add3A_26] : memref<327680xi32, #tpu.memory_space<hbm>> -> memref<128xi32, #tpu.memory_space<hbm>>
      tpu.wait_dma2 semaphore(%arg15 : memref<!tpu.dma_semaphore, #tpu.memory_space<semaphore_mem>>) src(%dma_wait3A_53 : memref<128xi32, #tpu.memory_space<hbm>>) dst(%arg7 : memref<128xi32, #tpu.memory_space<vmem>>)
      %dma_start3A_54 = arith.constant 0 : i32
      %dma_start3A_55 = arith.constant 0 : i32
      %dma_start3A_56 = tpu.memref_slice %arg5[%dma_start3A_54, %dma_start3A_55] : memref<20480x64xf32, #tpu.memory_space<vmem_shared>> -> memref<20480x64xf32, #tpu.memory_space<vmem_shared>>
      tpu.enqueue_indirect_dma source(%dma_start3A_56 : memref<20480x64xf32, #tpu.memory_space<vmem_shared>>) target(%arg11 : memref<128x64xf32, #tpu.memory_space<vmem>>) offsets(%arg7 : memref<128xi32, #tpu.memory_space<vmem>>) semaphore(%arg15 : memref<!tpu.dma_semaphore, #tpu.memory_space<semaphore_mem>>)
      %dma_wait3A_57 = tpu.memref_slice %arg3[%add3A_33] : memref<327680xi32, #tpu.memory_space<hbm>> -> memref<128xi32, #tpu.memory_space<hbm>>
      %dma_wait3A_58 = tpu.memref_slice %arg3[%add3A_33] : memref<327680xi32, #tpu.memory_space<hbm>> -> memref<128xi32, #tpu.memory_space<hbm>>
      tpu.wait_dma2 semaphore(%arg16 : memref<!tpu.dma_semaphore, #tpu.memory_space<semaphore_mem>>) src(%dma_wait3A_58 : memref<128xi32, #tpu.memory_space<hbm>>) dst(%arg8 : memref<128xi32, #tpu.memory_space<vmem>>)
      %dma_start3A_59 = arith.constant 0 : i32
      %dma_start3A_60 = arith.constant 0 : i32
      %dma_start3A_61 = tpu.memref_slice %arg5[%dma_start3A_59, %dma_start3A_60] : memref<20480x64xf32, #tpu.memory_space<vmem_shared>> -> memref<20480x64xf32, #tpu.memory_space<vmem_shared>>
      tpu.enqueue_indirect_dma source(%dma_start3A_61 : memref<20480x64xf32, #tpu.memory_space<vmem_shared>>) target(%arg12 : memref<128x64xf32, #tpu.memory_space<vmem>>) offsets(%arg8 : memref<128xi32, #tpu.memory_space<vmem>>) semaphore(%arg16 : memref<!tpu.dma_semaphore, #tpu.memory_space<semaphore_mem>>)
      %dma_wait3A_62 = tpu.memref_slice %arg3[%add3A_40] : memref<327680xi32, #tpu.memory_space<hbm>> -> memref<128xi32, #tpu.memory_space<hbm>>
      %dma_wait3A_63 = tpu.memref_slice %arg3[%add3A_40] : memref<327680xi32, #tpu.memory_space<hbm>> -> memref<128xi32, #tpu.memory_space<hbm>>
      tpu.wait_dma2 semaphore(%arg17 : memref<!tpu.dma_semaphore, #tpu.memory_space<semaphore_mem>>) src(%dma_wait3A_63 : memref<128xi32, #tpu.memory_space<hbm>>) dst(%arg9 : memref<128xi32, #tpu.memory_space<vmem>>)
      %dma_start3A_64 = arith.constant 0 : i32
      %dma_start3A_65 = arith.constant 0 : i32
      %dma_start3A_66 = tpu.memref_slice %arg5[%dma_start3A_64, %dma_start3A_65] : memref<20480x64xf32, #tpu.memory_space<vmem_shared>> -> memref<20480x64xf32, #tpu.memory_space<vmem_shared>>
      tpu.enqueue_indirect_dma source(%dma_start3A_66 : memref<20480x64xf32, #tpu.memory_space<vmem_shared>>) target(%arg13 : memref<128x64xf32, #tpu.memory_space<vmem>>) offsets(%arg9 : memref<128xi32, #tpu.memory_space<vmem>>) semaphore(%arg17 : memref<!tpu.dma_semaphore, #tpu.memory_space<semaphore_mem>>)
      %dma_wait3A_67 = arith.constant 0 : i32
      %dma_wait3A_68 = arith.constant 0 : i32
      %dma_wait3A_69 = tpu.memref_slice %arg5[%dma_wait3A_67, %dma_wait3A_68] : memref<20480x64xf32, #tpu.memory_space<vmem_shared>> -> memref<20480x64xf32, #tpu.memory_space<vmem_shared>>
      tpu.wait_indirect_dma semaphore(%arg14 : memref<!tpu.dma_semaphore, #tpu.memory_space<semaphore_mem>>) src(%dma_wait3A_69 : memref<20480x64xf32, #tpu.memory_space<vmem_shared>>) dst(%arg10 : memref<128x64xf32, #tpu.memory_space<vmem>>)
      %dma_start3A_70 = arith.constant 0 : i32
      %dma_start3A_71 = tpu.memref_slice %arg4[%add3A_19, %dma_start3A_70] : memref<327680x64xf32, #tpu.memory_space<hbm>> -> memref<128x64xf32, #tpu.memory_space<hbm>>
      %dma_start3A_72 = arith.constant 0 : i32
      %dma_start3A_73 = tpu.memref_slice %arg4[%add3A_19, %dma_start3A_72] : memref<327680x64xf32, #tpu.memory_space<hbm>> -> memref<128x64xf32, #tpu.memory_space<hbm>>
      tpu.enqueue_dma source(%arg10 : memref<128x64xf32, #tpu.memory_space<vmem>>) target(%dma_start3A_73 : memref<128x64xf32, #tpu.memory_space<hbm>>) target_semaphore(%arg14 : memref<!tpu.dma_semaphore, #tpu.memory_space<semaphore_mem>>)
      %dma_wait3A_74 = arith.constant 0 : i32
      %dma_wait3A_75 = arith.constant 0 : i32
      %dma_wait3A_76 = tpu.memref_slice %arg5[%dma_wait3A_74, %dma_wait3A_75] : memref<20480x64xf32, #tpu.memory_space<vmem_shared>> -> memref<20480x64xf32, #tpu.memory_space<vmem_shared>>
      tpu.wait_indirect_dma semaphore(%arg15 : memref<!tpu.dma_semaphore, #tpu.memory_space<semaphore_mem>>) src(%dma_wait3A_76 : memref<20480x64xf32, #tpu.memory_space<vmem_shared>>) dst(%arg11 : memref<128x64xf32, #tpu.memory_space<vmem>>)
      %dma_start3A_77 = arith.constant 0 : i32
      %dma_start3A_78 = tpu.memref_slice %arg4[%add3A_26, %dma_start3A_77] : memref<327680x64xf32, #tpu.memory_space<hbm>> -> memref<128x64xf32, #tpu.memory_space<hbm>>
      %dma_start3A_79 = arith.constant 0 : i32
      %dma_start3A_80 = tpu.memref_slice %arg4[%add3A_26, %dma_start3A_79] : memref<327680x64xf32, #tpu.memory_space<hbm>> -> memref<128x64xf32, #tpu.memory_space<hbm>>
      tpu.enqueue_dma source(%arg11 : memref<128x64xf32, #tpu.memory_space<vmem>>) target(%dma_start3A_80 : memref<128x64xf32, #tpu.memory_space<hbm>>) target_semaphore(%arg15 : memref<!tpu.dma_semaphore, #tpu.memory_space<semaphore_mem>>)
      %dma_wait3A_81 = arith.constant 0 : i32
      %dma_wait3A_82 = arith.constant 0 : i32
      %dma_wait3A_83 = tpu.memref_slice %arg5[%dma_wait3A_81, %dma_wait3A_82] : memref<20480x64xf32, #tpu.memory_space<vmem_shared>> -> memref<20480x64xf32, #tpu.memory_space<vmem_shared>>
      tpu.wait_indirect_dma semaphore(%arg16 : memref<!tpu.dma_semaphore, #tpu.memory_space<semaphore_mem>>) src(%dma_wait3A_83 : memref<20480x64xf32, #tpu.memory_space<vmem_shared>>) dst(%arg12 : memref<128x64xf32, #tpu.memory_space<vmem>>)
      %dma_start3A_84 = arith.constant 0 : i32
      %dma_start3A_85 = tpu.memref_slice %arg4[%add3A_33, %dma_start3A_84] : memref<327680x64xf32, #tpu.memory_space<hbm>> -> memref<128x64xf32, #tpu.memory_space<hbm>>
      %dma_start3A_86 = arith.constant 0 : i32
      %dma_start3A_87 = tpu.memref_slice %arg4[%add3A_33, %dma_start3A_86] : memref<327680x64xf32, #tpu.memory_space<hbm>> -> memref<128x64xf32, #tpu.memory_space<hbm>>
      tpu.enqueue_dma source(%arg12 : memref<128x64xf32, #tpu.memory_space<vmem>>) target(%dma_start3A_87 : memref<128x64xf32, #tpu.memory_space<hbm>>) target_semaphore(%arg16 : memref<!tpu.dma_semaphore, #tpu.memory_space<semaphore_mem>>)
      %dma_wait3A_88 = arith.constant 0 : i32
      %dma_wait3A_89 = arith.constant 0 : i32
      %dma_wait3A_90 = tpu.memref_slice %arg5[%dma_wait3A_88, %dma_wait3A_89] : memref<20480x64xf32, #tpu.memory_space<vmem_shared>> -> memref<20480x64xf32, #tpu.memory_space<vmem_shared>>
      tpu.wait_indirect_dma semaphore(%arg17 : memref<!tpu.dma_semaphore, #tpu.memory_space<semaphore_mem>>) src(%dma_wait3A_90 : memref<20480x64xf32, #tpu.memory_space<vmem_shared>>) dst(%arg13 : memref<128x64xf32, #tpu.memory_space<vmem>>)
      %dma_start3A_91 = arith.constant 0 : i32
      %dma_start3A_92 = tpu.memref_slice %arg4[%add3A_40, %dma_start3A_91] : memref<327680x64xf32, #tpu.memory_space<hbm>> -> memref<128x64xf32, #tpu.memory_space<hbm>>
      %dma_start3A_93 = arith.constant 0 : i32
      %dma_start3A_94 = tpu.memref_slice %arg4[%add3A_40, %dma_start3A_93] : memref<327680x64xf32, #tpu.memory_space<hbm>> -> memref<128x64xf32, #tpu.memory_space<hbm>>
      tpu.enqueue_dma source(%arg13 : memref<128x64xf32, #tpu.memory_space<vmem>>) target(%dma_start3A_94 : memref<128x64xf32, #tpu.memory_space<hbm>>) target_semaphore(%arg17 : memref<!tpu.dma_semaphore, #tpu.memory_space<semaphore_mem>>)
      %dma_wait3A_95 = arith.constant 0 : i32
      %dma_wait3A_96 = tpu.memref_slice %arg4[%add3A_19, %dma_wait3A_95] : memref<327680x64xf32, #tpu.memory_space<hbm>> -> memref<128x64xf32, #tpu.memory_space<hbm>>
      %dma_wait3A_97 = arith.constant 0 : i32
      %dma_wait3A_98 = tpu.memref_slice %arg4[%add3A_19, %dma_wait3A_97] : memref<327680x64xf32, #tpu.memory_space<hbm>> -> memref<128x64xf32, #tpu.memory_space<hbm>>
      tpu.wait_dma2 semaphore(%arg14 : memref<!tpu.dma_semaphore, #tpu.memory_space<semaphore_mem>>) src(%arg10 : memref<128x64xf32, #tpu.memory_space<vmem>>) dst(%dma_wait3A_98 : memref<128x64xf32, #tpu.memory_space<hbm>>)
      %dma_wait3A_99 = arith.constant 0 : i32
      %dma_wait3A_100 = tpu.memref_slice %arg4[%add3A_26, %dma_wait3A_99] : memref<327680x64xf32, #tpu.memory_space<hbm>> -> memref<128x64xf32, #tpu.memory_space<hbm>>
      %dma_wait3A_101 = arith.constant 0 : i32
      %dma_wait3A_102 = tpu.memref_slice %arg4[%add3A_26, %dma_wait3A_101] : memref<327680x64xf32, #tpu.memory_space<hbm>> -> memref<128x64xf32, #tpu.memory_space<hbm>>
      tpu.wait_dma2 semaphore(%arg15 : memref<!tpu.dma_semaphore, #tpu.memory_space<semaphore_mem>>) src(%arg11 : memref<128x64xf32, #tpu.memory_space<vmem>>) dst(%dma_wait3A_102 : memref<128x64xf32, #tpu.memory_space<hbm>>)
      %dma_wait3A_103 = arith.constant 0 : i32
      %dma_wait3A_104 = tpu.memref_slice %arg4[%add3A_33, %dma_wait3A_103] : memref<327680x64xf32, #tpu.memory_space<hbm>> -> memref<128x64xf32, #tpu.memory_space<hbm>>
      %dma_wait3A_105 = arith.constant 0 : i32
      %dma_wait3A_106 = tpu.memref_slice %arg4[%add3A_33, %dma_wait3A_105] : memref<327680x64xf32, #tpu.memory_space<hbm>> -> memref<128x64xf32, #tpu.memory_space<hbm>>
      tpu.wait_dma2 semaphore(%arg16 : memref<!tpu.dma_semaphore, #tpu.memory_space<semaphore_mem>>) src(%arg12 : memref<128x64xf32, #tpu.memory_space<vmem>>) dst(%dma_wait3A_106 : memref<128x64xf32, #tpu.memory_space<hbm>>)
      %dma_wait3A_107 = arith.constant 0 : i32
      %dma_wait3A_108 = tpu.memref_slice %arg4[%add3A_40, %dma_wait3A_107] : memref<327680x64xf32, #tpu.memory_space<hbm>> -> memref<128x64xf32, #tpu.memory_space<hbm>>
      %dma_wait3A_109 = arith.constant 0 : i32
      %dma_wait3A_110 = tpu.memref_slice %arg4[%add3A_40, %dma_wait3A_109] : memref<327680x64xf32, #tpu.memory_space<hbm>> -> memref<128x64xf32, #tpu.memory_space<hbm>>
      tpu.wait_dma2 semaphore(%arg17 : memref<!tpu.dma_semaphore, #tpu.memory_space<semaphore_mem>>) src(%arg13 : memref<128x64xf32, #tpu.memory_space<vmem>>) dst(%dma_wait3A_110 : memref<128x64xf32, #tpu.memory_space<hbm>>)
    }
    %scan3A_11 = arith.constant 20 : i32
    return
  }
}

#map = affine_map<(d0, d1) -> (0, 0)>
#map1 = affine_map<(d0, d1) -> (0)>
#map2 = affine_map<(d0, d1) -> (0, 0, 0)>
module attributes {stable_mosaic.version = 14 : i64} {
  func.func @body(%arg0: i32, %arg1: i32, %arg2: memref<163840x64xf32, #tpu.memory_space<hbm>>, %arg3: memref<163840xi32, #tpu.memory_space<hbm>>, %arg4: memref<2x10240x64xf32, #tpu.memory_space<hbm>>, %arg5: memref<2x10240x64xf32, #tpu.memory_space<hbm>>, %arg6: memref<10240x64xf32, #tpu.memory_space<vmem_shared>>, %arg7: memref<128xi32, #tpu.memory_space<vmem>>, %arg8: memref<128xi32, #tpu.memory_space<vmem>>, %arg9: memref<128xi32, #tpu.memory_space<vmem>>, %arg10: memref<128xi32, #tpu.memory_space<vmem>>, %arg11: memref<128x64xf32, #tpu.memory_space<vmem>>, %arg12: memref<128x64xf32, #tpu.memory_space<vmem>>, %arg13: memref<128x64xf32, #tpu.memory_space<vmem>>, %arg14: memref<128x64xf32, #tpu.memory_space<vmem>>, %arg15: memref<!tpu.dma_semaphore, #tpu.memory_space<semaphore_mem>>, %arg16: memref<!tpu.dma_semaphore, #tpu.memory_space<semaphore_mem>>, %arg17: memref<!tpu.dma_semaphore, #tpu.memory_space<semaphore_mem>>, %arg18: memref<!tpu.dma_semaphore, #tpu.memory_space<semaphore_mem>>, %arg19: memref<!tpu.dma_semaphore, #tpu.memory_space<semaphore_mem>>, %arg20: memref<!tpu.dma_semaphore, #tpu.memory_space<semaphore_mem>>, %arg21: memref<!tpu.dma_semaphore, #tpu.memory_space<semaphore_mem>>, %arg22: memref<!tpu.dma_semaphore, #tpu.memory_space<semaphore_mem>>) attributes {dimension_semantics = [#tpu.dimension_semantics<core_parallel>, #tpu.dimension_semantics<subcore_parallel>], iteration_bounds = array<i64: 2, 16>, scalar_prefetch = 0 : i64, scratch_operands = 17 : i64, tpu.core_type = #tpu.core_type<sc_vector_subcore>, window_params = [{transform_indices = #map}, {transform_indices = #map1}, {transform_indices = #map2}, {transform_indices = #map2}]} {
    %mul3A = arith.constant 2 : i32
    %mul3A_0 = arith.muli %arg1, %mul3A : i32
    %add3A = arith.addi %mul3A_0, %arg0 : i32
    %mul3A_1 = arith.constant 640 : i32
    %mul3A_2 = arith.muli %arg1, %mul3A_1 : i32
    "tpu.region"() ({
      %run_scoped3A = tpu.sem_alloc : memref<!tpu.dma_semaphore, #tpu.memory_space<semaphore_mem>>
      %dma_start3A = arith.constant 0 : i32
      %dma_start3A_13 = tpu.memref_slice %arg6[%mul3A_2, %dma_start3A] : memref<10240x64xf32, #tpu.memory_space<vmem_shared>> -> memref<640x64xf32, #tpu.memory_space<vmem_shared>>
      %dma_start3A_14 = arith.constant 0 : i32
      %dma_start3A_15 = tpu.memref_slice %arg4[%arg0, %mul3A_2, %dma_start3A_14] : memref<2x10240x64xf32, #tpu.memory_space<hbm>> -> memref<1x640x64xf32, #tpu.memory_space<hbm>>
      %dma_start3A_16 = tpu.memref_squeeze %dma_start3A_15 : memref<1x640x64xf32, #tpu.memory_space<hbm>> -> memref<640x64xf32, #tpu.memory_space<hbm>>
      tpu.enqueue_dma source(%dma_start3A_16 : memref<640x64xf32, #tpu.memory_space<hbm>>) target(%dma_start3A_13 : memref<640x64xf32, #tpu.memory_space<vmem_shared>>) target_semaphore(%run_scoped3A : memref<!tpu.dma_semaphore, #tpu.memory_space<semaphore_mem>>)
      %dma_wait3A = arith.constant 0 : i32
      %dma_wait3A_17 = tpu.memref_slice %arg6[%mul3A_2, %dma_wait3A] : memref<10240x64xf32, #tpu.memory_space<vmem_shared>> -> memref<640x64xf32, #tpu.memory_space<vmem_shared>>
      %dma_wait3A_18 = arith.constant 0 : i32
      %dma_wait3A_19 = tpu.memref_slice %arg4[%arg0, %mul3A_2, %dma_wait3A_18] : memref<2x10240x64xf32, #tpu.memory_space<hbm>> -> memref<1x640x64xf32, #tpu.memory_space<hbm>>
      %dma_wait3A_20 = tpu.memref_squeeze %dma_wait3A_19 : memref<1x640x64xf32, #tpu.memory_space<hbm>> -> memref<640x64xf32, #tpu.memory_space<hbm>>
      tpu.wait_dma2 semaphore(%run_scoped3A : memref<!tpu.dma_semaphore, #tpu.memory_space<semaphore_mem>>) src(%dma_wait3A_20 : memref<640x64xf32, #tpu.memory_space<hbm>>) dst(%dma_wait3A_17 : memref<640x64xf32, #tpu.memory_space<vmem_shared>>)
      tpu.yield
    }) : () -> ()
    %barrier3A = arith.constant 0 : index
    tpu.barrier barrier_id(%barrier3A)
    %mul3A_3 = arith.constant 40 : i32
    %mul3A_4 = arith.muli %add3A, %mul3A_3 : i32
    %mul3A_5 = arith.constant 128 : i32
    %mul3A_6 = arith.muli %mul3A_4, %mul3A_5 : i32
    %scan3A = arith.constant 0 : i32
    %scan3A_7 = arith.constant 0 : i32
    %scan3A_8 = arith.constant 10 : i32
    %scan3A_9 = arith.addi %scan3A_7, %scan3A_8 : i32
    %scan3A_10 = arith.constant 1 : i32
    scf.for %scan3A_13 = %scan3A_7 to %scan3A_9 step %scan3A_10  : i32 {
      %mul3A_14 = arith.constant 4 : i32
      %mul3A_15 = arith.muli %scan3A_13, %mul3A_14 : i32
      %add3A_16 = arith.constant 0 : i32
      %add3A_17 = arith.addi %mul3A_15, %add3A_16 : i32
      %mul3A_18 = arith.constant 128 : i32
      %mul3A_19 = arith.muli %add3A_17, %mul3A_18 : i32
      %add3A_20 = arith.addi %mul3A_6, %mul3A_19 : i32
      %mul3A_21 = arith.constant 4 : i32
      %mul3A_22 = arith.muli %scan3A_13, %mul3A_21 : i32
      %add3A_23 = arith.constant 1 : i32
      %add3A_24 = arith.addi %mul3A_22, %add3A_23 : i32
      %mul3A_25 = arith.constant 128 : i32
      %mul3A_26 = arith.muli %add3A_24, %mul3A_25 : i32
      %add3A_27 = arith.addi %mul3A_6, %mul3A_26 : i32
      %mul3A_28 = arith.constant 4 : i32
      %mul3A_29 = arith.muli %scan3A_13, %mul3A_28 : i32
      %add3A_30 = arith.constant 2 : i32
      %add3A_31 = arith.addi %mul3A_29, %add3A_30 : i32
      %mul3A_32 = arith.constant 128 : i32
      %mul3A_33 = arith.muli %add3A_31, %mul3A_32 : i32
      %add3A_34 = arith.addi %mul3A_6, %mul3A_33 : i32
      %mul3A_35 = arith.constant 4 : i32
      %mul3A_36 = arith.muli %scan3A_13, %mul3A_35 : i32
      %add3A_37 = arith.constant 3 : i32
      %add3A_38 = arith.addi %mul3A_36, %add3A_37 : i32
      %mul3A_39 = arith.constant 128 : i32
      %mul3A_40 = arith.muli %add3A_38, %mul3A_39 : i32
      %add3A_41 = arith.addi %mul3A_6, %mul3A_40 : i32
      %dma_start3A = tpu.memref_slice %arg3[%add3A_20] : memref<163840xi32, #tpu.memory_space<hbm>> -> memref<128xi32, #tpu.memory_space<hbm>>
      %dma_start3A_42 = tpu.memref_slice %arg3[%add3A_20] : memref<163840xi32, #tpu.memory_space<hbm>> -> memref<128xi32, #tpu.memory_space<hbm>>
      tpu.enqueue_dma source(%dma_start3A_42 : memref<128xi32, #tpu.memory_space<hbm>>) target(%arg7 : memref<128xi32, #tpu.memory_space<vmem>>) target_semaphore(%arg15 : memref<!tpu.dma_semaphore, #tpu.memory_space<semaphore_mem>>)
      %dma_start3A_43 = tpu.memref_slice %arg3[%add3A_27] : memref<163840xi32, #tpu.memory_space<hbm>> -> memref<128xi32, #tpu.memory_space<hbm>>
      %dma_start3A_44 = tpu.memref_slice %arg3[%add3A_27] : memref<163840xi32, #tpu.memory_space<hbm>> -> memref<128xi32, #tpu.memory_space<hbm>>
      tpu.enqueue_dma source(%dma_start3A_44 : memref<128xi32, #tpu.memory_space<hbm>>) target(%arg8 : memref<128xi32, #tpu.memory_space<vmem>>) target_semaphore(%arg16 : memref<!tpu.dma_semaphore, #tpu.memory_space<semaphore_mem>>)
      %dma_start3A_45 = tpu.memref_slice %arg3[%add3A_34] : memref<163840xi32, #tpu.memory_space<hbm>> -> memref<128xi32, #tpu.memory_space<hbm>>
      %dma_start3A_46 = tpu.memref_slice %arg3[%add3A_34] : memref<163840xi32, #tpu.memory_space<hbm>> -> memref<128xi32, #tpu.memory_space<hbm>>
      tpu.enqueue_dma source(%dma_start3A_46 : memref<128xi32, #tpu.memory_space<hbm>>) target(%arg9 : memref<128xi32, #tpu.memory_space<vmem>>) target_semaphore(%arg17 : memref<!tpu.dma_semaphore, #tpu.memory_space<semaphore_mem>>)
      %dma_start3A_47 = tpu.memref_slice %arg3[%add3A_41] : memref<163840xi32, #tpu.memory_space<hbm>> -> memref<128xi32, #tpu.memory_space<hbm>>
      %dma_start3A_48 = tpu.memref_slice %arg3[%add3A_41] : memref<163840xi32, #tpu.memory_space<hbm>> -> memref<128xi32, #tpu.memory_space<hbm>>
      tpu.enqueue_dma source(%dma_start3A_48 : memref<128xi32, #tpu.memory_space<hbm>>) target(%arg10 : memref<128xi32, #tpu.memory_space<vmem>>) target_semaphore(%arg18 : memref<!tpu.dma_semaphore, #tpu.memory_space<semaphore_mem>>)
      %dma_start3A_49 = arith.constant 0 : i32
      %dma_start3A_50 = tpu.memref_slice %arg2[%add3A_20, %dma_start3A_49] : memref<163840x64xf32, #tpu.memory_space<hbm>> -> memref<128x64xf32, #tpu.memory_space<hbm>>
      %dma_start3A_51 = arith.constant 0 : i32
      %dma_start3A_52 = tpu.memref_slice %arg2[%add3A_20, %dma_start3A_51] : memref<163840x64xf32, #tpu.memory_space<hbm>> -> memref<128x64xf32, #tpu.memory_space<hbm>>
      tpu.enqueue_dma source(%dma_start3A_52 : memref<128x64xf32, #tpu.memory_space<hbm>>) target(%arg11 : memref<128x64xf32, #tpu.memory_space<vmem>>) target_semaphore(%arg19 : memref<!tpu.dma_semaphore, #tpu.memory_space<semaphore_mem>>)
      %dma_start3A_53 = arith.constant 0 : i32
      %dma_start3A_54 = tpu.memref_slice %arg2[%add3A_27, %dma_start3A_53] : memref<163840x64xf32, #tpu.memory_space<hbm>> -> memref<128x64xf32, #tpu.memory_space<hbm>>
      %dma_start3A_55 = arith.constant 0 : i32
      %dma_start3A_56 = tpu.memref_slice %arg2[%add3A_27, %dma_start3A_55] : memref<163840x64xf32, #tpu.memory_space<hbm>> -> memref<128x64xf32, #tpu.memory_space<hbm>>
      tpu.enqueue_dma source(%dma_start3A_56 : memref<128x64xf32, #tpu.memory_space<hbm>>) target(%arg12 : memref<128x64xf32, #tpu.memory_space<vmem>>) target_semaphore(%arg20 : memref<!tpu.dma_semaphore, #tpu.memory_space<semaphore_mem>>)
      %dma_start3A_57 = arith.constant 0 : i32
      %dma_start3A_58 = tpu.memref_slice %arg2[%add3A_34, %dma_start3A_57] : memref<163840x64xf32, #tpu.memory_space<hbm>> -> memref<128x64xf32, #tpu.memory_space<hbm>>
      %dma_start3A_59 = arith.constant 0 : i32
      %dma_start3A_60 = tpu.memref_slice %arg2[%add3A_34, %dma_start3A_59] : memref<163840x64xf32, #tpu.memory_space<hbm>> -> memref<128x64xf32, #tpu.memory_space<hbm>>
      tpu.enqueue_dma source(%dma_start3A_60 : memref<128x64xf32, #tpu.memory_space<hbm>>) target(%arg13 : memref<128x64xf32, #tpu.memory_space<vmem>>) target_semaphore(%arg21 : memref<!tpu.dma_semaphore, #tpu.memory_space<semaphore_mem>>)
      %dma_start3A_61 = arith.constant 0 : i32
      %dma_start3A_62 = tpu.memref_slice %arg2[%add3A_41, %dma_start3A_61] : memref<163840x64xf32, #tpu.memory_space<hbm>> -> memref<128x64xf32, #tpu.memory_space<hbm>>
      %dma_start3A_63 = arith.constant 0 : i32
      %dma_start3A_64 = tpu.memref_slice %arg2[%add3A_41, %dma_start3A_63] : memref<163840x64xf32, #tpu.memory_space<hbm>> -> memref<128x64xf32, #tpu.memory_space<hbm>>
      tpu.enqueue_dma source(%dma_start3A_64 : memref<128x64xf32, #tpu.memory_space<hbm>>) target(%arg14 : memref<128x64xf32, #tpu.memory_space<vmem>>) target_semaphore(%arg22 : memref<!tpu.dma_semaphore, #tpu.memory_space<semaphore_mem>>)
      %dma_wait3A = tpu.memref_slice %arg3[%add3A_20] : memref<163840xi32, #tpu.memory_space<hbm>> -> memref<128xi32, #tpu.memory_space<hbm>>
      %dma_wait3A_65 = tpu.memref_slice %arg3[%add3A_20] : memref<163840xi32, #tpu.memory_space<hbm>> -> memref<128xi32, #tpu.memory_space<hbm>>
      tpu.wait_dma2 semaphore(%arg15 : memref<!tpu.dma_semaphore, #tpu.memory_space<semaphore_mem>>) src(%dma_wait3A_65 : memref<128xi32, #tpu.memory_space<hbm>>) dst(%arg7 : memref<128xi32, #tpu.memory_space<vmem>>)
      %dma_wait3A_66 = arith.constant 0 : i32
      %dma_wait3A_67 = tpu.memref_slice %arg2[%add3A_20, %dma_wait3A_66] : memref<163840x64xf32, #tpu.memory_space<hbm>> -> memref<128x64xf32, #tpu.memory_space<hbm>>
      %dma_wait3A_68 = arith.constant 0 : i32
      %dma_wait3A_69 = tpu.memref_slice %arg2[%add3A_20, %dma_wait3A_68] : memref<163840x64xf32, #tpu.memory_space<hbm>> -> memref<128x64xf32, #tpu.memory_space<hbm>>
      tpu.wait_dma2 semaphore(%arg19 : memref<!tpu.dma_semaphore, #tpu.memory_space<semaphore_mem>>) src(%dma_wait3A_69 : memref<128x64xf32, #tpu.memory_space<hbm>>) dst(%arg11 : memref<128x64xf32, #tpu.memory_space<vmem>>)
      "tpu.region"() ({
        %run_scoped3A = tpu.sem_alloc : memref<!tpu.dma_semaphore, #tpu.memory_space<semaphore_mem>>
        %dma_start3A_88 = arith.constant 0 : i32
        %dma_start3A_89 = arith.constant 0 : i32
        %dma_start3A_90 = tpu.memref_slice %arg6[%dma_start3A_88, %dma_start3A_89] : memref<10240x64xf32, #tpu.memory_space<vmem_shared>> -> memref<10240x64xf32, #tpu.memory_space<vmem_shared>>
        tpu.enqueue_indirect_dma source(%arg11 : memref<128x64xf32, #tpu.memory_space<vmem>>) target(%dma_start3A_90 : memref<10240x64xf32, #tpu.memory_space<vmem_shared>>) offsets(%arg7 : memref<128xi32, #tpu.memory_space<vmem>>) semaphore(%run_scoped3A : memref<!tpu.dma_semaphore, #tpu.memory_space<semaphore_mem>>) {add = true}
        %dma_wait3A_91 = arith.constant 0 : i32
        %dma_wait3A_92 = arith.constant 0 : i32
        %dma_wait3A_93 = tpu.memref_slice %arg6[%dma_wait3A_91, %dma_wait3A_92] : memref<10240x64xf32, #tpu.memory_space<vmem_shared>> -> memref<10240x64xf32, #tpu.memory_space<vmem_shared>>
        tpu.wait_indirect_dma semaphore(%run_scoped3A : memref<!tpu.dma_semaphore, #tpu.memory_space<semaphore_mem>>) src(%arg11 : memref<128x64xf32, #tpu.memory_space<vmem>>) dst(%dma_wait3A_93 : memref<10240x64xf32, #tpu.memory_space<vmem_shared>>)
        tpu.yield
      }) : () -> ()
      %dma_wait3A_70 = tpu.memref_slice %arg3[%add3A_27] : memref<163840xi32, #tpu.memory_space<hbm>> -> memref<128xi32, #tpu.memory_space<hbm>>
      %dma_wait3A_71 = tpu.memref_slice %arg3[%add3A_27] : memref<163840xi32, #tpu.memory_space<hbm>> -> memref<128xi32, #tpu.memory_space<hbm>>
      tpu.wait_dma2 semaphore(%arg16 : memref<!tpu.dma_semaphore, #tpu.memory_space<semaphore_mem>>) src(%dma_wait3A_71 : memref<128xi32, #tpu.memory_space<hbm>>) dst(%arg8 : memref<128xi32, #tpu.memory_space<vmem>>)
      %dma_wait3A_72 = arith.constant 0 : i32
      %dma_wait3A_73 = tpu.memref_slice %arg2[%add3A_27, %dma_wait3A_72] : memref<163840x64xf32, #tpu.memory_space<hbm>> -> memref<128x64xf32, #tpu.memory_space<hbm>>
      %dma_wait3A_74 = arith.constant 0 : i32
      %dma_wait3A_75 = tpu.memref_slice %arg2[%add3A_27, %dma_wait3A_74] : memref<163840x64xf32, #tpu.memory_space<hbm>> -> memref<128x64xf32, #tpu.memory_space<hbm>>
      tpu.wait_dma2 semaphore(%arg20 : memref<!tpu.dma_semaphore, #tpu.memory_space<semaphore_mem>>) src(%dma_wait3A_75 : memref<128x64xf32, #tpu.memory_space<hbm>>) dst(%arg12 : memref<128x64xf32, #tpu.memory_space<vmem>>)
      "tpu.region"() ({
        %run_scoped3A = tpu.sem_alloc : memref<!tpu.dma_semaphore, #tpu.memory_space<semaphore_mem>>
        %dma_start3A_88 = arith.constant 0 : i32
        %dma_start3A_89 = arith.constant 0 : i32
        %dma_start3A_90 = tpu.memref_slice %arg6[%dma_start3A_88, %dma_start3A_89] : memref<10240x64xf32, #tpu.memory_space<vmem_shared>> -> memref<10240x64xf32, #tpu.memory_space<vmem_shared>>
        tpu.enqueue_indirect_dma source(%arg12 : memref<128x64xf32, #tpu.memory_space<vmem>>) target(%dma_start3A_90 : memref<10240x64xf32, #tpu.memory_space<vmem_shared>>) offsets(%arg8 : memref<128xi32, #tpu.memory_space<vmem>>) semaphore(%run_scoped3A : memref<!tpu.dma_semaphore, #tpu.memory_space<semaphore_mem>>) {add = true}
        %dma_wait3A_91 = arith.constant 0 : i32
        %dma_wait3A_92 = arith.constant 0 : i32
        %dma_wait3A_93 = tpu.memref_slice %arg6[%dma_wait3A_91, %dma_wait3A_92] : memref<10240x64xf32, #tpu.memory_space<vmem_shared>> -> memref<10240x64xf32, #tpu.memory_space<vmem_shared>>
        tpu.wait_indirect_dma semaphore(%run_scoped3A : memref<!tpu.dma_semaphore, #tpu.memory_space<semaphore_mem>>) src(%arg12 : memref<128x64xf32, #tpu.memory_space<vmem>>) dst(%dma_wait3A_93 : memref<10240x64xf32, #tpu.memory_space<vmem_shared>>)
        tpu.yield
      }) : () -> ()
      %dma_wait3A_76 = tpu.memref_slice %arg3[%add3A_34] : memref<163840xi32, #tpu.memory_space<hbm>> -> memref<128xi32, #tpu.memory_space<hbm>>
      %dma_wait3A_77 = tpu.memref_slice %arg3[%add3A_34] : memref<163840xi32, #tpu.memory_space<hbm>> -> memref<128xi32, #tpu.memory_space<hbm>>
      tpu.wait_dma2 semaphore(%arg17 : memref<!tpu.dma_semaphore, #tpu.memory_space<semaphore_mem>>) src(%dma_wait3A_77 : memref<128xi32, #tpu.memory_space<hbm>>) dst(%arg9 : memref<128xi32, #tpu.memory_space<vmem>>)
      %dma_wait3A_78 = arith.constant 0 : i32
      %dma_wait3A_79 = tpu.memref_slice %arg2[%add3A_34, %dma_wait3A_78] : memref<163840x64xf32, #tpu.memory_space<hbm>> -> memref<128x64xf32, #tpu.memory_space<hbm>>
      %dma_wait3A_80 = arith.constant 0 : i32
      %dma_wait3A_81 = tpu.memref_slice %arg2[%add3A_34, %dma_wait3A_80] : memref<163840x64xf32, #tpu.memory_space<hbm>> -> memref<128x64xf32, #tpu.memory_space<hbm>>
      tpu.wait_dma2 semaphore(%arg21 : memref<!tpu.dma_semaphore, #tpu.memory_space<semaphore_mem>>) src(%dma_wait3A_81 : memref<128x64xf32, #tpu.memory_space<hbm>>) dst(%arg13 : memref<128x64xf32, #tpu.memory_space<vmem>>)
      "tpu.region"() ({
        %run_scoped3A = tpu.sem_alloc : memref<!tpu.dma_semaphore, #tpu.memory_space<semaphore_mem>>
        %dma_start3A_88 = arith.constant 0 : i32
        %dma_start3A_89 = arith.constant 0 : i32
        %dma_start3A_90 = tpu.memref_slice %arg6[%dma_start3A_88, %dma_start3A_89] : memref<10240x64xf32, #tpu.memory_space<vmem_shared>> -> memref<10240x64xf32, #tpu.memory_space<vmem_shared>>
        tpu.enqueue_indirect_dma source(%arg13 : memref<128x64xf32, #tpu.memory_space<vmem>>) target(%dma_start3A_90 : memref<10240x64xf32, #tpu.memory_space<vmem_shared>>) offsets(%arg9 : memref<128xi32, #tpu.memory_space<vmem>>) semaphore(%run_scoped3A : memref<!tpu.dma_semaphore, #tpu.memory_space<semaphore_mem>>) {add = true}
        %dma_wait3A_91 = arith.constant 0 : i32
        %dma_wait3A_92 = arith.constant 0 : i32
        %dma_wait3A_93 = tpu.memref_slice %arg6[%dma_wait3A_91, %dma_wait3A_92] : memref<10240x64xf32, #tpu.memory_space<vmem_shared>> -> memref<10240x64xf32, #tpu.memory_space<vmem_shared>>
        tpu.wait_indirect_dma semaphore(%run_scoped3A : memref<!tpu.dma_semaphore, #tpu.memory_space<semaphore_mem>>) src(%arg13 : memref<128x64xf32, #tpu.memory_space<vmem>>) dst(%dma_wait3A_93 : memref<10240x64xf32, #tpu.memory_space<vmem_shared>>)
        tpu.yield
      }) : () -> ()
      %dma_wait3A_82 = tpu.memref_slice %arg3[%add3A_41] : memref<163840xi32, #tpu.memory_space<hbm>> -> memref<128xi32, #tpu.memory_space<hbm>>
      %dma_wait3A_83 = tpu.memref_slice %arg3[%add3A_41] : memref<163840xi32, #tpu.memory_space<hbm>> -> memref<128xi32, #tpu.memory_space<hbm>>
      tpu.wait_dma2 semaphore(%arg18 : memref<!tpu.dma_semaphore, #tpu.memory_space<semaphore_mem>>) src(%dma_wait3A_83 : memref<128xi32, #tpu.memory_space<hbm>>) dst(%arg10 : memref<128xi32, #tpu.memory_space<vmem>>)
      %dma_wait3A_84 = arith.constant 0 : i32
      %dma_wait3A_85 = tpu.memref_slice %arg2[%add3A_41, %dma_wait3A_84] : memref<163840x64xf32, #tpu.memory_space<hbm>> -> memref<128x64xf32, #tpu.memory_space<hbm>>
      %dma_wait3A_86 = arith.constant 0 : i32
      %dma_wait3A_87 = tpu.memref_slice %arg2[%add3A_41, %dma_wait3A_86] : memref<163840x64xf32, #tpu.memory_space<hbm>> -> memref<128x64xf32, #tpu.memory_space<hbm>>
      tpu.wait_dma2 semaphore(%arg22 : memref<!tpu.dma_semaphore, #tpu.memory_space<semaphore_mem>>) src(%dma_wait3A_87 : memref<128x64xf32, #tpu.memory_space<hbm>>) dst(%arg14 : memref<128x64xf32, #tpu.memory_space<vmem>>)
      "tpu.region"() ({
        %run_scoped3A = tpu.sem_alloc : memref<!tpu.dma_semaphore, #tpu.memory_space<semaphore_mem>>
        %dma_start3A_88 = arith.constant 0 : i32
        %dma_start3A_89 = arith.constant 0 : i32
        %dma_start3A_90 = tpu.memref_slice %arg6[%dma_start3A_88, %dma_start3A_89] : memref<10240x64xf32, #tpu.memory_space<vmem_shared>> -> memref<10240x64xf32, #tpu.memory_space<vmem_shared>>
        tpu.enqueue_indirect_dma source(%arg14 : memref<128x64xf32, #tpu.memory_space<vmem>>) target(%dma_start3A_90 : memref<10240x64xf32, #tpu.memory_space<vmem_shared>>) offsets(%arg10 : memref<128xi32, #tpu.memory_space<vmem>>) semaphore(%run_scoped3A : memref<!tpu.dma_semaphore, #tpu.memory_space<semaphore_mem>>) {add = true}
        %dma_wait3A_91 = arith.constant 0 : i32
        %dma_wait3A_92 = arith.constant 0 : i32
        %dma_wait3A_93 = tpu.memref_slice %arg6[%dma_wait3A_91, %dma_wait3A_92] : memref<10240x64xf32, #tpu.memory_space<vmem_shared>> -> memref<10240x64xf32, #tpu.memory_space<vmem_shared>>
        tpu.wait_indirect_dma semaphore(%run_scoped3A : memref<!tpu.dma_semaphore, #tpu.memory_space<semaphore_mem>>) src(%arg14 : memref<128x64xf32, #tpu.memory_space<vmem>>) dst(%dma_wait3A_93 : memref<10240x64xf32, #tpu.memory_space<vmem_shared>>)
        tpu.yield
      }) : () -> ()
    }
    %scan3A_11 = arith.constant 10 : i32
    %barrier3A_12 = arith.constant 0 : index
    tpu.barrier barrier_id(%barrier3A_12)
    "tpu.region"() ({
      %run_scoped3A = tpu.sem_alloc : memref<!tpu.dma_semaphore, #tpu.memory_space<semaphore_mem>>
      %dma_start3A = arith.constant 0 : i32
      %dma_start3A_13 = tpu.memref_slice %arg5[%arg0, %mul3A_2, %dma_start3A] : memref<2x10240x64xf32, #tpu.memory_space<hbm>> -> memref<1x640x64xf32, #tpu.memory_space<hbm>>
      %dma_start3A_14 = tpu.memref_squeeze %dma_start3A_13 : memref<1x640x64xf32, #tpu.memory_space<hbm>> -> memref<640x64xf32, #tpu.memory_space<hbm>>
      %dma_start3A_15 = arith.constant 0 : i32
      %dma_start3A_16 = tpu.memref_slice %arg6[%mul3A_2, %dma_start3A_15] : memref<10240x64xf32, #tpu.memory_space<vmem_shared>> -> memref<640x64xf32, #tpu.memory_space<vmem_shared>>
      tpu.enqueue_dma source(%dma_start3A_16 : memref<640x64xf32, #tpu.memory_space<vmem_shared>>) target(%dma_start3A_14 : memref<640x64xf32, #tpu.memory_space<hbm>>) target_semaphore(%run_scoped3A : memref<!tpu.dma_semaphore, #tpu.memory_space<semaphore_mem>>)
      %dma_wait3A = arith.constant 0 : i32
      %dma_wait3A_17 = tpu.memref_slice %arg5[%arg0, %mul3A_2, %dma_wait3A] : memref<2x10240x64xf32, #tpu.memory_space<hbm>> -> memref<1x640x64xf32, #tpu.memory_space<hbm>>
      %dma_wait3A_18 = tpu.memref_squeeze %dma_wait3A_17 : memref<1x640x64xf32, #tpu.memory_space<hbm>> -> memref<640x64xf32, #tpu.memory_space<hbm>>
      %dma_wait3A_19 = arith.constant 0 : i32
      %dma_wait3A_20 = tpu.memref_slice %arg6[%mul3A_2, %dma_wait3A_19] : memref<10240x64xf32, #tpu.memory_space<vmem_shared>> -> memref<640x64xf32, #tpu.memory_space<vmem_shared>>
      tpu.wait_dma2 semaphore(%run_scoped3A : memref<!tpu.dma_semaphore, #tpu.memory_space<semaphore_mem>>) src(%dma_wait3A_20 : memref<640x64xf32, #tpu.memory_space<vmem_shared>>) dst(%dma_wait3A_18 : memref<640x64xf32, #tpu.memory_space<hbm>>)
      tpu.yield
    }) : () -> ()
    return
  }
}

#map = affine_map<(d0, d1) -> (0, 0)>
#map1 = affine_map<(d0, d1) -> (0)>
#map2 = affine_map<(d0, d1) -> (0, 0, 0)>
module attributes {stable_mosaic.version = 14 : i64} {
  func.func @body(%arg0: i32, %arg1: i32, %arg2: memref<163840x64xf32, #tpu.memory_space<hbm>>, %arg3: memref<163840xi32, #tpu.memory_space<hbm>>, %arg4: memref<2x10240x64xf32, #tpu.memory_space<hbm>>, %arg5: memref<2x10240x64xf32, #tpu.memory_space<hbm>>, %arg6: memref<10240x64xf32, #tpu.memory_space<vmem_shared>>, %arg7: memref<128xi32, #tpu.memory_space<vmem>>, %arg8: memref<128xi32, #tpu.memory_space<vmem>>, %arg9: memref<128xi32, #tpu.memory_space<vmem>>, %arg10: memref<128xi32, #tpu.memory_space<vmem>>, %arg11: memref<128x64xf32, #tpu.memory_space<vmem>>, %arg12: memref<128x64xf32, #tpu.memory_space<vmem>>, %arg13: memref<128x64xf32, #tpu.memory_space<vmem>>, %arg14: memref<128x64xf32, #tpu.memory_space<vmem>>, %arg15: memref<!tpu.dma_semaphore, #tpu.memory_space<semaphore_mem>>, %arg16: memref<!tpu.dma_semaphore, #tpu.memory_space<semaphore_mem>>, %arg17: memref<!tpu.dma_semaphore, #tpu.memory_space<semaphore_mem>>, %arg18: memref<!tpu.dma_semaphore, #tpu.memory_space<semaphore_mem>>, %arg19: memref<!tpu.dma_semaphore, #tpu.memory_space<semaphore_mem>>, %arg20: memref<!tpu.dma_semaphore, #tpu.memory_space<semaphore_mem>>, %arg21: memref<!tpu.dma_semaphore, #tpu.memory_space<semaphore_mem>>, %arg22: memref<!tpu.dma_semaphore, #tpu.memory_space<semaphore_mem>>) attributes {dimension_semantics = [#tpu.dimension_semantics<core_parallel>, #tpu.dimension_semantics<subcore_parallel>], iteration_bounds = array<i64: 2, 16>, scalar_prefetch = 0 : i64, scratch_operands = 17 : i64, tpu.core_type = #tpu.core_type<sc_vector_subcore>, window_params = [{transform_indices = #map}, {transform_indices = #map1}, {transform_indices = #map2}, {transform_indices = #map2}]} {
    %mul3A = arith.constant 2 : i32
    %mul3A_0 = arith.muli %arg1, %mul3A : i32
    %add3A = arith.addi %mul3A_0, %arg0 : i32
    %mul3A_1 = arith.constant 640 : i32
    %mul3A_2 = arith.muli %arg1, %mul3A_1 : i32
    "tpu.region"() ({
      %run_scoped3A = tpu.sem_alloc : memref<!tpu.dma_semaphore, #tpu.memory_space<semaphore_mem>>
      %dma_start3A = arith.constant 0 : i32
      %dma_start3A_13 = tpu.memref_slice %arg6[%mul3A_2, %dma_start3A] : memref<10240x64xf32, #tpu.memory_space<vmem_shared>> -> memref<640x64xf32, #tpu.memory_space<vmem_shared>>
      %dma_start3A_14 = arith.constant 0 : i32
      %dma_start3A_15 = tpu.memref_slice %arg4[%arg0, %mul3A_2, %dma_start3A_14] : memref<2x10240x64xf32, #tpu.memory_space<hbm>> -> memref<1x640x64xf32, #tpu.memory_space<hbm>>
      %dma_start3A_16 = tpu.memref_squeeze %dma_start3A_15 : memref<1x640x64xf32, #tpu.memory_space<hbm>> -> memref<640x64xf32, #tpu.memory_space<hbm>>
      tpu.enqueue_dma source(%dma_start3A_16 : memref<640x64xf32, #tpu.memory_space<hbm>>) target(%dma_start3A_13 : memref<640x64xf32, #tpu.memory_space<vmem_shared>>) target_semaphore(%run_scoped3A : memref<!tpu.dma_semaphore, #tpu.memory_space<semaphore_mem>>)
      %dma_wait3A = arith.constant 0 : i32
      %dma_wait3A_17 = tpu.memref_slice %arg6[%mul3A_2, %dma_wait3A] : memref<10240x64xf32, #tpu.memory_space<vmem_shared>> -> memref<640x64xf32, #tpu.memory_space<vmem_shared>>
      %dma_wait3A_18 = arith.constant 0 : i32
      %dma_wait3A_19 = tpu.memref_slice %arg4[%arg0, %mul3A_2, %dma_wait3A_18] : memref<2x10240x64xf32, #tpu.memory_space<hbm>> -> memref<1x640x64xf32, #tpu.memory_space<hbm>>
      %dma_wait3A_20 = tpu.memref_squeeze %dma_wait3A_19 : memref<1x640x64xf32, #tpu.memory_space<hbm>> -> memref<640x64xf32, #tpu.memory_space<hbm>>
      tpu.wait_dma2 semaphore(%run_scoped3A : memref<!tpu.dma_semaphore, #tpu.memory_space<semaphore_mem>>) src(%dma_wait3A_20 : memref<640x64xf32, #tpu.memory_space<hbm>>) dst(%dma_wait3A_17 : memref<640x64xf32, #tpu.memory_space<vmem_shared>>)
      tpu.yield
    }) : () -> ()
    %barrier3A = arith.constant 0 : index
    tpu.barrier barrier_id(%barrier3A)
    %mul3A_3 = arith.constant 40 : i32
    %mul3A_4 = arith.muli %add3A, %mul3A_3 : i32
    %mul3A_5 = arith.constant 128 : i32
    %mul3A_6 = arith.muli %mul3A_4, %mul3A_5 : i32
    %scan3A = arith.constant 0 : i32
    %scan3A_7 = arith.constant 0 : i32
    %scan3A_8 = arith.constant 10 : i32
    %scan3A_9 = arith.addi %scan3A_7, %scan3A_8 : i32
    %scan3A_10 = arith.constant 1 : i32
    scf.for %scan3A_13 = %scan3A_7 to %scan3A_9 step %scan3A_10  : i32 {
      %mul3A_14 = arith.constant 4 : i32
      %mul3A_15 = arith.muli %scan3A_13, %mul3A_14 : i32
      %add3A_16 = arith.constant 0 : i32
      %add3A_17 = arith.addi %mul3A_15, %add3A_16 : i32
      %mul3A_18 = arith.constant 128 : i32
      %mul3A_19 = arith.muli %add3A_17, %mul3A_18 : i32
      %add3A_20 = arith.addi %mul3A_6, %mul3A_19 : i32
      %mul3A_21 = arith.constant 4 : i32
      %mul3A_22 = arith.muli %scan3A_13, %mul3A_21 : i32
      %add3A_23 = arith.constant 1 : i32
      %add3A_24 = arith.addi %mul3A_22, %add3A_23 : i32
      %mul3A_25 = arith.constant 128 : i32
      %mul3A_26 = arith.muli %add3A_24, %mul3A_25 : i32
      %add3A_27 = arith.addi %mul3A_6, %mul3A_26 : i32
      %mul3A_28 = arith.constant 4 : i32
      %mul3A_29 = arith.muli %scan3A_13, %mul3A_28 : i32
      %add3A_30 = arith.constant 2 : i32
      %add3A_31 = arith.addi %mul3A_29, %add3A_30 : i32
      %mul3A_32 = arith.constant 128 : i32
      %mul3A_33 = arith.muli %add3A_31, %mul3A_32 : i32
      %add3A_34 = arith.addi %mul3A_6, %mul3A_33 : i32
      %mul3A_35 = arith.constant 4 : i32
      %mul3A_36 = arith.muli %scan3A_13, %mul3A_35 : i32
      %add3A_37 = arith.constant 3 : i32
      %add3A_38 = arith.addi %mul3A_36, %add3A_37 : i32
      %mul3A_39 = arith.constant 128 : i32
      %mul3A_40 = arith.muli %add3A_38, %mul3A_39 : i32
      %add3A_41 = arith.addi %mul3A_6, %mul3A_40 : i32
      %dma_start3A = tpu.memref_slice %arg3[%add3A_20] : memref<163840xi32, #tpu.memory_space<hbm>> -> memref<128xi32, #tpu.memory_space<hbm>>
      %dma_start3A_42 = tpu.memref_slice %arg3[%add3A_20] : memref<163840xi32, #tpu.memory_space<hbm>> -> memref<128xi32, #tpu.memory_space<hbm>>
      tpu.enqueue_dma source(%dma_start3A_42 : memref<128xi32, #tpu.memory_space<hbm>>) target(%arg7 : memref<128xi32, #tpu.memory_space<vmem>>) target_semaphore(%arg15 : memref<!tpu.dma_semaphore, #tpu.memory_space<semaphore_mem>>)
      %dma_start3A_43 = tpu.memref_slice %arg3[%add3A_27] : memref<163840xi32, #tpu.memory_space<hbm>> -> memref<128xi32, #tpu.memory_space<hbm>>
      %dma_start3A_44 = tpu.memref_slice %arg3[%add3A_27] : memref<163840xi32, #tpu.memory_space<hbm>> -> memref<128xi32, #tpu.memory_space<hbm>>
      tpu.enqueue_dma source(%dma_start3A_44 : memref<128xi32, #tpu.memory_space<hbm>>) target(%arg8 : memref<128xi32, #tpu.memory_space<vmem>>) target_semaphore(%arg16 : memref<!tpu.dma_semaphore, #tpu.memory_space<semaphore_mem>>)
      %dma_start3A_45 = tpu.memref_slice %arg3[%add3A_34] : memref<163840xi32, #tpu.memory_space<hbm>> -> memref<128xi32, #tpu.memory_space<hbm>>
      %dma_start3A_46 = tpu.memref_slice %arg3[%add3A_34] : memref<163840xi32, #tpu.memory_space<hbm>> -> memref<128xi32, #tpu.memory_space<hbm>>
      tpu.enqueue_dma source(%dma_start3A_46 : memref<128xi32, #tpu.memory_space<hbm>>) target(%arg9 : memref<128xi32, #tpu.memory_space<vmem>>) target_semaphore(%arg17 : memref<!tpu.dma_semaphore, #tpu.memory_space<semaphore_mem>>)
      %dma_start3A_47 = tpu.memref_slice %arg3[%add3A_41] : memref<163840xi32, #tpu.memory_space<hbm>> -> memref<128xi32, #tpu.memory_space<hbm>>
      %dma_start3A_48 = tpu.memref_slice %arg3[%add3A_41] : memref<163840xi32, #tpu.memory_space<hbm>> -> memref<128xi32, #tpu.memory_space<hbm>>
      tpu.enqueue_dma source(%dma_start3A_48 : memref<128xi32, #tpu.memory_space<hbm>>) target(%arg10 : memref<128xi32, #tpu.memory_space<vmem>>) target_semaphore(%arg18 : memref<!tpu.dma_semaphore, #tpu.memory_space<semaphore_mem>>)
      %dma_start3A_49 = arith.constant 0 : i32
      %dma_start3A_50 = tpu.memref_slice %arg2[%add3A_20, %dma_start3A_49] : memref<163840x64xf32, #tpu.memory_space<hbm>> -> memref<128x64xf32, #tpu.memory_space<hbm>>
      %dma_start3A_51 = arith.constant 0 : i32
      %dma_start3A_52 = tpu.memref_slice %arg2[%add3A_20, %dma_start3A_51] : memref<163840x64xf32, #tpu.memory_space<hbm>> -> memref<128x64xf32, #tpu.memory_space<hbm>>
      tpu.enqueue_dma source(%dma_start3A_52 : memref<128x64xf32, #tpu.memory_space<hbm>>) target(%arg11 : memref<128x64xf32, #tpu.memory_space<vmem>>) target_semaphore(%arg19 : memref<!tpu.dma_semaphore, #tpu.memory_space<semaphore_mem>>)
      %dma_start3A_53 = arith.constant 0 : i32
      %dma_start3A_54 = tpu.memref_slice %arg2[%add3A_27, %dma_start3A_53] : memref<163840x64xf32, #tpu.memory_space<hbm>> -> memref<128x64xf32, #tpu.memory_space<hbm>>
      %dma_start3A_55 = arith.constant 0 : i32
      %dma_start3A_56 = tpu.memref_slice %arg2[%add3A_27, %dma_start3A_55] : memref<163840x64xf32, #tpu.memory_space<hbm>> -> memref<128x64xf32, #tpu.memory_space<hbm>>
      tpu.enqueue_dma source(%dma_start3A_56 : memref<128x64xf32, #tpu.memory_space<hbm>>) target(%arg12 : memref<128x64xf32, #tpu.memory_space<vmem>>) target_semaphore(%arg20 : memref<!tpu.dma_semaphore, #tpu.memory_space<semaphore_mem>>)
      %dma_start3A_57 = arith.constant 0 : i32
      %dma_start3A_58 = tpu.memref_slice %arg2[%add3A_34, %dma_start3A_57] : memref<163840x64xf32, #tpu.memory_space<hbm>> -> memref<128x64xf32, #tpu.memory_space<hbm>>
      %dma_start3A_59 = arith.constant 0 : i32
      %dma_start3A_60 = tpu.memref_slice %arg2[%add3A_34, %dma_start3A_59] : memref<163840x64xf32, #tpu.memory_space<hbm>> -> memref<128x64xf32, #tpu.memory_space<hbm>>
      tpu.enqueue_dma source(%dma_start3A_60 : memref<128x64xf32, #tpu.memory_space<hbm>>) target(%arg13 : memref<128x64xf32, #tpu.memory_space<vmem>>) target_semaphore(%arg21 : memref<!tpu.dma_semaphore, #tpu.memory_space<semaphore_mem>>)
      %dma_start3A_61 = arith.constant 0 : i32
      %dma_start3A_62 = tpu.memref_slice %arg2[%add3A_41, %dma_start3A_61] : memref<163840x64xf32, #tpu.memory_space<hbm>> -> memref<128x64xf32, #tpu.memory_space<hbm>>
      %dma_start3A_63 = arith.constant 0 : i32
      %dma_start3A_64 = tpu.memref_slice %arg2[%add3A_41, %dma_start3A_63] : memref<163840x64xf32, #tpu.memory_space<hbm>> -> memref<128x64xf32, #tpu.memory_space<hbm>>
      tpu.enqueue_dma source(%dma_start3A_64 : memref<128x64xf32, #tpu.memory_space<hbm>>) target(%arg14 : memref<128x64xf32, #tpu.memory_space<vmem>>) target_semaphore(%arg22 : memref<!tpu.dma_semaphore, #tpu.memory_space<semaphore_mem>>)
      %dma_wait3A = tpu.memref_slice %arg3[%add3A_20] : memref<163840xi32, #tpu.memory_space<hbm>> -> memref<128xi32, #tpu.memory_space<hbm>>
      %dma_wait3A_65 = tpu.memref_slice %arg3[%add3A_20] : memref<163840xi32, #tpu.memory_space<hbm>> -> memref<128xi32, #tpu.memory_space<hbm>>
      tpu.wait_dma2 semaphore(%arg15 : memref<!tpu.dma_semaphore, #tpu.memory_space<semaphore_mem>>) src(%dma_wait3A_65 : memref<128xi32, #tpu.memory_space<hbm>>) dst(%arg7 : memref<128xi32, #tpu.memory_space<vmem>>)
      %dma_wait3A_66 = arith.constant 0 : i32
      %dma_wait3A_67 = tpu.memref_slice %arg2[%add3A_20, %dma_wait3A_66] : memref<163840x64xf32, #tpu.memory_space<hbm>> -> memref<128x64xf32, #tpu.memory_space<hbm>>
      %dma_wait3A_68 = arith.constant 0 : i32
      %dma_wait3A_69 = tpu.memref_slice %arg2[%add3A_20, %dma_wait3A_68] : memref<163840x64xf32, #tpu.memory_space<hbm>> -> memref<128x64xf32, #tpu.memory_space<hbm>>
      tpu.wait_dma2 semaphore(%arg19 : memref<!tpu.dma_semaphore, #tpu.memory_space<semaphore_mem>>) src(%dma_wait3A_69 : memref<128x64xf32, #tpu.memory_space<hbm>>) dst(%arg11 : memref<128x64xf32, #tpu.memory_space<vmem>>)
      "tpu.region"() ({
        %run_scoped3A = tpu.sem_alloc : memref<!tpu.dma_semaphore, #tpu.memory_space<semaphore_mem>>
        %dma_start3A_88 = arith.constant 0 : i32
        %dma_start3A_89 = arith.constant 0 : i32
        %dma_start3A_90 = tpu.memref_slice %arg6[%dma_start3A_88, %dma_start3A_89] : memref<10240x64xf32, #tpu.memory_space<vmem_shared>> -> memref<10240x64xf32, #tpu.memory_space<vmem_shared>>
        tpu.enqueue_indirect_dma source(%arg11 : memref<128x64xf32, #tpu.memory_space<vmem>>) target(%dma_start3A_90 : memref<10240x64xf32, #tpu.memory_space<vmem_shared>>) offsets(%arg7 : memref<128xi32, #tpu.memory_space<vmem>>) semaphore(%run_scoped3A : memref<!tpu.dma_semaphore, #tpu.memory_space<semaphore_mem>>) {add = true}
        %dma_wait3A_91 = arith.constant 0 : i32
        %dma_wait3A_92 = arith.constant 0 : i32
        %dma_wait3A_93 = tpu.memref_slice %arg6[%dma_wait3A_91, %dma_wait3A_92] : memref<10240x64xf32, #tpu.memory_space<vmem_shared>> -> memref<10240x64xf32, #tpu.memory_space<vmem_shared>>
        tpu.wait_indirect_dma semaphore(%run_scoped3A : memref<!tpu.dma_semaphore, #tpu.memory_space<semaphore_mem>>) src(%arg11 : memref<128x64xf32, #tpu.memory_space<vmem>>) dst(%dma_wait3A_93 : memref<10240x64xf32, #tpu.memory_space<vmem_shared>>)
        tpu.yield
      }) : () -> ()
      %dma_wait3A_70 = tpu.memref_slice %arg3[%add3A_27] : memref<163840xi32, #tpu.memory_space<hbm>> -> memref<128xi32, #tpu.memory_space<hbm>>
      %dma_wait3A_71 = tpu.memref_slice %arg3[%add3A_27] : memref<163840xi32, #tpu.memory_space<hbm>> -> memref<128xi32, #tpu.memory_space<hbm>>
      tpu.wait_dma2 semaphore(%arg16 : memref<!tpu.dma_semaphore, #tpu.memory_space<semaphore_mem>>) src(%dma_wait3A_71 : memref<128xi32, #tpu.memory_space<hbm>>) dst(%arg8 : memref<128xi32, #tpu.memory_space<vmem>>)
      %dma_wait3A_72 = arith.constant 0 : i32
      %dma_wait3A_73 = tpu.memref_slice %arg2[%add3A_27, %dma_wait3A_72] : memref<163840x64xf32, #tpu.memory_space<hbm>> -> memref<128x64xf32, #tpu.memory_space<hbm>>
      %dma_wait3A_74 = arith.constant 0 : i32
      %dma_wait3A_75 = tpu.memref_slice %arg2[%add3A_27, %dma_wait3A_74] : memref<163840x64xf32, #tpu.memory_space<hbm>> -> memref<128x64xf32, #tpu.memory_space<hbm>>
      tpu.wait_dma2 semaphore(%arg20 : memref<!tpu.dma_semaphore, #tpu.memory_space<semaphore_mem>>) src(%dma_wait3A_75 : memref<128x64xf32, #tpu.memory_space<hbm>>) dst(%arg12 : memref<128x64xf32, #tpu.memory_space<vmem>>)
      "tpu.region"() ({
        %run_scoped3A = tpu.sem_alloc : memref<!tpu.dma_semaphore, #tpu.memory_space<semaphore_mem>>
        %dma_start3A_88 = arith.constant 0 : i32
        %dma_start3A_89 = arith.constant 0 : i32
        %dma_start3A_90 = tpu.memref_slice %arg6[%dma_start3A_88, %dma_start3A_89] : memref<10240x64xf32, #tpu.memory_space<vmem_shared>> -> memref<10240x64xf32, #tpu.memory_space<vmem_shared>>
        tpu.enqueue_indirect_dma source(%arg12 : memref<128x64xf32, #tpu.memory_space<vmem>>) target(%dma_start3A_90 : memref<10240x64xf32, #tpu.memory_space<vmem_shared>>) offsets(%arg8 : memref<128xi32, #tpu.memory_space<vmem>>) semaphore(%run_scoped3A : memref<!tpu.dma_semaphore, #tpu.memory_space<semaphore_mem>>) {add = true}
        %dma_wait3A_91 = arith.constant 0 : i32
        %dma_wait3A_92 = arith.constant 0 : i32
        %dma_wait3A_93 = tpu.memref_slice %arg6[%dma_wait3A_91, %dma_wait3A_92] : memref<10240x64xf32, #tpu.memory_space<vmem_shared>> -> memref<10240x64xf32, #tpu.memory_space<vmem_shared>>
        tpu.wait_indirect_dma semaphore(%run_scoped3A : memref<!tpu.dma_semaphore, #tpu.memory_space<semaphore_mem>>) src(%arg12 : memref<128x64xf32, #tpu.memory_space<vmem>>) dst(%dma_wait3A_93 : memref<10240x64xf32, #tpu.memory_space<vmem_shared>>)
        tpu.yield
      }) : () -> ()
      %dma_wait3A_76 = tpu.memref_slice %arg3[%add3A_34] : memref<163840xi32, #tpu.memory_space<hbm>> -> memref<128xi32, #tpu.memory_space<hbm>>
      %dma_wait3A_77 = tpu.memref_slice %arg3[%add3A_34] : memref<163840xi32, #tpu.memory_space<hbm>> -> memref<128xi32, #tpu.memory_space<hbm>>
      tpu.wait_dma2 semaphore(%arg17 : memref<!tpu.dma_semaphore, #tpu.memory_space<semaphore_mem>>) src(%dma_wait3A_77 : memref<128xi32, #tpu.memory_space<hbm>>) dst(%arg9 : memref<128xi32, #tpu.memory_space<vmem>>)
      %dma_wait3A_78 = arith.constant 0 : i32
      %dma_wait3A_79 = tpu.memref_slice %arg2[%add3A_34, %dma_wait3A_78] : memref<163840x64xf32, #tpu.memory_space<hbm>> -> memref<128x64xf32, #tpu.memory_space<hbm>>
      %dma_wait3A_80 = arith.constant 0 : i32
      %dma_wait3A_81 = tpu.memref_slice %arg2[%add3A_34, %dma_wait3A_80] : memref<163840x64xf32, #tpu.memory_space<hbm>> -> memref<128x64xf32, #tpu.memory_space<hbm>>
      tpu.wait_dma2 semaphore(%arg21 : memref<!tpu.dma_semaphore, #tpu.memory_space<semaphore_mem>>) src(%dma_wait3A_81 : memref<128x64xf32, #tpu.memory_space<hbm>>) dst(%arg13 : memref<128x64xf32, #tpu.memory_space<vmem>>)
      "tpu.region"() ({
        %run_scoped3A = tpu.sem_alloc : memref<!tpu.dma_semaphore, #tpu.memory_space<semaphore_mem>>
        %dma_start3A_88 = arith.constant 0 : i32
        %dma_start3A_89 = arith.constant 0 : i32
        %dma_start3A_90 = tpu.memref_slice %arg6[%dma_start3A_88, %dma_start3A_89] : memref<10240x64xf32, #tpu.memory_space<vmem_shared>> -> memref<10240x64xf32, #tpu.memory_space<vmem_shared>>
        tpu.enqueue_indirect_dma source(%arg13 : memref<128x64xf32, #tpu.memory_space<vmem>>) target(%dma_start3A_90 : memref<10240x64xf32, #tpu.memory_space<vmem_shared>>) offsets(%arg9 : memref<128xi32, #tpu.memory_space<vmem>>) semaphore(%run_scoped3A : memref<!tpu.dma_semaphore, #tpu.memory_space<semaphore_mem>>) {add = true}
        %dma_wait3A_91 = arith.constant 0 : i32
        %dma_wait3A_92 = arith.constant 0 : i32
        %dma_wait3A_93 = tpu.memref_slice %arg6[%dma_wait3A_91, %dma_wait3A_92] : memref<10240x64xf32, #tpu.memory_space<vmem_shared>> -> memref<10240x64xf32, #tpu.memory_space<vmem_shared>>
        tpu.wait_indirect_dma semaphore(%run_scoped3A : memref<!tpu.dma_semaphore, #tpu.memory_space<semaphore_mem>>) src(%arg13 : memref<128x64xf32, #tpu.memory_space<vmem>>) dst(%dma_wait3A_93 : memref<10240x64xf32, #tpu.memory_space<vmem_shared>>)
        tpu.yield
      }) : () -> ()
      %dma_wait3A_82 = tpu.memref_slice %arg3[%add3A_41] : memref<163840xi32, #tpu.memory_space<hbm>> -> memref<128xi32, #tpu.memory_space<hbm>>
      %dma_wait3A_83 = tpu.memref_slice %arg3[%add3A_41] : memref<163840xi32, #tpu.memory_space<hbm>> -> memref<128xi32, #tpu.memory_space<hbm>>
      tpu.wait_dma2 semaphore(%arg18 : memref<!tpu.dma_semaphore, #tpu.memory_space<semaphore_mem>>) src(%dma_wait3A_83 : memref<128xi32, #tpu.memory_space<hbm>>) dst(%arg10 : memref<128xi32, #tpu.memory_space<vmem>>)
      %dma_wait3A_84 = arith.constant 0 : i32
      %dma_wait3A_85 = tpu.memref_slice %arg2[%add3A_41, %dma_wait3A_84] : memref<163840x64xf32, #tpu.memory_space<hbm>> -> memref<128x64xf32, #tpu.memory_space<hbm>>
      %dma_wait3A_86 = arith.constant 0 : i32
      %dma_wait3A_87 = tpu.memref_slice %arg2[%add3A_41, %dma_wait3A_86] : memref<163840x64xf32, #tpu.memory_space<hbm>> -> memref<128x64xf32, #tpu.memory_space<hbm>>
      tpu.wait_dma2 semaphore(%arg22 : memref<!tpu.dma_semaphore, #tpu.memory_space<semaphore_mem>>) src(%dma_wait3A_87 : memref<128x64xf32, #tpu.memory_space<hbm>>) dst(%arg14 : memref<128x64xf32, #tpu.memory_space<vmem>>)
      "tpu.region"() ({
        %run_scoped3A = tpu.sem_alloc : memref<!tpu.dma_semaphore, #tpu.memory_space<semaphore_mem>>
        %dma_start3A_88 = arith.constant 0 : i32
        %dma_start3A_89 = arith.constant 0 : i32
        %dma_start3A_90 = tpu.memref_slice %arg6[%dma_start3A_88, %dma_start3A_89] : memref<10240x64xf32, #tpu.memory_space<vmem_shared>> -> memref<10240x64xf32, #tpu.memory_space<vmem_shared>>
        tpu.enqueue_indirect_dma source(%arg14 : memref<128x64xf32, #tpu.memory_space<vmem>>) target(%dma_start3A_90 : memref<10240x64xf32, #tpu.memory_space<vmem_shared>>) offsets(%arg10 : memref<128xi32, #tpu.memory_space<vmem>>) semaphore(%run_scoped3A : memref<!tpu.dma_semaphore, #tpu.memory_space<semaphore_mem>>) {add = true}
        %dma_wait3A_91 = arith.constant 0 : i32
        %dma_wait3A_92 = arith.constant 0 : i32
        %dma_wait3A_93 = tpu.memref_slice %arg6[%dma_wait3A_91, %dma_wait3A_92] : memref<10240x64xf32, #tpu.memory_space<vmem_shared>> -> memref<10240x64xf32, #tpu.memory_space<vmem_shared>>
        tpu.wait_indirect_dma semaphore(%run_scoped3A : memref<!tpu.dma_semaphore, #tpu.memory_space<semaphore_mem>>) src(%arg14 : memref<128x64xf32, #tpu.memory_space<vmem>>) dst(%dma_wait3A_93 : memref<10240x64xf32, #tpu.memory_space<vmem_shared>>)
        tpu.yield
      }) : () -> ()
    }
    %scan3A_11 = arith.constant 10 : i32
    %barrier3A_12 = arith.constant 0 : index
    tpu.barrier barrier_id(%barrier3A_12)
    "tpu.region"() ({
      %run_scoped3A = tpu.sem_alloc : memref<!tpu.dma_semaphore, #tpu.memory_space<semaphore_mem>>
      %dma_start3A = arith.constant 0 : i32
      %dma_start3A_13 = tpu.memref_slice %arg5[%arg0, %mul3A_2, %dma_start3A] : memref<2x10240x64xf32, #tpu.memory_space<hbm>> -> memref<1x640x64xf32, #tpu.memory_space<hbm>>
      %dma_start3A_14 = tpu.memref_squeeze %dma_start3A_13 : memref<1x640x64xf32, #tpu.memory_space<hbm>> -> memref<640x64xf32, #tpu.memory_space<hbm>>
      %dma_start3A_15 = arith.constant 0 : i32
      %dma_start3A_16 = tpu.memref_slice %arg6[%mul3A_2, %dma_start3A_15] : memref<10240x64xf32, #tpu.memory_space<vmem_shared>> -> memref<640x64xf32, #tpu.memory_space<vmem_shared>>
      tpu.enqueue_dma source(%dma_start3A_16 : memref<640x64xf32, #tpu.memory_space<vmem_shared>>) target(%dma_start3A_14 : memref<640x64xf32, #tpu.memory_space<hbm>>) target_semaphore(%run_scoped3A : memref<!tpu.dma_semaphore, #tpu.memory_space<semaphore_mem>>)
      %dma_wait3A = arith.constant 0 : i32
      %dma_wait3A_17 = tpu.memref_slice %arg5[%arg0, %mul3A_2, %dma_wait3A] : memref<2x10240x64xf32, #tpu.memory_space<hbm>> -> memref<1x640x64xf32, #tpu.memory_space<hbm>>
      %dma_wait3A_18 = tpu.memref_squeeze %dma_wait3A_17 : memref<1x640x64xf32, #tpu.memory_space<hbm>> -> memref<640x64xf32, #tpu.memory_space<hbm>>
      %dma_wait3A_19 = arith.constant 0 : i32
      %dma_wait3A_20 = tpu.memref_slice %arg6[%mul3A_2, %dma_wait3A_19] : memref<10240x64xf32, #tpu.memory_space<vmem_shared>> -> memref<640x64xf32, #tpu.memory_space<vmem_shared>>
      tpu.wait_dma2 semaphore(%run_scoped3A : memref<!tpu.dma_semaphore, #tpu.memory_space<semaphore_mem>>) src(%dma_wait3A_20 : memref<640x64xf32, #tpu.memory_space<vmem_shared>>) dst(%dma_wait3A_18 : memref<640x64xf32, #tpu.memory_space<hbm>>)
      tpu.yield
    }) : () -> ()
    return
  }
}

module attributes {stable_mosaic.version = 14 : i64} {
  func.func @_enc_body(%arg0: i32, %arg1: memref<2048x128xf32, #tpu.memory_space<vmem>>, %arg2: memref<128x64xf32, #tpu.memory_space<vmem>>, %arg3: memref<1x64xf32, #tpu.memory_space<vmem>>, %arg4: memref<64x128xf32, #tpu.memory_space<vmem>>, %arg5: memref<4x32xf32, #tpu.memory_space<vmem>>, %arg6: memref<32x64xf32, #tpu.memory_space<vmem>>, %arg7: memref<4x64xf32, #tpu.memory_space<vmem>>, %arg8: memref<2048x64xf32, #tpu.memory_space<vmem>>, %arg9: memref<2048x128xf32, #tpu.memory_space<vmem>>, %arg10: memref<4x128xf32, #tpu.memory_space<vmem>>) attributes {dimension_semantics = [#tpu.dimension_semantics<arbitrary>], iteration_bounds = array<i64: 5>, scalar_prefetch = 0 : i64, scratch_operands = 0 : i64, tpu.core_type = #tpu.core_type<tc>, window_params = [{transform_indices = @transform_0, window_bounds = array<i64: 2048, 128>}, {pipeline_mode = #tpu.pipeline_mode<synchronous>, transform_indices = @transform_1, window_bounds = array<i64: 128, 64>}, {pipeline_mode = #tpu.pipeline_mode<synchronous>, transform_indices = @transform_2, window_bounds = array<i64: 1, 64>}, {pipeline_mode = #tpu.pipeline_mode<synchronous>, transform_indices = @transform_3, window_bounds = array<i64: 64, 128>}, {pipeline_mode = #tpu.pipeline_mode<synchronous>, transform_indices = @transform_4, window_bounds = array<i64: 4, 32>}, {pipeline_mode = #tpu.pipeline_mode<synchronous>, transform_indices = @transform_5, window_bounds = array<i64: 32, 64>}, {pipeline_mode = #tpu.pipeline_mode<synchronous>, transform_indices = @transform_6, window_bounds = array<i64: 4, 64>}, {transform_indices = @transform_7, window_bounds = array<i64: 2048, 64>}, {transform_indices = @transform_8, window_bounds = array<i64: 2048, 128>}, {pipeline_mode = #tpu.pipeline_mode<synchronous>, transform_indices = @transform_9, window_bounds = array<i64: 4, 128>}]} {
    %get3A = arith.constant 0 : index
    %get3A_0 = arith.constant 0 : index
    %get3A_1 = vector.load %arg1[%get3A, %get3A_0] : memref<2048x128xf32, #tpu.memory_space<vmem>>, vector<2048x128xf32>
    %get3A_2 = arith.constant 0 : index
    %get3A_3 = arith.constant 0 : index
    %get3A_4 = vector.load %arg2[%get3A_2, %get3A_3] : memref<128x64xf32, #tpu.memory_space<vmem>>, vector<128x64xf32>
    %dot_general3A = arith.constant dense<0.000000e+00> : vector<2048x64xf32>
    %dot_general3A_5 = tpu.matmul %get3A_1, %get3A_4, %dot_general3A {dimension_numbers = #tpu.dot_dimension_numbers<[1], [0], [0], [1], [0, 0, 1, 1], [], []>, transpose_lhs_hint = false} : vector<2048x128xf32>, vector<128x64xf32>, vector<2048x64xf32> -> vector<2048x64xf32>
    %get3A_6 = arith.constant 0 : index
    %get3A_7 = arith.constant 0 : index
    %get3A_8 = vector.load %arg3[%get3A_6, %get3A_7] : memref<1x64xf32, #tpu.memory_space<vmem>>, vector<1x64xf32>
    %add3A = vector.broadcast %get3A_8 : vector<1x64xf32> to vector<2048x64xf32>
    %add3A_9 = arith.addf %dot_general3A_5, %add3A : vector<2048x64xf32>
    %swap3A = arith.constant 0 : index
    %swap3A_10 = arith.constant 0 : index
    %swap3A_11 = vector.load %arg8[%swap3A, %swap3A_10] : memref<2048x64xf32, #tpu.memory_space<vmem>>, vector<2048x64xf32>
    tpu.vector_store %arg8[%swap3A, %swap3A_10], %add3A_9 {strides = array<i32>} : memref<2048x64xf32, #tpu.memory_space<vmem>>, vector<2048x64xf32>,
    %get3A_12 = arith.constant 0 : index
    %get3A_13 = arith.constant 0 : index
    %get3A_14 = vector.load %arg4[%get3A_12, %get3A_13] : memref<64x128xf32, #tpu.memory_space<vmem>>, vector<64x128xf32>
    %dot_general3A_15 = arith.constant dense<0.000000e+00> : vector<2048x128xf32>
    %dot_general3A_16 = tpu.matmul %add3A_9, %get3A_14, %dot_general3A_15 {dimension_numbers = #tpu.dot_dimension_numbers<[1], [0], [0], [1], [0, 0, 1, 1], [], []>, transpose_lhs_hint = false} : vector<2048x64xf32>, vector<64x128xf32>, vector<2048x128xf32> -> vector<2048x128xf32>
    %swap3A_17 = arith.constant 0 : index
    %swap3A_18 = arith.constant 0 : index
    %swap3A_19 = vector.load %arg9[%swap3A_17, %swap3A_18] : memref<2048x128xf32, #tpu.memory_space<vmem>>, vector<2048x128xf32>
    tpu.vector_store %arg9[%swap3A_17, %swap3A_18], %dot_general3A_16 {strides = array<i32>} : memref<2048x128xf32, #tpu.memory_space<vmem>>, vector<2048x128xf32>,
    %get3A_20 = arith.constant 0 : index
    %get3A_21 = arith.constant 0 : index
    %get3A_22 = vector.load %arg5[%get3A_20, %get3A_21] : memref<4x32xf32, #tpu.memory_space<vmem>>, vector<4x32xf32>
    %get3A_23 = arith.constant 0 : index
    %get3A_24 = arith.constant 0 : index
    %get3A_25 = vector.load %arg6[%get3A_23, %get3A_24] : memref<32x64xf32, #tpu.memory_space<vmem>>, vector<32x64xf32>
    %dot_general3A_26 = arith.constant dense<0.000000e+00> : vector<4x64xf32>
    %dot_general3A_27 = tpu.matmul %get3A_22, %get3A_25, %dot_general3A_26 {dimension_numbers = #tpu.dot_dimension_numbers<[1], [0], [0], [1], [0, 0, 1, 1], [], []>, transpose_lhs_hint = false} : vector<4x32xf32>, vector<32x64xf32>, vector<4x64xf32> -> vector<4x64xf32>
    %get3A_28 = arith.constant 0 : index
    %get3A_29 = arith.constant 0 : index
    %get3A_30 = vector.load %arg7[%get3A_28, %get3A_29] : memref<4x64xf32, #tpu.memory_space<vmem>>, vector<4x64xf32>
    %add3A_31 = arith.addf %dot_general3A_27, %get3A_30 : vector<4x64xf32>
    %concatenate3A = tpu.concatenate %add3A_31, %add3A_31 in 1 : vector<4x64xf32>, vector<4x64xf32> -> vector<4x128xf32>
    %swap3A_32 = arith.constant 0 : index
    %swap3A_33 = arith.constant 0 : index
    %swap3A_34 = vector.load %arg10[%swap3A_32, %swap3A_33] : memref<4x128xf32, #tpu.memory_space<vmem>>, vector<4x128xf32>
    tpu.vector_store %arg10[%swap3A_32, %swap3A_33], %concatenate3A {strides = array<i32>} : memref<4x128xf32, #tpu.memory_space<vmem>>, vector<4x128xf32>,
    return
  }
  func.func @transform_0(%arg0: i32) -> (i32, i32) {
    %c0_i32 = arith.constant 0 : i32
    %c0_i32_0 = arith.constant 0 : i32
    return %arg0, %c0_i32 : i32, i32
  }
  func.func @transform_1(%arg0: i32) -> (i32, i32) {
    %c0_i32 = arith.constant 0 : i32
    %c0_i32_0 = arith.constant 0 : i32
    %c0_i32_1 = arith.constant 0 : i32
    return %c0_i32, %c0_i32_0 : i32, i32
  }
  func.func @transform_2(%arg0: i32) -> (i32, i32) {
    %c0_i32 = arith.constant 0 : i32
    %c0_i32_0 = arith.constant 0 : i32
    %c0_i32_1 = arith.constant 0 : i32
    return %c0_i32, %c0_i32_0 : i32, i32
  }
  func.func @transform_3(%arg0: i32) -> (i32, i32) {
    %c0_i32 = arith.constant 0 : i32
    %c0_i32_0 = arith.constant 0 : i32
    %c0_i32_1 = arith.constant 0 : i32
    return %c0_i32, %c0_i32_0 : i32, i32
  }
  func.func @transform_4(%arg0: i32) -> (i32, i32) {
    %c0_i32 = arith.constant 0 : i32
    %c0_i32_0 = arith.constant 0 : i32
    %c0_i32_1 = arith.constant 0 : i32
    return %c0_i32, %c0_i32_0 : i32, i32
  }
  func.func @transform_5(%arg0: i32) -> (i32, i32) {
    %c0_i32 = arith.constant 0 : i32
    %c0_i32_0 = arith.constant 0 : i32
    %c0_i32_1 = arith.constant 0 : i32
    return %c0_i32, %c0_i32_0 : i32, i32
  }
  func.func @transform_6(%arg0: i32) -> (i32, i32) {
    %c0_i32 = arith.constant 0 : i32
    %c0_i32_0 = arith.constant 0 : i32
    %c0_i32_1 = arith.constant 0 : i32
    return %c0_i32, %c0_i32_0 : i32, i32
  }
  func.func @transform_7(%arg0: i32) -> (i32, i32) {
    %c0_i32 = arith.constant 0 : i32
    %c0_i32_0 = arith.constant 0 : i32
    return %arg0, %c0_i32 : i32, i32
  }
  func.func @transform_8(%arg0: i32) -> (i32, i32) {
    %c0_i32 = arith.constant 0 : i32
    %c0_i32_0 = arith.constant 0 : i32
    return %arg0, %c0_i32 : i32, i32
  }
  func.func @transform_9(%arg0: i32) -> (i32, i32) {
    %c0_i32 = arith.constant 0 : i32
    %c0_i32_0 = arith.constant 0 : i32
    %c0_i32_1 = arith.constant 0 : i32
    return %c0_i32, %c0_i32_0 : i32, i32
  }
}

module attributes {stable_mosaic.version = 14 : i64} {
  func.func @body(%arg0: i32, %arg1: memref<2048x128xf32, #tpu.memory_space<vmem>>, %arg2: memref<2048x128xf32, #tpu.memory_space<vmem>>, %arg3: memref<128x128xf32, #tpu.memory_space<vmem>>, %arg4: memref<1x128xf32, #tpu.memory_space<vmem>>, %arg5: memref<128x128xf32, #tpu.memory_space<vmem>>, %arg6: memref<1x128xf32, #tpu.memory_space<vmem>>, %arg7: memref<4x128xf32, #tpu.memory_space<vmem>>, %arg8: memref<2048x128xf32, #tpu.memory_space<vmem>>) attributes {dimension_semantics = [#tpu.dimension_semantics<arbitrary>], iteration_bounds = array<i64: 40>, scalar_prefetch = 0 : i64, scratch_operands = 0 : i64, tpu.core_type = #tpu.core_type<tc>, window_params = [{transform_indices = @transform_0, window_bounds = array<i64: 2048, 128>}, {transform_indices = @transform_1, window_bounds = array<i64: 2048, 128>}, {pipeline_mode = #tpu.pipeline_mode<synchronous>, transform_indices = @transform_2, window_bounds = array<i64: 128, 128>}, {pipeline_mode = #tpu.pipeline_mode<synchronous>, transform_indices = @transform_3, window_bounds = array<i64: 1, 128>}, {pipeline_mode = #tpu.pipeline_mode<synchronous>, transform_indices = @transform_4, window_bounds = array<i64: 128, 128>}, {pipeline_mode = #tpu.pipeline_mode<synchronous>, transform_indices = @transform_5, window_bounds = array<i64: 1, 128>}, {pipeline_mode = #tpu.pipeline_mode<synchronous>, transform_indices = @transform_6, window_bounds = array<i64: 4, 128>}, {transform_indices = @transform_7, window_bounds = array<i64: 2048, 128>}]} {
    %get3A = arith.constant 0 : index
    %get3A_0 = arith.constant 0 : index
    %get3A_1 = vector.load %arg1[%get3A, %get3A_0] : memref<2048x128xf32, #tpu.memory_space<vmem>>, vector<2048x128xf32>
    %get3A_2 = arith.constant 0 : index
    %get3A_3 = arith.constant 0 : index
    %get3A_4 = vector.load %arg2[%get3A_2, %get3A_3] : memref<2048x128xf32, #tpu.memory_space<vmem>>, vector<2048x128xf32>
    %add3A = arith.addf %get3A_1, %get3A_4 : vector<2048x128xf32>
    %get3A_5 = arith.constant 0 : index
    %get3A_6 = arith.constant 0 : index
    %get3A_7 = vector.load %arg7[%get3A_5, %get3A_6] : memref<4x128xf32, #tpu.memory_space<vmem>>, vector<1x128xf32>
    %add3A_8 = vector.broadcast %get3A_7 : vector<1x128xf32> to vector<2048x128xf32>
    %add3A_9 = arith.addf %add3A, %add3A_8 : vector<2048x128xf32>
    %max3A = arith.constant 0.000000e+00 : f32
    %max3A_10 = vector.broadcast %max3A : f32 to vector<2048x128xf32>
    %max3A_11 = arith.maximumf %add3A_9, %max3A_10 : vector<2048x128xf32>
    %get3A_12 = arith.constant 0 : index
    %get3A_13 = arith.constant 0 : index
    %get3A_14 = vector.load %arg3[%get3A_12, %get3A_13] : memref<128x128xf32, #tpu.memory_space<vmem>>, vector<128x128xf32>
    %dot_general3A = arith.constant dense<0.000000e+00> : vector<2048x128xf32>
    %dot_general3A_15 = tpu.matmul %max3A_11, %get3A_14, %dot_general3A {dimension_numbers = #tpu.dot_dimension_numbers<[1], [0], [0], [1], [0, 0, 1, 1], [], []>, transpose_lhs_hint = false} : vector<2048x128xf32>, vector<128x128xf32>, vector<2048x128xf32> -> vector<2048x128xf32>
    %get3A_16 = arith.constant 0 : index
    %get3A_17 = arith.constant 0 : index
    %get3A_18 = vector.load %arg4[%get3A_16, %get3A_17] : memref<1x128xf32, #tpu.memory_space<vmem>>, vector<1x128xf32>
    %add3A_19 = vector.broadcast %get3A_18 : vector<1x128xf32> to vector<2048x128xf32>
    %add3A_20 = arith.addf %dot_general3A_15, %add3A_19 : vector<2048x128xf32>
    %max3A_21 = arith.constant 0.000000e+00 : f32
    %max3A_22 = vector.broadcast %max3A_21 : f32 to vector<2048x128xf32>
    %max3A_23 = arith.maximumf %add3A_20, %max3A_22 : vector<2048x128xf32>
    %get3A_24 = arith.constant 0 : index
    %get3A_25 = arith.constant 0 : index
    %get3A_26 = vector.load %arg5[%get3A_24, %get3A_25] : memref<128x128xf32, #tpu.memory_space<vmem>>, vector<128x128xf32>
    %dot_general3A_27 = arith.constant dense<0.000000e+00> : vector<2048x128xf32>
    %dot_general3A_28 = tpu.matmul %max3A_23, %get3A_26, %dot_general3A_27 {dimension_numbers = #tpu.dot_dimension_numbers<[1], [0], [0], [1], [0, 0, 1, 1], [], []>, transpose_lhs_hint = false} : vector<2048x128xf32>, vector<128x128xf32>, vector<2048x128xf32> -> vector<2048x128xf32>
    %get3A_29 = arith.constant 0 : index
    %get3A_30 = arith.constant 0 : index
    %get3A_31 = vector.load %arg6[%get3A_29, %get3A_30] : memref<1x128xf32, #tpu.memory_space<vmem>>, vector<1x128xf32>
    %add3A_32 = vector.broadcast %get3A_31 : vector<1x128xf32> to vector<2048x128xf32>
    %add3A_33 = arith.addf %dot_general3A_28, %add3A_32 : vector<2048x128xf32>
    %mul3A = arith.constant 2048 : i32
    %mul3A_34 = arith.muli %arg0, %mul3A : i32
    %add3A_35 = arith.constant 0 : i32
    %add3A_36 = arith.addi %add3A_35, %mul3A_34 : i32
    %iota3A = tpu.iota {dimensions = array<i32: 0>} : vector<2048x1xi32>
    %add3A_37 = vector.broadcast %add3A_36 : i32 to vector<2048x1xi32>
    %add3A_38 = arith.addi %add3A_37, %iota3A : vector<2048x1xi32>
    %lt3A = arith.constant 160000 : i32
    %lt3A_39 = vector.broadcast %lt3A : i32 to vector<2048x1xi32>
    %lt3A_40 = arith.cmpi slt, %add3A_38, %lt3A_39 : vector<2048x1xi32>
    %jit3A = arith.constant 0.000000e+00 : f32
    %broadcast_in_dim3A = vector.shape_cast %lt3A_40 : vector<2048x1xi1> to vector<2048x1xi1>
    %broadcast_in_dim3A_41 = vector.broadcast %broadcast_in_dim3A : vector<2048x1xi1> to vector<2048x128xi1>
    %broadcast_in_dim3A_42 = vector.broadcast %jit3A : f32 to vector<2048x128xf32>
    %select_n3A = arith.select %broadcast_in_dim3A_41, %add3A_33, %broadcast_in_dim3A_42 : vector<2048x128xi1>, vector<2048x128xf32>
    %swap3A = arith.constant 0 : index
    %swap3A_43 = arith.constant 0 : index
    %swap3A_44 = vector.load %arg8[%swap3A, %swap3A_43] : memref<2048x128xf32, #tpu.memory_space<vmem>>, vector<2048x128xf32>
    tpu.vector_store %arg8[%swap3A, %swap3A_43], %select_n3A {strides = array<i32>} : memref<2048x128xf32, #tpu.memory_space<vmem>>, vector<2048x128xf32>,
    return
  }
  func.func @transform_0(%arg0: i32) -> (i32, i32) {
    %c0_i32 = arith.constant 0 : i32
    %c0_i32_0 = arith.constant 0 : i32
    return %arg0, %c0_i32 : i32, i32
  }
  func.func @transform_1(%arg0: i32) -> (i32, i32) {
    %add3A = arith.constant 40 : i32
    %add3A_0 = arith.addi %arg0, %add3A : i32
    %c0_i32 = arith.constant 0 : i32
    %c0_i32_1 = arith.constant 0 : i32
    return %add3A_0, %c0_i32 : i32, i32
  }
  func.func @transform_2(%arg0: i32) -> (i32, i32) {
    %c0_i32 = arith.constant 0 : i32
    %c0_i32_0 = arith.constant 0 : i32
    %c0_i32_1 = arith.constant 0 : i32
    return %c0_i32, %c0_i32_0 : i32, i32
  }
  func.func @transform_3(%arg0: i32) -> (i32, i32) {
    %c0_i32 = arith.constant 0 : i32
    %c0_i32_0 = arith.constant 0 : i32
    %c0_i32_1 = arith.constant 0 : i32
    return %c0_i32, %c0_i32_0 : i32, i32
  }
  func.func @transform_4(%arg0: i32) -> (i32, i32) {
    %c0_i32 = arith.constant 0 : i32
    %c0_i32_0 = arith.constant 0 : i32
    %c0_i32_1 = arith.constant 0 : i32
    return %c0_i32, %c0_i32_0 : i32, i32
  }
  func.func @transform_5(%arg0: i32) -> (i32, i32) {
    %c0_i32 = arith.constant 0 : i32
    %c0_i32_0 = arith.constant 0 : i32
    %c0_i32_1 = arith.constant 0 : i32
    return %c0_i32, %c0_i32_0 : i32, i32
  }
  func.func @transform_6(%arg0: i32) -> (i32, i32) {
    %c0_i32 = arith.constant 0 : i32
    %c0_i32_0 = arith.constant 0 : i32
    %c0_i32_1 = arith.constant 0 : i32
    return %c0_i32, %c0_i32_0 : i32, i32
  }
  func.func @transform_7(%arg0: i32) -> (i32, i32) {
    %c0_i32 = arith.constant 0 : i32
    %c0_i32_0 = arith.constant 0 : i32
    return %arg0, %c0_i32 : i32, i32
  }
}

module attributes {stable_mosaic.version = 14 : i64} {
  func.func @body(%arg0: i32, %arg1: memref<2048x128xf32, #tpu.memory_space<vmem>>, %arg2: memref<2048x128xf32, #tpu.memory_space<vmem>>, %arg3: memref<128x128xf32, #tpu.memory_space<vmem>>, %arg4: memref<1x128xf32, #tpu.memory_space<vmem>>, %arg5: memref<128x128xf32, #tpu.memory_space<vmem>>, %arg6: memref<1x128xf32, #tpu.memory_space<vmem>>, %arg7: memref<4x128xf32, #tpu.memory_space<vmem>>, %arg8: memref<2048x128xf32, #tpu.memory_space<vmem>>) attributes {dimension_semantics = [#tpu.dimension_semantics<arbitrary>], iteration_bounds = array<i64: 40>, scalar_prefetch = 0 : i64, scratch_operands = 0 : i64, tpu.core_type = #tpu.core_type<tc>, window_params = [{transform_indices = @transform_0, window_bounds = array<i64: 2048, 128>}, {transform_indices = @transform_1, window_bounds = array<i64: 2048, 128>}, {pipeline_mode = #tpu.pipeline_mode<synchronous>, transform_indices = @transform_2, window_bounds = array<i64: 128, 128>}, {pipeline_mode = #tpu.pipeline_mode<synchronous>, transform_indices = @transform_3, window_bounds = array<i64: 1, 128>}, {pipeline_mode = #tpu.pipeline_mode<synchronous>, transform_indices = @transform_4, window_bounds = array<i64: 128, 128>}, {pipeline_mode = #tpu.pipeline_mode<synchronous>, transform_indices = @transform_5, window_bounds = array<i64: 1, 128>}, {pipeline_mode = #tpu.pipeline_mode<synchronous>, transform_indices = @transform_6, window_bounds = array<i64: 4, 128>}, {transform_indices = @transform_7, window_bounds = array<i64: 2048, 128>}]} {
    %get3A = arith.constant 0 : index
    %get3A_0 = arith.constant 0 : index
    %get3A_1 = vector.load %arg1[%get3A, %get3A_0] : memref<2048x128xf32, #tpu.memory_space<vmem>>, vector<2048x128xf32>
    %get3A_2 = arith.constant 0 : index
    %get3A_3 = arith.constant 0 : index
    %get3A_4 = vector.load %arg2[%get3A_2, %get3A_3] : memref<2048x128xf32, #tpu.memory_space<vmem>>, vector<2048x128xf32>
    %add3A = arith.addf %get3A_1, %get3A_4 : vector<2048x128xf32>
    %get3A_5 = arith.constant 0 : index
    %get3A_6 = arith.constant 0 : index
    %get3A_7 = vector.load %arg7[%get3A_5, %get3A_6] : memref<4x128xf32, #tpu.memory_space<vmem>>, vector<1x128xf32>
    %add3A_8 = vector.broadcast %get3A_7 : vector<1x128xf32> to vector<2048x128xf32>
    %add3A_9 = arith.addf %add3A, %add3A_8 : vector<2048x128xf32>
    %max3A = arith.constant 0.000000e+00 : f32
    %max3A_10 = vector.broadcast %max3A : f32 to vector<2048x128xf32>
    %max3A_11 = arith.maximumf %add3A_9, %max3A_10 : vector<2048x128xf32>
    %get3A_12 = arith.constant 0 : index
    %get3A_13 = arith.constant 0 : index
    %get3A_14 = vector.load %arg3[%get3A_12, %get3A_13] : memref<128x128xf32, #tpu.memory_space<vmem>>, vector<128x128xf32>
    %dot_general3A = arith.constant dense<0.000000e+00> : vector<2048x128xf32>
    %dot_general3A_15 = tpu.matmul %max3A_11, %get3A_14, %dot_general3A {dimension_numbers = #tpu.dot_dimension_numbers<[1], [0], [0], [1], [0, 0, 1, 1], [], []>, transpose_lhs_hint = false} : vector<2048x128xf32>, vector<128x128xf32>, vector<2048x128xf32> -> vector<2048x128xf32>
    %get3A_16 = arith.constant 0 : index
    %get3A_17 = arith.constant 0 : index
    %get3A_18 = vector.load %arg4[%get3A_16, %get3A_17] : memref<1x128xf32, #tpu.memory_space<vmem>>, vector<1x128xf32>
    %add3A_19 = vector.broadcast %get3A_18 : vector<1x128xf32> to vector<2048x128xf32>
    %add3A_20 = arith.addf %dot_general3A_15, %add3A_19 : vector<2048x128xf32>
    %max3A_21 = arith.constant 0.000000e+00 : f32
    %max3A_22 = vector.broadcast %max3A_21 : f32 to vector<2048x128xf32>
    %max3A_23 = arith.maximumf %add3A_20, %max3A_22 : vector<2048x128xf32>
    %get3A_24 = arith.constant 0 : index
    %get3A_25 = arith.constant 0 : index
    %get3A_26 = vector.load %arg5[%get3A_24, %get3A_25] : memref<128x128xf32, #tpu.memory_space<vmem>>, vector<128x128xf32>
    %dot_general3A_27 = arith.constant dense<0.000000e+00> : vector<2048x128xf32>
    %dot_general3A_28 = tpu.matmul %max3A_23, %get3A_26, %dot_general3A_27 {dimension_numbers = #tpu.dot_dimension_numbers<[1], [0], [0], [1], [0, 0, 1, 1], [], []>, transpose_lhs_hint = false} : vector<2048x128xf32>, vector<128x128xf32>, vector<2048x128xf32> -> vector<2048x128xf32>
    %get3A_29 = arith.constant 0 : index
    %get3A_30 = arith.constant 0 : index
    %get3A_31 = vector.load %arg6[%get3A_29, %get3A_30] : memref<1x128xf32, #tpu.memory_space<vmem>>, vector<1x128xf32>
    %add3A_32 = vector.broadcast %get3A_31 : vector<1x128xf32> to vector<2048x128xf32>
    %add3A_33 = arith.addf %dot_general3A_28, %add3A_32 : vector<2048x128xf32>
    %mul3A = arith.constant 2048 : i32
    %mul3A_34 = arith.muli %arg0, %mul3A : i32
    %add3A_35 = arith.constant 81920 : i32
    %add3A_36 = arith.addi %add3A_35, %mul3A_34 : i32
    %iota3A = tpu.iota {dimensions = array<i32: 0>} : vector<2048x1xi32>
    %add3A_37 = vector.broadcast %add3A_36 : i32 to vector<2048x1xi32>
    %add3A_38 = arith.addi %add3A_37, %iota3A : vector<2048x1xi32>
    %lt3A = arith.constant 160000 : i32
    %lt3A_39 = vector.broadcast %lt3A : i32 to vector<2048x1xi32>
    %lt3A_40 = arith.cmpi slt, %add3A_38, %lt3A_39 : vector<2048x1xi32>
    %jit3A = arith.constant 0.000000e+00 : f32
    %broadcast_in_dim3A = vector.shape_cast %lt3A_40 : vector<2048x1xi1> to vector<2048x1xi1>
    %broadcast_in_dim3A_41 = vector.broadcast %broadcast_in_dim3A : vector<2048x1xi1> to vector<2048x128xi1>
    %broadcast_in_dim3A_42 = vector.broadcast %jit3A : f32 to vector<2048x128xf32>
    %select_n3A = arith.select %broadcast_in_dim3A_41, %add3A_33, %broadcast_in_dim3A_42 : vector<2048x128xi1>, vector<2048x128xf32>
    %swap3A = arith.constant 0 : index
    %swap3A_43 = arith.constant 0 : index
    %swap3A_44 = vector.load %arg8[%swap3A, %swap3A_43] : memref<2048x128xf32, #tpu.memory_space<vmem>>, vector<2048x128xf32>
    tpu.vector_store %arg8[%swap3A, %swap3A_43], %select_n3A {strides = array<i32>} : memref<2048x128xf32, #tpu.memory_space<vmem>>, vector<2048x128xf32>,
    return
  }
  func.func @transform_0(%arg0: i32) -> (i32, i32) {
    %c0_i32 = arith.constant 0 : i32
    %c0_i32_0 = arith.constant 0 : i32
    return %arg0, %c0_i32 : i32, i32
  }
  func.func @transform_1(%arg0: i32) -> (i32, i32) {
    %add3A = arith.constant 40 : i32
    %add3A_0 = arith.addi %arg0, %add3A : i32
    %c0_i32 = arith.constant 0 : i32
    %c0_i32_1 = arith.constant 0 : i32
    return %add3A_0, %c0_i32 : i32, i32
  }
  func.func @transform_2(%arg0: i32) -> (i32, i32) {
    %c0_i32 = arith.constant 0 : i32
    %c0_i32_0 = arith.constant 0 : i32
    %c0_i32_1 = arith.constant 0 : i32
    return %c0_i32, %c0_i32_0 : i32, i32
  }
  func.func @transform_3(%arg0: i32) -> (i32, i32) {
    %c0_i32 = arith.constant 0 : i32
    %c0_i32_0 = arith.constant 0 : i32
    %c0_i32_1 = arith.constant 0 : i32
    return %c0_i32, %c0_i32_0 : i32, i32
  }
  func.func @transform_4(%arg0: i32) -> (i32, i32) {
    %c0_i32 = arith.constant 0 : i32
    %c0_i32_0 = arith.constant 0 : i32
    %c0_i32_1 = arith.constant 0 : i32
    return %c0_i32, %c0_i32_0 : i32, i32
  }
  func.func @transform_5(%arg0: i32) -> (i32, i32) {
    %c0_i32 = arith.constant 0 : i32
    %c0_i32_0 = arith.constant 0 : i32
    %c0_i32_1 = arith.constant 0 : i32
    return %c0_i32, %c0_i32_0 : i32, i32
  }
  func.func @transform_6(%arg0: i32) -> (i32, i32) {
    %c0_i32 = arith.constant 0 : i32
    %c0_i32_0 = arith.constant 0 : i32
    %c0_i32_1 = arith.constant 0 : i32
    return %c0_i32, %c0_i32_0 : i32, i32
  }
  func.func @transform_7(%arg0: i32) -> (i32, i32) {
    %c0_i32 = arith.constant 0 : i32
    %c0_i32_0 = arith.constant 0 : i32
    return %arg0, %c0_i32 : i32, i32
  }
}

module attributes {stable_mosaic.version = 14 : i64} {
  func.func @_node_body(%arg0: i32, %arg1: memref<2048x64xf32, #tpu.memory_space<vmem>>, %arg2: memref<2048x64xf32, #tpu.memory_space<vmem>>, %arg3: memref<2048x64xf32, #tpu.memory_space<vmem>>, %arg4: memref<64x64xf32, #tpu.memory_space<vmem>>, %arg5: memref<64x64xf32, #tpu.memory_space<vmem>>, %arg6: memref<64x64xf32, #tpu.memory_space<vmem>>, %arg7: memref<1x64xf32, #tpu.memory_space<vmem>>, %arg8: memref<64x64xf32, #tpu.memory_space<vmem>>, %arg9: memref<1x64xf32, #tpu.memory_space<vmem>>, %arg10: memref<4x128xf32, #tpu.memory_space<vmem>>, %arg11: memref<1x64xf32, #tpu.memory_space<vmem>>, %arg12: memref<1x64xf32, #tpu.memory_space<vmem>>, %arg13: memref<64x128xf32, #tpu.memory_space<vmem>>, %arg14: memref<1x128xf32, #tpu.memory_space<vmem>>, %arg15: memref<2048x64xf32, #tpu.memory_space<vmem>>, %arg16: memref<2048x128xf32, #tpu.memory_space<vmem>>) attributes {dimension_semantics = [#tpu.dimension_semantics<arbitrary>], iteration_bounds = array<i64: 5>, scalar_prefetch = 0 : i64, scratch_operands = 0 : i64, tpu.core_type = #tpu.core_type<tc>, window_params = [{transform_indices = @transform_0, window_bounds = array<i64: 2048, 64>}, {transform_indices = @transform_1, window_bounds = array<i64: 2048, 64>}, {transform_indices = @transform_2, window_bounds = array<i64: 2048, 64>}, {pipeline_mode = #tpu.pipeline_mode<synchronous>, transform_indices = @transform_3, window_bounds = array<i64: 64, 64>}, {pipeline_mode = #tpu.pipeline_mode<synchronous>, transform_indices = @transform_4, window_bounds = array<i64: 64, 64>}, {pipeline_mode = #tpu.pipeline_mode<synchronous>, transform_indices = @transform_5, window_bounds = array<i64: 64, 64>}, {pipeline_mode = #tpu.pipeline_mode<synchronous>, transform_indices = @transform_6, window_bounds = array<i64: 1, 64>}, {pipeline_mode = #tpu.pipeline_mode<synchronous>, transform_indices = @transform_7, window_bounds = array<i64: 64, 64>}, {pipeline_mode = #tpu.pipeline_mode<synchronous>, transform_indices = @transform_8, window_bounds = array<i64: 1, 64>}, {pipeline_mode = #tpu.pipeline_mode<synchronous>, transform_indices = @transform_9, window_bounds = array<i64: 4, 128>}, {pipeline_mode = #tpu.pipeline_mode<synchronous>, transform_indices = @transform_10, window_bounds = array<i64: 1, 64>}, {pipeline_mode = #tpu.pipeline_mode<synchronous>, transform_indices = @transform_11, window_bounds = array<i64: 1, 64>}, {pipeline_mode = #tpu.pipeline_mode<synchronous>, transform_indices = @transform_12, window_bounds = array<i64: 64, 128>}, {pipeline_mode = #tpu.pipeline_mode<synchronous>, transform_indices = @transform_13, window_bounds = array<i64: 1, 128>}, {transform_indices = @transform_14, window_bounds = array<i64: 2048, 64>}, {transform_indices = @transform_15, window_bounds = array<i64: 2048, 128>}]} {
    %get3A = arith.constant 0 : index
    %get3A_0 = arith.constant 0 : index
    %get3A_1 = vector.load %arg1[%get3A, %get3A_0] : memref<2048x64xf32, #tpu.memory_space<vmem>>, vector<2048x64xf32>
    %get3A_2 = arith.constant 0 : index
    %get3A_3 = arith.constant 0 : index
    %get3A_4 = vector.load %arg2[%get3A_2, %get3A_3] : memref<2048x64xf32, #tpu.memory_space<vmem>>, vector<2048x64xf32>
    %get3A_5 = arith.constant 0 : index
    %get3A_6 = arith.constant 0 : index
    %get3A_7 = vector.load %arg3[%get3A_5, %get3A_6] : memref<2048x64xf32, #tpu.memory_space<vmem>>, vector<2048x64xf32>
    %add3A = arith.addf %get3A_4, %get3A_7 : vector<2048x64xf32>
    %get3A_8 = arith.constant 0 : index
    %get3A_9 = arith.constant 0 : index
    %get3A_10 = vector.load %arg4[%get3A_8, %get3A_9] : memref<64x64xf32, #tpu.memory_space<vmem>>, vector<64x64xf32>
    %dot_general3A = arith.constant dense<0.000000e+00> : vector<2048x64xf32>
    %dot_general3A_11 = tpu.matmul %get3A_1, %get3A_10, %dot_general3A {dimension_numbers = #tpu.dot_dimension_numbers<[1], [0], [0], [1], [0, 0, 1, 1], [], []>, transpose_lhs_hint = false} : vector<2048x64xf32>, vector<64x64xf32>, vector<2048x64xf32> -> vector<2048x64xf32>
    %get3A_12 = arith.constant 0 : index
    %get3A_13 = arith.constant 0 : index
    %get3A_14 = vector.load %arg5[%get3A_12, %get3A_13] : memref<64x64xf32, #tpu.memory_space<vmem>>, vector<64x64xf32>
    %dot_general3A_15 = arith.constant dense<0.000000e+00> : vector<2048x64xf32>
    %dot_general3A_16 = tpu.matmul %add3A, %get3A_14, %dot_general3A_15 {dimension_numbers = #tpu.dot_dimension_numbers<[1], [0], [0], [1], [0, 0, 1, 1], [], []>, transpose_lhs_hint = false} : vector<2048x64xf32>, vector<64x64xf32>, vector<2048x64xf32> -> vector<2048x64xf32>
    %add3A_17 = arith.addf %dot_general3A_11, %dot_general3A_16 : vector<2048x64xf32>
    %get3A_18 = arith.constant 1 : index
    %get3A_19 = arith.constant 0 : index
    %get3A_20 = vector.load %arg10[%get3A_18, %get3A_19] : memref<4x128xf32, #tpu.memory_space<vmem>>, vector<1x64xf32>
    %add3A_21 = vector.broadcast %get3A_20 : vector<1x64xf32> to vector<2048x64xf32>
    %add3A_22 = arith.addf %add3A_17, %add3A_21 : vector<2048x64xf32>
    %max3A = arith.constant 0.000000e+00 : f32
    %max3A_23 = vector.broadcast %max3A : f32 to vector<2048x64xf32>
    %max3A_24 = arith.maximumf %add3A_22, %max3A_23 : vector<2048x64xf32>
    %get3A_25 = arith.constant 0 : index
    %get3A_26 = arith.constant 0 : index
    %get3A_27 = vector.load %arg6[%get3A_25, %get3A_26] : memref<64x64xf32, #tpu.memory_space<vmem>>, vector<64x64xf32>
    %dot_general3A_28 = arith.constant dense<0.000000e+00> : vector<2048x64xf32>
    %dot_general3A_29 = tpu.matmul %max3A_24, %get3A_27, %dot_general3A_28 {dimension_numbers = #tpu.dot_dimension_numbers<[1], [0], [0], [1], [0, 0, 1, 1], [], []>, transpose_lhs_hint = false} : vector<2048x64xf32>, vector<64x64xf32>, vector<2048x64xf32> -> vector<2048x64xf32>
    %get3A_30 = arith.constant 0 : index
    %get3A_31 = arith.constant 0 : index
    %get3A_32 = vector.load %arg7[%get3A_30, %get3A_31] : memref<1x64xf32, #tpu.memory_space<vmem>>, vector<1x64xf32>
    %add3A_33 = vector.broadcast %get3A_32 : vector<1x64xf32> to vector<2048x64xf32>
    %add3A_34 = arith.addf %dot_general3A_29, %add3A_33 : vector<2048x64xf32>
    %max3A_35 = arith.constant 0.000000e+00 : f32
    %max3A_36 = vector.broadcast %max3A_35 : f32 to vector<2048x64xf32>
    %max3A_37 = arith.maximumf %add3A_34, %max3A_36 : vector<2048x64xf32>
    %get3A_38 = arith.constant 0 : index
    %get3A_39 = arith.constant 0 : index
    %get3A_40 = vector.load %arg8[%get3A_38, %get3A_39] : memref<64x64xf32, #tpu.memory_space<vmem>>, vector<64x64xf32>
    %dot_general3A_41 = arith.constant dense<0.000000e+00> : vector<2048x64xf32>
    %dot_general3A_42 = tpu.matmul %max3A_37, %get3A_40, %dot_general3A_41 {dimension_numbers = #tpu.dot_dimension_numbers<[1], [0], [0], [1], [0, 0, 1, 1], [], []>, transpose_lhs_hint = false} : vector<2048x64xf32>, vector<64x64xf32>, vector<2048x64xf32> -> vector<2048x64xf32>
    %get3A_43 = arith.constant 0 : index
    %get3A_44 = arith.constant 0 : index
    %get3A_45 = vector.load %arg9[%get3A_43, %get3A_44] : memref<1x64xf32, #tpu.memory_space<vmem>>, vector<1x64xf32>
    %add3A_46 = vector.broadcast %get3A_45 : vector<1x64xf32> to vector<2048x64xf32>
    %add3A_47 = arith.addf %dot_general3A_42, %add3A_46 : vector<2048x64xf32>
    %add3A_48 = arith.addf %add3A_47, %get3A_1 : vector<2048x64xf32>
    %get3A_49 = arith.constant 0 : index
    %get3A_50 = arith.constant 0 : index
    %get3A_51 = vector.load %arg11[%get3A_49, %get3A_50] : memref<1x64xf32, #tpu.memory_space<vmem>>, vector<1x64xf32>
    %get3A_52 = arith.constant 0 : index
    %get3A_53 = arith.constant 0 : index
    %get3A_54 = vector.load %arg12[%get3A_52, %get3A_53] : memref<1x64xf32, #tpu.memory_space<vmem>>, vector<1x64xf32>
    %reduce_sum3A = arith.constant dense<0.000000e+00> : vector<2048xf32>
    %reduce_sum3A_55 = vector.multi_reduction <add>, %add3A_48, %reduce_sum3A [1] : vector<2048x64xf32> to vector<2048xf32>
    %broadcast_in_dim3A = vector.shape_cast %reduce_sum3A_55 : vector<2048xf32> to vector<2048x1xf32>
    %div3A = arith.constant 6.400000e+01 : f32
    %div3A_56 = vector.broadcast %div3A : f32 to vector<2048x1xf32>
    %div3A_57 = arith.divf %broadcast_in_dim3A, %div3A_56 : vector<2048x1xf32>
    %sub3A = vector.broadcast %div3A_57 : vector<2048x1xf32> to vector<2048x64xf32>
    %sub3A_58 = arith.subf %add3A_48, %sub3A : vector<2048x64xf32>
    %mul3A = arith.mulf %sub3A_58, %sub3A_58 : vector<2048x64xf32>
    %reduce_sum3A_59 = arith.constant dense<0.000000e+00> : vector<2048xf32>
    %reduce_sum3A_60 = vector.multi_reduction <add>, %mul3A, %reduce_sum3A_59 [1] : vector<2048x64xf32> to vector<2048xf32>
    %broadcast_in_dim3A_61 = vector.shape_cast %reduce_sum3A_60 : vector<2048xf32> to vector<2048x1xf32>
    %div3A_62 = arith.constant 6.400000e+01 : f32
    %div3A_63 = vector.broadcast %div3A_62 : f32 to vector<2048x1xf32>
    %div3A_64 = arith.divf %broadcast_in_dim3A_61, %div3A_63 : vector<2048x1xf32>
    %add3A_65 = arith.constant 9.99999997E-7 : f32
    %add3A_66 = vector.broadcast %add3A_65 : f32 to vector<2048x1xf32>
    %add3A_67 = arith.addf %div3A_64, %add3A_66 : vector<2048x1xf32>
    %rsqrt3A = math.rsqrt %add3A_67 : vector<2048x1xf32>
    %mul3A_68 = vector.broadcast %rsqrt3A : vector<2048x1xf32> to vector<2048x64xf32>
    %mul3A_69 = arith.mulf %sub3A_58, %mul3A_68 : vector<2048x64xf32>
    %mul3A_70 = vector.broadcast %get3A_51 : vector<1x64xf32> to vector<2048x64xf32>
    %mul3A_71 = arith.mulf %mul3A_69, %mul3A_70 : vector<2048x64xf32>
    %add3A_72 = vector.broadcast %get3A_54 : vector<1x64xf32> to vector<2048x64xf32>
    %add3A_73 = arith.addf %mul3A_71, %add3A_72 : vector<2048x64xf32>
    %swap3A = arith.constant 0 : index
    %swap3A_74 = arith.constant 0 : index
    %swap3A_75 = vector.load %arg15[%swap3A, %swap3A_74] : memref<2048x64xf32, #tpu.memory_space<vmem>>, vector<2048x64xf32>
    tpu.vector_store %arg15[%swap3A, %swap3A_74], %add3A_73 {strides = array<i32>} : memref<2048x64xf32, #tpu.memory_space<vmem>>, vector<2048x64xf32>,
    %get3A_76 = arith.constant 0 : index
    %get3A_77 = arith.constant 0 : index
    %get3A_78 = vector.load %arg13[%get3A_76, %get3A_77] : memref<64x128xf32, #tpu.memory_space<vmem>>, vector<64x128xf32>
    %dot_general3A_79 = arith.constant dense<0.000000e+00> : vector<2048x128xf32>
    %dot_general3A_80 = tpu.matmul %add3A_73, %get3A_78, %dot_general3A_79 {dimension_numbers = #tpu.dot_dimension_numbers<[1], [0], [0], [1], [0, 0, 1, 1], [], []>, transpose_lhs_hint = false} : vector<2048x64xf32>, vector<64x128xf32>, vector<2048x128xf32> -> vector<2048x128xf32>
    %swap3A_81 = arith.constant 0 : index
    %swap3A_82 = arith.constant 0 : index
    %swap3A_83 = vector.load %arg16[%swap3A_81, %swap3A_82] : memref<2048x128xf32, #tpu.memory_space<vmem>>, vector<2048x128xf32>
    tpu.vector_store %arg16[%swap3A_81, %swap3A_82], %dot_general3A_80 {strides = array<i32>} : memref<2048x128xf32, #tpu.memory_space<vmem>>, vector<2048x128xf32>,
    return
  }
  func.func @transform_0(%arg0: i32) -> (i32, i32) {
    %c0_i32 = arith.constant 0 : i32
    %c0_i32_0 = arith.constant 0 : i32
    return %arg0, %c0_i32 : i32, i32
  }
  func.func @transform_1(%arg0: i32) -> (i32, i32) {
    %c0_i32 = arith.constant 0 : i32
    %c0_i32_0 = arith.constant 0 : i32
    return %arg0, %c0_i32 : i32, i32
  }
  func.func @transform_2(%arg0: i32) -> (i32, i32) {
    %c0_i32 = arith.constant 0 : i32
    %c0_i32_0 = arith.constant 0 : i32
    return %arg0, %c0_i32 : i32, i32
  }
  func.func @transform_3(%arg0: i32) -> (i32, i32) {
    %c0_i32 = arith.constant 0 : i32
    %c0_i32_0 = arith.constant 0 : i32
    %c0_i32_1 = arith.constant 0 : i32
    return %c0_i32, %c0_i32_0 : i32, i32
  }
  func.func @transform_4(%arg0: i32) -> (i32, i32) {
    %c0_i32 = arith.constant 0 : i32
    %c0_i32_0 = arith.constant 0 : i32
    %c0_i32_1 = arith.constant 0 : i32
    return %c0_i32, %c0_i32_0 : i32, i32
  }
  func.func @transform_5(%arg0: i32) -> (i32, i32) {
    %c0_i32 = arith.constant 0 : i32
    %c0_i32_0 = arith.constant 0 : i32
    %c0_i32_1 = arith.constant 0 : i32
    return %c0_i32, %c0_i32_0 : i32, i32
  }
  func.func @transform_6(%arg0: i32) -> (i32, i32) {
    %c0_i32 = arith.constant 0 : i32
    %c0_i32_0 = arith.constant 0 : i32
    %c0_i32_1 = arith.constant 0 : i32
    return %c0_i32, %c0_i32_0 : i32, i32
  }
  func.func @transform_7(%arg0: i32) -> (i32, i32) {
    %c0_i32 = arith.constant 0 : i32
    %c0_i32_0 = arith.constant 0 : i32
    %c0_i32_1 = arith.constant 0 : i32
    return %c0_i32, %c0_i32_0 : i32, i32
  }
  func.func @transform_8(%arg0: i32) -> (i32, i32) {
    %c0_i32 = arith.constant 0 : i32
    %c0_i32_0 = arith.constant 0 : i32
    %c0_i32_1 = arith.constant 0 : i32
    return %c0_i32, %c0_i32_0 : i32, i32
  }
  func.func @transform_9(%arg0: i32) -> (i32, i32) {
    %c0_i32 = arith.constant 0 : i32
    %c0_i32_0 = arith.constant 0 : i32
    %c0_i32_1 = arith.constant 0 : i32
    return %c0_i32, %c0_i32_0 : i32, i32
  }
  func.func @transform_10(%arg0: i32) -> (i32, i32) {
    %c0_i32 = arith.constant 0 : i32
    %c0_i32_0 = arith.constant 0 : i32
    %c0_i32_1 = arith.constant 0 : i32
    return %c0_i32, %c0_i32_0 : i32, i32
  }
  func.func @transform_11(%arg0: i32) -> (i32, i32) {
    %c0_i32 = arith.constant 0 : i32
    %c0_i32_0 = arith.constant 0 : i32
    %c0_i32_1 = arith.constant 0 : i32
    return %c0_i32, %c0_i32_0 : i32, i32
  }
  func.func @transform_12(%arg0: i32) -> (i32, i32) {
    %c0_i32 = arith.constant 0 : i32
    %c0_i32_0 = arith.constant 0 : i32
    %c0_i32_1 = arith.constant 0 : i32
    return %c0_i32, %c0_i32_0 : i32, i32
  }
  func.func @transform_13(%arg0: i32) -> (i32, i32) {
    %c0_i32 = arith.constant 0 : i32
    %c0_i32_0 = arith.constant 0 : i32
    %c0_i32_1 = arith.constant 0 : i32
    return %c0_i32, %c0_i32_0 : i32, i32
  }
  func.func @transform_14(%arg0: i32) -> (i32, i32) {
    %c0_i32 = arith.constant 0 : i32
    %c0_i32_0 = arith.constant 0 : i32
    return %arg0, %c0_i32 : i32, i32
  }
  func.func @transform_15(%arg0: i32) -> (i32, i32) {
    %c0_i32 = arith.constant 0 : i32
    %c0_i32_0 = arith.constant 0 : i32
    return %arg0, %c0_i32 : i32, i32
  }
}

module attributes {stable_mosaic.version = 14 : i64} {
  func.func @_edge_body(%arg0: i32, %arg1: memref<2048x128xf32, #tpu.memory_space<vmem>>, %arg2: memref<2048x128xf32, #tpu.memory_space<vmem>>, %arg3: memref<2048x128xf32, #tpu.memory_space<vmem>>, %arg4: memref<128x128xf32, #tpu.memory_space<vmem>>, %arg5: memref<128x128xf32, #tpu.memory_space<vmem>>, %arg6: memref<1x128xf32, #tpu.memory_space<vmem>>, %arg7: memref<128x128xf32, #tpu.memory_space<vmem>>, %arg8: memref<1x128xf32, #tpu.memory_space<vmem>>, %arg9: memref<4x128xf32, #tpu.memory_space<vmem>>, %arg10: memref<2048x128xf32, #tpu.memory_space<vmem>>) attributes {dimension_semantics = [#tpu.dimension_semantics<arbitrary>], iteration_bounds = array<i64: 40>, scalar_prefetch = 0 : i64, scratch_operands = 0 : i64, tpu.core_type = #tpu.core_type<tc>, window_params = [{transform_indices = @transform_0, window_bounds = array<i64: 2048, 128>}, {transform_indices = @transform_1, window_bounds = array<i64: 2048, 128>}, {transform_indices = @transform_2, window_bounds = array<i64: 2048, 128>}, {pipeline_mode = #tpu.pipeline_mode<synchronous>, transform_indices = @transform_3, window_bounds = array<i64: 128, 128>}, {pipeline_mode = #tpu.pipeline_mode<synchronous>, transform_indices = @transform_4, window_bounds = array<i64: 128, 128>}, {pipeline_mode = #tpu.pipeline_mode<synchronous>, transform_indices = @transform_5, window_bounds = array<i64: 1, 128>}, {pipeline_mode = #tpu.pipeline_mode<synchronous>, transform_indices = @transform_6, window_bounds = array<i64: 128, 128>}, {pipeline_mode = #tpu.pipeline_mode<synchronous>, transform_indices = @transform_7, window_bounds = array<i64: 1, 128>}, {pipeline_mode = #tpu.pipeline_mode<synchronous>, transform_indices = @transform_8, window_bounds = array<i64: 4, 128>}, {transform_indices = @transform_9, window_bounds = array<i64: 2048, 128>}]} {
    %get3A = arith.constant 0 : index
    %get3A_0 = arith.constant 0 : index
    %get3A_1 = vector.load %arg1[%get3A, %get3A_0] : memref<2048x128xf32, #tpu.memory_space<vmem>>, vector<2048x128xf32>
    %get3A_2 = arith.constant 0 : index
    %get3A_3 = arith.constant 0 : index
    %get3A_4 = vector.load %arg2[%get3A_2, %get3A_3] : memref<2048x128xf32, #tpu.memory_space<vmem>>, vector<2048x128xf32>
    %add3A = arith.addf %get3A_1, %get3A_4 : vector<2048x128xf32>
    %get3A_5 = arith.constant 2 : index
    %get3A_6 = arith.constant 0 : index
    %get3A_7 = vector.load %arg9[%get3A_5, %get3A_6] : memref<4x128xf32, #tpu.memory_space<vmem>>, vector<1x128xf32>
    %add3A_8 = vector.broadcast %get3A_7 : vector<1x128xf32> to vector<2048x128xf32>
    %add3A_9 = arith.addf %add3A, %add3A_8 : vector<2048x128xf32>
    %get3A_10 = arith.constant 0 : index
    %get3A_11 = arith.constant 0 : index
    %get3A_12 = vector.load %arg3[%get3A_10, %get3A_11] : memref<2048x128xf32, #tpu.memory_space<vmem>>, vector<2048x128xf32>
    %get3A_13 = arith.constant 0 : index
    %get3A_14 = arith.constant 0 : index
    %get3A_15 = vector.load %arg4[%get3A_13, %get3A_14] : memref<128x128xf32, #tpu.memory_space<vmem>>, vector<128x128xf32>
    %dot_general3A = arith.constant dense<0.000000e+00> : vector<2048x128xf32>
    %dot_general3A_16 = tpu.matmul %get3A_12, %get3A_15, %dot_general3A {dimension_numbers = #tpu.dot_dimension_numbers<[1], [0], [0], [1], [0, 0, 1, 1], [], []>, transpose_lhs_hint = false} : vector<2048x128xf32>, vector<128x128xf32>, vector<2048x128xf32> -> vector<2048x128xf32>
    %add3A_17 = arith.addf %add3A_9, %dot_general3A_16 : vector<2048x128xf32>
    %max3A = arith.constant 0.000000e+00 : f32
    %max3A_18 = vector.broadcast %max3A : f32 to vector<2048x128xf32>
    %max3A_19 = arith.maximumf %add3A_17, %max3A_18 : vector<2048x128xf32>
    %get3A_20 = arith.constant 0 : index
    %get3A_21 = arith.constant 0 : index
    %get3A_22 = vector.load %arg5[%get3A_20, %get3A_21] : memref<128x128xf32, #tpu.memory_space<vmem>>, vector<128x128xf32>
    %dot_general3A_23 = arith.constant dense<0.000000e+00> : vector<2048x128xf32>
    %dot_general3A_24 = tpu.matmul %max3A_19, %get3A_22, %dot_general3A_23 {dimension_numbers = #tpu.dot_dimension_numbers<[1], [0], [0], [1], [0, 0, 1, 1], [], []>, transpose_lhs_hint = false} : vector<2048x128xf32>, vector<128x128xf32>, vector<2048x128xf32> -> vector<2048x128xf32>
    %get3A_25 = arith.constant 0 : index
    %get3A_26 = arith.constant 0 : index
    %get3A_27 = vector.load %arg6[%get3A_25, %get3A_26] : memref<1x128xf32, #tpu.memory_space<vmem>>, vector<1x128xf32>
    %add3A_28 = vector.broadcast %get3A_27 : vector<1x128xf32> to vector<2048x128xf32>
    %add3A_29 = arith.addf %dot_general3A_24, %add3A_28 : vector<2048x128xf32>
    %max3A_30 = arith.constant 0.000000e+00 : f32
    %max3A_31 = vector.broadcast %max3A_30 : f32 to vector<2048x128xf32>
    %max3A_32 = arith.maximumf %add3A_29, %max3A_31 : vector<2048x128xf32>
    %get3A_33 = arith.constant 0 : index
    %get3A_34 = arith.constant 0 : index
    %get3A_35 = vector.load %arg7[%get3A_33, %get3A_34] : memref<128x128xf32, #tpu.memory_space<vmem>>, vector<128x128xf32>
    %dot_general3A_36 = arith.constant dense<0.000000e+00> : vector<2048x128xf32>
    %dot_general3A_37 = tpu.matmul %max3A_32, %get3A_35, %dot_general3A_36 {dimension_numbers = #tpu.dot_dimension_numbers<[1], [0], [0], [1], [0, 0, 1, 1], [], []>, transpose_lhs_hint = false} : vector<2048x128xf32>, vector<128x128xf32>, vector<2048x128xf32> -> vector<2048x128xf32>
    %get3A_38 = arith.constant 0 : index
    %get3A_39 = arith.constant 0 : index
    %get3A_40 = vector.load %arg8[%get3A_38, %get3A_39] : memref<1x128xf32, #tpu.memory_space<vmem>>, vector<1x128xf32>
    %add3A_41 = vector.broadcast %get3A_40 : vector<1x128xf32> to vector<2048x128xf32>
    %add3A_42 = arith.addf %dot_general3A_37, %add3A_41 : vector<2048x128xf32>
    %mul3A = arith.constant 2048 : i32
    %mul3A_43 = arith.muli %arg0, %mul3A : i32
    %add3A_44 = arith.constant 0 : i32
    %add3A_45 = arith.addi %add3A_44, %mul3A_43 : i32
    %iota3A = tpu.iota {dimensions = array<i32: 0>} : vector<2048x1xi32>
    %add3A_46 = vector.broadcast %add3A_45 : i32 to vector<2048x1xi32>
    %add3A_47 = arith.addi %add3A_46, %iota3A : vector<2048x1xi32>
    %lt3A = arith.constant 160000 : i32
    %lt3A_48 = vector.broadcast %lt3A : i32 to vector<2048x1xi32>
    %lt3A_49 = arith.cmpi slt, %add3A_47, %lt3A_48 : vector<2048x1xi32>
    %jit3A = arith.constant 0.000000e+00 : f32
    %broadcast_in_dim3A = vector.shape_cast %lt3A_49 : vector<2048x1xi1> to vector<2048x1xi1>
    %broadcast_in_dim3A_50 = vector.broadcast %broadcast_in_dim3A : vector<2048x1xi1> to vector<2048x128xi1>
    %broadcast_in_dim3A_51 = vector.broadcast %jit3A : f32 to vector<2048x128xf32>
    %select_n3A = arith.select %broadcast_in_dim3A_50, %add3A_42, %broadcast_in_dim3A_51 : vector<2048x128xi1>, vector<2048x128xf32>
    %swap3A = arith.constant 0 : index
    %swap3A_52 = arith.constant 0 : index
    %swap3A_53 = vector.load %arg10[%swap3A, %swap3A_52] : memref<2048x128xf32, #tpu.memory_space<vmem>>, vector<2048x128xf32>
    tpu.vector_store %arg10[%swap3A, %swap3A_52], %select_n3A {strides = array<i32>} : memref<2048x128xf32, #tpu.memory_space<vmem>>, vector<2048x128xf32>,
    return
  }
  func.func @transform_0(%arg0: i32) -> (i32, i32) {
    %c0_i32 = arith.constant 0 : i32
    %c0_i32_0 = arith.constant 0 : i32
    return %arg0, %c0_i32 : i32, i32
  }
  func.func @transform_1(%arg0: i32) -> (i32, i32) {
    %add3A = arith.constant 40 : i32
    %add3A_0 = arith.addi %arg0, %add3A : i32
    %c0_i32 = arith.constant 0 : i32
    %c0_i32_1 = arith.constant 0 : i32
    return %add3A_0, %c0_i32 : i32, i32
  }
  func.func @transform_2(%arg0: i32) -> (i32, i32) {
    %c0_i32 = arith.constant 0 : i32
    %c0_i32_0 = arith.constant 0 : i32
    return %arg0, %c0_i32 : i32, i32
  }
  func.func @transform_3(%arg0: i32) -> (i32, i32) {
    %c0_i32 = arith.constant 0 : i32
    %c0_i32_0 = arith.constant 0 : i32
    %c0_i32_1 = arith.constant 0 : i32
    return %c0_i32, %c0_i32_0 : i32, i32
  }
  func.func @transform_4(%arg0: i32) -> (i32, i32) {
    %c0_i32 = arith.constant 0 : i32
    %c0_i32_0 = arith.constant 0 : i32
    %c0_i32_1 = arith.constant 0 : i32
    return %c0_i32, %c0_i32_0 : i32, i32
  }
  func.func @transform_5(%arg0: i32) -> (i32, i32) {
    %c0_i32 = arith.constant 0 : i32
    %c0_i32_0 = arith.constant 0 : i32
    %c0_i32_1 = arith.constant 0 : i32
    return %c0_i32, %c0_i32_0 : i32, i32
  }
  func.func @transform_6(%arg0: i32) -> (i32, i32) {
    %c0_i32 = arith.constant 0 : i32
    %c0_i32_0 = arith.constant 0 : i32
    %c0_i32_1 = arith.constant 0 : i32
    return %c0_i32, %c0_i32_0 : i32, i32
  }
  func.func @transform_7(%arg0: i32) -> (i32, i32) {
    %c0_i32 = arith.constant 0 : i32
    %c0_i32_0 = arith.constant 0 : i32
    %c0_i32_1 = arith.constant 0 : i32
    return %c0_i32, %c0_i32_0 : i32, i32
  }
  func.func @transform_8(%arg0: i32) -> (i32, i32) {
    %c0_i32 = arith.constant 0 : i32
    %c0_i32_0 = arith.constant 0 : i32
    %c0_i32_1 = arith.constant 0 : i32
    return %c0_i32, %c0_i32_0 : i32, i32
  }
  func.func @transform_9(%arg0: i32) -> (i32, i32) {
    %c0_i32 = arith.constant 0 : i32
    %c0_i32_0 = arith.constant 0 : i32
    return %arg0, %c0_i32 : i32, i32
  }
}

module attributes {stable_mosaic.version = 14 : i64} {
  func.func @_edge_body(%arg0: i32, %arg1: memref<2048x128xf32, #tpu.memory_space<vmem>>, %arg2: memref<2048x128xf32, #tpu.memory_space<vmem>>, %arg3: memref<2048x128xf32, #tpu.memory_space<vmem>>, %arg4: memref<128x128xf32, #tpu.memory_space<vmem>>, %arg5: memref<128x128xf32, #tpu.memory_space<vmem>>, %arg6: memref<1x128xf32, #tpu.memory_space<vmem>>, %arg7: memref<128x128xf32, #tpu.memory_space<vmem>>, %arg8: memref<1x128xf32, #tpu.memory_space<vmem>>, %arg9: memref<4x128xf32, #tpu.memory_space<vmem>>, %arg10: memref<2048x128xf32, #tpu.memory_space<vmem>>) attributes {dimension_semantics = [#tpu.dimension_semantics<arbitrary>], iteration_bounds = array<i64: 40>, scalar_prefetch = 0 : i64, scratch_operands = 0 : i64, tpu.core_type = #tpu.core_type<tc>, window_params = [{transform_indices = @transform_0, window_bounds = array<i64: 2048, 128>}, {transform_indices = @transform_1, window_bounds = array<i64: 2048, 128>}, {transform_indices = @transform_2, window_bounds = array<i64: 2048, 128>}, {pipeline_mode = #tpu.pipeline_mode<synchronous>, transform_indices = @transform_3, window_bounds = array<i64: 128, 128>}, {pipeline_mode = #tpu.pipeline_mode<synchronous>, transform_indices = @transform_4, window_bounds = array<i64: 128, 128>}, {pipeline_mode = #tpu.pipeline_mode<synchronous>, transform_indices = @transform_5, window_bounds = array<i64: 1, 128>}, {pipeline_mode = #tpu.pipeline_mode<synchronous>, transform_indices = @transform_6, window_bounds = array<i64: 128, 128>}, {pipeline_mode = #tpu.pipeline_mode<synchronous>, transform_indices = @transform_7, window_bounds = array<i64: 1, 128>}, {pipeline_mode = #tpu.pipeline_mode<synchronous>, transform_indices = @transform_8, window_bounds = array<i64: 4, 128>}, {transform_indices = @transform_9, window_bounds = array<i64: 2048, 128>}]} {
    %get3A = arith.constant 0 : index
    %get3A_0 = arith.constant 0 : index
    %get3A_1 = vector.load %arg1[%get3A, %get3A_0] : memref<2048x128xf32, #tpu.memory_space<vmem>>, vector<2048x128xf32>
    %get3A_2 = arith.constant 0 : index
    %get3A_3 = arith.constant 0 : index
    %get3A_4 = vector.load %arg2[%get3A_2, %get3A_3] : memref<2048x128xf32, #tpu.memory_space<vmem>>, vector<2048x128xf32>
    %add3A = arith.addf %get3A_1, %get3A_4 : vector<2048x128xf32>
    %get3A_5 = arith.constant 2 : index
    %get3A_6 = arith.constant 0 : index
    %get3A_7 = vector.load %arg9[%get3A_5, %get3A_6] : memref<4x128xf32, #tpu.memory_space<vmem>>, vector<1x128xf32>
    %add3A_8 = vector.broadcast %get3A_7 : vector<1x128xf32> to vector<2048x128xf32>
    %add3A_9 = arith.addf %add3A, %add3A_8 : vector<2048x128xf32>
    %get3A_10 = arith.constant 0 : index
    %get3A_11 = arith.constant 0 : index
    %get3A_12 = vector.load %arg3[%get3A_10, %get3A_11] : memref<2048x128xf32, #tpu.memory_space<vmem>>, vector<2048x128xf32>
    %get3A_13 = arith.constant 0 : index
    %get3A_14 = arith.constant 0 : index
    %get3A_15 = vector.load %arg4[%get3A_13, %get3A_14] : memref<128x128xf32, #tpu.memory_space<vmem>>, vector<128x128xf32>
    %dot_general3A = arith.constant dense<0.000000e+00> : vector<2048x128xf32>
    %dot_general3A_16 = tpu.matmul %get3A_12, %get3A_15, %dot_general3A {dimension_numbers = #tpu.dot_dimension_numbers<[1], [0], [0], [1], [0, 0, 1, 1], [], []>, transpose_lhs_hint = false} : vector<2048x128xf32>, vector<128x128xf32>, vector<2048x128xf32> -> vector<2048x128xf32>
    %add3A_17 = arith.addf %add3A_9, %dot_general3A_16 : vector<2048x128xf32>
    %max3A = arith.constant 0.000000e+00 : f32
    %max3A_18 = vector.broadcast %max3A : f32 to vector<2048x128xf32>
    %max3A_19 = arith.maximumf %add3A_17, %max3A_18 : vector<2048x128xf32>
    %get3A_20 = arith.constant 0 : index
    %get3A_21 = arith.constant 0 : index
    %get3A_22 = vector.load %arg5[%get3A_20, %get3A_21] : memref<128x128xf32, #tpu.memory_space<vmem>>, vector<128x128xf32>
    %dot_general3A_23 = arith.constant dense<0.000000e+00> : vector<2048x128xf32>
    %dot_general3A_24 = tpu.matmul %max3A_19, %get3A_22, %dot_general3A_23 {dimension_numbers = #tpu.dot_dimension_numbers<[1], [0], [0], [1], [0, 0, 1, 1], [], []>, transpose_lhs_hint = false} : vector<2048x128xf32>, vector<128x128xf32>, vector<2048x128xf32> -> vector<2048x128xf32>
    %get3A_25 = arith.constant 0 : index
    %get3A_26 = arith.constant 0 : index
    %get3A_27 = vector.load %arg6[%get3A_25, %get3A_26] : memref<1x128xf32, #tpu.memory_space<vmem>>, vector<1x128xf32>
    %add3A_28 = vector.broadcast %get3A_27 : vector<1x128xf32> to vector<2048x128xf32>
    %add3A_29 = arith.addf %dot_general3A_24, %add3A_28 : vector<2048x128xf32>
    %max3A_30 = arith.constant 0.000000e+00 : f32
    %max3A_31 = vector.broadcast %max3A_30 : f32 to vector<2048x128xf32>
    %max3A_32 = arith.maximumf %add3A_29, %max3A_31 : vector<2048x128xf32>
    %get3A_33 = arith.constant 0 : index
    %get3A_34 = arith.constant 0 : index
    %get3A_35 = vector.load %arg7[%get3A_33, %get3A_34] : memref<128x128xf32, #tpu.memory_space<vmem>>, vector<128x128xf32>
    %dot_general3A_36 = arith.constant dense<0.000000e+00> : vector<2048x128xf32>
    %dot_general3A_37 = tpu.matmul %max3A_32, %get3A_35, %dot_general3A_36 {dimension_numbers = #tpu.dot_dimension_numbers<[1], [0], [0], [1], [0, 0, 1, 1], [], []>, transpose_lhs_hint = false} : vector<2048x128xf32>, vector<128x128xf32>, vector<2048x128xf32> -> vector<2048x128xf32>
    %get3A_38 = arith.constant 0 : index
    %get3A_39 = arith.constant 0 : index
    %get3A_40 = vector.load %arg8[%get3A_38, %get3A_39] : memref<1x128xf32, #tpu.memory_space<vmem>>, vector<1x128xf32>
    %add3A_41 = vector.broadcast %get3A_40 : vector<1x128xf32> to vector<2048x128xf32>
    %add3A_42 = arith.addf %dot_general3A_37, %add3A_41 : vector<2048x128xf32>
    %mul3A = arith.constant 2048 : i32
    %mul3A_43 = arith.muli %arg0, %mul3A : i32
    %add3A_44 = arith.constant 81920 : i32
    %add3A_45 = arith.addi %add3A_44, %mul3A_43 : i32
    %iota3A = tpu.iota {dimensions = array<i32: 0>} : vector<2048x1xi32>
    %add3A_46 = vector.broadcast %add3A_45 : i32 to vector<2048x1xi32>
    %add3A_47 = arith.addi %add3A_46, %iota3A : vector<2048x1xi32>
    %lt3A = arith.constant 160000 : i32
    %lt3A_48 = vector.broadcast %lt3A : i32 to vector<2048x1xi32>
    %lt3A_49 = arith.cmpi slt, %add3A_47, %lt3A_48 : vector<2048x1xi32>
    %jit3A = arith.constant 0.000000e+00 : f32
    %broadcast_in_dim3A = vector.shape_cast %lt3A_49 : vector<2048x1xi1> to vector<2048x1xi1>
    %broadcast_in_dim3A_50 = vector.broadcast %broadcast_in_dim3A : vector<2048x1xi1> to vector<2048x128xi1>
    %broadcast_in_dim3A_51 = vector.broadcast %jit3A : f32 to vector<2048x128xf32>
    %select_n3A = arith.select %broadcast_in_dim3A_50, %add3A_42, %broadcast_in_dim3A_51 : vector<2048x128xi1>, vector<2048x128xf32>
    %swap3A = arith.constant 0 : index
    %swap3A_52 = arith.constant 0 : index
    %swap3A_53 = vector.load %arg10[%swap3A, %swap3A_52] : memref<2048x128xf32, #tpu.memory_space<vmem>>, vector<2048x128xf32>
    tpu.vector_store %arg10[%swap3A, %swap3A_52], %select_n3A {strides = array<i32>} : memref<2048x128xf32, #tpu.memory_space<vmem>>, vector<2048x128xf32>,
    return
  }
  func.func @transform_0(%arg0: i32) -> (i32, i32) {
    %c0_i32 = arith.constant 0 : i32
    %c0_i32_0 = arith.constant 0 : i32
    return %arg0, %c0_i32 : i32, i32
  }
  func.func @transform_1(%arg0: i32) -> (i32, i32) {
    %add3A = arith.constant 40 : i32
    %add3A_0 = arith.addi %arg0, %add3A : i32
    %c0_i32 = arith.constant 0 : i32
    %c0_i32_1 = arith.constant 0 : i32
    return %add3A_0, %c0_i32 : i32, i32
  }
  func.func @transform_2(%arg0: i32) -> (i32, i32) {
    %c0_i32 = arith.constant 0 : i32
    %c0_i32_0 = arith.constant 0 : i32
    return %arg0, %c0_i32 : i32, i32
  }
  func.func @transform_3(%arg0: i32) -> (i32, i32) {
    %c0_i32 = arith.constant 0 : i32
    %c0_i32_0 = arith.constant 0 : i32
    %c0_i32_1 = arith.constant 0 : i32
    return %c0_i32, %c0_i32_0 : i32, i32
  }
  func.func @transform_4(%arg0: i32) -> (i32, i32) {
    %c0_i32 = arith.constant 0 : i32
    %c0_i32_0 = arith.constant 0 : i32
    %c0_i32_1 = arith.constant 0 : i32
    return %c0_i32, %c0_i32_0 : i32, i32
  }
  func.func @transform_5(%arg0: i32) -> (i32, i32) {
    %c0_i32 = arith.constant 0 : i32
    %c0_i32_0 = arith.constant 0 : i32
    %c0_i32_1 = arith.constant 0 : i32
    return %c0_i32, %c0_i32_0 : i32, i32
  }
  func.func @transform_6(%arg0: i32) -> (i32, i32) {
    %c0_i32 = arith.constant 0 : i32
    %c0_i32_0 = arith.constant 0 : i32
    %c0_i32_1 = arith.constant 0 : i32
    return %c0_i32, %c0_i32_0 : i32, i32
  }
  func.func @transform_7(%arg0: i32) -> (i32, i32) {
    %c0_i32 = arith.constant 0 : i32
    %c0_i32_0 = arith.constant 0 : i32
    %c0_i32_1 = arith.constant 0 : i32
    return %c0_i32, %c0_i32_0 : i32, i32
  }
  func.func @transform_8(%arg0: i32) -> (i32, i32) {
    %c0_i32 = arith.constant 0 : i32
    %c0_i32_0 = arith.constant 0 : i32
    %c0_i32_1 = arith.constant 0 : i32
    return %c0_i32, %c0_i32_0 : i32, i32
  }
  func.func @transform_9(%arg0: i32) -> (i32, i32) {
    %c0_i32 = arith.constant 0 : i32
    %c0_i32_0 = arith.constant 0 : i32
    return %arg0, %c0_i32 : i32, i32
  }
}

module attributes {stable_mosaic.version = 14 : i64} {
  func.func @_node_body(%arg0: i32, %arg1: memref<2048x64xf32, #tpu.memory_space<vmem>>, %arg2: memref<2048x64xf32, #tpu.memory_space<vmem>>, %arg3: memref<2048x64xf32, #tpu.memory_space<vmem>>, %arg4: memref<64x64xf32, #tpu.memory_space<vmem>>, %arg5: memref<64x64xf32, #tpu.memory_space<vmem>>, %arg6: memref<64x64xf32, #tpu.memory_space<vmem>>, %arg7: memref<1x64xf32, #tpu.memory_space<vmem>>, %arg8: memref<64x64xf32, #tpu.memory_space<vmem>>, %arg9: memref<1x64xf32, #tpu.memory_space<vmem>>, %arg10: memref<4x128xf32, #tpu.memory_space<vmem>>, %arg11: memref<1x64xf32, #tpu.memory_space<vmem>>, %arg12: memref<1x64xf32, #tpu.memory_space<vmem>>, %arg13: memref<64x128xf32, #tpu.memory_space<vmem>>, %arg14: memref<1x128xf32, #tpu.memory_space<vmem>>, %arg15: memref<2048x128xf32, #tpu.memory_space<vmem>>) attributes {dimension_semantics = [#tpu.dimension_semantics<arbitrary>], iteration_bounds = array<i64: 5>, scalar_prefetch = 0 : i64, scratch_operands = 0 : i64, tpu.core_type = #tpu.core_type<tc>, window_params = [{transform_indices = @transform_0, window_bounds = array<i64: 2048, 64>}, {transform_indices = @transform_1, window_bounds = array<i64: 2048, 64>}, {transform_indices = @transform_2, window_bounds = array<i64: 2048, 64>}, {pipeline_mode = #tpu.pipeline_mode<synchronous>, transform_indices = @transform_3, window_bounds = array<i64: 64, 64>}, {pipeline_mode = #tpu.pipeline_mode<synchronous>, transform_indices = @transform_4, window_bounds = array<i64: 64, 64>}, {pipeline_mode = #tpu.pipeline_mode<synchronous>, transform_indices = @transform_5, window_bounds = array<i64: 64, 64>}, {pipeline_mode = #tpu.pipeline_mode<synchronous>, transform_indices = @transform_6, window_bounds = array<i64: 1, 64>}, {pipeline_mode = #tpu.pipeline_mode<synchronous>, transform_indices = @transform_7, window_bounds = array<i64: 64, 64>}, {pipeline_mode = #tpu.pipeline_mode<synchronous>, transform_indices = @transform_8, window_bounds = array<i64: 1, 64>}, {pipeline_mode = #tpu.pipeline_mode<synchronous>, transform_indices = @transform_9, window_bounds = array<i64: 4, 128>}, {pipeline_mode = #tpu.pipeline_mode<synchronous>, transform_indices = @transform_10, window_bounds = array<i64: 1, 64>}, {pipeline_mode = #tpu.pipeline_mode<synchronous>, transform_indices = @transform_11, window_bounds = array<i64: 1, 64>}, {pipeline_mode = #tpu.pipeline_mode<synchronous>, transform_indices = @transform_12, window_bounds = array<i64: 64, 128>}, {pipeline_mode = #tpu.pipeline_mode<synchronous>, transform_indices = @transform_13, window_bounds = array<i64: 1, 128>}, {transform_indices = @transform_14, window_bounds = array<i64: 2048, 128>}]} {
    %get3A = arith.constant 0 : index
    %get3A_0 = arith.constant 0 : index
    %get3A_1 = vector.load %arg1[%get3A, %get3A_0] : memref<2048x64xf32, #tpu.memory_space<vmem>>, vector<2048x64xf32>
    %get3A_2 = arith.constant 0 : index
    %get3A_3 = arith.constant 0 : index
    %get3A_4 = vector.load %arg2[%get3A_2, %get3A_3] : memref<2048x64xf32, #tpu.memory_space<vmem>>, vector<2048x64xf32>
    %get3A_5 = arith.constant 0 : index
    %get3A_6 = arith.constant 0 : index
    %get3A_7 = vector.load %arg3[%get3A_5, %get3A_6] : memref<2048x64xf32, #tpu.memory_space<vmem>>, vector<2048x64xf32>
    %add3A = arith.addf %get3A_4, %get3A_7 : vector<2048x64xf32>
    %get3A_8 = arith.constant 0 : index
    %get3A_9 = arith.constant 0 : index
    %get3A_10 = vector.load %arg4[%get3A_8, %get3A_9] : memref<64x64xf32, #tpu.memory_space<vmem>>, vector<64x64xf32>
    %dot_general3A = arith.constant dense<0.000000e+00> : vector<2048x64xf32>
    %dot_general3A_11 = tpu.matmul %get3A_1, %get3A_10, %dot_general3A {dimension_numbers = #tpu.dot_dimension_numbers<[1], [0], [0], [1], [0, 0, 1, 1], [], []>, transpose_lhs_hint = false} : vector<2048x64xf32>, vector<64x64xf32>, vector<2048x64xf32> -> vector<2048x64xf32>
    %get3A_12 = arith.constant 0 : index
    %get3A_13 = arith.constant 0 : index
    %get3A_14 = vector.load %arg5[%get3A_12, %get3A_13] : memref<64x64xf32, #tpu.memory_space<vmem>>, vector<64x64xf32>
    %dot_general3A_15 = arith.constant dense<0.000000e+00> : vector<2048x64xf32>
    %dot_general3A_16 = tpu.matmul %add3A, %get3A_14, %dot_general3A_15 {dimension_numbers = #tpu.dot_dimension_numbers<[1], [0], [0], [1], [0, 0, 1, 1], [], []>, transpose_lhs_hint = false} : vector<2048x64xf32>, vector<64x64xf32>, vector<2048x64xf32> -> vector<2048x64xf32>
    %add3A_17 = arith.addf %dot_general3A_11, %dot_general3A_16 : vector<2048x64xf32>
    %get3A_18 = arith.constant 3 : index
    %get3A_19 = arith.constant 0 : index
    %get3A_20 = vector.load %arg10[%get3A_18, %get3A_19] : memref<4x128xf32, #tpu.memory_space<vmem>>, vector<1x64xf32>
    %add3A_21 = vector.broadcast %get3A_20 : vector<1x64xf32> to vector<2048x64xf32>
    %add3A_22 = arith.addf %add3A_17, %add3A_21 : vector<2048x64xf32>
    %max3A = arith.constant 0.000000e+00 : f32
    %max3A_23 = vector.broadcast %max3A : f32 to vector<2048x64xf32>
    %max3A_24 = arith.maximumf %add3A_22, %max3A_23 : vector<2048x64xf32>
    %get3A_25 = arith.constant 0 : index
    %get3A_26 = arith.constant 0 : index
    %get3A_27 = vector.load %arg6[%get3A_25, %get3A_26] : memref<64x64xf32, #tpu.memory_space<vmem>>, vector<64x64xf32>
    %dot_general3A_28 = arith.constant dense<0.000000e+00> : vector<2048x64xf32>
    %dot_general3A_29 = tpu.matmul %max3A_24, %get3A_27, %dot_general3A_28 {dimension_numbers = #tpu.dot_dimension_numbers<[1], [0], [0], [1], [0, 0, 1, 1], [], []>, transpose_lhs_hint = false} : vector<2048x64xf32>, vector<64x64xf32>, vector<2048x64xf32> -> vector<2048x64xf32>
    %get3A_30 = arith.constant 0 : index
    %get3A_31 = arith.constant 0 : index
    %get3A_32 = vector.load %arg7[%get3A_30, %get3A_31] : memref<1x64xf32, #tpu.memory_space<vmem>>, vector<1x64xf32>
    %add3A_33 = vector.broadcast %get3A_32 : vector<1x64xf32> to vector<2048x64xf32>
    %add3A_34 = arith.addf %dot_general3A_29, %add3A_33 : vector<2048x64xf32>
    %max3A_35 = arith.constant 0.000000e+00 : f32
    %max3A_36 = vector.broadcast %max3A_35 : f32 to vector<2048x64xf32>
    %max3A_37 = arith.maximumf %add3A_34, %max3A_36 : vector<2048x64xf32>
    %get3A_38 = arith.constant 0 : index
    %get3A_39 = arith.constant 0 : index
    %get3A_40 = vector.load %arg8[%get3A_38, %get3A_39] : memref<64x64xf32, #tpu.memory_space<vmem>>, vector<64x64xf32>
    %dot_general3A_41 = arith.constant dense<0.000000e+00> : vector<2048x64xf32>
    %dot_general3A_42 = tpu.matmul %max3A_37, %get3A_40, %dot_general3A_41 {dimension_numbers = #tpu.dot_dimension_numbers<[1], [0], [0], [1], [0, 0, 1, 1], [], []>, transpose_lhs_hint = false} : vector<2048x64xf32>, vector<64x64xf32>, vector<2048x64xf32> -> vector<2048x64xf32>
    %get3A_43 = arith.constant 0 : index
    %get3A_44 = arith.constant 0 : index
    %get3A_45 = vector.load %arg9[%get3A_43, %get3A_44] : memref<1x64xf32, #tpu.memory_space<vmem>>, vector<1x64xf32>
    %add3A_46 = vector.broadcast %get3A_45 : vector<1x64xf32> to vector<2048x64xf32>
    %add3A_47 = arith.addf %dot_general3A_42, %add3A_46 : vector<2048x64xf32>
    %add3A_48 = arith.addf %add3A_47, %get3A_1 : vector<2048x64xf32>
    %get3A_49 = arith.constant 0 : index
    %get3A_50 = arith.constant 0 : index
    %get3A_51 = vector.load %arg11[%get3A_49, %get3A_50] : memref<1x64xf32, #tpu.memory_space<vmem>>, vector<1x64xf32>
    %get3A_52 = arith.constant 0 : index
    %get3A_53 = arith.constant 0 : index
    %get3A_54 = vector.load %arg12[%get3A_52, %get3A_53] : memref<1x64xf32, #tpu.memory_space<vmem>>, vector<1x64xf32>
    %reduce_sum3A = arith.constant dense<0.000000e+00> : vector<2048xf32>
    %reduce_sum3A_55 = vector.multi_reduction <add>, %add3A_48, %reduce_sum3A [1] : vector<2048x64xf32> to vector<2048xf32>
    %broadcast_in_dim3A = vector.shape_cast %reduce_sum3A_55 : vector<2048xf32> to vector<2048x1xf32>
    %div3A = arith.constant 6.400000e+01 : f32
    %div3A_56 = vector.broadcast %div3A : f32 to vector<2048x1xf32>
    %div3A_57 = arith.divf %broadcast_in_dim3A, %div3A_56 : vector<2048x1xf32>
    %sub3A = vector.broadcast %div3A_57 : vector<2048x1xf32> to vector<2048x64xf32>
    %sub3A_58 = arith.subf %add3A_48, %sub3A : vector<2048x64xf32>
    %mul3A = arith.mulf %sub3A_58, %sub3A_58 : vector<2048x64xf32>
    %reduce_sum3A_59 = arith.constant dense<0.000000e+00> : vector<2048xf32>
    %reduce_sum3A_60 = vector.multi_reduction <add>, %mul3A, %reduce_sum3A_59 [1] : vector<2048x64xf32> to vector<2048xf32>
    %broadcast_in_dim3A_61 = vector.shape_cast %reduce_sum3A_60 : vector<2048xf32> to vector<2048x1xf32>
    %div3A_62 = arith.constant 6.400000e+01 : f32
    %div3A_63 = vector.broadcast %div3A_62 : f32 to vector<2048x1xf32>
    %div3A_64 = arith.divf %broadcast_in_dim3A_61, %div3A_63 : vector<2048x1xf32>
    %add3A_65 = arith.constant 9.99999997E-7 : f32
    %add3A_66 = vector.broadcast %add3A_65 : f32 to vector<2048x1xf32>
    %add3A_67 = arith.addf %div3A_64, %add3A_66 : vector<2048x1xf32>
    %rsqrt3A = math.rsqrt %add3A_67 : vector<2048x1xf32>
    %mul3A_68 = vector.broadcast %rsqrt3A : vector<2048x1xf32> to vector<2048x64xf32>
    %mul3A_69 = arith.mulf %sub3A_58, %mul3A_68 : vector<2048x64xf32>
    %mul3A_70 = vector.broadcast %get3A_51 : vector<1x64xf32> to vector<2048x64xf32>
    %mul3A_71 = arith.mulf %mul3A_69, %mul3A_70 : vector<2048x64xf32>
    %add3A_72 = vector.broadcast %get3A_54 : vector<1x64xf32> to vector<2048x64xf32>
    %add3A_73 = arith.addf %mul3A_71, %add3A_72 : vector<2048x64xf32>
    %get3A_74 = arith.constant 0 : index
    %get3A_75 = arith.constant 0 : index
    %get3A_76 = vector.load %arg13[%get3A_74, %get3A_75] : memref<64x128xf32, #tpu.memory_space<vmem>>, vector<64x128xf32>
    %dot_general3A_77 = arith.constant dense<0.000000e+00> : vector<2048x128xf32>
    %dot_general3A_78 = tpu.matmul %add3A_73, %get3A_76, %dot_general3A_77 {dimension_numbers = #tpu.dot_dimension_numbers<[1], [0], [0], [1], [0, 0, 1, 1], [], []>, transpose_lhs_hint = false} : vector<2048x64xf32>, vector<64x128xf32>, vector<2048x128xf32> -> vector<2048x128xf32>
    %get3A_79 = arith.constant 0 : index
    %get3A_80 = arith.constant 0 : index
    %get3A_81 = vector.load %arg14[%get3A_79, %get3A_80] : memref<1x128xf32, #tpu.memory_space<vmem>>, vector<1x128xf32>
    %add3A_82 = vector.broadcast %get3A_81 : vector<1x128xf32> to vector<2048x128xf32>
    %add3A_83 = arith.addf %dot_general3A_78, %add3A_82 : vector<2048x128xf32>
    %swap3A = arith.constant 0 : index
    %swap3A_84 = arith.constant 0 : index
    %swap3A_85 = vector.load %arg15[%swap3A, %swap3A_84] : memref<2048x128xf32, #tpu.memory_space<vmem>>, vector<2048x128xf32>
    tpu.vector_store %arg15[%swap3A, %swap3A_84], %add3A_83 {strides = array<i32>} : memref<2048x128xf32, #tpu.memory_space<vmem>>, vector<2048x128xf32>,
    return
  }
  func.func @transform_0(%arg0: i32) -> (i32, i32) {
    %c0_i32 = arith.constant 0 : i32
    %c0_i32_0 = arith.constant 0 : i32
    return %arg0, %c0_i32 : i32, i32
  }
  func.func @transform_1(%arg0: i32) -> (i32, i32) {
    %c0_i32 = arith.constant 0 : i32
    %c0_i32_0 = arith.constant 0 : i32
    return %arg0, %c0_i32 : i32, i32
  }
  func.func @transform_2(%arg0: i32) -> (i32, i32) {
    %c0_i32 = arith.constant 0 : i32
    %c0_i32_0 = arith.constant 0 : i32
    return %arg0, %c0_i32 : i32, i32
  }
  func.func @transform_3(%arg0: i32) -> (i32, i32) {
    %c0_i32 = arith.constant 0 : i32
    %c0_i32_0 = arith.constant 0 : i32
    %c0_i32_1 = arith.constant 0 : i32
    return %c0_i32, %c0_i32_0 : i32, i32
  }
  func.func @transform_4(%arg0: i32) -> (i32, i32) {
    %c0_i32 = arith.constant 0 : i32
    %c0_i32_0 = arith.constant 0 : i32
    %c0_i32_1 = arith.constant 0 : i32
    return %c0_i32, %c0_i32_0 : i32, i32
  }
  func.func @transform_5(%arg0: i32) -> (i32, i32) {
    %c0_i32 = arith.constant 0 : i32
    %c0_i32_0 = arith.constant 0 : i32
    %c0_i32_1 = arith.constant 0 : i32
    return %c0_i32, %c0_i32_0 : i32, i32
  }
  func.func @transform_6(%arg0: i32) -> (i32, i32) {
    %c0_i32 = arith.constant 0 : i32
    %c0_i32_0 = arith.constant 0 : i32
    %c0_i32_1 = arith.constant 0 : i32
    return %c0_i32, %c0_i32_0 : i32, i32
  }
  func.func @transform_7(%arg0: i32) -> (i32, i32) {
    %c0_i32 = arith.constant 0 : i32
    %c0_i32_0 = arith.constant 0 : i32
    %c0_i32_1 = arith.constant 0 : i32
    return %c0_i32, %c0_i32_0 : i32, i32
  }
  func.func @transform_8(%arg0: i32) -> (i32, i32) {
    %c0_i32 = arith.constant 0 : i32
    %c0_i32_0 = arith.constant 0 : i32
    %c0_i32_1 = arith.constant 0 : i32
    return %c0_i32, %c0_i32_0 : i32, i32
  }
  func.func @transform_9(%arg0: i32) -> (i32, i32) {
    %c0_i32 = arith.constant 0 : i32
    %c0_i32_0 = arith.constant 0 : i32
    %c0_i32_1 = arith.constant 0 : i32
    return %c0_i32, %c0_i32_0 : i32, i32
  }
  func.func @transform_10(%arg0: i32) -> (i32, i32) {
    %c0_i32 = arith.constant 0 : i32
    %c0_i32_0 = arith.constant 0 : i32
    %c0_i32_1 = arith.constant 0 : i32
    return %c0_i32, %c0_i32_0 : i32, i32
  }
  func.func @transform_11(%arg0: i32) -> (i32, i32) {
    %c0_i32 = arith.constant 0 : i32
    %c0_i32_0 = arith.constant 0 : i32
    %c0_i32_1 = arith.constant 0 : i32
    return %c0_i32, %c0_i32_0 : i32, i32
  }
  func.func @transform_12(%arg0: i32) -> (i32, i32) {
    %c0_i32 = arith.constant 0 : i32
    %c0_i32_0 = arith.constant 0 : i32
    %c0_i32_1 = arith.constant 0 : i32
    return %c0_i32, %c0_i32_0 : i32, i32
  }
  func.func @transform_13(%arg0: i32) -> (i32, i32) {
    %c0_i32 = arith.constant 0 : i32
    %c0_i32_0 = arith.constant 0 : i32
    %c0_i32_1 = arith.constant 0 : i32
    return %c0_i32, %c0_i32_0 : i32, i32
  }
  func.func @transform_14(%arg0: i32) -> (i32, i32) {
    %c0_i32 = arith.constant 0 : i32
    %c0_i32_0 = arith.constant 0 : i32
    return %arg0, %c0_i32 : i32, i32
  }
}

</mosaic_0001>

<sc_bundles>
// kernel: kernel.17.cloned.1.call-start
scs
__scs_entry_jumppad:
0x0: {  	(pc) =	sbr.rel $0x88, $3  }
0x1: {  	(tag) =	ssettag $0x0;
	lr =	simm.s32 $0x1  }
0x2: {  	[smem:$0x3F7D] =	sst lr;
	_ =	strace $0xD0000000  }
0x3: {  	_ = 	snop  }
0x4: {  	_ = 	snop  }
0x5: {  	_ = 	snop  }
0x6: {  	_ = 	snop  }
0x7: {  	_ = 	snop  }
__scs_overlays_trampoline_lowered:
0x8: {  	[smem:$0x3F8C] =	sst s0  }
0x9: {  	[smem:$0x3F8D] =	sst s1  }
0xa: {  	[smem:$0x3F8E] =	sst s2  }
0xb: {  	[smem:$0x3F8F] =	sst s3  }
0xc: {  	[smem:$0x3F90] =	sst s4  }
0xd: {  	[smem:$0x3F91] =	sst s5  }
0xe: {  	[smem:$0x3F92] =	sst s6  }
0xf: {  	[smem:$0x3F93] =	sst s7  }
0x10: {  	[smem:$0x3F94] =	sst s8  }
0x11: {  	[smem:$0x3F95] =	sst s9;
	s0 =	simm.s32 @!p0 $0x0  }
0x12: {  	s1 =	sld [smem:$0x3F7B];
	s0 =	simm.s32 @p0 $0x1  }
0x13: {  	[smem:$0x3F96] =	sst s0;
	s0 =	simm.s32 @!p1 $0x0  }
0x14: {  	s2 =	sld [smem:$0x3F7A];
	s0 =	simm.s32 @p1 $0x1  }
0x15: {  	[smem:$0x3F97] =	sst s0;
	s0 =	simm.s32 @!p2 $0x0  }
0x16: {  	s3 =	sld [smem:$0x3FDB];
	s0 =	simm.s32 @p2 $0x1  }
0x17: {  	s4 =	simm.s32 $0x1BF5;
	[smem:$0x3F99] =	sst s0  }
0x18: {  	s0 =	sld [smem:$0x3F7C];
	_ =	swait.ge [sflag:s4], $0x0  }
0x19: {  	s7 =	sld [smem:$0x3F7D]  }
0x1a: {  	s8 =	sadd.s32 $0xFFFFE003, lr  }
0x1b: {  	s9 =	sadd.s32 $0xFFFFFEF7, lr;
	s5 =	simm.s32 $0xFFFFFFFF;
	p2 =	slt.u32 s8, $0xFFFFF086  }
0x1c: {  	p1 =	slt.u32 s9, $0xF7A;
	s5 =	simm.s32 @!p2 $0x0  }
0x1d: {  	s5 =	simm.s32 @p1 $0x1;
	p0 =	seq.s32 s7, s2  }
0x1e: {  	s7 =	smul.u32 @!p0 $0xF7A, s2;
	p2 =	seq.s32 @!p0 s5, $0x0  }
0x1f: {  	s9 =	smul.u32 $0xF7A, s1;
	s8 =	simm.s32 @!p0 $0x1BF5;
	p2 =	por !p2, p0  }
0x20: {  	[sflag:s8] =	ssyncset.s32 @!p0 $0xFFFFF086;
	s6 =	sadd.s32 @!p0 s3, s7;
	s7 =	simm.s32 @!p0 $0x108  }
0x21: {  	s3 =	sadd.s32 s3, s9;
	s6 =	sadd.s32 @!p0 $0x88, s6;
	s7 =	simm.s32 @p2 $0x1082  }
0x22: {  	[simem:s7], [sflag:s8] =	dma.local @!p0 [hbm:s6], $0xF7A  }
0x23: {  	s9 =	sor.u32 $0xD0000000, s2;
	s6 =	simm.s32 $0x108;
	_ =	swait.ge @!p0 [sflag:s8], $0x0  }
0x24: {  	s3 =	sadd.s32 $0x88, s3;
	s6 =	simm.s32 @!p1 $0x1082;
	[sflag:s4] =	ssyncset.s32 $0xFFFFF086  }
0x25: {  	[simem:s6], [sflag:s4] =	dma.local [hbm:s3], $0xF7A  }
0x26: {  	[smem:$0x3F7D] =	sst s1;
	(tag) =	ssettag s2;
	_ =	strace s9  }
0x27: {  	s1 =	sld [smem:$0x3F8D]  }
0x28: {  	s2 =	sld [smem:$0x3F8E]  }
0x29: {  	s4 =	sld [smem:$0x3F90]  }
0x2a: {  	p0 =	seq.s32 s5, $0x0;
	s5 =	sld [smem:$0x3F91]  }
0x2b: {  	s6 =	sld [smem:$0x3F92]  }
0x2c: {  	s7 =	sld [smem:$0x3F93]  }
0x2d: {  	s3 =	simm.s32 $0x108;
	s8 =	sld [smem:$0x3F94]  }
0x2e: {  	s3 =	simm.s32 @!p0 $0x1082;
	s9 =	sld [smem:$0x3F95]  }
0x2f: {  	lr =	sadd.s32 s0, s3;
	s0 =	sld [smem:$0x3F8C]  }
0x30: {  	s3 =	sld [smem:$0x3F8F]  }
0x31: {  	[smem:$0x3F98] =	sst s10  }
0x32: {  	s10 =	sld [smem:$0x3F96];
	_ =	sdelay $0x3  }
0x33: {  	p0 =	seq.s32 s10, $0x1;
	s10 =	sld [smem:$0x3F98];
	_ =	sdelay $0x3  }
0x34: {  	[smem:$0x3F98] =	sst s10  }
0x35: {  	s10 =	sld [smem:$0x3F97];
	_ =	sdelay $0x3  }
0x36: {  	p1 =	seq.s32 s10, $0x1;
	s10 =	sld [smem:$0x3F98];
	_ =	sdelay $0x3  }
0x37: {  	[smem:$0x3F98] =	sst s10  }
0x38: {  	s10 =	sld [smem:$0x3F99]  }
0x39: {  	_ = 	snop;
	(pc) =	sbr.ind lr, $3  }
0x3a: {  	_ = 	snop  }
0x3b: {  	_ = 	snop  }
0x3c: {  	p2 =	seq.s32 s10, $0x1;
	s10 =	sld [smem:$0x3F98]  }
0x3d: {  	_ =	shalt  }
0x3e: {  	_ =	shalt  }
0x3f: {  	_ =	shalt  }
0x40: {  	_ =	shalt  }
0x41: {  	_ =	shalt  }
0x42: {  	_ =	shalt  }
0x43: {  	_ =	shalt  }
0x44: {  	_ =	shalt  }
0x45: {  	_ =	shalt  }
0x46: {  	_ =	shalt  }
0x47: {  	_ =	shalt  }
0x48: {  	_ =	shalt  }
0x49: {  	_ =	shalt  }
0x4a: {  	_ =	shalt  }
0x4b: {  	_ =	shalt  }
0x4c: {  	_ =	shalt  }
0x4d: {  	_ =	shalt  }
0x4e: {  	_ =	shalt  }
0x4f: {  	_ =	shalt  }
0x50: {  	_ =	shalt  }
0x51: {  	_ =	shalt  }
0x52: {  	_ =	shalt  }
0x53: {  	_ =	shalt  }
0x54: {  	_ =	shalt  }
0x55: {  	_ =	shalt  }
0x56: {  	_ =	shalt  }
0x57: {  	_ =	shalt  }
0x58: {  	_ =	shalt  }
0x59: {  	_ =	shalt  }
0x5a: {  	_ =	shalt  }
0x5b: {  	_ =	shalt  }
0x5c: {  	_ =	shalt  }
0x5d: {  	_ =	shalt  }
0x5e: {  	_ =	shalt  }
0x5f: {  	_ =	shalt  }
0x60: {  	_ =	shalt  }
0x61: {  	_ =	shalt  }
0x62: {  	_ =	shalt  }
0x63: {  	_ =	shalt  }
0x64: {  	_ =	shalt  }
0x65: {  	_ =	shalt  }
0x66: {  	_ =	shalt  }
0x67: {  	_ =	shalt  }
0x68: {  	_ =	shalt  }
0x69: {  	_ =	shalt  }
0x6a: {  	_ =	shalt  }
0x6b: {  	_ =	shalt  }
0x6c: {  	_ =	shalt  }
0x6d: {  	_ =	shalt  }
0x6e: {  	_ =	shalt  }
0x6f: {  	_ =	shalt  }
0x70: {  	_ =	shalt  }
0x71: {  	_ =	shalt  }
0x72: {  	_ =	shalt  }
0x73: {  	_ =	shalt  }
0x74: {  	_ =	shalt  }
0x75: {  	_ =	shalt  }
0x76: {  	_ =	shalt  }
0x77: {  	_ =	shalt  }
0x78: {  	_ =	shalt  }
0x79: {  	_ =	shalt  }
0x7a: {  	_ =	shalt  }
0x7b: {  	_ =	shalt  }
0x7c: {  	_ =	shalt  }
0x7d: {  	_ =	shalt  }
0x7e: {  	_ =	shalt  }
0x7f: {  	_ =	shalt  }
0x80: {  	_ =	shalt  }
0x81: {  	_ =	shalt  }
0x82: {  	_ =	shalt  }
0x83: {  	_ =	shalt  }
0x84: {  	_ =	shalt  }
0x85: {  	_ =	shalt  }
0x86: {  	_ =	shalt  }
0x87: {  	_ =	shalt  }
.Lfunc_end0:
.L_simem_size_0:
called_computation_lowered:
.L_overlay_start_0:
0x88: {  	s2 =	sld [smem:$0x3FD9]  }
0x89: {  	s3 =	sld [smem:$0x3FFE];
	_ =	sdelay $0x1  }
0x8a: {  	s1 =	srdreg.scid  }
0x8b: {  	s0 =	sand.u32 $0x1, s1  }
0x8c: {  	s16 =	sshll.u32 s0, $0xA;
	s2 =	sadd.s32 s3, s2  }
0x8d: {  	s2 =	sadd.s32 s2, s16  }
0x8e: {  	[smem:$0x3FA4] =	sst s2  }
0x8f: {  	_ = 	snop  }
0x90: {  	(tm) =	ssettm $0x1  }
0x91: {  	s17 =	sld [smem:$0x3FFB];
	_ =	sdelay $0x3  }
0x92: {  	_ =	strace s17  }
0x93: {  	s2 =	sld [smem:$0x3FFC];
	_ =	sdelay $0x3  }
0x94: {  	_ =	strace s2  }
0x95: {  	s2 =	sld [smem:$0x3FFD];
	_ =	sdelay $0x3  }
0x96: {  	_ =	strace s2  }
0x97: {  	_ =	strace $0x8FFFFFFF  }
0x98: {  	s18 =	sld [smem:$0x3FDB];
	_ =	sdelay $0x1  }
0x99: {  	s19 =	simm.s32 $_scs_section_size  }
0x9a: {  	s4 =	simm.s32 $_size__tile_overlayer_lowered;
	s5 =	simm.s32 $_tile_overlayer_lowered  }
0x9b: {  	s22 =	simm.s32 $0x1BFF;
	s21 =	sshll.u32 s5, $0x1;
	s2 =	sadd.s32 s19, s18  }
0x9c: {  	s6 =	simm.s32 $0x0;
	s20 =	sshll.u32 s4, $0x1;
	s4 =	sadd.s32 s21, s2  }
0x9d: {  	[timem:s6], [sflag:s22] =	dma.local [hbm:s4], s20  }
0x9e: {  	_ =	swait.ge [sflag:s22], s20  }
0x9f: {  	s3 =	ssub.s32 $0x0, s20;
	[sflag:s22] =	ssyncset.done $0x0  }
0xa0: {  	[sflag:s22] =	ssyncadd.s32 s3;
	_ =	sdelay $0x1  }
0xa1: {  	s23 =	simm.s32 $0x1B8B  }
0xa2: {  	_ =	swait.ge [sflag:s23], $0x1  }
0xa3: {  	[sflag:s23] =	ssyncset.done $0x0  }
0xa4: {  	s25 =	simm.s32 $0x1B8E;
	s24 =	sld [smem:$0x3FFE];
	[sflag:s23] =	ssyncadd.s32 $0xFFFFFFFF  }
0xa5: {  	s26 =	simm.s32 $execute0_lowered;
	[smem:$0x3FD2] =	sst s25  }
0xa6: {  	s4 =	sshll.u32 s26, $0x1;
	_ =	strace $0x80000046;
	[dreg:$0x1] =	wrdreg $0xFFFFFFFF  }
0xa7: {  	s28 =	simm.s32 $_size_execute0_lowered;
	s2 =	sadd.s32 s2, s4;
	[dreg:$0x0] =	wrdreg $0x0  }
0xa8: {  	s4 =	sshll.u32 s28, $0x1;
	[dreg:$0x2] =	wrdreg s2  }
0xa9: {  	[dreg:$0x3] =	wrdreg s4  }
0xaa: {  	[dreg:$0x4] =	wrdreg $0xC0  }
0xab: {  	_ =	task [dreg:s6], $0x5FFFF  }
0xac: {  	[dreg:$0x1] =	wrdreg $0xFFFFFFFF  }
0xad: {  	[dreg:$0x0] =	wrdreg $0x60  }
0xae: {  	[dreg:$0x2] =	wrdreg s24  }
0xaf: {  	[dreg:$0x3] =	wrdreg $0x0  }
0xb0: {  	[dreg:$0x4] =	wrdreg $0xA  }
0xb1: {  	_ =	task.clear_ibuf [dreg:s6], $0x5FFFF;
	_ =	strace $0x90000046  }
0xb2: {  	s29 =	simm.s32 $0xA;
	_ =	strace $0x80000048  }
0xb3: {  	_ =	swait.ge [sflag:s29], $0x1  }
0xb4: {  	[sflag:s29] =	ssyncadd.s32 $0xFFFFFFFF  }
0xb5: {  	_ =	strace $0x90000048  }
0xb6: {  	_ =	sfence  }
0xb7: {  	s30 =	sld [smem:$0x0];
	_ =	sdelay $0x2  }
0xb8: {  	s31 =	sshll.u32 s1, $0xD;
	s1 =	sshrl.u32 s1, $0x2  }
0xb9: {  	s3 =	sand.u32 $0x4000, s31;
	s1 =	sadd.s32 s1, s30  }
0xba: {  	s0 =	sor.u32 s3, s0;
	s1 =	sshll.u32 s1, $0x11  }
0xbb: {  	s0 =	sor.u32 s1, s0  }
0xbc: {  	s0 =	sadd.s32 $0x8F2B, s0  }
0xbd: {  	[sflag:s0] =	ssyncadd.remote.s32 $0x1  }
0xbe: {  	_ =	sfence.sel $0xFFFF  }
0xbf: {  	[dreg:$0x0] =	wrdreg $0xFFFFFFFF;
	(pc) =	sbr.abs _section_cstart, $3  }
0xc0: {  	[dreg:$0x1] =	wrdreg $0xFFFFFFFF  }
0xc1: {  	_ =	task.clear_ibuf [dreg:s6], $0x2FFFF;
	_ =	strace $0x9FFFFFFF  }
0xc2: {  	(tm) =	ssettm $0x7FFFFFFF  }
0xc3: {  	_ =	shalt  }
tec
execute0_lowered:
.L_overlay_start_1:
0x0: {  	(tag) =	ssettag $0x1  }
0x1: {  	s0 =	rddreg [dreg:$0x0]  }
0x2: {  	s2 =	rddreg [dreg:$0x1];
	s3 =	simm.s32 $0x0  }
0x3: {  	s11 =	stileid.u32;
	s4 =	srdreg.scid;
	s28 =	simm.s32 $0x4  }
0x4: {  	s29 =	simm.s32 $0x1A200;
	s30 =	simm.s32 $0x0;
	s1 =	smul.u32 $0x14000, s11  }
0x5: {  	[smem:$0x7FF] =	sst s3;
	s6 =	sand.u32 $0x1, s4;
	s15 =	smul.u32 $0x5000, s11  }
0x6: {  	s9 =	sadd.s32 $0x14800, s0;
	s17 =	sshll.u32 s11, $0x6;
	s13 =	smul.u32 $0x28000, s11  }
0x7: {  	_ =	strace $0x80000047;
	s7 =	ssub.s32 $0x2, s6;
	s8 =	smul.u32 $0x2800, s6  }
0x8: {  	s4 =	sor.u32 $0x1C05, s17;
	s6 =	smul.u32 $0x14000, s6;
	s17 =	simm.s32 $0x14080  }
0x9: {  	s5 =	sshrl.u32 s1, $0x3;
	s10 =	sshrl.u32 s7, $0x1;
	s1 =	sadd.s32 s1, s2  }
0xa: {  	[dreg:$0x5] =	wrdreg s4;
	s5 =	sadd.s32 s5, s0;
	s0 =	sadd.s32 $0x6EA00, s0  }
0xb: {  	s7 =	ssub.s32 s7, s10;
	s12 =	sadd.s32 s8, s15;
	s31 =	sshrl.u32 s1, $0x3  }
0xc: {  	s15 =	simm.s32 $0x5;
	s16 =	sadd.s32 $0x1E800, s5;
	s18 =	sor.u32 $0x100, s12  }
0xd: {  	s19 =	smax.u32 s7, $0x1;
	s21 =	sor.u32 $0x80, s12;
	[dreg:$0x7] =	wrdreg s31  }
0xe: {  	s24 =	sor.u32 $0x180, s12;
	s26 =	sshrl.u32 s12, $0x3;
	[dreg:$0x4] =	wrdreg s16  }
0xf: {  	[dreg:$0x6] =	wrdreg s19;
	s20 =	sshll.u32 s18, $0x3;
	s5 =	sshrl.u32 s18, $0x3  }
0x10: {  	s22 =	sshll.u32 s21, $0x3;
	s23 =	sshrl.u32 s21, $0x3;
	s25 =	sshll.u32 s24, $0x3  }
0x11: {  	s7 =	sshrl.u32 s24, $0x3;
	s16 =	simm.s32 $0x14000;
	s18 =	simm.s32 $0x14100  }
0x12: {  	s19 =	simm.s32 $0x14180;
	s21 =	simm.s32 $0x80;
	s24 =	simm.s32 $0x16200  }
0x13: {  	s4 =	sadd.s32 s20, s0;
	s8 =	sadd.s32 s22, s0;
	s10 =	sadd.s32 s25, s0  }
0x14: {  	s11 =	sadd.s32 s7, s9;
	s0 =	sadd.s32 s13, s0;
	s13 =	sadd.s32 s26, s9  }
0x15: {  	s20 =	simm.s32 $0x1;
	s22 =	simm.s32 $0x14200;
	s25 =	simm.s32 $0x3  }
0x16: {  	s26 =	simm.s32 $0x18200;
	[dreg:$0x3] =	wrdreg s4;
	s4 =	sadd.s32 s5, s9  }
0x17: {  	s5 =	sadd.s32 s23, s9;
	s12 =	sadd.s32 s6, s0;
	s23 =	simm.s32 $0x2  }
.LBB2_1:
0x18: {  	s0 =	rddreg [dreg:$0x4]  }
0x19: {  	s1 =	rddreg [dreg:$0x5]  }
0x1a: {  	s6 =	rddreg [dreg:$0x7]  }
0x1b: {  	[spmem:s6], [sflag:s1] =	dma.local [hbm:s0], $0x2800  }
0x1c: {  	_ =	swait.ge [sflag:s15], $0x2800  }
0x1d: {  	[sflag:s15] =	ssyncset.done $0x0  }
0x1e: {  	[sflag:s15] =	ssyncadd.s32 $0xFFFFD800  }
0x1f: {  	[bflag:$0x0] =	sbarrier.arrive $0xFFFF  }
0x20: {  	[tilespmem:s16], [sflag:$0x1] =	stream.linear.gather [hbm4b:s13+s3], $0x80, $0x38;
	[tilespmem:$0x1C200] =	vst v63  }
0x21: {  	_ = 	snop  }
0x22: {  	[tilespmem:s17], [sflag:$0x2] =	stream.linear.gather [hbm4b:s5+s3], $0x80, $0x38;
	[tilespmem:$0x1C200] =	vst v63  }
0x23: {  	_ = 	snop  }
0x24: {  	[tilespmem:s18], [sflag:$0x3] =	stream.linear.gather [hbm4b:s4+s3], $0x80, $0x38;
	[tilespmem:$0x1C200] =	vst v63  }
0x25: {  	_ = 	snop  }
0x26: {  	[tilespmem:s19], [sflag:$0x4] =	stream.linear.gather [hbm4b:s11+s3], $0x80, $0x38;
	[tilespmem:$0x1C200] =	vst v63  }
0x27: {  	_ =	swait.ge [sflag:s20], $0x80  }
0x28: {  	[sflag:s20] =	ssyncset.done $0x0  }
0x29: {  	[sflag:s20] =	ssyncadd.s32 $0xFFFFFF80  }
0x2a: {  	[tilespmem:s22], [sflag:$0x1] =	stream.indirect.gather [spmem:s2], $0x40, s16, s21, $0xb8;
	[tilespmem:$0x1C200] =	vst v63  }
0x2b: {  	_ =	swait.ge [sflag:s23], $0x80  }
0x2c: {  	[sflag:s23] =	ssyncset.done $0x0  }
0x2d: {  	[sflag:s23] =	ssyncadd.s32 $0xFFFFFF80  }
0x2e: {  	[tilespmem:s24], [sflag:$0x2] =	stream.indirect.gather [spmem:s2], $0x40, s17, s21, $0xb8;
	[tilespmem:$0x1C200] =	vst v63  }
0x2f: {  	_ =	swait.ge [sflag:s25], $0x80  }
0x30: {  	[sflag:s25] =	ssyncset.done $0x0  }
0x31: {  	[sflag:s25] =	ssyncadd.s32 $0xFFFFFF80  }
0x32: {  	[tilespmem:s26], [sflag:$0x3] =	stream.indirect.gather [spmem:s2], $0x40, s18, s21, $0xb8;
	[tilespmem:$0x1C200] =	vst v63  }
0x33: {  	_ =	swait.ge [sflag:s28], $0x80  }
0x34: {  	[sflag:s28] =	ssyncset.done $0x0  }
0x35: {  	[sflag:s28] =	ssyncadd.s32 $0xFFFFFF80  }
0x36: {  	[tilespmem:s29], [sflag:$0x4] =	stream.indirect.gather [spmem:s2], $0x40, s19, s21, $0xb8;
	[tilespmem:$0x1C200] =	vst v63  }
0x37: {  	_ =	swait.ge [sflag:s20], $0x2000  }
0x38: {  	[sflag:s20] =	ssyncset.done $0x0  }
0x39: {  	s6 =	sadd.s32 $0x0, s12;
	[sflag:s20] =	ssyncadd.s32 $0xFFFFE000  }
0x3a: {  	[hbm4b:s6+s3] =	stream.linear.scatter [tilespmem:s22], [sflag:$0x1], $0x2000, $0x38;
	[tilespmem:$0x1C200] =	vst v63  }
0x3b: {  	_ =	swait.ge [sflag:s23], $0x2000  }
0x3c: {  	[sflag:s23] =	ssyncset.done $0x0  }
0x3d: {  	s7 =	sadd.s32 $0x0, s8;
	[sflag:s23] =	ssyncadd.s32 $0xFFFFE000  }
0x3e: {  	[hbm4b:s7+s3] =	stream.linear.scatter [tilespmem:s24], [sflag:$0x2], $0x2000, $0x38;
	[tilespmem:$0x1C200] =	vst v63  }
0x3f: {  	_ =	swait.ge [sflag:s25], $0x2000  }
0x40: {  	s9 =	rddreg [dreg:$0x3];
	[sflag:s25] =	ssyncset.done $0x0  }
0x41: {  	[sflag:s25] =	ssyncadd.s32 $0xFFFFE000;
	s0 =	sadd.s32 $0x0, s9  }
0x42: {  	[hbm4b:s0+s3] =	stream.linear.scatter [tilespmem:s26], [sflag:$0x3], $0x2000, $0x38;
	[tilespmem:$0x1C200] =	vst v63  }
0x43: {  	_ =	swait.ge [sflag:s28], $0x2000  }
0x44: {  	[sflag:s28] =	ssyncset.done $0x0  }
0x45: {  	s14 =	sadd.s32 $0x0, s10;
	[sflag:s28] =	ssyncadd.s32 $0xFFFFE000  }
0x46: {  	[hbm4b:s14+s3] =	stream.linear.scatter [tilespmem:s29], [sflag:$0x4], $0x2000, $0x38;
	[tilespmem:$0x1C200] =	vst v63  }
0x47: {  	_ =	swait.ge [sflag:s20], $0x2000  }
0x48: {  	[sflag:s20] =	ssyncset.done $0x0  }
0x49: {  	[sflag:s20] =	ssyncadd.s32 $0xFFFFE000  }
0x4a: {  	_ =	swait.ge [sflag:s23], $0x2000  }
0x4b: {  	[sflag:s23] =	ssyncset.done $0x0  }
0x4c: {  	[sflag:s23] =	ssyncadd.s32 $0xFFFFE000  }
0x4d: {  	_ =	swait.ge [sflag:s25], $0x2000  }
0x4e: {  	[sflag:s25] =	ssyncset.done $0x0  }
0x4f: {  	s31 =	simm.s32 $0x1000;
	[sflag:s25] =	ssyncadd.s32 $0xFFFFE000  }
0x50: {  	s1 =	sadd.s32 $0x40, s13;
	s7 =	smov.u32 s4;
	_ =	swait.ge [sflag:s28], $0x2000  }
0x51: {  	s9 =	smov.u32 s5;
	s0 =	sadd.s32 $0x40, s11;
	[sflag:s28] =	ssyncset.done $0x0  }
.LBB2_2:
0x52: {  	[sflag:s28] =	ssyncadd.s32 $0xFFFFE000  }
0x53: {  	[tilespmem:s16], [sflag:$0x1] =	stream.linear.gather [hbm4b:s1+s3], $0x80, $0x38;
	[tilespmem:$0x1C200] =	vst v63  }
0x54: {  	s9 =	sadd.s32 $0x40, s9  }
0x55: {  	[tilespmem:s17], [sflag:$0x2] =	stream.linear.gather [hbm4b:s9+s3], $0x80, $0x38;
	[tilespmem:$0x1C200] =	vst v63  }
0x56: {  	s7 =	sadd.s32 $0x40, s7  }
0x57: {  	[tilespmem:s18], [sflag:$0x3] =	stream.linear.gather [hbm4b:s7+s3], $0x80, $0x38;
	[tilespmem:$0x1C200] =	vst v63  }
0x58: {  	_ = 	snop  }
0x59: {  	[tilespmem:s19], [sflag:$0x4] =	stream.linear.gather [hbm4b:s0+s3], $0x80, $0x38;
	[tilespmem:$0x1C200] =	vst v63  }
0x5a: {  	_ =	swait.ge [sflag:s20], $0x80  }
0x5b: {  	[sflag:s20] =	ssyncset.done $0x0  }
0x5c: {  	[sflag:s20] =	ssyncadd.s32 $0xFFFFFF80  }
0x5d: {  	[tilespmem:s22], [sflag:$0x1] =	stream.indirect.gather [spmem:s2], $0x40, s16, s21, $0xb8;
	[tilespmem:$0x1C200] =	vst v63  }
0x5e: {  	_ =	swait.ge [sflag:s23], $0x80  }
0x5f: {  	[sflag:s23] =	ssyncset.done $0x0  }
0x60: {  	[sflag:s23] =	ssyncadd.s32 $0xFFFFFF80  }
0x61: {  	[tilespmem:s24], [sflag:$0x2] =	stream.indirect.gather [spmem:s2], $0x40, s17, s21, $0xb8;
	[tilespmem:$0x1C200] =	vst v63  }
0x62: {  	_ =	swait.ge [sflag:s25], $0x80  }
0x63: {  	[sflag:s25] =	ssyncset.done $0x0  }
0x64: {  	[sflag:s25] =	ssyncadd.s32 $0xFFFFFF80  }
0x65: {  	[tilespmem:s26], [sflag:$0x3] =	stream.indirect.gather [spmem:s2], $0x40, s18, s21, $0xb8;
	[tilespmem:$0x1C200] =	vst v63  }
0x66: {  	_ =	swait.ge [sflag:s28], $0x80  }
0x67: {  	[sflag:s28] =	ssyncset.done $0x0  }
0x68: {  	[sflag:s28] =	ssyncadd.s32 $0xFFFFFF80  }
0x69: {  	[tilespmem:s29], [sflag:$0x4] =	stream.indirect.gather [spmem:s2], $0x40, s19, s21, $0xb8;
	[tilespmem:$0x1C200] =	vst v63  }
0x6a: {  	_ =	swait.ge [sflag:s20], $0x2000  }
0x6b: {  	s6 =	smov.u32 s31;
	[sflag:s20] =	ssyncset.done $0x0  }
0x6c: {  	s14 =	sadd.s32 s6, s12;
	[sflag:s20] =	ssyncadd.s32 $0xFFFFE000  }
0x6d: {  	[hbm4b:s14+s3] =	stream.linear.scatter [tilespmem:s22], [sflag:$0x1], $0x2000, $0x38;
	[tilespmem:$0x1C200] =	vst v63  }
0x6e: {  	_ =	swait.ge [sflag:s23], $0x2000  }
0x6f: {  	[sflag:s23] =	ssyncset.done $0x0  }
0x70: {  	s14 =	sadd.s32 s6, s8;
	[sflag:s23] =	ssyncadd.s32 $0xFFFFE000  }
0x71: {  	[hbm4b:s14+s3] =	stream.linear.scatter [tilespmem:s24], [sflag:$0x2], $0x2000, $0x38;
	[tilespmem:$0x1C200] =	vst v63  }
0x72: {  	_ =	swait.ge [sflag:s25], $0x2000  }
0x73: {  	s14 =	rddreg [dreg:$0x3];
	[sflag:s25] =	ssyncset.done $0x0  }
0x74: {  	[sflag:s25] =	ssyncadd.s32 $0xFFFFE000;
	s14 =	sadd.s32 s6, s14  }
0x75: {  	[hbm4b:s14+s3] =	stream.linear.scatter [tilespmem:s26], [sflag:$0x3], $0x2000, $0x38;
	[tilespmem:$0x1C200] =	vst v63  }
0x76: {  	_ =	swait.ge [sflag:s28], $0x2000  }
0x77: {  	[sflag:s28] =	ssyncset.done $0x0  }
0x78: {  	s6 =	sadd.s32 s6, s10;
	[sflag:s28] =	ssyncadd.s32 $0xFFFFE000  }
0x79: {  	[hbm4b:s6+s3] =	stream.linear.scatter [tilespmem:s29], [sflag:$0x4], $0x2000, $0x38;
	[tilespmem:$0x1C200] =	vst v63  }
0x7a: {  	_ =	swait.ge [sflag:s20], $0x2000  }
0x7b: {  	[sflag:s20] =	ssyncset.done $0x0  }
0x7c: {  	[sflag:s20] =	ssyncadd.s32 $0xFFFFE000  }
0x7d: {  	_ =	swait.ge [sflag:s23], $0x2000  }
0x7e: {  	[sflag:s23] =	ssyncset.done $0x0  }
0x7f: {  	p0 =	sne.s32 s31, $0x13000;
	[sflag:s23] =	ssyncadd.s32 $0xFFFFE000  }
.Ltmp0:
0x80: {  	_ =	swait.ge [sflag:s25], $0x2000;
	(pc) =	sbr.rel @p0 .LBB2_2-.Ltmp0, $4  }
0x81: {  	[sflag:s25] =	ssyncset.done $0x0  }
0x82: {  	[sflag:s25] =	ssyncadd.s32 $0xFFFFE000  }
0x83: {  	s31 =	sadd.s32 $0x1000, s31;
	_ =	swait.ge [sflag:s28], $0x2000  }
0x84: {  	s1 =	sadd.s32 $0x40, s1;
	s0 =	sadd.s32 $0x40, s0;
	[sflag:s28] =	ssyncset.done $0x0  }
0x85: {  	s30 =	sadd.s32 $0x1, s30;
	s0 =	rddreg [dreg:$0x6]  }
0x86: {  	p0 =	sne.s32 s30, s0  }
.Ltmp1:
0x87: {  	_ = 	snop;
	(pc) =	sbr.rel @p0 .LBB2_1-.Ltmp1, $2  }
0x88: {  	_ =	sdelay $0x2  }
0x89: {  	[sflag:s28] =	ssyncadd.s32 $0xFFFFE000  }
0x8a: {  	_ =	sfence.sel $0x180000  }
0x8b: {  	[bflag:$0x0] =	sbarrier.arrive $0xFFFF  }
0x8c: {  	_ =	strace $0x90000047  }
0x8d: {  	s0 =	stileid.u32;
	[bflag:$0x2] =	sbarrier.arrive $0xFFFF  }
0x8e: {  	p0 =	sne.s32 s0, $0x0;
	s0 =	rddreg [dreg:$0x2]  }
0x8f: {  	s0 =	sadd.s32 @!p0 $0x100000, s0  }
0x90: {  	[sflag:s0] =	ssyncadd.tile.s32 @!p0 $0x1;
	_ =	shalt  }
.Lfunc_end2:
_tile_overlayer_lowered:
.L_overlay_start_2:
0x91: {  	(tag) =	ssettag $0x2  }
0x92: {  	s0 =	rddreg [dreg:$0x0];
	s2 =	stileid.u32  }
0x93: {  	s1 =	rddreg [dreg:$0x1];
	p0 =	sne.s32 s2, $0x0  }
0x94: {  	s3 =	rddreg [dreg:$0x2];
	[bflag:$0x3] =	sbarrier.arrive $0xFFFF;
	s2 =	simm.s32 @!p0 $0x1C05  }
0x95: {  	[timem:s3], [sflag:s2] =	dma.local @!p0 [hbm:s0], s1  }
0x96: {  	s0 =	simm.s32 @!p0 $0x5  }
0x97: {  	_ =	swait.ge @!p0 [sflag:s0], s1  }
0x98: {  	s1 =	ssub.s32 @!p0 $0x0, s1;
	[sflag:s0] =	ssyncset.done @!p0 $0x0  }
0x99: {  	[sflag:s0] =	ssyncadd.s32 @!p0 s1  }
0x9a: {  	[bflag:$0x3] =	sbarrier.arrive $0xFFFF  }
0x9b: {  	_ =	shalt  }

// kernel: kernel.20.cloned.1.call-start
scs
__scs_entry_jumppad:
0x0: {  	(pc) =	sbr.rel $0x88, $3  }
0x1: {  	(tag) =	ssettag $0x0;
	lr =	simm.s32 $0x1  }
0x2: {  	[smem:$0x3F7D] =	sst lr;
	_ =	strace $0xD0000000  }
0x3: {  	_ = 	snop  }
0x4: {  	_ = 	snop  }
0x5: {  	_ = 	snop  }
0x6: {  	_ = 	snop  }
0x7: {  	_ = 	snop  }
__scs_overlays_trampoline_lowered:
0x8: {  	[smem:$0x3F8C] =	sst s0  }
0x9: {  	[smem:$0x3F8D] =	sst s1  }
0xa: {  	[smem:$0x3F8E] =	sst s2  }
0xb: {  	[smem:$0x3F8F] =	sst s3  }
0xc: {  	[smem:$0x3F90] =	sst s4  }
0xd: {  	[smem:$0x3F91] =	sst s5  }
0xe: {  	[smem:$0x3F92] =	sst s6  }
0xf: {  	[smem:$0x3F93] =	sst s7  }
0x10: {  	[smem:$0x3F94] =	sst s8  }
0x11: {  	[smem:$0x3F95] =	sst s9;
	s0 =	simm.s32 @!p0 $0x0  }
0x12: {  	s1 =	sld [smem:$0x3F7B];
	s0 =	simm.s32 @p0 $0x1  }
0x13: {  	[smem:$0x3F96] =	sst s0;
	s0 =	simm.s32 @!p1 $0x0  }
0x14: {  	s2 =	sld [smem:$0x3F7A];
	s0 =	simm.s32 @p1 $0x1  }
0x15: {  	[smem:$0x3F97] =	sst s0;
	s0 =	simm.s32 @!p2 $0x0  }
0x16: {  	s3 =	sld [smem:$0x3FDB];
	s0 =	simm.s32 @p2 $0x1  }
0x17: {  	s4 =	simm.s32 $0x1BF5;
	[smem:$0x3F99] =	sst s0  }
0x18: {  	s0 =	sld [smem:$0x3F7C];
	_ =	swait.ge [sflag:s4], $0x0  }
0x19: {  	s7 =	sld [smem:$0x3F7D]  }
0x1a: {  	s8 =	sadd.s32 $0xFFFFE003, lr  }
0x1b: {  	s9 =	sadd.s32 $0xFFFFFEF7, lr;
	s5 =	simm.s32 $0xFFFFFFFF;
	p2 =	slt.u32 s8, $0xFFFFF086  }
0x1c: {  	p1 =	slt.u32 s9, $0xF7A;
	s5 =	simm.s32 @!p2 $0x0  }
0x1d: {  	s5 =	simm.s32 @p1 $0x1;
	p0 =	seq.s32 s7, s2  }
0x1e: {  	s7 =	smul.u32 @!p0 $0xF7A, s2;
	p2 =	seq.s32 @!p0 s5, $0x0  }
0x1f: {  	s9 =	smul.u32 $0xF7A, s1;
	s8 =	simm.s32 @!p0 $0x1BF5;
	p2 =	por !p2, p0  }
0x20: {  	[sflag:s8] =	ssyncset.s32 @!p0 $0xFFFFF086;
	s6 =	sadd.s32 @!p0 s3, s7;
	s7 =	simm.s32 @!p0 $0x108  }
0x21: {  	s3 =	sadd.s32 s3, s9;
	s6 =	sadd.s32 @!p0 $0x88, s6;
	s7 =	simm.s32 @p2 $0x1082  }
0x22: {  	[simem:s7], [sflag:s8] =	dma.local @!p0 [hbm:s6], $0xF7A  }
0x23: {  	s9 =	sor.u32 $0xD0000000, s2;
	s6 =	simm.s32 $0x108;
	_ =	swait.ge @!p0 [sflag:s8], $0x0  }
0x24: {  	s3 =	sadd.s32 $0x88, s3;
	s6 =	simm.s32 @!p1 $0x1082;
	[sflag:s4] =	ssyncset.s32 $0xFFFFF086  }
0x25: {  	[simem:s6], [sflag:s4] =	dma.local [hbm:s3], $0xF7A  }
0x26: {  	[smem:$0x3F7D] =	sst s1;
	(tag) =	ssettag s2;
	_ =	strace s9  }
0x27: {  	s1 =	sld [smem:$0x3F8D]  }
0x28: {  	s2 =	sld [smem:$0x3F8E]  }
0x29: {  	s4 =	sld [smem:$0x3F90]  }
0x2a: {  	p0 =	seq.s32 s5, $0x0;
	s5 =	sld [smem:$0x3F91]  }
0x2b: {  	s6 =	sld [smem:$0x3F92]  }
0x2c: {  	s7 =	sld [smem:$0x3F93]  }
0x2d: {  	s3 =	simm.s32 $0x108;
	s8 =	sld [smem:$0x3F94]  }
0x2e: {  	s3 =	simm.s32 @!p0 $0x1082;
	s9 =	sld [smem:$0x3F95]  }
0x2f: {  	lr =	sadd.s32 s0, s3;
	s0 =	sld [smem:$0x3F8C]  }
0x30: {  	s3 =	sld [smem:$0x3F8F]  }
0x31: {  	[smem:$0x3F98] =	sst s10  }
0x32: {  	s10 =	sld [smem:$0x3F96];
	_ =	sdelay $0x3  }
0x33: {  	p0 =	seq.s32 s10, $0x1;
	s10 =	sld [smem:$0x3F98];
	_ =	sdelay $0x3  }
0x34: {  	[smem:$0x3F98] =	sst s10  }
0x35: {  	s10 =	sld [smem:$0x3F97];
	_ =	sdelay $0x3  }
0x36: {  	p1 =	seq.s32 s10, $0x1;
	s10 =	sld [smem:$0x3F98];
	_ =	sdelay $0x3  }
0x37: {  	[smem:$0x3F98] =	sst s10  }
0x38: {  	s10 =	sld [smem:$0x3F99]  }
0x39: {  	_ = 	snop;
	(pc) =	sbr.ind lr, $3  }
0x3a: {  	_ = 	snop  }
0x3b: {  	_ = 	snop  }
0x3c: {  	p2 =	seq.s32 s10, $0x1;
	s10 =	sld [smem:$0x3F98]  }
0x3d: {  	_ =	shalt  }
0x3e: {  	_ =	shalt  }
0x3f: {  	_ =	shalt  }
0x40: {  	_ =	shalt  }
0x41: {  	_ =	shalt  }
0x42: {  	_ =	shalt  }
0x43: {  	_ =	shalt  }
0x44: {  	_ =	shalt  }
0x45: {  	_ =	shalt  }
0x46: {  	_ =	shalt  }
0x47: {  	_ =	shalt  }
0x48: {  	_ =	shalt  }
0x49: {  	_ =	shalt  }
0x4a: {  	_ =	shalt  }
0x4b: {  	_ =	shalt  }
0x4c: {  	_ =	shalt  }
0x4d: {  	_ =	shalt  }
0x4e: {  	_ =	shalt  }
0x4f: {  	_ =	shalt  }
0x50: {  	_ =	shalt  }
0x51: {  	_ =	shalt  }
0x52: {  	_ =	shalt  }
0x53: {  	_ =	shalt  }
0x54: {  	_ =	shalt  }
0x55: {  	_ =	shalt  }
0x56: {  	_ =	shalt  }
0x57: {  	_ =	shalt  }
0x58: {  	_ =	shalt  }
0x59: {  	_ =	shalt  }
0x5a: {  	_ =	shalt  }
0x5b: {  	_ =	shalt  }
0x5c: {  	_ =	shalt  }
0x5d: {  	_ =	shalt  }
0x5e: {  	_ =	shalt  }
0x5f: {  	_ =	shalt  }
0x60: {  	_ =	shalt  }
0x61: {  	_ =	shalt  }
0x62: {  	_ =	shalt  }
0x63: {  	_ =	shalt  }
0x64: {  	_ =	shalt  }
0x65: {  	_ =	shalt  }
0x66: {  	_ =	shalt  }
0x67: {  	_ =	shalt  }
0x68: {  	_ =	shalt  }
0x69: {  	_ =	shalt  }
0x6a: {  	_ =	shalt  }
0x6b: {  	_ =	shalt  }
0x6c: {  	_ =	shalt  }
0x6d: {  	_ =	shalt  }
0x6e: {  	_ =	shalt  }
0x6f: {  	_ =	shalt  }
0x70: {  	_ =	shalt  }
0x71: {  	_ =	shalt  }
0x72: {  	_ =	shalt  }
0x73: {  	_ =	shalt  }
0x74: {  	_ =	shalt  }
0x75: {  	_ =	shalt  }
0x76: {  	_ =	shalt  }
0x77: {  	_ =	shalt  }
0x78: {  	_ =	shalt  }
0x79: {  	_ =	shalt  }
0x7a: {  	_ =	shalt  }
0x7b: {  	_ =	shalt  }
0x7c: {  	_ =	shalt  }
0x7d: {  	_ =	shalt  }
0x7e: {  	_ =	shalt  }
0x7f: {  	_ =	shalt  }
0x80: {  	_ =	shalt  }
0x81: {  	_ =	shalt  }
0x82: {  	_ =	shalt  }
0x83: {  	_ =	shalt  }
0x84: {  	_ =	shalt  }
0x85: {  	_ =	shalt  }
0x86: {  	_ =	shalt  }
0x87: {  	_ =	shalt  }
.Lfunc_end0:
.L_simem_size_0:
called_computation.1_lowered:
.L_overlay_start_0:
0x88: {  	s2 =	sld [smem:$0x3FD9]  }
0x89: {  	s3 =	sld [smem:$0x3FFE];
	_ =	sdelay $0x1  }
0x8a: {  	s1 =	srdreg.scid  }
0x8b: {  	s0 =	sand.u32 $0x1, s1  }
0x8c: {  	s17 =	sshll.u32 s0, $0xA;
	s2 =	sadd.s32 s3, s2  }
0x8d: {  	s2 =	sadd.s32 s2, s17  }
0x8e: {  	[smem:$0x3FA4] =	sst s2  }
0x8f: {  	_ = 	snop  }
0x90: {  	s18 =	sld [smem:$0x3FD0];
	(tm) =	ssettm $0x1  }
0x91: {  	s19 =	sld [smem:$0x3FFB];
	_ =	sdelay $0x3  }
0x92: {  	_ =	strace s19  }
0x93: {  	s2 =	sld [smem:$0x3FFC];
	_ =	sdelay $0x3  }
0x94: {  	_ =	strace s2  }
0x95: {  	s2 =	sld [smem:$0x3FFD];
	_ =	sdelay $0x3  }
0x96: {  	_ =	strace s2  }
0x97: {  	_ =	strace $0x8FFFFFFF  }
0x98: {  	s20 =	sld [smem:$0x3FDB];
	_ =	sdelay $0x1  }
0x99: {  	s4 =	simm.s32 $_scs_section_size  }
0x9a: {  	s5 =	simm.s32 $_size__tile_overlayer_lowered;
	s6 =	simm.s32 $_tile_overlayer_lowered  }
0x9b: {  	s7 =	simm.s32 $0x1BFF;
	s21 =	sshll.u32 s6, $0x1;
	s4 =	sadd.s32 s4, s20  }
0x9c: {  	s22 =	simm.s32 $0x0;
	s5 =	sshll.u32 s5, $0x1;
	s6 =	sadd.s32 s21, s4  }
0x9d: {  	[timem:s22], [sflag:s7] =	dma.local [hbm:s6], s5  }
0x9e: {  	_ =	swait.ge [sflag:s7], s5  }
0x9f: {  	s5 =	ssub.s32 $0x0, s5;
	[sflag:s7] =	ssyncset.done $0x0  }
0xa0: {  	[sflag:s7] =	ssyncadd.s32 s5;
	_ =	sdelay $0x1  }
0xa1: {  	s23 =	simm.s32 $0x1B8B  }
0xa2: {  	_ =	swait.ge [sflag:s23], $0x1  }
0xa3: {  	[sflag:s23] =	ssyncset.done $0x0  }
0xa4: {  	[sflag:s23] =	ssyncadd.s32 $0xFFFFFFFF  }
0xa5: {  	s5 =	sld [smem:$0x0]  }
0xa6: {  	s6 =	sand.u32 $0xFFFFFFFE, s1  }
0xa7: {  	p0 =	sne.s32 s1, s6  }
0xa8: {  	s6 =	sshll.u32 @p0 s6, $0xE  }
0xa9: {  	s6 =	sadd.s32 @p0 $0x11B8D, s6;
	s7 =	sshll.u32 @p0 s5, $0x11  }
0xaa: {  	s6 =	sor.u32 @p0 s7, s6  }
0xab: {  	[sflag:s6] =	ssyncadd.remote.s32 @p0 $0x1;
	_ =	sdelay $0x1  }
0xac: {  	s6 =	simm.s32 @p0 $0x1B8D  }
0xad: {  	_ =	swait.eq @p0 [sflag:s6], $0x1  }
0xae: {  	[sflag:s6] =	ssyncadd.s32 @p0 $0xFFFFFFFF  }
0xaf: {  	s7 =	sshll.u32 @!p0 s1, $0xE  }
0xb0: {  	s7 =	sor.u32 @!p0 $0x4000, s7;
	s6 =	simm.s32 @!p0 $0x1B8D  }
0xb1: {  	s5 =	sshll.u32 @!p0 s5, $0x11;
	s7 =	sadd.s32 @!p0 $0x11B8D, s7;
	_ =	swait.eq @!p0 [sflag:s6], $0x1  }
0xb2: {  	s5 =	sor.u32 @!p0 s5, s7;
	[sflag:s6] =	ssyncadd.s32 @!p0 $0xFFFFFFFF  }
0xb3: {  	s25 =	simm.s32 $0x1B8E;
	s24 =	sld [smem:$0x3FFE];
	[sflag:s5] =	ssyncadd.remote.s32 @!p0 $0x1  }
0xb4: {  	s26 =	simm.s32 $execute0_lowered;
	[smem:$0x3FD2] =	sst s25  }
0xb5: {  	s6 =	sshll.u32 s26, $0x1;
	_ =	strace $0x80000049;
	[dreg:$0x1] =	wrdreg $0xFFFFFFFF  }
0xb6: {  	s28 =	simm.s32 $_size_execute0_lowered;
	s4 =	sadd.s32 s4, s6;
	[dreg:$0x0] =	wrdreg $0x0  }
0xb7: {  	s6 =	sshll.u32 s28, $0x1;
	[dreg:$0x2] =	wrdreg s4  }
0xb8: {  	[dreg:$0x3] =	wrdreg s6  }
0xb9: {  	[dreg:$0x4] =	wrdreg $0xC0  }
0xba: {  	_ =	task [dreg:s22], $0x5FFFF  }
0xbb: {  	[dreg:$0x1] =	wrdreg $0xFFFFFFFF  }
0xbc: {  	[dreg:$0x0] =	wrdreg $0x60  }
0xbd: {  	[dreg:$0x2] =	wrdreg s24  }
0xbe: {  	[dreg:$0x3] =	wrdreg s18  }
0xbf: {  	[dreg:$0x4] =	wrdreg $0x0  }
0xc0: {  	[dreg:$0x5] =	wrdreg $0x9  }
0xc1: {  	_ =	task.clear_ibuf [dreg:s22], $0x6FFFF;
	_ =	strace $0x90000049  }
0xc2: {  	s29 =	simm.s32 $0x9;
	_ =	strace $0x8000004B  }
0xc3: {  	_ =	swait.ge [sflag:s29], $0x1  }
0xc4: {  	[sflag:s29] =	ssyncadd.s32 $0xFFFFFFFF  }
0xc5: {  	_ =	strace $0x9000004B  }
0xc6: {  	_ =	sfence  }
0xc7: {  	s30 =	sld [smem:$0x0];
	_ =	sdelay $0x2  }
0xc8: {  	s31 =	sshll.u32 s1, $0xD;
	s1 =	sshrl.u32 s1, $0x2  }
0xc9: {  	s4 =	sand.u32 $0x4000, s31;
	s1 =	sadd.s32 s1, s30  }
0xca: {  	s0 =	sor.u32 s4, s0;
	s1 =	sshll.u32 s1, $0x11  }
0xcb: {  	s0 =	sor.u32 s1, s0  }
0xcc: {  	s0 =	sadd.s32 $0x8F2B, s0  }
0xcd: {  	[sflag:s0] =	ssyncadd.remote.s32 $0x1  }
0xce: {  	_ =	sfence.sel $0xFFFF  }
0xcf: {  	[dreg:$0x0] =	wrdreg $0xFFFFFFFF;
	(pc) =	sbr.abs _section_cstart, $3  }
0xd0: {  	[dreg:$0x1] =	wrdreg $0xFFFFFFFF  }
0xd1: {  	_ =	task.clear_ibuf [dreg:s22], $0x2FFFF;
	_ =	strace $0x9FFFFFFF  }
0xd2: {  	(tm) =	ssettm $0x7FFFFFFF  }
0xd3: {  	_ =	shalt  }
tec
execute0_lowered:
.L_overlay_start_1:
0x0: {  	(tag) =	ssettag $0x1  }
0x1: {  	s0 =	rddreg [dreg:$0x0]  }
0x2: {  	s1 =	rddreg [dreg:$0x1]  }
0x3: {  	s2 =	rddreg [dreg:$0x2]  }
0x4: {  	s3 =	simm.s32 $0x0;
	s11 =	stileid.u32;
	s5 =	srdreg.scid  }
0x5: {  	s15 =	simm.s32 $0x5;
	s28 =	simm.s32 $0x4;
	s4 =	smul.u32 $0x14000, s11  }
0x6: {  	s29 =	simm.s32 $0x1A200;
	s30 =	simm.s32 $0x0;
	s16 =	smul.u32 $0x5000, s11  }
0x7: {  	[smem:$0x7FF] =	sst s3;
	s6 =	sand.u32 $0x1, s5;
	s12 =	smul.u32 $0x28000, s11  }
0x8: {  	s18 =	sshll.u32 s11, $0x6;
	_ =	strace $0x8000004A;
	s9 =	smul.u32 $0x2800, s6  }
0x9: {  	s8 =	ssub.s32 $0x2, s6;
	s6 =	smul.u32 $0x14000, s6;
	s7 =	sshrl.u32 s4, $0x3  }
0xa: {  	s10 =	sshrl.u32 s8, $0x1;
	s14 =	sadd.s32 s4, s2;
	s4 =	sor.u32 $0x1C05, s18  }
0xb: {  	s18 =	simm.s32 $0x14100;
	s7 =	sadd.s32 s7, s0;
	s0 =	sadd.s32 $0x2EEA00, s0  }
0xc: {  	s8 =	ssub.s32 s8, s10;
	s9 =	sadd.s32 s9, s16;
	[dreg:$0x6] =	wrdreg s4  }
0xd: {  	s31 =	sshrl.u32 s14, $0x3;
	s16 =	simm.s32 $0x14000;
	s17 =	sadd.s32 $0x1E800, s7  }
0xe: {  	s5 =	sor.u32 $0x100, s9;
	s19 =	smax.u32 s8, $0x1;
	[dreg:$0x8] =	wrdreg s31  }
0xf: {  	s21 =	sor.u32 $0x80, s9;
	s24 =	sor.u32 $0x180, s9;
	[dreg:$0x5] =	wrdreg s17  }
0x10: {  	s26 =	sshrl.u32 s9, $0x3;
	[dreg:$0x7] =	wrdreg s19;
	s20 =	sshll.u32 s5, $0x3  }
0x11: {  	s5 =	sshrl.u32 s5, $0x3;
	s22 =	sshll.u32 s21, $0x3;
	s23 =	sshrl.u32 s21, $0x3  }
0x12: {  	s25 =	sshll.u32 s24, $0x3;
	s7 =	sshrl.u32 s24, $0x3;
	s13 =	sadd.s32 s26, s1  }
0x13: {  	s17 =	simm.s32 $0x14080;
	s19 =	simm.s32 $0x14180;
	s21 =	simm.s32 $0x80  }
0x14: {  	s24 =	simm.s32 $0x16200;
	s26 =	simm.s32 $0x18200;
	s4 =	sadd.s32 s20, s0  }
0x15: {  	s8 =	sadd.s32 s22, s0;
	s10 =	sadd.s32 s25, s0;
	s11 =	sadd.s32 s7, s1  }
0x16: {  	s0 =	sadd.s32 s12, s0;
	s20 =	simm.s32 $0x1;
	s22 =	simm.s32 $0x14200  }
0x17: {  	s25 =	simm.s32 $0x3;
	[dreg:$0x4] =	wrdreg s4;
	s4 =	sadd.s32 s5, s1  }
0x18: {  	s5 =	sadd.s32 s23, s1;
	s12 =	sadd.s32 s6, s0;
	s23 =	simm.s32 $0x2  }
.LBB2_1:
0x19: {  	s0 =	rddreg [dreg:$0x5]  }
0x1a: {  	s1 =	rddreg [dreg:$0x6]  }
0x1b: {  	s6 =	rddreg [dreg:$0x8]  }
0x1c: {  	[spmem:s6], [sflag:s1] =	dma.local [hbm:s0], $0x2800  }
0x1d: {  	_ =	swait.ge [sflag:s15], $0x2800  }
0x1e: {  	[sflag:s15] =	ssyncset.done $0x0  }
0x1f: {  	[sflag:s15] =	ssyncadd.s32 $0xFFFFD800  }
0x20: {  	[bflag:$0x0] =	sbarrier.arrive $0xFFFF  }
0x21: {  	[tilespmem:s16], [sflag:$0x1] =	stream.linear.gather [hbm4b:s13+s3], $0x80, $0x38;
	[tilespmem:$0x1C200] =	vst v63  }
0x22: {  	_ = 	snop  }
0x23: {  	[tilespmem:s17], [sflag:$0x2] =	stream.linear.gather [hbm4b:s5+s3], $0x80, $0x38;
	[tilespmem:$0x1C200] =	vst v63  }
0x24: {  	_ = 	snop  }
0x25: {  	[tilespmem:s18], [sflag:$0x3] =	stream.linear.gather [hbm4b:s4+s3], $0x80, $0x38;
	[tilespmem:$0x1C200] =	vst v63  }
0x26: {  	_ = 	snop  }
0x27: {  	[tilespmem:s19], [sflag:$0x4] =	stream.linear.gather [hbm4b:s11+s3], $0x80, $0x38;
	[tilespmem:$0x1C200] =	vst v63  }
0x28: {  	_ =	swait.ge [sflag:s20], $0x80  }
0x29: {  	[sflag:s20] =	ssyncset.done $0x0  }
0x2a: {  	[sflag:s20] =	ssyncadd.s32 $0xFFFFFF80  }
0x2b: {  	[tilespmem:s22], [sflag:$0x1] =	stream.indirect.gather [spmem:s2], $0x40, s16, s21, $0xb8;
	[tilespmem:$0x1C200] =	vst v63  }
0x2c: {  	_ =	swait.ge [sflag:s23], $0x80  }
0x2d: {  	[sflag:s23] =	ssyncset.done $0x0  }
0x2e: {  	[sflag:s23] =	ssyncadd.s32 $0xFFFFFF80  }
0x2f: {  	[tilespmem:s24], [sflag:$0x2] =	stream.indirect.gather [spmem:s2], $0x40, s17, s21, $0xb8;
	[tilespmem:$0x1C200] =	vst v63  }
0x30: {  	_ =	swait.ge [sflag:s25], $0x80  }
0x31: {  	[sflag:s25] =	ssyncset.done $0x0  }
0x32: {  	[sflag:s25] =	ssyncadd.s32 $0xFFFFFF80  }
0x33: {  	[tilespmem:s26], [sflag:$0x3] =	stream.indirect.gather [spmem:s2], $0x40, s18, s21, $0xb8;
	[tilespmem:$0x1C200] =	vst v63  }
0x34: {  	_ =	swait.ge [sflag:s28], $0x80  }
0x35: {  	[sflag:s28] =	ssyncset.done $0x0  }
0x36: {  	[sflag:s28] =	ssyncadd.s32 $0xFFFFFF80  }
0x37: {  	[tilespmem:s29], [sflag:$0x4] =	stream.indirect.gather [spmem:s2], $0x40, s19, s21, $0xb8;
	[tilespmem:$0x1C200] =	vst v63  }
0x38: {  	_ =	swait.ge [sflag:s20], $0x2000  }
0x39: {  	[sflag:s20] =	ssyncset.done $0x0  }
0x3a: {  	s6 =	sadd.s32 $0x0, s12;
	[sflag:s20] =	ssyncadd.s32 $0xFFFFE000  }
0x3b: {  	[hbm4b:s6+s3] =	stream.linear.scatter [tilespmem:s22], [sflag:$0x1], $0x2000, $0x38;
	[tilespmem:$0x1C200] =	vst v63  }
0x3c: {  	_ =	swait.ge [sflag:s23], $0x2000  }
0x3d: {  	[sflag:s23] =	ssyncset.done $0x0  }
0x3e: {  	s7 =	sadd.s32 $0x0, s8;
	[sflag:s23] =	ssyncadd.s32 $0xFFFFE000  }
0x3f: {  	[hbm4b:s7+s3] =	stream.linear.scatter [tilespmem:s24], [sflag:$0x2], $0x2000, $0x38;
	[tilespmem:$0x1C200] =	vst v63  }
0x40: {  	_ =	swait.ge [sflag:s25], $0x2000  }
0x41: {  	s9 =	rddreg [dreg:$0x4];
	[sflag:s25] =	ssyncset.done $0x0  }
0x42: {  	[sflag:s25] =	ssyncadd.s32 $0xFFFFE000;
	s0 =	sadd.s32 $0x0, s9  }
0x43: {  	[hbm4b:s0+s3] =	stream.linear.scatter [tilespmem:s26], [sflag:$0x3], $0x2000, $0x38;
	[tilespmem:$0x1C200] =	vst v63  }
0x44: {  	_ =	swait.ge [sflag:s28], $0x2000  }
0x45: {  	[sflag:s28] =	ssyncset.done $0x0  }
0x46: {  	s14 =	sadd.s32 $0x0, s10;
	[sflag:s28] =	ssyncadd.s32 $0xFFFFE000  }
0x47: {  	[hbm4b:s14+s3] =	stream.linear.scatter [tilespmem:s29], [sflag:$0x4], $0x2000, $0x38;
	[tilespmem:$0x1C200] =	vst v63  }
0x48: {  	_ =	swait.ge [sflag:s20], $0x2000  }
0x49: {  	[sflag:s20] =	ssyncset.done $0x0  }
0x4a: {  	[sflag:s20] =	ssyncadd.s32 $0xFFFFE000  }
0x4b: {  	_ =	swait.ge [sflag:s23], $0x2000  }
0x4c: {  	[sflag:s23] =	ssyncset.done $0x0  }
0x4d: {  	[sflag:s23] =	ssyncadd.s32 $0xFFFFE000  }
0x4e: {  	_ =	swait.ge [sflag:s25], $0x2000  }
0x4f: {  	[sflag:s25] =	ssyncset.done $0x0  }
0x50: {  	s31 =	simm.s32 $0x1000;
	[sflag:s25] =	ssyncadd.s32 $0xFFFFE000  }
0x51: {  	s1 =	sadd.s32 $0x40, s13;
	s7 =	smov.u32 s4;
	_ =	swait.ge [sflag:s28], $0x2000  }
0x52: {  	s9 =	smov.u32 s5;
	s0 =	sadd.s32 $0x40, s11;
	[sflag:s28] =	ssyncset.done $0x0  }
.LBB2_2:
0x53: {  	[sflag:s28] =	ssyncadd.s32 $0xFFFFE000  }
0x54: {  	[tilespmem:s16], [sflag:$0x1] =	stream.linear.gather [hbm4b:s1+s3], $0x80, $0x38;
	[tilespmem:$0x1C200] =	vst v63  }
0x55: {  	s9 =	sadd.s32 $0x40, s9  }
0x56: {  	[tilespmem:s17], [sflag:$0x2] =	stream.linear.gather [hbm4b:s9+s3], $0x80, $0x38;
	[tilespmem:$0x1C200] =	vst v63  }
0x57: {  	s7 =	sadd.s32 $0x40, s7  }
0x58: {  	[tilespmem:s18], [sflag:$0x3] =	stream.linear.gather [hbm4b:s7+s3], $0x80, $0x38;
	[tilespmem:$0x1C200] =	vst v63  }
0x59: {  	_ = 	snop  }
0x5a: {  	[tilespmem:s19], [sflag:$0x4] =	stream.linear.gather [hbm4b:s0+s3], $0x80, $0x38;
	[tilespmem:$0x1C200] =	vst v63  }
0x5b: {  	_ =	swait.ge [sflag:s20], $0x80  }
0x5c: {  	[sflag:s20] =	ssyncset.done $0x0  }
0x5d: {  	[sflag:s20] =	ssyncadd.s32 $0xFFFFFF80  }
0x5e: {  	[tilespmem:s22], [sflag:$0x1] =	stream.indirect.gather [spmem:s2], $0x40, s16, s21, $0xb8;
	[tilespmem:$0x1C200] =	vst v63  }
0x5f: {  	_ =	swait.ge [sflag:s23], $0x80  }
0x60: {  	[sflag:s23] =	ssyncset.done $0x0  }
0x61: {  	[sflag:s23] =	ssyncadd.s32 $0xFFFFFF80  }
0x62: {  	[tilespmem:s24], [sflag:$0x2] =	stream.indirect.gather [spmem:s2], $0x40, s17, s21, $0xb8;
	[tilespmem:$0x1C200] =	vst v63  }
0x63: {  	_ =	swait.ge [sflag:s25], $0x80  }
0x64: {  	[sflag:s25] =	ssyncset.done $0x0  }
0x65: {  	[sflag:s25] =	ssyncadd.s32 $0xFFFFFF80  }
0x66: {  	[tilespmem:s26], [sflag:$0x3] =	stream.indirect.gather [spmem:s2], $0x40, s18, s21, $0xb8;
	[tilespmem:$0x1C200] =	vst v63  }
0x67: {  	_ =	swait.ge [sflag:s28], $0x80  }
0x68: {  	[sflag:s28] =	ssyncset.done $0x0  }
0x69: {  	[sflag:s28] =	ssyncadd.s32 $0xFFFFFF80  }
0x6a: {  	[tilespmem:s29], [sflag:$0x4] =	stream.indirect.gather [spmem:s2], $0x40, s19, s21, $0xb8;
	[tilespmem:$0x1C200] =	vst v63  }
0x6b: {  	_ =	swait.ge [sflag:s20], $0x2000  }
0x6c: {  	s6 =	smov.u32 s31;
	[sflag:s20] =	ssyncset.done $0x0  }
0x6d: {  	s14 =	sadd.s32 s6, s12;
	[sflag:s20] =	ssyncadd.s32 $0xFFFFE000  }
0x6e: {  	[hbm4b:s14+s3] =	stream.linear.scatter [tilespmem:s22], [sflag:$0x1], $0x2000, $0x38;
	[tilespmem:$0x1C200] =	vst v63  }
0x6f: {  	_ =	swait.ge [sflag:s23], $0x2000  }
0x70: {  	[sflag:s23] =	ssyncset.done $0x0  }
0x71: {  	s14 =	sadd.s32 s6, s8;
	[sflag:s23] =	ssyncadd.s32 $0xFFFFE000  }
0x72: {  	[hbm4b:s14+s3] =	stream.linear.scatter [tilespmem:s24], [sflag:$0x2], $0x2000, $0x38;
	[tilespmem:$0x1C200] =	vst v63  }
0x73: {  	_ =	swait.ge [sflag:s25], $0x2000  }
0x74: {  	s14 =	rddreg [dreg:$0x4];
	[sflag:s25] =	ssyncset.done $0x0  }
0x75: {  	[sflag:s25] =	ssyncadd.s32 $0xFFFFE000;
	s14 =	sadd.s32 s6, s14  }
0x76: {  	[hbm4b:s14+s3] =	stream.linear.scatter [tilespmem:s26], [sflag:$0x3], $0x2000, $0x38;
	[tilespmem:$0x1C200] =	vst v63  }
0x77: {  	_ =	swait.ge [sflag:s28], $0x2000  }
0x78: {  	[sflag:s28] =	ssyncset.done $0x0  }
0x79: {  	s6 =	sadd.s32 s6, s10;
	[sflag:s28] =	ssyncadd.s32 $0xFFFFE000  }
0x7a: {  	[hbm4b:s6+s3] =	stream.linear.scatter [tilespmem:s29], [sflag:$0x4], $0x2000, $0x38;
	[tilespmem:$0x1C200] =	vst v63  }
0x7b: {  	_ =	swait.ge [sflag:s20], $0x2000  }
0x7c: {  	[sflag:s20] =	ssyncset.done $0x0  }
0x7d: {  	[sflag:s20] =	ssyncadd.s32 $0xFFFFE000  }
0x7e: {  	_ =	swait.ge [sflag:s23], $0x2000  }
0x7f: {  	[sflag:s23] =	ssyncset.done $0x0  }
0x80: {  	p0 =	sne.s32 s31, $0x13000;
	[sflag:s23] =	ssyncadd.s32 $0xFFFFE000  }
.Ltmp0:
0x81: {  	_ =	swait.ge [sflag:s25], $0x2000;
	(pc) =	sbr.rel @p0 .LBB2_2-.Ltmp0, $4  }
0x82: {  	[sflag:s25] =	ssyncset.done $0x0  }
0x83: {  	[sflag:s25] =	ssyncadd.s32 $0xFFFFE000  }
0x84: {  	s31 =	sadd.s32 $0x1000, s31;
	_ =	swait.ge [sflag:s28], $0x2000  }
0x85: {  	s1 =	sadd.s32 $0x40, s1;
	s0 =	sadd.s32 $0x40, s0;
	[sflag:s28] =	ssyncset.done $0x0  }
0x86: {  	s30 =	sadd.s32 $0x1, s30;
	s0 =	rddreg [dreg:$0x7]  }
0x87: {  	p0 =	sne.s32 s30, s0  }
.Ltmp1:
0x88: {  	_ = 	snop;
	(pc) =	sbr.rel @p0 .LBB2_1-.Ltmp1, $2  }
0x89: {  	_ =	sdelay $0x2  }
0x8a: {  	[sflag:s28] =	ssyncadd.s32 $0xFFFFE000  }
0x8b: {  	_ =	sfence.sel $0x180000  }
0x8c: {  	[bflag:$0x0] =	sbarrier.arrive $0xFFFF  }
0x8d: {  	_ =	strace $0x9000004A  }
0x8e: {  	s0 =	stileid.u32;
	[bflag:$0x2] =	sbarrier.arrive $0xFFFF  }
0x8f: {  	p0 =	sne.s32 s0, $0x0;
	s0 =	rddreg [dreg:$0x3]  }
0x90: {  	s0 =	sadd.s32 @!p0 $0x100000, s0  }
0x91: {  	[sflag:s0] =	ssyncadd.tile.s32 @!p0 $0x1;
	_ =	shalt  }
.Lfunc_end2:
_tile_overlayer_lowered:
.L_overlay_start_2:
0x92: {  	(tag) =	ssettag $0x2  }
0x93: {  	s0 =	rddreg [dreg:$0x0];
	s2 =	stileid.u32  }
0x94: {  	s1 =	rddreg [dreg:$0x1];
	p0 =	sne.s32 s2, $0x0  }
0x95: {  	s3 =	rddreg [dreg:$0x2];
	[bflag:$0x3] =	sbarrier.arrive $0xFFFF;
	s2 =	simm.s32 @!p0 $0x1C05  }
0x96: {  	[timem:s3], [sflag:s2] =	dma.local @!p0 [hbm:s0], s1  }
0x97: {  	s0 =	simm.s32 @!p0 $0x5  }
0x98: {  	_ =	swait.ge @!p0 [sflag:s0], s1  }
0x99: {  	s1 =	ssub.s32 @!p0 $0x0, s1;
	[sflag:s0] =	ssyncset.done @!p0 $0x0  }
0x9a: {  	[sflag:s0] =	ssyncadd.s32 @!p0 s1  }
0x9b: {  	[bflag:$0x3] =	sbarrier.arrive $0xFFFF  }
0x9c: {  	_ =	shalt  }

// kernel: kernel.23.cloned.1.call-start
scs
__scs_entry_jumppad:
0x0: {  	(pc) =	sbr.rel $0x88, $3  }
0x1: {  	(tag) =	ssettag $0x0;
	lr =	simm.s32 $0x1  }
0x2: {  	[smem:$0x3F7D] =	sst lr;
	_ =	strace $0xD0000000  }
0x3: {  	_ = 	snop  }
0x4: {  	_ = 	snop  }
0x5: {  	_ = 	snop  }
0x6: {  	_ = 	snop  }
0x7: {  	_ = 	snop  }
__scs_overlays_trampoline_lowered:
0x8: {  	[smem:$0x3F8C] =	sst s0  }
0x9: {  	[smem:$0x3F8D] =	sst s1  }
0xa: {  	[smem:$0x3F8E] =	sst s2  }
0xb: {  	[smem:$0x3F8F] =	sst s3  }
0xc: {  	[smem:$0x3F90] =	sst s4  }
0xd: {  	[smem:$0x3F91] =	sst s5  }
0xe: {  	[smem:$0x3F92] =	sst s6  }
0xf: {  	[smem:$0x3F93] =	sst s7  }
0x10: {  	[smem:$0x3F94] =	sst s8  }
0x11: {  	[smem:$0x3F95] =	sst s9;
	s0 =	simm.s32 @!p0 $0x0  }
0x12: {  	s1 =	sld [smem:$0x3F7B];
	s0 =	simm.s32 @p0 $0x1  }
0x13: {  	[smem:$0x3F96] =	sst s0;
	s0 =	simm.s32 @!p1 $0x0  }
0x14: {  	s2 =	sld [smem:$0x3F7A];
	s0 =	simm.s32 @p1 $0x1  }
0x15: {  	[smem:$0x3F97] =	sst s0;
	s0 =	simm.s32 @!p2 $0x0  }
0x16: {  	s3 =	sld [smem:$0x3FDB];
	s0 =	simm.s32 @p2 $0x1  }
0x17: {  	s4 =	simm.s32 $0x1BF5;
	[smem:$0x3F99] =	sst s0  }
0x18: {  	s0 =	sld [smem:$0x3F7C];
	_ =	swait.ge [sflag:s4], $0x0  }
0x19: {  	s7 =	sld [smem:$0x3F7D]  }
0x1a: {  	s8 =	sadd.s32 $0xFFFFE003, lr  }
0x1b: {  	s9 =	sadd.s32 $0xFFFFFEF7, lr;
	s5 =	simm.s32 $0xFFFFFFFF;
	p2 =	slt.u32 s8, $0xFFFFF086  }
0x1c: {  	p1 =	slt.u32 s9, $0xF7A;
	s5 =	simm.s32 @!p2 $0x0  }
0x1d: {  	s5 =	simm.s32 @p1 $0x1;
	p0 =	seq.s32 s7, s2  }
0x1e: {  	s7 =	smul.u32 @!p0 $0xF7A, s2;
	p2 =	seq.s32 @!p0 s5, $0x0  }
0x1f: {  	s9 =	smul.u32 $0xF7A, s1;
	s8 =	simm.s32 @!p0 $0x1BF5;
	p2 =	por !p2, p0  }
0x20: {  	[sflag:s8] =	ssyncset.s32 @!p0 $0xFFFFF086;
	s6 =	sadd.s32 @!p0 s3, s7;
	s7 =	simm.s32 @!p0 $0x108  }
0x21: {  	s3 =	sadd.s32 s3, s9;
	s6 =	sadd.s32 @!p0 $0x88, s6;
	s7 =	simm.s32 @p2 $0x1082  }
0x22: {  	[simem:s7], [sflag:s8] =	dma.local @!p0 [hbm:s6], $0xF7A  }
0x23: {  	s9 =	sor.u32 $0xD0000000, s2;
	s6 =	simm.s32 $0x108;
	_ =	swait.ge @!p0 [sflag:s8], $0x0  }
0x24: {  	s3 =	sadd.s32 $0x88, s3;
	s6 =	simm.s32 @!p1 $0x1082;
	[sflag:s4] =	ssyncset.s32 $0xFFFFF086  }
0x25: {  	[simem:s6], [sflag:s4] =	dma.local [hbm:s3], $0xF7A  }
0x26: {  	[smem:$0x3F7D] =	sst s1;
	(tag) =	ssettag s2;
	_ =	strace s9  }
0x27: {  	s1 =	sld [smem:$0x3F8D]  }
0x28: {  	s2 =	sld [smem:$0x3F8E]  }
0x29: {  	s4 =	sld [smem:$0x3F90]  }
0x2a: {  	p0 =	seq.s32 s5, $0x0;
	s5 =	sld [smem:$0x3F91]  }
0x2b: {  	s6 =	sld [smem:$0x3F92]  }
0x2c: {  	s7 =	sld [smem:$0x3F93]  }
0x2d: {  	s3 =	simm.s32 $0x108;
	s8 =	sld [smem:$0x3F94]  }
0x2e: {  	s3 =	simm.s32 @!p0 $0x1082;
	s9 =	sld [smem:$0x3F95]  }
0x2f: {  	lr =	sadd.s32 s0, s3;
	s0 =	sld [smem:$0x3F8C]  }
0x30: {  	s3 =	sld [smem:$0x3F8F]  }
0x31: {  	[smem:$0x3F98] =	sst s10  }
0x32: {  	s10 =	sld [smem:$0x3F96];
	_ =	sdelay $0x3  }
0x33: {  	p0 =	seq.s32 s10, $0x1;
	s10 =	sld [smem:$0x3F98];
	_ =	sdelay $0x3  }
0x34: {  	[smem:$0x3F98] =	sst s10  }
0x35: {  	s10 =	sld [smem:$0x3F97];
	_ =	sdelay $0x3  }
0x36: {  	p1 =	seq.s32 s10, $0x1;
	s10 =	sld [smem:$0x3F98];
	_ =	sdelay $0x3  }
0x37: {  	[smem:$0x3F98] =	sst s10  }
0x38: {  	s10 =	sld [smem:$0x3F99]  }
0x39: {  	_ = 	snop;
	(pc) =	sbr.ind lr, $3  }
0x3a: {  	_ = 	snop  }
0x3b: {  	_ = 	snop  }
0x3c: {  	p2 =	seq.s32 s10, $0x1;
	s10 =	sld [smem:$0x3F98]  }
0x3d: {  	_ =	shalt  }
0x3e: {  	_ =	shalt  }
0x3f: {  	_ =	shalt  }
0x40: {  	_ =	shalt  }
0x41: {  	_ =	shalt  }
0x42: {  	_ =	shalt  }
0x43: {  	_ =	shalt  }
0x44: {  	_ =	shalt  }
0x45: {  	_ =	shalt  }
0x46: {  	_ =	shalt  }
0x47: {  	_ =	shalt  }
0x48: {  	_ =	shalt  }
0x49: {  	_ =	shalt  }
0x4a: {  	_ =	shalt  }
0x4b: {  	_ =	shalt  }
0x4c: {  	_ =	shalt  }
0x4d: {  	_ =	shalt  }
0x4e: {  	_ =	shalt  }
0x4f: {  	_ =	shalt  }
0x50: {  	_ =	shalt  }
0x51: {  	_ =	shalt  }
0x52: {  	_ =	shalt  }
0x53: {  	_ =	shalt  }
0x54: {  	_ =	shalt  }
0x55: {  	_ =	shalt  }
0x56: {  	_ =	shalt  }
0x57: {  	_ =	shalt  }
0x58: {  	_ =	shalt  }
0x59: {  	_ =	shalt  }
0x5a: {  	_ =	shalt  }
0x5b: {  	_ =	shalt  }
0x5c: {  	_ =	shalt  }
0x5d: {  	_ =	shalt  }
0x5e: {  	_ =	shalt  }
0x5f: {  	_ =	shalt  }
0x60: {  	_ =	shalt  }
0x61: {  	_ =	shalt  }
0x62: {  	_ =	shalt  }
0x63: {  	_ =	shalt  }
0x64: {  	_ =	shalt  }
0x65: {  	_ =	shalt  }
0x66: {  	_ =	shalt  }
0x67: {  	_ =	shalt  }
0x68: {  	_ =	shalt  }
0x69: {  	_ =	shalt  }
0x6a: {  	_ =	shalt  }
0x6b: {  	_ =	shalt  }
0x6c: {  	_ =	shalt  }
0x6d: {  	_ =	shalt  }
0x6e: {  	_ =	shalt  }
0x6f: {  	_ =	shalt  }
0x70: {  	_ =	shalt  }
0x71: {  	_ =	shalt  }
0x72: {  	_ =	shalt  }
0x73: {  	_ =	shalt  }
0x74: {  	_ =	shalt  }
0x75: {  	_ =	shalt  }
0x76: {  	_ =	shalt  }
0x77: {  	_ =	shalt  }
0x78: {  	_ =	shalt  }
0x79: {  	_ =	shalt  }
0x7a: {  	_ =	shalt  }
0x7b: {  	_ =	shalt  }
0x7c: {  	_ =	shalt  }
0x7d: {  	_ =	shalt  }
0x7e: {  	_ =	shalt  }
0x7f: {  	_ =	shalt  }
0x80: {  	_ =	shalt  }
0x81: {  	_ =	shalt  }
0x82: {  	_ =	shalt  }
0x83: {  	_ =	shalt  }
0x84: {  	_ =	shalt  }
0x85: {  	_ =	shalt  }
0x86: {  	_ =	shalt  }
0x87: {  	_ =	shalt  }
.Lfunc_end0:
.L_simem_size_0:
called_computation.2_lowered:
.L_overlay_start_0:
0x88: {  	s2 =	sld [smem:$0x3FD9]  }
0x89: {  	s3 =	sld [smem:$0x3FFE];
	_ =	sdelay $0x1  }
0x8a: {  	s1 =	srdreg.scid  }
0x8b: {  	s0 =	sand.u32 $0x1, s1  }
0x8c: {  	s17 =	sshll.u32 s0, $0xA;
	s2 =	sadd.s32 s3, s2  }
0x8d: {  	s2 =	sadd.s32 s2, s17  }
0x8e: {  	[smem:$0x3FA4] =	sst s2  }
0x8f: {  	_ = 	snop  }
0x90: {  	(tm) =	ssettm $0x1  }
0x91: {  	s18 =	sld [smem:$0x3FFB];
	_ =	sdelay $0x3  }
0x92: {  	_ =	strace s18  }
0x93: {  	s2 =	sld [smem:$0x3FFC];
	_ =	sdelay $0x3  }
0x94: {  	_ =	strace s2  }
0x95: {  	s2 =	sld [smem:$0x3FFD];
	_ =	sdelay $0x3  }
0x96: {  	_ =	strace s2  }
0x97: {  	_ =	strace $0x8FFFFFFF  }
0x98: {  	s19 =	sld [smem:$0x3FDB];
	_ =	sdelay $0x1  }
0x99: {  	s20 =	simm.s32 $_scs_section_size  }
0x9a: {  	s4 =	simm.s32 $_size__tile_overlayer_lowered;
	s5 =	simm.s32 $_tile_overlayer_lowered  }
0x9b: {  	s6 =	simm.s32 $0x1BFF;
	s21 =	sshll.u32 s5, $0x1;
	s3 =	sadd.s32 s20, s19  }
0x9c: {  	s22 =	simm.s32 $0x0;
	s4 =	sshll.u32 s4, $0x1;
	s5 =	sadd.s32 s21, s3  }
0x9d: {  	[timem:s22], [sflag:s6] =	dma.local [hbm:s5], s4  }
0x9e: {  	_ =	swait.ge [sflag:s6], s4  }
0x9f: {  	s4 =	ssub.s32 $0x0, s4;
	[sflag:s6] =	ssyncset.done $0x0  }
0xa0: {  	[sflag:s6] =	ssyncadd.s32 s4;
	_ =	sdelay $0x1  }
0xa1: {  	s23 =	simm.s32 $0x1B8B  }
0xa2: {  	_ =	swait.ge [sflag:s23], $0x1  }
0xa3: {  	[sflag:s23] =	ssyncset.done $0x0  }
0xa4: {  	[sflag:s23] =	ssyncadd.s32 $0xFFFFFFFF  }
0xa5: {  	s4 =	sld [smem:$0x0]  }
0xa6: {  	s5 =	sand.u32 $0xFFFFFFFE, s1  }
0xa7: {  	p0 =	sne.s32 s1, s5  }
0xa8: {  	s5 =	sshll.u32 @p0 s5, $0xE  }
0xa9: {  	s5 =	sadd.s32 @p0 $0x11B8D, s5;
	s6 =	sshll.u32 @p0 s4, $0x11  }
0xaa: {  	s5 =	sor.u32 @p0 s6, s5  }
0xab: {  	[sflag:s5] =	ssyncadd.remote.s32 @p0 $0x1;
	_ =	sdelay $0x1  }
0xac: {  	s5 =	simm.s32 @p0 $0x1B8D  }
0xad: {  	_ =	swait.eq @p0 [sflag:s5], $0x1  }
0xae: {  	[sflag:s5] =	ssyncadd.s32 @p0 $0xFFFFFFFF  }
0xaf: {  	s6 =	sshll.u32 @!p0 s1, $0xE  }
0xb0: {  	s6 =	sor.u32 @!p0 $0x4000, s6;
	s5 =	simm.s32 @!p0 $0x1B8D  }
0xb1: {  	s4 =	sshll.u32 @!p0 s4, $0x11;
	s6 =	sadd.s32 @!p0 $0x11B8D, s6;
	_ =	swait.eq @!p0 [sflag:s5], $0x1  }
0xb2: {  	s4 =	sor.u32 @!p0 s4, s6;
	[sflag:s5] =	ssyncadd.s32 @!p0 $0xFFFFFFFF  }
0xb3: {  	s25 =	simm.s32 $0x1B8E;
	s24 =	sld [smem:$0x3FFE];
	[sflag:s4] =	ssyncadd.remote.s32 @!p0 $0x1  }
0xb4: {  	s26 =	simm.s32 $execute0_lowered;
	[smem:$0x3FD2] =	sst s25  }
0xb5: {  	s5 =	sshll.u32 s26, $0x1;
	_ =	strace $0x8000004C;
	[dreg:$0x1] =	wrdreg $0xFFFFFFFF  }
0xb6: {  	s28 =	simm.s32 $_size_execute0_lowered;
	s3 =	sadd.s32 s3, s5;
	[dreg:$0x0] =	wrdreg $0x0  }
0xb7: {  	s5 =	sshll.u32 s28, $0x1;
	[dreg:$0x2] =	wrdreg s3  }
0xb8: {  	[dreg:$0x3] =	wrdreg s5  }
0xb9: {  	[dreg:$0x4] =	wrdreg $0xC0  }
0xba: {  	_ =	task [dreg:s22], $0x5FFFF  }
0xbb: {  	[dreg:$0x1] =	wrdreg $0xFFFFFFFF  }
0xbc: {  	[dreg:$0x0] =	wrdreg $0x60  }
0xbd: {  	[dreg:$0x2] =	wrdreg s24  }
0xbe: {  	[dreg:$0x3] =	wrdreg $0x0  }
0xbf: {  	[dreg:$0x4] =	wrdreg $0xA  }
0xc0: {  	_ =	task.clear_ibuf [dreg:s22], $0x5FFFF;
	_ =	strace $0x9000004C  }
0xc1: {  	s29 =	simm.s32 $0xA;
	_ =	strace $0x8000004E  }
0xc2: {  	_ =	swait.ge [sflag:s29], $0x1  }
0xc3: {  	[sflag:s29] =	ssyncadd.s32 $0xFFFFFFFF  }
0xc4: {  	_ =	strace $0x9000004E  }
0xc5: {  	_ =	sfence  }
0xc6: {  	s30 =	sld [smem:$0x0];
	_ =	sdelay $0x2  }
0xc7: {  	s31 =	sshll.u32 s1, $0xD;
	s1 =	sshrl.u32 s1, $0x2  }
0xc8: {  	s4 =	sand.u32 $0x4000, s31;
	s1 =	sadd.s32 s1, s30  }
0xc9: {  	s0 =	sor.u32 s4, s0;
	s1 =	sshll.u32 s1, $0x11  }
0xca: {  	s0 =	sor.u32 s1, s0  }
0xcb: {  	s0 =	sadd.s32 $0x8F2B, s0  }
0xcc: {  	[sflag:s0] =	ssyncadd.remote.s32 $0x1  }
0xcd: {  	_ =	sfence.sel $0xFFFF  }
0xce: {  	[dreg:$0x0] =	wrdreg $0xFFFFFFFF;
	(pc) =	sbr.abs _section_cstart, $3  }
0xcf: {  	[dreg:$0x1] =	wrdreg $0xFFFFFFFF  }
0xd0: {  	_ =	task.clear_ibuf [dreg:s22], $0x2FFFF;
	_ =	strace $0x9FFFFFFF  }
0xd1: {  	(tm) =	ssettm $0x7FFFFFFF  }
tec
execute0_lowered:
.L_overlay_start_1:
0x0: {  	(tag) =	ssettag $0x1  }
0x1: {  	s0 =	rddreg [dreg:$0x0]  }
0x2: {  	s2 =	rddreg [dreg:$0x1]  }
0x3: {  	s3 =	simm.s32 $0x0;
	s1 =	srdreg.scid;
	s12 =	stileid.u32  }
0x4: {  	s13 =	simm.s32 $0x9;
	s28 =	simm.s32 $0x3;
	s29 =	simm.s32 $0x7  }
0x5: {  	s30 =	simm.s32 $0x4;
	s31 =	simm.s32 $0x8;
	s4 =	smul.u32 $0xA000, s12  }
0x6: {  	[smem:$0x7FF] =	sst s3;
	s1 =	sand.u32 $0x1, s1;
	s9 =	smul.u32 $0x2800, s12  }
0x7: {  	s6 =	sadd.s32 $0x56EA00, s0;
	s8 =	sadd.s32 $0xA800, s0;
	s23 =	smul.u32 $0x14000, s12  }
0x8: {  	s16 =	sshll.u32 s12, $0x6;
	s5 =	smul.u32 $0xA0000, s1;
	s7 =	ssub.s32 $0x2, s1  }
0x9: {  	_ =	strace $0x8000004D;
	s11 =	smul.u32 $0x1400, s1;
	s10 =	sshrl.u32 s7, $0x1  }
0xa: {  	s1 =	smul.u32 $0xA000, s1;
	s5 =	sadd.s32 s4, s5;
	s14 =	ssub.s32 s7, s10  }
0xb: {  	s4 =	sadd.s32 s4, s2;
	s9 =	sadd.s32 s11, s9;
	s7 =	sor.u32 $0x1C09, s16  }
0xc: {  	s16 =	simm.s32 $0xA100;
	s5 =	sshrl.u32 s5, $0x3;
	s17 =	sor.u32 $0x100, s9  }
0xd: {  	s19 =	sor.u32 $0x80, s9;
	s22 =	sor.u32 $0x180, s9;
	s26 =	sshrl.u32 s9, $0x3  }
0xe: {  	s4 =	sshrl.u32 s4, $0x3;
	s0 =	sadd.s32 s5, s0;
	s5 =	smax.u32 s14, $0x1  }
0xf: {  	s18 =	sshll.u32 s17, $0x3;
	s20 =	sshll.u32 s19, $0x3;
	s24 =	sshrl.u32 s19, $0x3  }
0x10: {  	s25 =	sshll.u32 s22, $0x3;
	s14 =	simm.s32 $0xA000;
	s19 =	simm.s32 $0xC200  }
0x11: {  	[dreg:$0xe] =	wrdreg s4;
	s15 =	sadd.s32 $0x6EA00, s0;
	s0 =	sadd.s32 $0x96A00, s0  }
0x12: {  	[dreg:$0x9] =	wrdreg s5;
	s5 =	sadd.s32 s18, s6;
	s21 =	sadd.s32 s20, s6  }
0x13: {  	s10 =	sadd.s32 s25, s6;
	s6 =	sadd.s32 s23, s6;
	[dreg:$0x7] =	wrdreg s15  }
0x14: {  	s18 =	simm.s32 $0xA200;
	s20 =	simm.s32 $0xE200;
	[dreg:$0x8] =	wrdreg s0  }
0x15: {  	s23 =	simm.s32 $0x5;
	s25 =	simm.s32 $0x2;
	[dreg:$0x3] =	wrdreg s5  }
0x16: {  	s0 =	sshrl.u32 s17, $0x3;
	[dreg:$0x4] =	wrdreg s21;
	s5 =	sadd.s32 s24, s8  }
0x17: {  	[dreg:$0x5] =	wrdreg s10;
	s1 =	sadd.s32 s1, s6;
	s15 =	simm.s32 $0xA080  }
0x18: {  	s17 =	simm.s32 $0xA180;
	s0 =	sadd.s32 s0, s8;
	[dreg:$0xb] =	wrdreg s5  }
0x19: {  	s21 =	simm.s32 $0x10200;
	[dreg:$0xa] =	wrdreg s0;
	s0 =	sshrl.u32 s22, $0x3  }
0x1a: {  	s24 =	simm.s32 $0x80;
	[dreg:$0x6] =	wrdreg s1;
	s0 =	sadd.s32 s0, s8  }
0x1b: {  	s22 =	simm.s32 $0x1;
	[dreg:$0xc] =	wrdreg s0;
	s0 =	sadd.s32 s26, s8  }
0x1c: {  	s26 =	simm.s32 $0x6;
	[dreg:$0xd] =	wrdreg s0;
	s0 =	simm.s32 $0x0  }
.LBB2_1:
0x1d: {  	s1 =	rddreg [dreg:$0x7]  }
0x1e: {  	[spmem:s4], [sflag:s7] =	dma.local [hbm:s1], $0x1400  }
0x1f: {  	_ =	swait.ge [sflag:s13], $0x1400  }
0x20: {  	[sflag:s13] =	ssyncset.done $0x0  }
0x21: {  	[sflag:s13] =	ssyncadd.s32 $0xFFFFEC00  }
0x22: {  	[bflag:$0x0] =	sbarrier.arrive $0xFFFF  }
0x23: {  	s12 =	smov.u32 s7;
	s7 =	rddreg [dreg:$0xd]  }
0x24: {  	s9 =	rddreg [dreg:$0xb]  }
0x25: {  	[tilespmem:s14], [sflag:$0x1] =	stream.linear.gather [hbm4b:s7+s3], $0x80, $0x38;
	[tilespmem:$0x12200] =	vst v63  }
0x26: {  	s10 =	rddreg [dreg:$0x6]  }
0x27: {  	[tilespmem:s15], [sflag:$0x2] =	stream.linear.gather [hbm4b:s9+s3], $0x80, $0x38;
	[tilespmem:$0x12200] =	vst v63  }
0x28: {  	s8 =	rddreg [dreg:$0xa]  }
0x29: {  	[tilespmem:s16], [sflag:$0x3] =	stream.linear.gather [hbm4b:s8+s3], $0x80, $0x38;
	[tilespmem:$0x12200] =	vst v63  }
0x2a: {  	s5 =	rddreg [dreg:$0xc]  }
0x2b: {  	[tilespmem:s17], [sflag:$0x4] =	stream.linear.gather [hbm4b:s5+s3], $0x80, $0x38;
	[tilespmem:$0x12200] =	vst v63  }
0x2c: {  	s11 =	rddreg [dreg:$0x4];
	s1 =	sadd.s32 $0x0, s10  }
0x2d: {  	[tilespmem:s18], [sflag:$0x5] =	stream.linear.gather [hbm4b:s1+s3], $0x2000, $0x38;
	[tilespmem:$0x12200] =	vst v63  }
0x2e: {  	s6 =	rddreg [dreg:$0x3];
	s10 =	sadd.s32 $0x0, s11  }
0x2f: {  	[tilespmem:s19], [sflag:$0x6] =	stream.linear.gather [hbm4b:s10+s3], $0x2000, $0x38;
	[tilespmem:$0x12200] =	vst v63  }
0x30: {  	s11 =	rddreg [dreg:$0x5];
	s10 =	sadd.s32 $0x0, s6  }
0x31: {  	[tilespmem:s20], [sflag:$0x7] =	stream.linear.gather [hbm4b:s10+s3], $0x2000, $0x38;
	[tilespmem:$0x12200] =	vst v63  }
0x32: {  	s11 =	sadd.s32 $0x0, s11  }
0x33: {  	[tilespmem:s21], [sflag:$0x8] =	stream.linear.gather [hbm4b:s11+s3], $0x2000, $0x38;
	[tilespmem:$0x12200] =	vst v63  }
0x34: {  	_ =	swait.ge [sflag:s22], $0x80  }
0x35: {  	[sflag:s22] =	ssyncset.done $0x0  }
0x36: {  	[sflag:s22] =	ssyncadd.s32 $0xFFFFFF80  }
0x37: {  	_ =	swait.ge [sflag:s23], $0x2000  }
0x38: {  	[sflag:s23] =	ssyncset.done $0x0  }
0x39: {  	[sflag:s23] =	ssyncadd.s32 $0xFFFFE000  }
0x3a: {  	[spmem:s2] =	stream.indirect.scatter.add.f32 [tilespmem:s18], [sflag:$0x9], $0x40, s14, s24, $0xb8;
	[tilespmem:$0x12200] =	vst v63  }
0x3b: {  	_ =	swait.ge [sflag:s13], $0x2000  }
0x3c: {  	[sflag:s13] =	ssyncset.done $0x0  }
0x3d: {  	[sflag:s13] =	ssyncadd.s32 $0xFFFFE000  }
0x3e: {  	_ =	swait.ge [sflag:s25], $0x80  }
0x3f: {  	[sflag:s25] =	ssyncset.done $0x0  }
0x40: {  	[sflag:s25] =	ssyncadd.s32 $0xFFFFFF80  }
0x41: {  	_ =	swait.ge [sflag:s26], $0x2000  }
0x42: {  	[sflag:s26] =	ssyncset.done $0x0  }
0x43: {  	[sflag:s26] =	ssyncadd.s32 $0xFFFFE000  }
0x44: {  	[spmem:s2] =	stream.indirect.scatter.add.f32 [tilespmem:s19], [sflag:$0x9], $0x40, s15, s24, $0xb8;
	[tilespmem:$0x12200] =	vst v63  }
0x45: {  	_ =	swait.ge [sflag:s13], $0x2000  }
0x46: {  	[sflag:s13] =	ssyncset.done $0x0  }
0x47: {  	[sflag:s13] =	ssyncadd.s32 $0xFFFFE000  }
0x48: {  	_ =	swait.ge [sflag:s28], $0x80  }
0x49: {  	[sflag:s28] =	ssyncset.done $0x0  }
0x4a: {  	[sflag:s28] =	ssyncadd.s32 $0xFFFFFF80  }
0x4b: {  	_ =	swait.ge [sflag:s29], $0x2000  }
0x4c: {  	[sflag:s29] =	ssyncset.done $0x0  }
0x4d: {  	[sflag:s29] =	ssyncadd.s32 $0xFFFFE000  }
0x4e: {  	[spmem:s2] =	stream.indirect.scatter.add.f32 [tilespmem:s20], [sflag:$0x9], $0x40, s16, s24, $0xb8;
	[tilespmem:$0x12200] =	vst v63  }
0x4f: {  	_ =	swait.ge [sflag:s13], $0x2000  }
0x50: {  	[sflag:s13] =	ssyncset.done $0x0  }
0x51: {  	[sflag:s13] =	ssyncadd.s32 $0xFFFFE000  }
0x52: {  	_ =	swait.ge [sflag:s30], $0x80  }
0x53: {  	[sflag:s30] =	ssyncset.done $0x0  }
0x54: {  	[sflag:s30] =	ssyncadd.s32 $0xFFFFFF80  }
0x55: {  	_ =	swait.ge [sflag:s31], $0x2000  }
0x56: {  	[sflag:s31] =	ssyncset.done $0x0  }
0x57: {  	[sflag:s31] =	ssyncadd.s32 $0xFFFFE000  }
0x58: {  	[spmem:s2] =	stream.indirect.scatter.add.f32 [tilespmem:s21], [sflag:$0x9], $0x40, s17, s24, $0xb8;
	[tilespmem:$0x12200] =	vst v63  }
0x59: {  	s4 =	sadd.s32 $0x40, s5;
	_ =	swait.ge [sflag:s13], $0x2000  }
0x5a: {  	s1 =	simm.s32 $0x1000;
	s6 =	sadd.s32 $0x40, s7;
	[sflag:s13] =	ssyncset.done $0x0  }
.LBB2_2:
0x5b: {  	[sflag:s13] =	ssyncadd.s32 $0xFFFFE000  }
0x5c: {  	[tilespmem:s14], [sflag:$0x1] =	stream.linear.gather [hbm4b:s6+s3], $0x80, $0x38;
	[tilespmem:$0x12200] =	vst v63  }
0x5d: {  	s9 =	sadd.s32 $0x40, s9  }
0x5e: {  	[tilespmem:s15], [sflag:$0x2] =	stream.linear.gather [hbm4b:s9+s3], $0x80, $0x38;
	[tilespmem:$0x12200] =	vst v63  }
0x5f: {  	s8 =	sadd.s32 $0x40, s8  }
0x60: {  	[tilespmem:s16], [sflag:$0x3] =	stream.linear.gather [hbm4b:s8+s3], $0x80, $0x38;
	[tilespmem:$0x12200] =	vst v63  }
0x61: {  	s7 =	smov.u32 s1;
	s5 =	rddreg [dreg:$0x6]  }
0x62: {  	[tilespmem:s17], [sflag:$0x4] =	stream.linear.gather [hbm4b:s4+s3], $0x80, $0x38;
	[tilespmem:$0x12200] =	vst v63  }
0x63: {  	s10 =	rddreg [dreg:$0x4];
	s5 =	sadd.s32 s7, s5  }
0x64: {  	[tilespmem:s18], [sflag:$0x5] =	stream.linear.gather [hbm4b:s5+s3], $0x2000, $0x38;
	[tilespmem:$0x12200] =	vst v63  }
0x65: {  	s11 =	rddreg [dreg:$0x3];
	s5 =	sadd.s32 s7, s10  }
0x66: {  	[tilespmem:s19], [sflag:$0x6] =	stream.linear.gather [hbm4b:s5+s3], $0x2000, $0x38;
	[tilespmem:$0x12200] =	vst v63  }
0x67: {  	s11 =	sadd.s32 s7, s11;
	s10 =	rddreg [dreg:$0x5]  }
0x68: {  	[tilespmem:s20], [sflag:$0x7] =	stream.linear.gather [hbm4b:s11+s3], $0x2000, $0x38;
	[tilespmem:$0x12200] =	vst v63  }
0x69: {  	s11 =	sadd.s32 s7, s10  }
0x6a: {  	[tilespmem:s21], [sflag:$0x8] =	stream.linear.gather [hbm4b:s11+s3], $0x2000, $0x38;
	[tilespmem:$0x12200] =	vst v63  }
0x6b: {  	_ =	swait.ge [sflag:s22], $0x80  }
0x6c: {  	[sflag:s22] =	ssyncset.done $0x0  }
0x6d: {  	[sflag:s22] =	ssyncadd.s32 $0xFFFFFF80  }
0x6e: {  	_ =	swait.ge [sflag:s23], $0x2000  }
0x6f: {  	[sflag:s23] =	ssyncset.done $0x0  }
0x70: {  	[sflag:s23] =	ssyncadd.s32 $0xFFFFE000  }
0x71: {  	[spmem:s2] =	stream.indirect.scatter.add.f32 [tilespmem:s18], [sflag:$0x9], $0x40, s14, s24, $0xb8;
	[tilespmem:$0x12200] =	vst v63  }
0x72: {  	_ =	swait.ge [sflag:s13], $0x2000  }
0x73: {  	[sflag:s13] =	ssyncset.done $0x0  }
0x74: {  	[sflag:s13] =	ssyncadd.s32 $0xFFFFE000  }
0x75: {  	_ =	swait.ge [sflag:s25], $0x80  }
0x76: {  	[sflag:s25] =	ssyncset.done $0x0  }
0x77: {  	[sflag:s25] =	ssyncadd.s32 $0xFFFFFF80  }
0x78: {  	_ =	swait.ge [sflag:s26], $0x2000  }
0x79: {  	[sflag:s26] =	ssyncset.done $0x0  }
0x7a: {  	[sflag:s26] =	ssyncadd.s32 $0xFFFFE000  }
0x7b: {  	[spmem:s2] =	stream.indirect.scatter.add.f32 [tilespmem:s19], [sflag:$0x9], $0x40, s15, s24, $0xb8;
	[tilespmem:$0x12200] =	vst v63  }
0x7c: {  	_ =	swait.ge [sflag:s13], $0x2000  }
0x7d: {  	[sflag:s13] =	ssyncset.done $0x0  }
0x7e: {  	[sflag:s13] =	ssyncadd.s32 $0xFFFFE000  }
0x7f: {  	_ =	swait.ge [sflag:s28], $0x80  }
0x80: {  	[sflag:s28] =	ssyncset.done $0x0  }
0x81: {  	[sflag:s28] =	ssyncadd.s32 $0xFFFFFF80  }
0x82: {  	_ =	swait.ge [sflag:s29], $0x2000  }
0x83: {  	[sflag:s29] =	ssyncset.done $0x0  }
0x84: {  	[sflag:s29] =	ssyncadd.s32 $0xFFFFE000  }
0x85: {  	[spmem:s2] =	stream.indirect.scatter.add.f32 [tilespmem:s20], [sflag:$0x9], $0x40, s16, s24, $0xb8;
	[tilespmem:$0x12200] =	vst v63  }
0x86: {  	_ =	swait.ge [sflag:s13], $0x2000  }
0x87: {  	[sflag:s13] =	ssyncset.done $0x0  }
0x88: {  	[sflag:s13] =	ssyncadd.s32 $0xFFFFE000  }
0x89: {  	_ =	swait.ge [sflag:s30], $0x80  }
0x8a: {  	[sflag:s30] =	ssyncset.done $0x0  }
0x8b: {  	[sflag:s30] =	ssyncadd.s32 $0xFFFFFF80  }
0x8c: {  	p0 =	sne.s32 s1, $0x9000;
	_ =	swait.ge [sflag:s31], $0x2000  }
.Ltmp0:
0x8d: {  	[sflag:s31] =	ssyncset.done $0x0;
	(pc) =	sbr.rel @p0 .LBB2_2-.Ltmp0, $4  }
0x8e: {  	[sflag:s31] =	ssyncadd.s32 $0xFFFFE000  }
0x8f: {  	[spmem:s2] =	stream.indirect.scatter.add.f32 [tilespmem:s21], [sflag:$0x9], $0x40, s17, s24, $0xb8;
	[tilespmem:$0x12200] =	vst v63  }
0x90: {  	s1 =	sadd.s32 $0x1000, s1;
	_ =	swait.ge [sflag:s13], $0x2000  }
0x91: {  	s6 =	sadd.s32 $0x40, s6;
	s4 =	sadd.s32 $0x40, s4;
	[sflag:s13] =	ssyncset.done $0x0  }
0x92: {  	[sflag:s13] =	ssyncadd.s32 $0xFFFFE000  }
0x93: {  	[bflag:$0x0] =	sbarrier.arrive $0xFFFF  }
0x94: {  	s1 =	rddreg [dreg:$0x8]  }
0x95: {  	s4 =	rddreg [dreg:$0xe]  }
0x96: {  	[hbm:s1], [sflag:s12] =	dma.local [spmem:s4], $0x1400  }
0x97: {  	_ =	swait.ge [sflag:s13], $0x1400  }
0x98: {  	s7 =	smov.u32 s12;
	s0 =	sadd.s32 $0x1, s0;
	s12 =	rddreg [dreg:$0x9]  }
0x99: {  	p0 =	sne.s32 s0, s12  }
.Ltmp1:
0x9a: {  	_ = 	snop;
	(pc) =	sbr.rel @p0 .LBB2_1-.Ltmp1, $3  }
0x9b: {  	_ =	sdelay $0x1  }
0x9c: {  	[sflag:s13] =	ssyncset.done $0x0  }
0x9d: {  	[sflag:s13] =	ssyncadd.s32 $0xFFFFEC00  }
0x9e: {  	_ =	sfence.sel $0x180000  }
0x9f: {  	[bflag:$0x0] =	sbarrier.arrive $0xFFFF  }
0xa0: {  	_ =	strace $0x9000004D  }
0xa1: {  	s0 =	stileid.u32;
	[bflag:$0x2] =	sbarrier.arrive $0xFFFF  }
0xa2: {  	p0 =	sne.s32 s0, $0x0;
	s0 =	rddreg [dreg:$0x2]  }
0xa3: {  	s0 =	sadd.s32 @!p0 $0x100000, s0  }
0xa4: {  	[sflag:s0] =	ssyncadd.tile.s32 @!p0 $0x1;
	_ =	shalt  }
.Lfunc_end2:
_tile_overlayer_lowered:
.L_overlay_start_2:
0xa5: {  	(tag) =	ssettag $0x2  }
0xa6: {  	s0 =	rddreg [dreg:$0x0];
	s2 =	stileid.u32  }
0xa7: {  	s1 =	rddreg [dreg:$0x1];
	p0 =	sne.s32 s2, $0x0  }
0xa8: {  	s3 =	rddreg [dreg:$0x2];
	[bflag:$0x3] =	sbarrier.arrive $0xFFFF;
	s2 =	simm.s32 @!p0 $0x1C09  }
0xa9: {  	[timem:s3], [sflag:s2] =	dma.local @!p0 [hbm:s0], s1  }
0xaa: {  	s0 =	simm.s32 @!p0 $0x9  }
0xab: {  	_ =	swait.ge @!p0 [sflag:s0], s1  }
0xac: {  	s1 =	ssub.s32 @!p0 $0x0, s1;
	[sflag:s0] =	ssyncset.done @!p0 $0x0  }
0xad: {  	[sflag:s0] =	ssyncadd.s32 @!p0 s1  }
0xae: {  	[bflag:$0x3] =	sbarrier.arrive $0xFFFF  }
0xaf: {  	_ =	shalt  }

// kernel: kernel.26.cloned.1.call-start
scs
__scs_entry_jumppad:
0x0: {  	(pc) =	sbr.rel $0x88, $3  }
0x1: {  	(tag) =	ssettag $0x0;
	lr =	simm.s32 $0x1  }
0x2: {  	[smem:$0x3F7D] =	sst lr;
	_ =	strace $0xD0000000  }
0x3: {  	_ = 	snop  }
0x4: {  	_ = 	snop  }
0x5: {  	_ = 	snop  }
0x6: {  	_ = 	snop  }
0x7: {  	_ = 	snop  }
__scs_overlays_trampoline_lowered:
0x8: {  	[smem:$0x3F8C] =	sst s0  }
0x9: {  	[smem:$0x3F8D] =	sst s1  }
0xa: {  	[smem:$0x3F8E] =	sst s2  }
0xb: {  	[smem:$0x3F8F] =	sst s3  }
0xc: {  	[smem:$0x3F90] =	sst s4  }
0xd: {  	[smem:$0x3F91] =	sst s5  }
0xe: {  	[smem:$0x3F92] =	sst s6  }
0xf: {  	[smem:$0x3F93] =	sst s7  }
0x10: {  	[smem:$0x3F94] =	sst s8  }
0x11: {  	[smem:$0x3F95] =	sst s9;
	s0 =	simm.s32 @!p0 $0x0  }
0x12: {  	s1 =	sld [smem:$0x3F7B];
	s0 =	simm.s32 @p0 $0x1  }
0x13: {  	[smem:$0x3F96] =	sst s0;
	s0 =	simm.s32 @!p1 $0x0  }
0x14: {  	s2 =	sld [smem:$0x3F7A];
	s0 =	simm.s32 @p1 $0x1  }
0x15: {  	[smem:$0x3F97] =	sst s0;
	s0 =	simm.s32 @!p2 $0x0  }
0x16: {  	s3 =	sld [smem:$0x3FDB];
	s0 =	simm.s32 @p2 $0x1  }
0x17: {  	s4 =	simm.s32 $0x1BF5;
	[smem:$0x3F99] =	sst s0  }
0x18: {  	s0 =	sld [smem:$0x3F7C];
	_ =	swait.ge [sflag:s4], $0x0  }
0x19: {  	s7 =	sld [smem:$0x3F7D]  }
0x1a: {  	s8 =	sadd.s32 $0xFFFFE003, lr  }
0x1b: {  	s9 =	sadd.s32 $0xFFFFFEF7, lr;
	s5 =	simm.s32 $0xFFFFFFFF;
	p2 =	slt.u32 s8, $0xFFFFF086  }
0x1c: {  	p1 =	slt.u32 s9, $0xF7A;
	s5 =	simm.s32 @!p2 $0x0  }
0x1d: {  	s5 =	simm.s32 @p1 $0x1;
	p0 =	seq.s32 s7, s2  }
0x1e: {  	s7 =	smul.u32 @!p0 $0xF7A, s2;
	p2 =	seq.s32 @!p0 s5, $0x0  }
0x1f: {  	s9 =	smul.u32 $0xF7A, s1;
	s8 =	simm.s32 @!p0 $0x1BF5;
	p2 =	por !p2, p0  }
0x20: {  	[sflag:s8] =	ssyncset.s32 @!p0 $0xFFFFF086;
	s6 =	sadd.s32 @!p0 s3, s7;
	s7 =	simm.s32 @!p0 $0x108  }
0x21: {  	s3 =	sadd.s32 s3, s9;
	s6 =	sadd.s32 @!p0 $0x88, s6;
	s7 =	simm.s32 @p2 $0x1082  }
0x22: {  	[simem:s7], [sflag:s8] =	dma.local @!p0 [hbm:s6], $0xF7A  }
0x23: {  	s9 =	sor.u32 $0xD0000000, s2;
	s6 =	simm.s32 $0x108;
	_ =	swait.ge @!p0 [sflag:s8], $0x0  }
0x24: {  	s3 =	sadd.s32 $0x88, s3;
	s6 =	simm.s32 @!p1 $0x1082;
	[sflag:s4] =	ssyncset.s32 $0xFFFFF086  }
0x25: {  	[simem:s6], [sflag:s4] =	dma.local [hbm:s3], $0xF7A  }
0x26: {  	[smem:$0x3F7D] =	sst s1;
	(tag) =	ssettag s2;
	_ =	strace s9  }
0x27: {  	s1 =	sld [smem:$0x3F8D]  }
0x28: {  	s2 =	sld [smem:$0x3F8E]  }
0x29: {  	s4 =	sld [smem:$0x3F90]  }
0x2a: {  	p0 =	seq.s32 s5, $0x0;
	s5 =	sld [smem:$0x3F91]  }
0x2b: {  	s6 =	sld [smem:$0x3F92]  }
0x2c: {  	s7 =	sld [smem:$0x3F93]  }
0x2d: {  	s3 =	simm.s32 $0x108;
	s8 =	sld [smem:$0x3F94]  }
0x2e: {  	s3 =	simm.s32 @!p0 $0x1082;
	s9 =	sld [smem:$0x3F95]  }
0x2f: {  	lr =	sadd.s32 s0, s3;
	s0 =	sld [smem:$0x3F8C]  }
0x30: {  	s3 =	sld [smem:$0x3F8F]  }
0x31: {  	[smem:$0x3F98] =	sst s10  }
0x32: {  	s10 =	sld [smem:$0x3F96];
	_ =	sdelay $0x3  }
0x33: {  	p0 =	seq.s32 s10, $0x1;
	s10 =	sld [smem:$0x3F98];
	_ =	sdelay $0x3  }
0x34: {  	[smem:$0x3F98] =	sst s10  }
0x35: {  	s10 =	sld [smem:$0x3F97];
	_ =	sdelay $0x3  }
0x36: {  	p1 =	seq.s32 s10, $0x1;
	s10 =	sld [smem:$0x3F98];
	_ =	sdelay $0x3  }
0x37: {  	[smem:$0x3F98] =	sst s10  }
0x38: {  	s10 =	sld [smem:$0x3F99]  }
0x39: {  	_ = 	snop;
	(pc) =	sbr.ind lr, $3  }
0x3a: {  	_ = 	snop  }
0x3b: {  	_ = 	snop  }
0x3c: {  	p2 =	seq.s32 s10, $0x1;
	s10 =	sld [smem:$0x3F98]  }
0x3d: {  	_ =	shalt  }
0x3e: {  	_ =	shalt  }
0x3f: {  	_ =	shalt  }
0x40: {  	_ =	shalt  }
0x41: {  	_ =	shalt  }
0x42: {  	_ =	shalt  }
0x43: {  	_ =	shalt  }
0x44: {  	_ =	shalt  }
0x45: {  	_ =	shalt  }
0x46: {  	_ =	shalt  }
0x47: {  	_ =	shalt  }
0x48: {  	_ =	shalt  }
0x49: {  	_ =	shalt  }
0x4a: {  	_ =	shalt  }
0x4b: {  	_ =	shalt  }
0x4c: {  	_ =	shalt  }
0x4d: {  	_ =	shalt  }
0x4e: {  	_ =	shalt  }
0x4f: {  	_ =	shalt  }
0x50: {  	_ =	shalt  }
0x51: {  	_ =	shalt  }
0x52: {  	_ =	shalt  }
0x53: {  	_ =	shalt  }
0x54: {  	_ =	shalt  }
0x55: {  	_ =	shalt  }
0x56: {  	_ =	shalt  }
0x57: {  	_ =	shalt  }
0x58: {  	_ =	shalt  }
0x59: {  	_ =	shalt  }
0x5a: {  	_ =	shalt  }
0x5b: {  	_ =	shalt  }
0x5c: {  	_ =	shalt  }
0x5d: {  	_ =	shalt  }
0x5e: {  	_ =	shalt  }
0x5f: {  	_ =	shalt  }
0x60: {  	_ =	shalt  }
0x61: {  	_ =	shalt  }
0x62: {  	_ =	shalt  }
0x63: {  	_ =	shalt  }
0x64: {  	_ =	shalt  }
0x65: {  	_ =	shalt  }
0x66: {  	_ =	shalt  }
0x67: {  	_ =	shalt  }
0x68: {  	_ =	shalt  }
0x69: {  	_ =	shalt  }
0x6a: {  	_ =	shalt  }
0x6b: {  	_ =	shalt  }
0x6c: {  	_ =	shalt  }
0x6d: {  	_ =	shalt  }
0x6e: {  	_ =	shalt  }
0x6f: {  	_ =	shalt  }
0x70: {  	_ =	shalt  }
0x71: {  	_ =	shalt  }
0x72: {  	_ =	shalt  }
0x73: {  	_ =	shalt  }
0x74: {  	_ =	shalt  }
0x75: {  	_ =	shalt  }
0x76: {  	_ =	shalt  }
0x77: {  	_ =	shalt  }
0x78: {  	_ =	shalt  }
0x79: {  	_ =	shalt  }
0x7a: {  	_ =	shalt  }
0x7b: {  	_ =	shalt  }
0x7c: {  	_ =	shalt  }
0x7d: {  	_ =	shalt  }
0x7e: {  	_ =	shalt  }
0x7f: {  	_ =	shalt  }
0x80: {  	_ =	shalt  }
0x81: {  	_ =	shalt  }
0x82: {  	_ =	shalt  }
0x83: {  	_ =	shalt  }
0x84: {  	_ =	shalt  }
0x85: {  	_ =	shalt  }
0x86: {  	_ =	shalt  }
0x87: {  	_ =	shalt  }
.Lfunc_end0:
.L_simem_size_0:
called_computation.3_lowered:
.L_overlay_start_0:
0x88: {  	s2 =	sld [smem:$0x3FD9]  }
0x89: {  	s3 =	sld [smem:$0x3FFE];
	_ =	sdelay $0x1  }
0x8a: {  	s1 =	srdreg.scid  }
0x8b: {  	s0 =	sand.u32 $0x1, s1  }
0x8c: {  	s16 =	sshll.u32 s0, $0xA;
	s2 =	sadd.s32 s3, s2  }
0x8d: {  	s2 =	sadd.s32 s2, s16  }
0x8e: {  	[smem:$0x3FA4] =	sst s2  }
0x8f: {  	_ = 	snop  }
0x90: {  	(tm) =	ssettm $0x1  }
0x91: {  	s17 =	sld [smem:$0x3FFB];
	_ =	sdelay $0x3  }
0x92: {  	_ =	strace s17  }
0x93: {  	s2 =	sld [smem:$0x3FFC];
	_ =	sdelay $0x3  }
0x94: {  	_ =	strace s2  }
0x95: {  	s2 =	sld [smem:$0x3FFD];
	_ =	sdelay $0x3  }
0x96: {  	_ =	strace s2  }
0x97: {  	_ =	strace $0x8FFFFFFF  }
0x98: {  	s18 =	sld [smem:$0x3FDB];
	_ =	sdelay $0x1  }
0x99: {  	s19 =	simm.s32 $_scs_section_size  }
0x9a: {  	s4 =	simm.s32 $_size__tile_overlayer_lowered;
	s5 =	simm.s32 $_tile_overlayer_lowered  }
0x9b: {  	s22 =	simm.s32 $0x1BFF;
	s21 =	sshll.u32 s5, $0x1;
	s2 =	sadd.s32 s19, s18  }
0x9c: {  	s6 =	simm.s32 $0x0;
	s20 =	sshll.u32 s4, $0x1;
	s4 =	sadd.s32 s21, s2  }
0x9d: {  	[timem:s6], [sflag:s22] =	dma.local [hbm:s4], s20  }
0x9e: {  	_ =	swait.ge [sflag:s22], s20  }
0x9f: {  	s3 =	ssub.s32 $0x0, s20;
	[sflag:s22] =	ssyncset.done $0x0  }
0xa0: {  	[sflag:s22] =	ssyncadd.s32 s3;
	_ =	sdelay $0x1  }
0xa1: {  	s23 =	simm.s32 $0x1B8B  }
0xa2: {  	_ =	swait.ge [sflag:s23], $0x1  }
0xa3: {  	[sflag:s23] =	ssyncset.done $0x0  }
0xa4: {  	s25 =	simm.s32 $0x1B8E;
	s24 =	sld [smem:$0x3FFE];
	[sflag:s23] =	ssyncadd.s32 $0xFFFFFFFF  }
0xa5: {  	s26 =	simm.s32 $execute0_lowered;
	[smem:$0x3FD2] =	sst s25  }
0xa6: {  	s4 =	sshll.u32 s26, $0x1;
	_ =	strace $0x8000004F;
	[dreg:$0x1] =	wrdreg $0xFFFFFFFF  }
0xa7: {  	s28 =	simm.s32 $_size_execute0_lowered;
	s2 =	sadd.s32 s2, s4;
	[dreg:$0x0] =	wrdreg $0x0  }
0xa8: {  	s4 =	sshll.u32 s28, $0x1;
	[dreg:$0x2] =	wrdreg s2  }
0xa9: {  	[dreg:$0x3] =	wrdreg s4  }
0xaa: {  	[dreg:$0x4] =	wrdreg $0xC0  }
0xab: {  	_ =	task [dreg:s6], $0x5FFFF  }
0xac: {  	[dreg:$0x1] =	wrdreg $0xFFFFFFFF  }
0xad: {  	[dreg:$0x0] =	wrdreg $0x60  }
0xae: {  	[dreg:$0x2] =	wrdreg s24  }
0xaf: {  	[dreg:$0x3] =	wrdreg $0x0  }
0xb0: {  	[dreg:$0x4] =	wrdreg $0x9  }
0xb1: {  	_ =	task.clear_ibuf [dreg:s6], $0x5FFFF;
	_ =	strace $0x9000004F  }
0xb2: {  	s29 =	simm.s32 $0x9;
	_ =	strace $0x80000051  }
0xb3: {  	_ =	swait.ge [sflag:s29], $0x1  }
0xb4: {  	[sflag:s29] =	ssyncadd.s32 $0xFFFFFFFF  }
0xb5: {  	_ =	strace $0x90000051  }
0xb6: {  	_ =	sfence  }
0xb7: {  	s30 =	sld [smem:$0x0];
	_ =	sdelay $0x2  }
0xb8: {  	s31 =	sshll.u32 s1, $0xD;
	s1 =	sshrl.u32 s1, $0x2  }
0xb9: {  	s3 =	sand.u32 $0x4000, s31;
	s1 =	sadd.s32 s1, s30  }
0xba: {  	s0 =	sor.u32 s3, s0;
	s1 =	sshll.u32 s1, $0x11  }
0xbb: {  	s0 =	sor.u32 s1, s0  }
0xbc: {  	s0 =	sadd.s32 $0x8F2B, s0  }
0xbd: {  	[sflag:s0] =	ssyncadd.remote.s32 $0x1  }
0xbe: {  	_ =	sfence.sel $0xFFFF  }
0xbf: {  	[dreg:$0x0] =	wrdreg $0xFFFFFFFF;
	(pc) =	sbr.abs _section_cstart, $3  }
0xc0: {  	[dreg:$0x1] =	wrdreg $0xFFFFFFFF  }
0xc1: {  	_ =	task.clear_ibuf [dreg:s6], $0x2FFFF;
	_ =	strace $0x9FFFFFFF  }
0xc2: {  	(tm) =	ssettm $0x7FFFFFFF  }
0xc3: {  	_ =	shalt  }
tec
execute0_lowered:
.L_overlay_start_1:
0x0: {  	(tag) =	ssettag $0x1  }
0x1: {  	s0 =	rddreg [dreg:$0x0]  }
0x2: {  	s2 =	rddreg [dreg:$0x1]  }
0x3: {  	s1 =	srdreg.scid;
	s12 =	stileid.u32;
	s3 =	simm.s32 $0x0  }
0x4: {  	s13 =	simm.s32 $0x9;
	s28 =	simm.s32 $0x3;
	s29 =	simm.s32 $0x7  }
0x5: {  	s30 =	simm.s32 $0x4;
	s31 =	simm.s32 $0x8;
	s4 =	smul.u32 $0xA000, s12  }
0x6: {  	s1 =	sand.u32 $0x1, s1;
	[smem:$0x7FF] =	sst s3;
	s9 =	smul.u32 $0x2800, s12  }
0x7: {  	s6 =	sadd.s32 $0xBEA00, s0;
	s8 =	sadd.s32 $0xF800, s0;
	s23 =	smul.u32 $0x14000, s12  }
0x8: {  	s16 =	sshll.u32 s12, $0x6;
	s5 =	smul.u32 $0xA0000, s1;
	s7 =	ssub.s32 $0x2, s1  }
0x9: {  	_ =	strace $0x80000050;
	s11 =	smul.u32 $0x1400, s1;
	s10 =	sshrl.u32 s7, $0x1  }
0xa: {  	s1 =	smul.u32 $0xA000, s1;
	s5 =	sadd.s32 s4, s5;
	s14 =	ssub.s32 s7, s10  }
0xb: {  	s4 =	sadd.s32 s4, s2;
	s9 =	sadd.s32 s11, s9;
	s7 =	sor.u32 $0x1C09, s16  }
0xc: {  	s16 =	simm.s32 $0xA100;
	s5 =	sshrl.u32 s5, $0x3;
	s17 =	sor.u32 $0x100, s9  }
0xd: {  	s19 =	sor.u32 $0x80, s9;
	s22 =	sor.u32 $0x180, s9;
	s26 =	sshrl.u32 s9, $0x3  }
0xe: {  	s4 =	sshrl.u32 s4, $0x3;
	s0 =	sadd.s32 s5, s0;
	s5 =	smax.u32 s14, $0x1  }
0xf: {  	s18 =	sshll.u32 s17, $0x3;
	s20 =	sshll.u32 s19, $0x3;
	s24 =	sshrl.u32 s19, $0x3  }
0x10: {  	s25 =	sshll.u32 s22, $0x3;
	s14 =	simm.s32 $0xA000;
	s19 =	simm.s32 $0xC200  }
0x11: {  	[dreg:$0xe] =	wrdreg s4;
	s15 =	sadd.s32 $0x96A00, s0;
	s0 =	sadd.s32 $0x1E800, s0  }
0x12: {  	[dreg:$0x9] =	wrdreg s5;
	s5 =	sadd.s32 s18, s6;
	s21 =	sadd.s32 s20, s6  }
0x13: {  	s10 =	sadd.s32 s25, s6;
	s6 =	sadd.s32 s23, s6;
	[dreg:$0x7] =	wrdreg s15  }
0x14: {  	s18 =	simm.s32 $0xA200;
	s20 =	simm.s32 $0xE200;
	[dreg:$0x8] =	wrdreg s0  }
0x15: {  	s23 =	simm.s32 $0x5;
	s25 =	simm.s32 $0x2;
	[dreg:$0x3] =	wrdreg s5  }
0x16: {  	s0 =	sshrl.u32 s17, $0x3;
	[dreg:$0x4] =	wrdreg s21;
	s5 =	sadd.s32 s24, s8  }
0x17: {  	[dreg:$0x5] =	wrdreg s10;
	s1 =	sadd.s32 s1, s6;
	s15 =	simm.s32 $0xA080  }
0x18: {  	s17 =	simm.s32 $0xA180;
	s0 =	sadd.s32 s0, s8;
	[dreg:$0xb] =	wrdreg s5  }
0x19: {  	s21 =	simm.s32 $0x10200;
	[dreg:$0xa] =	wrdreg s0;
	s0 =	sshrl.u32 s22, $0x3  }
0x1a: {  	s24 =	simm.s32 $0x80;
	[dreg:$0x6] =	wrdreg s1;
	s0 =	sadd.s32 s0, s8  }
0x1b: {  	s22 =	simm.s32 $0x1;
	[dreg:$0xc] =	wrdreg s0;
	s0 =	sadd.s32 s26, s8  }
0x1c: {  	s26 =	simm.s32 $0x6;
	[dreg:$0xd] =	wrdreg s0;
	s0 =	simm.s32 $0x0  }
.LBB2_1:
0x1d: {  	s1 =	rddreg [dreg:$0x7]  }
0x1e: {  	[spmem:s4], [sflag:s7] =	dma.local [hbm:s1], $0x1400  }
0x1f: {  	_ =	swait.ge [sflag:s13], $0x1400  }
0x20: {  	[sflag:s13] =	ssyncset.done $0x0  }
0x21: {  	[sflag:s13] =	ssyncadd.s32 $0xFFFFEC00  }
0x22: {  	[bflag:$0x0] =	sbarrier.arrive $0xFFFF  }
0x23: {  	s12 =	smov.u32 s7;
	s7 =	rddreg [dreg:$0xd]  }
0x24: {  	s9 =	rddreg [dreg:$0xb]  }
0x25: {  	[tilespmem:s14], [sflag:$0x1] =	stream.linear.gather [hbm4b:s7+s3], $0x80, $0x38;
	[tilespmem:$0x12200] =	vst v63  }
0x26: {  	s10 =	rddreg [dreg:$0x6]  }
0x27: {  	[tilespmem:s15], [sflag:$0x2] =	stream.linear.gather [hbm4b:s9+s3], $0x80, $0x38;
	[tilespmem:$0x12200] =	vst v63  }
0x28: {  	s8 =	rddreg [dreg:$0xa]  }
0x29: {  	[tilespmem:s16], [sflag:$0x3] =	stream.linear.gather [hbm4b:s8+s3], $0x80, $0x38;
	[tilespmem:$0x12200] =	vst v63  }
0x2a: {  	s5 =	rddreg [dreg:$0xc]  }
0x2b: {  	[tilespmem:s17], [sflag:$0x4] =	stream.linear.gather [hbm4b:s5+s3], $0x80, $0x38;
	[tilespmem:$0x12200] =	vst v63  }
0x2c: {  	s11 =	rddreg [dreg:$0x4];
	s1 =	sadd.s32 $0x0, s10  }
0x2d: {  	[tilespmem:s18], [sflag:$0x5] =	stream.linear.gather [hbm4b:s1+s3], $0x2000, $0x38;
	[tilespmem:$0x12200] =	vst v63  }
0x2e: {  	s6 =	rddreg [dreg:$0x3];
	s10 =	sadd.s32 $0x0, s11  }
0x2f: {  	[tilespmem:s19], [sflag:$0x6] =	stream.linear.gather [hbm4b:s10+s3], $0x2000, $0x38;
	[tilespmem:$0x12200] =	vst v63  }
0x30: {  	s11 =	rddreg [dreg:$0x5];
	s10 =	sadd.s32 $0x0, s6  }
0x31: {  	[tilespmem:s20], [sflag:$0x7] =	stream.linear.gather [hbm4b:s10+s3], $0x2000, $0x38;
	[tilespmem:$0x12200] =	vst v63  }
0x32: {  	s11 =	sadd.s32 $0x0, s11  }
0x33: {  	[tilespmem:s21], [sflag:$0x8] =	stream.linear.gather [hbm4b:s11+s3], $0x2000, $0x38;
	[tilespmem:$0x12200] =	vst v63  }
0x34: {  	_ =	swait.ge [sflag:s22], $0x80  }
0x35: {  	[sflag:s22] =	ssyncset.done $0x0  }
0x36: {  	[sflag:s22] =	ssyncadd.s32 $0xFFFFFF80  }
0x37: {  	_ =	swait.ge [sflag:s23], $0x2000  }
0x38: {  	[sflag:s23] =	ssyncset.done $0x0  }
0x39: {  	[sflag:s23] =	ssyncadd.s32 $0xFFFFE000  }
0x3a: {  	[spmem:s2] =	stream.indirect.scatter.add.f32 [tilespmem:s18], [sflag:$0x9], $0x40, s14, s24, $0xb8;
	[tilespmem:$0x12200] =	vst v63  }
0x3b: {  	_ =	swait.ge [sflag:s13], $0x2000  }
0x3c: {  	[sflag:s13] =	ssyncset.done $0x0  }
0x3d: {  	[sflag:s13] =	ssyncadd.s32 $0xFFFFE000  }
0x3e: {  	_ =	swait.ge [sflag:s25], $0x80  }
0x3f: {  	[sflag:s25] =	ssyncset.done $0x0  }
0x40: {  	[sflag:s25] =	ssyncadd.s32 $0xFFFFFF80  }
0x41: {  	_ =	swait.ge [sflag:s26], $0x2000  }
0x42: {  	[sflag:s26] =	ssyncset.done $0x0  }
0x43: {  	[sflag:s26] =	ssyncadd.s32 $0xFFFFE000  }
0x44: {  	[spmem:s2] =	stream.indirect.scatter.add.f32 [tilespmem:s19], [sflag:$0x9], $0x40, s15, s24, $0xb8;
	[tilespmem:$0x12200] =	vst v63  }
0x45: {  	_ =	swait.ge [sflag:s13], $0x2000  }
0x46: {  	[sflag:s13] =	ssyncset.done $0x0  }
0x47: {  	[sflag:s13] =	ssyncadd.s32 $0xFFFFE000  }
0x48: {  	_ =	swait.ge [sflag:s28], $0x80  }
0x49: {  	[sflag:s28] =	ssyncset.done $0x0  }
0x4a: {  	[sflag:s28] =	ssyncadd.s32 $0xFFFFFF80  }
0x4b: {  	_ =	swait.ge [sflag:s29], $0x2000  }
0x4c: {  	[sflag:s29] =	ssyncset.done $0x0  }
0x4d: {  	[sflag:s29] =	ssyncadd.s32 $0xFFFFE000  }
0x4e: {  	[spmem:s2] =	stream.indirect.scatter.add.f32 [tilespmem:s20], [sflag:$0x9], $0x40, s16, s24, $0xb8;
	[tilespmem:$0x12200] =	vst v63  }
0x4f: {  	_ =	swait.ge [sflag:s13], $0x2000  }
0x50: {  	[sflag:s13] =	ssyncset.done $0x0  }
0x51: {  	[sflag:s13] =	ssyncadd.s32 $0xFFFFE000  }
0x52: {  	_ =	swait.ge [sflag:s30], $0x80  }
0x53: {  	[sflag:s30] =	ssyncset.done $0x0  }
0x54: {  	[sflag:s30] =	ssyncadd.s32 $0xFFFFFF80  }
0x55: {  	_ =	swait.ge [sflag:s31], $0x2000  }
0x56: {  	[sflag:s31] =	ssyncset.done $0x0  }
0x57: {  	[sflag:s31] =	ssyncadd.s32 $0xFFFFE000  }
0x58: {  	[spmem:s2] =	stream.indirect.scatter.add.f32 [tilespmem:s21], [sflag:$0x9], $0x40, s17, s24, $0xb8;
	[tilespmem:$0x12200] =	vst v63  }
0x59: {  	s4 =	sadd.s32 $0x40, s5;
	_ =	swait.ge [sflag:s13], $0x2000  }
0x5a: {  	s1 =	simm.s32 $0x1000;
	s6 =	sadd.s32 $0x40, s7;
	[sflag:s13] =	ssyncset.done $0x0  }
.LBB2_2:
0x5b: {  	[sflag:s13] =	ssyncadd.s32 $0xFFFFE000  }
0x5c: {  	[tilespmem:s14], [sflag:$0x1] =	stream.linear.gather [hbm4b:s6+s3], $0x80, $0x38;
	[tilespmem:$0x12200] =	vst v63  }
0x5d: {  	s9 =	sadd.s32 $0x40, s9  }
0x5e: {  	[tilespmem:s15], [sflag:$0x2] =	stream.linear.gather [hbm4b:s9+s3], $0x80, $0x38;
	[tilespmem:$0x12200] =	vst v63  }
0x5f: {  	s8 =	sadd.s32 $0x40, s8  }
0x60: {  	[tilespmem:s16], [sflag:$0x3] =	stream.linear.gather [hbm4b:s8+s3], $0x80, $0x38;
	[tilespmem:$0x12200] =	vst v63  }
0x61: {  	s7 =	smov.u32 s1;
	s5 =	rddreg [dreg:$0x6]  }
0x62: {  	[tilespmem:s17], [sflag:$0x4] =	stream.linear.gather [hbm4b:s4+s3], $0x80, $0x38;
	[tilespmem:$0x12200] =	vst v63  }
0x63: {  	s10 =	rddreg [dreg:$0x4];
	s5 =	sadd.s32 s7, s5  }
0x64: {  	[tilespmem:s18], [sflag:$0x5] =	stream.linear.gather [hbm4b:s5+s3], $0x2000, $0x38;
	[tilespmem:$0x12200] =	vst v63  }
0x65: {  	s11 =	rddreg [dreg:$0x3];
	s5 =	sadd.s32 s7, s10  }
0x66: {  	[tilespmem:s19], [sflag:$0x6] =	stream.linear.gather [hbm4b:s5+s3], $0x2000, $0x38;
	[tilespmem:$0x12200] =	vst v63  }
0x67: {  	s11 =	sadd.s32 s7, s11;
	s10 =	rddreg [dreg:$0x5]  }
0x68: {  	[tilespmem:s20], [sflag:$0x7] =	stream.linear.gather [hbm4b:s11+s3], $0x2000, $0x38;
	[tilespmem:$0x12200] =	vst v63  }
0x69: {  	s11 =	sadd.s32 s7, s10  }
0x6a: {  	[tilespmem:s21], [sflag:$0x8] =	stream.linear.gather [hbm4b:s11+s3], $0x2000, $0x38;
	[tilespmem:$0x12200] =	vst v63  }
0x6b: {  	_ =	swait.ge [sflag:s22], $0x80  }
0x6c: {  	[sflag:s22] =	ssyncset.done $0x0  }
0x6d: {  	[sflag:s22] =	ssyncadd.s32 $0xFFFFFF80  }
0x6e: {  	_ =	swait.ge [sflag:s23], $0x2000  }
0x6f: {  	[sflag:s23] =	ssyncset.done $0x0  }
0x70: {  	[sflag:s23] =	ssyncadd.s32 $0xFFFFE000  }
0x71: {  	[spmem:s2] =	stream.indirect.scatter.add.f32 [tilespmem:s18], [sflag:$0x9], $0x40, s14, s24, $0xb8;
	[tilespmem:$0x12200] =	vst v63  }
0x72: {  	_ =	swait.ge [sflag:s13], $0x2000  }
0x73: {  	[sflag:s13] =	ssyncset.done $0x0  }
0x74: {  	[sflag:s13] =	ssyncadd.s32 $0xFFFFE000  }
0x75: {  	_ =	swait.ge [sflag:s25], $0x80  }
0x76: {  	[sflag:s25] =	ssyncset.done $0x0  }
0x77: {  	[sflag:s25] =	ssyncadd.s32 $0xFFFFFF80  }
0x78: {  	_ =	swait.ge [sflag:s26], $0x2000  }
0x79: {  	[sflag:s26] =	ssyncset.done $0x0  }
0x7a: {  	[sflag:s26] =	ssyncadd.s32 $0xFFFFE000  }
0x7b: {  	[spmem:s2] =	stream.indirect.scatter.add.f32 [tilespmem:s19], [sflag:$0x9], $0x40, s15, s24, $0xb8;
	[tilespmem:$0x12200] =	vst v63  }
0x7c: {  	_ =	swait.ge [sflag:s13], $0x2000  }
0x7d: {  	[sflag:s13] =	ssyncset.done $0x0  }
0x7e: {  	[sflag:s13] =	ssyncadd.s32 $0xFFFFE000  }
0x7f: {  	_ =	swait.ge [sflag:s28], $0x80  }
0x80: {  	[sflag:s28] =	ssyncset.done $0x0  }
0x81: {  	[sflag:s28] =	ssyncadd.s32 $0xFFFFFF80  }
0x82: {  	_ =	swait.ge [sflag:s29], $0x2000  }
0x83: {  	[sflag:s29] =	ssyncset.done $0x0  }
0x84: {  	[sflag:s29] =	ssyncadd.s32 $0xFFFFE000  }
0x85: {  	[spmem:s2] =	stream.indirect.scatter.add.f32 [tilespmem:s20], [sflag:$0x9], $0x40, s16, s24, $0xb8;
	[tilespmem:$0x12200] =	vst v63  }
0x86: {  	_ =	swait.ge [sflag:s13], $0x2000  }
0x87: {  	[sflag:s13] =	ssyncset.done $0x0  }
0x88: {  	[sflag:s13] =	ssyncadd.s32 $0xFFFFE000  }
0x89: {  	_ =	swait.ge [sflag:s30], $0x80  }
0x8a: {  	[sflag:s30] =	ssyncset.done $0x0  }
0x8b: {  	[sflag:s30] =	ssyncadd.s32 $0xFFFFFF80  }
0x8c: {  	p0 =	sne.s32 s1, $0x9000;
	_ =	swait.ge [sflag:s31], $0x2000  }
.Ltmp0:
0x8d: {  	[sflag:s31] =	ssyncset.done $0x0;
	(pc) =	sbr.rel @p0 .LBB2_2-.Ltmp0, $4  }
0x8e: {  	[sflag:s31] =	ssyncadd.s32 $0xFFFFE000  }
0x8f: {  	[spmem:s2] =	stream.indirect.scatter.add.f32 [tilespmem:s21], [sflag:$0x9], $0x40, s17, s24, $0xb8;
	[tilespmem:$0x12200] =	vst v63  }
0x90: {  	s1 =	sadd.s32 $0x1000, s1;
	_ =	swait.ge [sflag:s13], $0x2000  }
0x91: {  	s6 =	sadd.s32 $0x40, s6;
	s4 =	sadd.s32 $0x40, s4;
	[sflag:s13] =	ssyncset.done $0x0  }
0x92: {  	[sflag:s13] =	ssyncadd.s32 $0xFFFFE000  }
0x93: {  	[bflag:$0x0] =	sbarrier.arrive $0xFFFF  }
0x94: {  	s1 =	rddreg [dreg:$0x8]  }
0x95: {  	s4 =	rddreg [dreg:$0xe]  }
0x96: {  	[hbm:s1], [sflag:s12] =	dma.local [spmem:s4], $0x1400  }
0x97: {  	_ =	swait.ge [sflag:s13], $0x1400  }
0x98: {  	s7 =	smov.u32 s12;
	s0 =	sadd.s32 $0x1, s0;
	s12 =	rddreg [dreg:$0x9]  }
0x99: {  	p0 =	sne.s32 s0, s12  }
.Ltmp1:
0x9a: {  	_ = 	snop;
	(pc) =	sbr.rel @p0 .LBB2_1-.Ltmp1, $3  }
0x9b: {  	_ =	sdelay $0x1  }
0x9c: {  	[sflag:s13] =	ssyncset.done $0x0  }
0x9d: {  	[sflag:s13] =	ssyncadd.s32 $0xFFFFEC00  }
0x9e: {  	_ =	sfence.sel $0x180000  }
0x9f: {  	[bflag:$0x0] =	sbarrier.arrive $0xFFFF  }
0xa0: {  	_ =	strace $0x90000050  }
0xa1: {  	s0 =	stileid.u32;
	[bflag:$0x2] =	sbarrier.arrive $0xFFFF  }
0xa2: {  	p0 =	sne.s32 s0, $0x0;
	s0 =	rddreg [dreg:$0x2]  }
0xa3: {  	s0 =	sadd.s32 @!p0 $0x100000, s0  }
0xa4: {  	[sflag:s0] =	ssyncadd.tile.s32 @!p0 $0x1;
	_ =	shalt  }
.Lfunc_end2:
_tile_overlayer_lowered:
.L_overlay_start_2:
0xa5: {  	(tag) =	ssettag $0x2  }
0xa6: {  	s0 =	rddreg [dreg:$0x0];
	s2 =	stileid.u32  }
0xa7: {  	s1 =	rddreg [dreg:$0x1];
	p0 =	sne.s32 s2, $0x0  }
0xa8: {  	s3 =	rddreg [dreg:$0x2];
	[bflag:$0x3] =	sbarrier.arrive $0xFFFF;
	s2 =	simm.s32 @!p0 $0x1C09  }
0xa9: {  	[timem:s3], [sflag:s2] =	dma.local @!p0 [hbm:s0], s1  }
0xaa: {  	s0 =	simm.s32 @!p0 $0x9  }
0xab: {  	_ =	swait.ge @!p0 [sflag:s0], s1  }
0xac: {  	s1 =	ssub.s32 @!p0 $0x0, s1;
	[sflag:s0] =	ssyncset.done @!p0 $0x0  }
0xad: {  	[sflag:s0] =	ssyncadd.s32 @!p0 s1  }
0xae: {  	[bflag:$0x3] =	sbarrier.arrive $0xFFFF  }
0xaf: {  	_ =	shalt  }

// kernel: kernel.29.cloned.1.call-start
scs
__scs_entry_jumppad:
0x0: {  	(pc) =	sbr.rel $0x88, $3  }
0x1: {  	(tag) =	ssettag $0x0;
	lr =	simm.s32 $0x1  }
0x2: {  	[smem:$0x3F7D] =	sst lr;
	_ =	strace $0xD0000000  }
0x3: {  	_ = 	snop  }
0x4: {  	_ = 	snop  }
0x5: {  	_ = 	snop  }
0x6: {  	_ = 	snop  }
0x7: {  	_ = 	snop  }
__scs_overlays_trampoline_lowered:
0x8: {  	[smem:$0x3F8C] =	sst s0  }
0x9: {  	[smem:$0x3F8D] =	sst s1  }
0xa: {  	[smem:$0x3F8E] =	sst s2  }
0xb: {  	[smem:$0x3F8F] =	sst s3  }
0xc: {  	[smem:$0x3F90] =	sst s4  }
0xd: {  	[smem:$0x3F91] =	sst s5  }
0xe: {  	[smem:$0x3F92] =	sst s6  }
0xf: {  	[smem:$0x3F93] =	sst s7  }
0x10: {  	[smem:$0x3F94] =	sst s8  }
0x11: {  	[smem:$0x3F95] =	sst s9;
	s0 =	simm.s32 @!p0 $0x0  }
0x12: {  	s1 =	sld [smem:$0x3F7B];
	s0 =	simm.s32 @p0 $0x1  }
0x13: {  	[smem:$0x3F96] =	sst s0;
	s0 =	simm.s32 @!p1 $0x0  }
0x14: {  	s2 =	sld [smem:$0x3F7A];
	s0 =	simm.s32 @p1 $0x1  }
0x15: {  	[smem:$0x3F97] =	sst s0;
	s0 =	simm.s32 @!p2 $0x0  }
0x16: {  	s3 =	sld [smem:$0x3FDB];
	s0 =	simm.s32 @p2 $0x1  }
0x17: {  	s4 =	simm.s32 $0x1BF5;
	[smem:$0x3F99] =	sst s0  }
0x18: {  	s0 =	sld [smem:$0x3F7C];
	_ =	swait.ge [sflag:s4], $0x0  }
0x19: {  	s7 =	sld [smem:$0x3F7D]  }
0x1a: {  	s8 =	sadd.s32 $0xFFFFE003, lr  }
0x1b: {  	s9 =	sadd.s32 $0xFFFFFEF7, lr;
	s5 =	simm.s32 $0xFFFFFFFF;
	p2 =	slt.u32 s8, $0xFFFFF086  }
0x1c: {  	p1 =	slt.u32 s9, $0xF7A;
	s5 =	simm.s32 @!p2 $0x0  }
0x1d: {  	s5 =	simm.s32 @p1 $0x1;
	p0 =	seq.s32 s7, s2  }
0x1e: {  	s7 =	smul.u32 @!p0 $0xF7A, s2;
	p2 =	seq.s32 @!p0 s5, $0x0  }
0x1f: {  	s9 =	smul.u32 $0xF7A, s1;
	s8 =	simm.s32 @!p0 $0x1BF5;
	p2 =	por !p2, p0  }
0x20: {  	[sflag:s8] =	ssyncset.s32 @!p0 $0xFFFFF086;
	s6 =	sadd.s32 @!p0 s3, s7;
	s7 =	simm.s32 @!p0 $0x108  }
0x21: {  	s3 =	sadd.s32 s3, s9;
	s6 =	sadd.s32 @!p0 $0x88, s6;
	s7 =	simm.s32 @p2 $0x1082  }
0x22: {  	[simem:s7], [sflag:s8] =	dma.local @!p0 [hbm:s6], $0xF7A  }
0x23: {  	s9 =	sor.u32 $0xD0000000, s2;
	s6 =	simm.s32 $0x108;
	_ =	swait.ge @!p0 [sflag:s8], $0x0  }
0x24: {  	s3 =	sadd.s32 $0x88, s3;
	s6 =	simm.s32 @!p1 $0x1082;
	[sflag:s4] =	ssyncset.s32 $0xFFFFF086  }
0x25: {  	[simem:s6], [sflag:s4] =	dma.local [hbm:s3], $0xF7A  }
0x26: {  	[smem:$0x3F7D] =	sst s1;
	(tag) =	ssettag s2;
	_ =	strace s9  }
0x27: {  	s1 =	sld [smem:$0x3F8D]  }
0x28: {  	s2 =	sld [smem:$0x3F8E]  }
0x29: {  	s4 =	sld [smem:$0x3F90]  }
0x2a: {  	p0 =	seq.s32 s5, $0x0;
	s5 =	sld [smem:$0x3F91]  }
0x2b: {  	s6 =	sld [smem:$0x3F92]  }
0x2c: {  	s7 =	sld [smem:$0x3F93]  }
0x2d: {  	s3 =	simm.s32 $0x108;
	s8 =	sld [smem:$0x3F94]  }
0x2e: {  	s3 =	simm.s32 @!p0 $0x1082;
	s9 =	sld [smem:$0x3F95]  }
0x2f: {  	lr =	sadd.s32 s0, s3;
	s0 =	sld [smem:$0x3F8C]  }
0x30: {  	s3 =	sld [smem:$0x3F8F]  }
0x31: {  	[smem:$0x3F98] =	sst s10  }
0x32: {  	s10 =	sld [smem:$0x3F96];
	_ =	sdelay $0x3  }
0x33: {  	p0 =	seq.s32 s10, $0x1;
	s10 =	sld [smem:$0x3F98];
	_ =	sdelay $0x3  }
0x34: {  	[smem:$0x3F98] =	sst s10  }
0x35: {  	s10 =	sld [smem:$0x3F97];
	_ =	sdelay $0x3  }
0x36: {  	p1 =	seq.s32 s10, $0x1;
	s10 =	sld [smem:$0x3F98];
	_ =	sdelay $0x3  }
0x37: {  	[smem:$0x3F98] =	sst s10  }
0x38: {  	s10 =	sld [smem:$0x3F99]  }
0x39: {  	_ = 	snop;
	(pc) =	sbr.ind lr, $3  }
0x3a: {  	_ = 	snop  }
0x3b: {  	_ = 	snop  }
0x3c: {  	p2 =	seq.s32 s10, $0x1;
	s10 =	sld [smem:$0x3F98]  }
0x3d: {  	_ =	shalt  }
0x3e: {  	_ =	shalt  }
0x3f: {  	_ =	shalt  }
0x40: {  	_ =	shalt  }
0x41: {  	_ =	shalt  }
0x42: {  	_ =	shalt  }
0x43: {  	_ =	shalt  }
0x44: {  	_ =	shalt  }
0x45: {  	_ =	shalt  }
0x46: {  	_ =	shalt  }
0x47: {  	_ =	shalt  }
0x48: {  	_ =	shalt  }
0x49: {  	_ =	shalt  }
0x4a: {  	_ =	shalt  }
0x4b: {  	_ =	shalt  }
0x4c: {  	_ =	shalt  }
0x4d: {  	_ =	shalt  }
0x4e: {  	_ =	shalt  }
0x4f: {  	_ =	shalt  }
0x50: {  	_ =	shalt  }
0x51: {  	_ =	shalt  }
0x52: {  	_ =	shalt  }
0x53: {  	_ =	shalt  }
0x54: {  	_ =	shalt  }
0x55: {  	_ =	shalt  }
0x56: {  	_ =	shalt  }
0x57: {  	_ =	shalt  }
0x58: {  	_ =	shalt  }
0x59: {  	_ =	shalt  }
0x5a: {  	_ =	shalt  }
0x5b: {  	_ =	shalt  }
0x5c: {  	_ =	shalt  }
0x5d: {  	_ =	shalt  }
0x5e: {  	_ =	shalt  }
0x5f: {  	_ =	shalt  }
0x60: {  	_ =	shalt  }
0x61: {  	_ =	shalt  }
0x62: {  	_ =	shalt  }
0x63: {  	_ =	shalt  }
0x64: {  	_ =	shalt  }
0x65: {  	_ =	shalt  }
0x66: {  	_ =	shalt  }
0x67: {  	_ =	shalt  }
0x68: {  	_ =	shalt  }
0x69: {  	_ =	shalt  }
0x6a: {  	_ =	shalt  }
0x6b: {  	_ =	shalt  }
0x6c: {  	_ =	shalt  }
0x6d: {  	_ =	shalt  }
0x6e: {  	_ =	shalt  }
0x6f: {  	_ =	shalt  }
0x70: {  	_ =	shalt  }
0x71: {  	_ =	shalt  }
0x72: {  	_ =	shalt  }
0x73: {  	_ =	shalt  }
0x74: {  	_ =	shalt  }
0x75: {  	_ =	shalt  }
0x76: {  	_ =	shalt  }
0x77: {  	_ =	shalt  }
0x78: {  	_ =	shalt  }
0x79: {  	_ =	shalt  }
0x7a: {  	_ =	shalt  }
0x7b: {  	_ =	shalt  }
0x7c: {  	_ =	shalt  }
0x7d: {  	_ =	shalt  }
0x7e: {  	_ =	shalt  }
0x7f: {  	_ =	shalt  }
0x80: {  	_ =	shalt  }
0x81: {  	_ =	shalt  }
0x82: {  	_ =	shalt  }
0x83: {  	_ =	shalt  }
0x84: {  	_ =	shalt  }
0x85: {  	_ =	shalt  }
0x86: {  	_ =	shalt  }
0x87: {  	_ =	shalt  }
.Lfunc_end0:
.L_simem_size_0:
called_computation.4_lowered:
.L_overlay_start_0:
0x88: {  	s2 =	sld [smem:$0x3FD9]  }
0x89: {  	s3 =	sld [smem:$0x3FFE];
	_ =	sdelay $0x1  }
0x8a: {  	s1 =	srdreg.scid  }
0x8b: {  	s0 =	sand.u32 $0x1, s1  }
0x8c: {  	s16 =	sshll.u32 s0, $0xA;
	s2 =	sadd.s32 s3, s2  }
0x8d: {  	s2 =	sadd.s32 s2, s16  }
0x8e: {  	[smem:$0x3FA4] =	sst s2  }
0x8f: {  	_ = 	snop  }
0x90: {  	(tm) =	ssettm $0x1  }
0x91: {  	s17 =	sld [smem:$0x3FFB];
	_ =	sdelay $0x3  }
0x92: {  	_ =	strace s17  }
0x93: {  	s2 =	sld [smem:$0x3FFC];
	_ =	sdelay $0x3  }
0x94: {  	_ =	strace s2  }
0x95: {  	s2 =	sld [smem:$0x3FFD];
	_ =	sdelay $0x3  }
0x96: {  	_ =	strace s2  }
0x97: {  	_ =	strace $0x8FFFFFFF  }
0x98: {  	s18 =	sld [smem:$0x3FDB];
	_ =	sdelay $0x1  }
0x99: {  	s19 =	simm.s32 $_scs_section_size  }
0x9a: {  	s4 =	simm.s32 $_size__tile_overlayer_lowered;
	s5 =	simm.s32 $_tile_overlayer_lowered  }
0x9b: {  	s22 =	simm.s32 $0x1BFF;
	s21 =	sshll.u32 s5, $0x1;
	s2 =	sadd.s32 s19, s18  }
0x9c: {  	s6 =	simm.s32 $0x0;
	s20 =	sshll.u32 s4, $0x1;
	s4 =	sadd.s32 s21, s2  }
0x9d: {  	[timem:s6], [sflag:s22] =	dma.local [hbm:s4], s20  }
0x9e: {  	_ =	swait.ge [sflag:s22], s20  }
0x9f: {  	s3 =	ssub.s32 $0x0, s20;
	[sflag:s22] =	ssyncset.done $0x0  }
0xa0: {  	[sflag:s22] =	ssyncadd.s32 s3;
	_ =	sdelay $0x1  }
0xa1: {  	s23 =	simm.s32 $0x1B8B  }
0xa2: {  	_ =	swait.ge [sflag:s23], $0x1  }
0xa3: {  	[sflag:s23] =	ssyncset.done $0x0  }
0xa4: {  	s25 =	simm.s32 $0x1B8E;
	s24 =	sld [smem:$0x3FFE];
	[sflag:s23] =	ssyncadd.s32 $0xFFFFFFFF  }
0xa5: {  	s26 =	simm.s32 $execute0_lowered;
	[smem:$0x3FD2] =	sst s25  }
0xa6: {  	s4 =	sshll.u32 s26, $0x1;
	_ =	strace $0x80000052;
	[dreg:$0x1] =	wrdreg $0xFFFFFFFF  }
0xa7: {  	s28 =	simm.s32 $_size_execute0_lowered;
	s2 =	sadd.s32 s2, s4;
	[dreg:$0x0] =	wrdreg $0x0  }
0xa8: {  	s4 =	sshll.u32 s28, $0x1;
	[dreg:$0x2] =	wrdreg s2  }
0xa9: {  	[dreg:$0x3] =	wrdreg s4  }
0xaa: {  	[dreg:$0x4] =	wrdreg $0xC0  }
0xab: {  	_ =	task [dreg:s6], $0x5FFFF  }
0xac: {  	[dreg:$0x1] =	wrdreg $0xFFFFFFFF  }
0xad: {  	[dreg:$0x0] =	wrdreg $0x60  }
0xae: {  	[dreg:$0x2] =	wrdreg s24  }
0xaf: {  	[dreg:$0x3] =	wrdreg $0x0  }
0xb0: {  	[dreg:$0x4] =	wrdreg $0xA  }
0xb1: {  	_ =	task.clear_ibuf [dreg:s6], $0x5FFFF;
	_ =	strace $0x90000052  }
0xb2: {  	s29 =	simm.s32 $0xA;
	_ =	strace $0x80000054  }
0xb3: {  	_ =	swait.ge [sflag:s29], $0x1  }
0xb4: {  	[sflag:s29] =	ssyncadd.s32 $0xFFFFFFFF  }
0xb5: {  	_ =	strace $0x90000054  }
0xb6: {  	_ =	sfence  }
0xb7: {  	s30 =	sld [smem:$0x0];
	_ =	sdelay $0x2  }
0xb8: {  	s31 =	sshll.u32 s1, $0xD;
	s1 =	sshrl.u32 s1, $0x2  }
0xb9: {  	s3 =	sand.u32 $0x4000, s31;
	s1 =	sadd.s32 s1, s30  }
0xba: {  	s0 =	sor.u32 s3, s0;
	s1 =	sshll.u32 s1, $0x11  }
0xbb: {  	s0 =	sor.u32 s1, s0  }
0xbc: {  	s0 =	sadd.s32 $0x8F2B, s0  }
0xbd: {  	[sflag:s0] =	ssyncadd.remote.s32 $0x1  }
0xbe: {  	_ =	sfence.sel $0xFFFF  }
0xbf: {  	[dreg:$0x0] =	wrdreg $0xFFFFFFFF;
	(pc) =	sbr.abs _section_cstart, $3  }
0xc0: {  	[dreg:$0x1] =	wrdreg $0xFFFFFFFF  }
0xc1: {  	_ =	task.clear_ibuf [dreg:s6], $0x2FFFF;
	_ =	strace $0x9FFFFFFF  }
0xc2: {  	(tm) =	ssettm $0x7FFFFFFF  }
0xc3: {  	_ =	shalt  }
tec
execute0_lowered:
.L_overlay_start_1:
0x0: {  	(tag) =	ssettag $0x1  }
0x1: {  	s0 =	rddreg [dreg:$0x0]  }
0x2: {  	s2 =	rddreg [dreg:$0x1];
	s3 =	simm.s32 $0x0  }
0x3: {  	s11 =	stileid.u32;
	s4 =	srdreg.scid;
	s28 =	simm.s32 $0x4  }
0x4: {  	s29 =	simm.s32 $0x1A200;
	s30 =	simm.s32 $0x0;
	s1 =	smul.u32 $0x14000, s11  }
0x5: {  	[smem:$0x7FF] =	sst s3;
	s6 =	sand.u32 $0x1, s4;
	s15 =	smul.u32 $0x5000, s11  }
0x6: {  	s9 =	sadd.s32 $0x14800, s0;
	s17 =	sshll.u32 s11, $0x6;
	s13 =	smul.u32 $0x28000, s11  }
0x7: {  	_ =	strace $0x80000053;
	s7 =	ssub.s32 $0x2, s6;
	s8 =	smul.u32 $0x2800, s6  }
0x8: {  	s4 =	sor.u32 $0x1C05, s17;
	s6 =	smul.u32 $0x14000, s6;
	s17 =	simm.s32 $0x14080  }
0x9: {  	s5 =	sshrl.u32 s1, $0x3;
	s10 =	sshrl.u32 s7, $0x1;
	s1 =	sadd.s32 s1, s2  }
0xa: {  	[dreg:$0x5] =	wrdreg s4;
	s5 =	sadd.s32 s5, s0;
	s0 =	sadd.s32 $0x1FEE00, s0  }
0xb: {  	s7 =	ssub.s32 s7, s10;
	s12 =	sadd.s32 s8, s15;
	s31 =	sshrl.u32 s1, $0x3  }
0xc: {  	s15 =	simm.s32 $0x5;
	s16 =	sadd.s32 $0x96A00, s5;
	s18 =	sor.u32 $0x100, s12  }
0xd: {  	s19 =	smax.u32 s7, $0x1;
	s21 =	sor.u32 $0x80, s12;
	[dreg:$0x7] =	wrdreg s31  }
0xe: {  	s24 =	sor.u32 $0x180, s12;
	s26 =	sshrl.u32 s12, $0x3;
	[dreg:$0x4] =	wrdreg s16  }
0xf: {  	[dreg:$0x6] =	wrdreg s19;
	s20 =	sshll.u32 s18, $0x3;
	s5 =	sshrl.u32 s18, $0x3  }
0x10: {  	s22 =	sshll.u32 s21, $0x3;
	s23 =	sshrl.u32 s21, $0x3;
	s25 =	sshll.u32 s24, $0x3  }
0x11: {  	s7 =	sshrl.u32 s24, $0x3;
	s16 =	simm.s32 $0x14000;
	s18 =	simm.s32 $0x14100  }
0x12: {  	s19 =	simm.s32 $0x14180;
	s21 =	simm.s32 $0x80;
	s24 =	simm.s32 $0x16200  }
0x13: {  	s4 =	sadd.s32 s20, s0;
	s8 =	sadd.s32 s22, s0;
	s10 =	sadd.s32 s25, s0  }
0x14: {  	s11 =	sadd.s32 s7, s9;
	s0 =	sadd.s32 s13, s0;
	s13 =	sadd.s32 s26, s9  }
0x15: {  	s20 =	simm.s32 $0x1;
	s22 =	simm.s32 $0x14200;
	s25 =	simm.s32 $0x3  }
0x16: {  	s26 =	simm.s32 $0x18200;
	[dreg:$0x3] =	wrdreg s4;
	s4 =	sadd.s32 s5, s9  }
0x17: {  	s5 =	sadd.s32 s23, s9;
	s12 =	sadd.s32 s6, s0;
	s23 =	simm.s32 $0x2  }
.LBB2_1:
0x18: {  	s0 =	rddreg [dreg:$0x4]  }
0x19: {  	s1 =	rddreg [dreg:$0x5]  }
0x1a: {  	s6 =	rddreg [dreg:$0x7]  }
0x1b: {  	[spmem:s6], [sflag:s1] =	dma.local [hbm:s0], $0x2800  }
0x1c: {  	_ =	swait.ge [sflag:s15], $0x2800  }
0x1d: {  	[sflag:s15] =	ssyncset.done $0x0  }
0x1e: {  	[sflag:s15] =	ssyncadd.s32 $0xFFFFD800  }
0x1f: {  	[bflag:$0x0] =	sbarrier.arrive $0xFFFF  }
0x20: {  	[tilespmem:s16], [sflag:$0x1] =	stream.linear.gather [hbm4b:s13+s3], $0x80, $0x38;
	[tilespmem:$0x1C200] =	vst v63  }
0x21: {  	_ = 	snop  }
0x22: {  	[tilespmem:s17], [sflag:$0x2] =	stream.linear.gather [hbm4b:s5+s3], $0x80, $0x38;
	[tilespmem:$0x1C200] =	vst v63  }
0x23: {  	_ = 	snop  }
0x24: {  	[tilespmem:s18], [sflag:$0x3] =	stream.linear.gather [hbm4b:s4+s3], $0x80, $0x38;
	[tilespmem:$0x1C200] =	vst v63  }
0x25: {  	_ = 	snop  }
0x26: {  	[tilespmem:s19], [sflag:$0x4] =	stream.linear.gather [hbm4b:s11+s3], $0x80, $0x38;
	[tilespmem:$0x1C200] =	vst v63  }
0x27: {  	_ =	swait.ge [sflag:s20], $0x80  }
0x28: {  	[sflag:s20] =	ssyncset.done $0x0  }
0x29: {  	[sflag:s20] =	ssyncadd.s32 $0xFFFFFF80  }
0x2a: {  	[tilespmem:s22], [sflag:$0x1] =	stream.indirect.gather [spmem:s2], $0x40, s16, s21, $0xb8;
	[tilespmem:$0x1C200] =	vst v63  }
0x2b: {  	_ =	swait.ge [sflag:s23], $0x80  }
0x2c: {  	[sflag:s23] =	ssyncset.done $0x0  }
0x2d: {  	[sflag:s23] =	ssyncadd.s32 $0xFFFFFF80  }
0x2e: {  	[tilespmem:s24], [sflag:$0x2] =	stream.indirect.gather [spmem:s2], $0x40, s17, s21, $0xb8;
	[tilespmem:$0x1C200] =	vst v63  }
0x2f: {  	_ =	swait.ge [sflag:s25], $0x80  }
0x30: {  	[sflag:s25] =	ssyncset.done $0x0  }
0x31: {  	[sflag:s25] =	ssyncadd.s32 $0xFFFFFF80  }
0x32: {  	[tilespmem:s26], [sflag:$0x3] =	stream.indirect.gather [spmem:s2], $0x40, s18, s21, $0xb8;
	[tilespmem:$0x1C200] =	vst v63  }
0x33: {  	_ =	swait.ge [sflag:s28], $0x80  }
0x34: {  	[sflag:s28] =	ssyncset.done $0x0  }
0x35: {  	[sflag:s28] =	ssyncadd.s32 $0xFFFFFF80  }
0x36: {  	[tilespmem:s29], [sflag:$0x4] =	stream.indirect.gather [spmem:s2], $0x40, s19, s21, $0xb8;
	[tilespmem:$0x1C200] =	vst v63  }
0x37: {  	_ =	swait.ge [sflag:s20], $0x2000  }
0x38: {  	[sflag:s20] =	ssyncset.done $0x0  }
0x39: {  	s6 =	sadd.s32 $0x0, s12;
	[sflag:s20] =	ssyncadd.s32 $0xFFFFE000  }
0x3a: {  	[hbm4b:s6+s3] =	stream.linear.scatter [tilespmem:s22], [sflag:$0x1], $0x2000, $0x38;
	[tilespmem:$0x1C200] =	vst v63  }
0x3b: {  	_ =	swait.ge [sflag:s23], $0x2000  }
0x3c: {  	[sflag:s23] =	ssyncset.done $0x0  }
0x3d: {  	s7 =	sadd.s32 $0x0, s8;
	[sflag:s23] =	ssyncadd.s32 $0xFFFFE000  }
0x3e: {  	[hbm4b:s7+s3] =	stream.linear.scatter [tilespmem:s24], [sflag:$0x2], $0x2000, $0x38;
	[tilespmem:$0x1C200] =	vst v63  }
0x3f: {  	_ =	swait.ge [sflag:s25], $0x2000  }
0x40: {  	s9 =	rddreg [dreg:$0x3];
	[sflag:s25] =	ssyncset.done $0x0  }
0x41: {  	[sflag:s25] =	ssyncadd.s32 $0xFFFFE000;
	s0 =	sadd.s32 $0x0, s9  }
0x42: {  	[hbm4b:s0+s3] =	stream.linear.scatter [tilespmem:s26], [sflag:$0x3], $0x2000, $0x38;
	[tilespmem:$0x1C200] =	vst v63  }
0x43: {  	_ =	swait.ge [sflag:s28], $0x2000  }
0x44: {  	[sflag:s28] =	ssyncset.done $0x0  }
0x45: {  	s14 =	sadd.s32 $0x0, s10;
	[sflag:s28] =	ssyncadd.s32 $0xFFFFE000  }
0x46: {  	[hbm4b:s14+s3] =	stream.linear.scatter [tilespmem:s29], [sflag:$0x4], $0x2000, $0x38;
	[tilespmem:$0x1C200] =	vst v63  }
0x47: {  	_ =	swait.ge [sflag:s20], $0x2000  }
0x48: {  	[sflag:s20] =	ssyncset.done $0x0  }
0x49: {  	[sflag:s20] =	ssyncadd.s32 $0xFFFFE000  }
0x4a: {  	_ =	swait.ge [sflag:s23], $0x2000  }
0x4b: {  	[sflag:s23] =	ssyncset.done $0x0  }
0x4c: {  	[sflag:s23] =	ssyncadd.s32 $0xFFFFE000  }
0x4d: {  	_ =	swait.ge [sflag:s25], $0x2000  }
0x4e: {  	[sflag:s25] =	ssyncset.done $0x0  }
0x4f: {  	s31 =	simm.s32 $0x1000;
	[sflag:s25] =	ssyncadd.s32 $0xFFFFE000  }
0x50: {  	s1 =	sadd.s32 $0x40, s13;
	s7 =	smov.u32 s4;
	_ =	swait.ge [sflag:s28], $0x2000  }
0x51: {  	s9 =	smov.u32 s5;
	s0 =	sadd.s32 $0x40, s11;
	[sflag:s28] =	ssyncset.done $0x0  }
.LBB2_2:
0x52: {  	[sflag:s28] =	ssyncadd.s32 $0xFFFFE000  }
0x53: {  	[tilespmem:s16], [sflag:$0x1] =	stream.linear.gather [hbm4b:s1+s3], $0x80, $0x38;
	[tilespmem:$0x1C200] =	vst v63  }
0x54: {  	s9 =	sadd.s32 $0x40, s9  }
0x55: {  	[tilespmem:s17], [sflag:$0x2] =	stream.linear.gather [hbm4b:s9+s3], $0x80, $0x38;
	[tilespmem:$0x1C200] =	vst v63  }
0x56: {  	s7 =	sadd.s32 $0x40, s7  }
0x57: {  	[tilespmem:s18], [sflag:$0x3] =	stream.linear.gather [hbm4b:s7+s3], $0x80, $0x38;
	[tilespmem:$0x1C200] =	vst v63  }
0x58: {  	_ = 	snop  }
0x59: {  	[tilespmem:s19], [sflag:$0x4] =	stream.linear.gather [hbm4b:s0+s3], $0x80, $0x38;
	[tilespmem:$0x1C200] =	vst v63  }
0x5a: {  	_ =	swait.ge [sflag:s20], $0x80  }
0x5b: {  	[sflag:s20] =	ssyncset.done $0x0  }
0x5c: {  	[sflag:s20] =	ssyncadd.s32 $0xFFFFFF80  }
0x5d: {  	[tilespmem:s22], [sflag:$0x1] =	stream.indirect.gather [spmem:s2], $0x40, s16, s21, $0xb8;
	[tilespmem:$0x1C200] =	vst v63  }
0x5e: {  	_ =	swait.ge [sflag:s23], $0x80  }
0x5f: {  	[sflag:s23] =	ssyncset.done $0x0  }
0x60: {  	[sflag:s23] =	ssyncadd.s32 $0xFFFFFF80  }
0x61: {  	[tilespmem:s24], [sflag:$0x2] =	stream.indirect.gather [spmem:s2], $0x40, s17, s21, $0xb8;
	[tilespmem:$0x1C200] =	vst v63  }
0x62: {  	_ =	swait.ge [sflag:s25], $0x80  }
0x63: {  	[sflag:s25] =	ssyncset.done $0x0  }
0x64: {  	[sflag:s25] =	ssyncadd.s32 $0xFFFFFF80  }
0x65: {  	[tilespmem:s26], [sflag:$0x3] =	stream.indirect.gather [spmem:s2], $0x40, s18, s21, $0xb8;
	[tilespmem:$0x1C200] =	vst v63  }
0x66: {  	_ =	swait.ge [sflag:s28], $0x80  }
0x67: {  	[sflag:s28] =	ssyncset.done $0x0  }
0x68: {  	[sflag:s28] =	ssyncadd.s32 $0xFFFFFF80  }
0x69: {  	[tilespmem:s29], [sflag:$0x4] =	stream.indirect.gather [spmem:s2], $0x40, s19, s21, $0xb8;
	[tilespmem:$0x1C200] =	vst v63  }
0x6a: {  	_ =	swait.ge [sflag:s20], $0x2000  }
0x6b: {  	s6 =	smov.u32 s31;
	[sflag:s20] =	ssyncset.done $0x0  }
0x6c: {  	s14 =	sadd.s32 s6, s12;
	[sflag:s20] =	ssyncadd.s32 $0xFFFFE000  }
0x6d: {  	[hbm4b:s14+s3] =	stream.linear.scatter [tilespmem:s22], [sflag:$0x1], $0x2000, $0x38;
	[tilespmem:$0x1C200] =	vst v63  }
0x6e: {  	_ =	swait.ge [sflag:s23], $0x2000  }
0x6f: {  	[sflag:s23] =	ssyncset.done $0x0  }
0x70: {  	s14 =	sadd.s32 s6, s8;
	[sflag:s23] =	ssyncadd.s32 $0xFFFFE000  }
0x71: {  	[hbm4b:s14+s3] =	stream.linear.scatter [tilespmem:s24], [sflag:$0x2], $0x2000, $0x38;
	[tilespmem:$0x1C200] =	vst v63  }
0x72: {  	_ =	swait.ge [sflag:s25], $0x2000  }
0x73: {  	s14 =	rddreg [dreg:$0x3];
	[sflag:s25] =	ssyncset.done $0x0  }
0x74: {  	[sflag:s25] =	ssyncadd.s32 $0xFFFFE000;
	s14 =	sadd.s32 s6, s14  }
0x75: {  	[hbm4b:s14+s3] =	stream.linear.scatter [tilespmem:s26], [sflag:$0x3], $0x2000, $0x38;
	[tilespmem:$0x1C200] =	vst v63  }
0x76: {  	_ =	swait.ge [sflag:s28], $0x2000  }
0x77: {  	[sflag:s28] =	ssyncset.done $0x0  }
0x78: {  	s6 =	sadd.s32 s6, s10;
	[sflag:s28] =	ssyncadd.s32 $0xFFFFE000  }
0x79: {  	[hbm4b:s6+s3] =	stream.linear.scatter [tilespmem:s29], [sflag:$0x4], $0x2000, $0x38;
	[tilespmem:$0x1C200] =	vst v63  }
0x7a: {  	_ =	swait.ge [sflag:s20], $0x2000  }
0x7b: {  	[sflag:s20] =	ssyncset.done $0x0  }
0x7c: {  	[sflag:s20] =	ssyncadd.s32 $0xFFFFE000  }
0x7d: {  	_ =	swait.ge [sflag:s23], $0x2000  }
0x7e: {  	[sflag:s23] =	ssyncset.done $0x0  }
0x7f: {  	p0 =	sne.s32 s31, $0x13000;
	[sflag:s23] =	ssyncadd.s32 $0xFFFFE000  }
.Ltmp0:
0x80: {  	_ =	swait.ge [sflag:s25], $0x2000;
	(pc) =	sbr.rel @p0 .LBB2_2-.Ltmp0, $4  }
0x81: {  	[sflag:s25] =	ssyncset.done $0x0  }
0x82: {  	[sflag:s25] =	ssyncadd.s32 $0xFFFFE000  }
0x83: {  	s31 =	sadd.s32 $0x1000, s31;
	_ =	swait.ge [sflag:s28], $0x2000  }
0x84: {  	s1 =	sadd.s32 $0x40, s1;
	s0 =	sadd.s32 $0x40, s0;
	[sflag:s28] =	ssyncset.done $0x0  }
0x85: {  	s30 =	sadd.s32 $0x1, s30;
	s0 =	rddreg [dreg:$0x6]  }
0x86: {  	p0 =	sne.s32 s30, s0  }
.Ltmp1:
0x87: {  	_ = 	snop;
	(pc) =	sbr.rel @p0 .LBB2_1-.Ltmp1, $2  }
0x88: {  	_ =	sdelay $0x2  }
0x89: {  	[sflag:s28] =	ssyncadd.s32 $0xFFFFE000  }
0x8a: {  	_ =	sfence.sel $0x180000  }
0x8b: {  	[bflag:$0x0] =	sbarrier.arrive $0xFFFF  }
0x8c: {  	_ =	strace $0x90000053  }
0x8d: {  	s0 =	stileid.u32;
	[bflag:$0x2] =	sbarrier.arrive $0xFFFF  }
0x8e: {  	p0 =	sne.s32 s0, $0x0;
	s0 =	rddreg [dreg:$0x2]  }
0x8f: {  	s0 =	sadd.s32 @!p0 $0x100000, s0  }
0x90: {  	[sflag:s0] =	ssyncadd.tile.s32 @!p0 $0x1;
	_ =	shalt  }
.Lfunc_end2:
_tile_overlayer_lowered:
.L_overlay_start_2:
0x91: {  	(tag) =	ssettag $0x2  }
0x92: {  	s0 =	rddreg [dreg:$0x0];
	s2 =	stileid.u32  }
0x93: {  	s1 =	rddreg [dreg:$0x1];
	p0 =	sne.s32 s2, $0x0  }
0x94: {  	s3 =	rddreg [dreg:$0x2];
	[bflag:$0x3] =	sbarrier.arrive $0xFFFF;
	s2 =	simm.s32 @!p0 $0x1C05  }
0x95: {  	[timem:s3], [sflag:s2] =	dma.local @!p0 [hbm:s0], s1  }
0x96: {  	s0 =	simm.s32 @!p0 $0x5  }
0x97: {  	_ =	swait.ge @!p0 [sflag:s0], s1  }
0x98: {  	s1 =	ssub.s32 @!p0 $0x0, s1;
	[sflag:s0] =	ssyncset.done @!p0 $0x0  }
0x99: {  	[sflag:s0] =	ssyncadd.s32 @!p0 s1  }
0x9a: {  	[bflag:$0x3] =	sbarrier.arrive $0xFFFF  }
0x9b: {  	_ =	shalt  }

// kernel: kernel.32.cloned.1.call-start
scs
__scs_entry_jumppad:
0x0: {  	(pc) =	sbr.rel $0x88, $3  }
0x1: {  	(tag) =	ssettag $0x0;
	lr =	simm.s32 $0x1  }
0x2: {  	[smem:$0x3F7D] =	sst lr;
	_ =	strace $0xD0000000  }
0x3: {  	_ = 	snop  }
0x4: {  	_ = 	snop  }
0x5: {  	_ = 	snop  }
0x6: {  	_ = 	snop  }
0x7: {  	_ = 	snop  }
__scs_overlays_trampoline_lowered:
0x8: {  	[smem:$0x3F8C] =	sst s0  }
0x9: {  	[smem:$0x3F8D] =	sst s1  }
0xa: {  	[smem:$0x3F8E] =	sst s2  }
0xb: {  	[smem:$0x3F8F] =	sst s3  }
0xc: {  	[smem:$0x3F90] =	sst s4  }
0xd: {  	[smem:$0x3F91] =	sst s5  }
0xe: {  	[smem:$0x3F92] =	sst s6  }
0xf: {  	[smem:$0x3F93] =	sst s7  }
0x10: {  	[smem:$0x3F94] =	sst s8  }
0x11: {  	[smem:$0x3F95] =	sst s9;
	s0 =	simm.s32 @!p0 $0x0  }
0x12: {  	s1 =	sld [smem:$0x3F7B];
	s0 =	simm.s32 @p0 $0x1  }
0x13: {  	[smem:$0x3F96] =	sst s0;
	s0 =	simm.s32 @!p1 $0x0  }
0x14: {  	s2 =	sld [smem:$0x3F7A];
	s0 =	simm.s32 @p1 $0x1  }
0x15: {  	[smem:$0x3F97] =	sst s0;
	s0 =	simm.s32 @!p2 $0x0  }
0x16: {  	s3 =	sld [smem:$0x3FDB];
	s0 =	simm.s32 @p2 $0x1  }
0x17: {  	s4 =	simm.s32 $0x1BF5;
	[smem:$0x3F99] =	sst s0  }
0x18: {  	s0 =	sld [smem:$0x3F7C];
	_ =	swait.ge [sflag:s4], $0x0  }
0x19: {  	s7 =	sld [smem:$0x3F7D]  }
0x1a: {  	s8 =	sadd.s32 $0xFFFFE003, lr  }
0x1b: {  	s9 =	sadd.s32 $0xFFFFFEF7, lr;
	s5 =	simm.s32 $0xFFFFFFFF;
	p2 =	slt.u32 s8, $0xFFFFF086  }
0x1c: {  	p1 =	slt.u32 s9, $0xF7A;
	s5 =	simm.s32 @!p2 $0x0  }
0x1d: {  	s5 =	simm.s32 @p1 $0x1;
	p0 =	seq.s32 s7, s2  }
0x1e: {  	s7 =	smul.u32 @!p0 $0xF7A, s2;
	p2 =	seq.s32 @!p0 s5, $0x0  }
0x1f: {  	s9 =	smul.u32 $0xF7A, s1;
	s8 =	simm.s32 @!p0 $0x1BF5;
	p2 =	por !p2, p0  }
0x20: {  	[sflag:s8] =	ssyncset.s32 @!p0 $0xFFFFF086;
	s6 =	sadd.s32 @!p0 s3, s7;
	s7 =	simm.s32 @!p0 $0x108  }
0x21: {  	s3 =	sadd.s32 s3, s9;
	s6 =	sadd.s32 @!p0 $0x88, s6;
	s7 =	simm.s32 @p2 $0x1082  }
0x22: {  	[simem:s7], [sflag:s8] =	dma.local @!p0 [hbm:s6], $0xF7A  }
0x23: {  	s9 =	sor.u32 $0xD0000000, s2;
	s6 =	simm.s32 $0x108;
	_ =	swait.ge @!p0 [sflag:s8], $0x0  }
0x24: {  	s3 =	sadd.s32 $0x88, s3;
	s6 =	simm.s32 @!p1 $0x1082;
	[sflag:s4] =	ssyncset.s32 $0xFFFFF086  }
0x25: {  	[simem:s6], [sflag:s4] =	dma.local [hbm:s3], $0xF7A  }
0x26: {  	[smem:$0x3F7D] =	sst s1;
	(tag) =	ssettag s2;
	_ =	strace s9  }
0x27: {  	s1 =	sld [smem:$0x3F8D]  }
0x28: {  	s2 =	sld [smem:$0x3F8E]  }
0x29: {  	s4 =	sld [smem:$0x3F90]  }
0x2a: {  	p0 =	seq.s32 s5, $0x0;
	s5 =	sld [smem:$0x3F91]  }
0x2b: {  	s6 =	sld [smem:$0x3F92]  }
0x2c: {  	s7 =	sld [smem:$0x3F93]  }
0x2d: {  	s3 =	simm.s32 $0x108;
	s8 =	sld [smem:$0x3F94]  }
0x2e: {  	s3 =	simm.s32 @!p0 $0x1082;
	s9 =	sld [smem:$0x3F95]  }
0x2f: {  	lr =	sadd.s32 s0, s3;
	s0 =	sld [smem:$0x3F8C]  }
0x30: {  	s3 =	sld [smem:$0x3F8F]  }
0x31: {  	[smem:$0x3F98] =	sst s10  }
0x32: {  	s10 =	sld [smem:$0x3F96];
	_ =	sdelay $0x3  }
0x33: {  	p0 =	seq.s32 s10, $0x1;
	s10 =	sld [smem:$0x3F98];
	_ =	sdelay $0x3  }
0x34: {  	[smem:$0x3F98] =	sst s10  }
0x35: {  	s10 =	sld [smem:$0x3F97];
	_ =	sdelay $0x3  }
0x36: {  	p1 =	seq.s32 s10, $0x1;
	s10 =	sld [smem:$0x3F98];
	_ =	sdelay $0x3  }
0x37: {  	[smem:$0x3F98] =	sst s10  }
0x38: {  	s10 =	sld [smem:$0x3F99]  }
0x39: {  	_ = 	snop;
	(pc) =	sbr.ind lr, $3  }
0x3a: {  	_ = 	snop  }
0x3b: {  	_ = 	snop  }
0x3c: {  	p2 =	seq.s32 s10, $0x1;
	s10 =	sld [smem:$0x3F98]  }
0x3d: {  	_ =	shalt  }
0x3e: {  	_ =	shalt  }
0x3f: {  	_ =	shalt  }
0x40: {  	_ =	shalt  }
0x41: {  	_ =	shalt  }
0x42: {  	_ =	shalt  }
0x43: {  	_ =	shalt  }
0x44: {  	_ =	shalt  }
0x45: {  	_ =	shalt  }
0x46: {  	_ =	shalt  }
0x47: {  	_ =	shalt  }
0x48: {  	_ =	shalt  }
0x49: {  	_ =	shalt  }
0x4a: {  	_ =	shalt  }
0x4b: {  	_ =	shalt  }
0x4c: {  	_ =	shalt  }
0x4d: {  	_ =	shalt  }
0x4e: {  	_ =	shalt  }
0x4f: {  	_ =	shalt  }
0x50: {  	_ =	shalt  }
0x51: {  	_ =	shalt  }
0x52: {  	_ =	shalt  }
0x53: {  	_ =	shalt  }
0x54: {  	_ =	shalt  }
0x55: {  	_ =	shalt  }
0x56: {  	_ =	shalt  }
0x57: {  	_ =	shalt  }
0x58: {  	_ =	shalt  }
0x59: {  	_ =	shalt  }
0x5a: {  	_ =	shalt  }
0x5b: {  	_ =	shalt  }
0x5c: {  	_ =	shalt  }
0x5d: {  	_ =	shalt  }
0x5e: {  	_ =	shalt  }
0x5f: {  	_ =	shalt  }
0x60: {  	_ =	shalt  }
0x61: {  	_ =	shalt  }
0x62: {  	_ =	shalt  }
0x63: {  	_ =	shalt  }
0x64: {  	_ =	shalt  }
0x65: {  	_ =	shalt  }
0x66: {  	_ =	shalt  }
0x67: {  	_ =	shalt  }
0x68: {  	_ =	shalt  }
0x69: {  	_ =	shalt  }
0x6a: {  	_ =	shalt  }
0x6b: {  	_ =	shalt  }
0x6c: {  	_ =	shalt  }
0x6d: {  	_ =	shalt  }
0x6e: {  	_ =	shalt  }
0x6f: {  	_ =	shalt  }
0x70: {  	_ =	shalt  }
0x71: {  	_ =	shalt  }
0x72: {  	_ =	shalt  }
0x73: {  	_ =	shalt  }
0x74: {  	_ =	shalt  }
0x75: {  	_ =	shalt  }
0x76: {  	_ =	shalt  }
0x77: {  	_ =	shalt  }
0x78: {  	_ =	shalt  }
0x79: {  	_ =	shalt  }
0x7a: {  	_ =	shalt  }
0x7b: {  	_ =	shalt  }
0x7c: {  	_ =	shalt  }
0x7d: {  	_ =	shalt  }
0x7e: {  	_ =	shalt  }
0x7f: {  	_ =	shalt  }
0x80: {  	_ =	shalt  }
0x81: {  	_ =	shalt  }
0x82: {  	_ =	shalt  }
0x83: {  	_ =	shalt  }
0x84: {  	_ =	shalt  }
0x85: {  	_ =	shalt  }
0x86: {  	_ =	shalt  }
0x87: {  	_ =	shalt  }
.Lfunc_end0:
.L_simem_size_0:
called_computation.5_lowered:
.L_overlay_start_0:
0x88: {  	s2 =	sld [smem:$0x3FD9]  }
0x89: {  	s3 =	sld [smem:$0x3FFE];
	_ =	sdelay $0x1  }
0x8a: {  	s1 =	srdreg.scid  }
0x8b: {  	s0 =	sand.u32 $0x1, s1  }
0x8c: {  	s17 =	sshll.u32 s0, $0xA;
	s2 =	sadd.s32 s3, s2  }
0x8d: {  	s2 =	sadd.s32 s2, s17  }
0x8e: {  	[smem:$0x3FA4] =	sst s2  }
0x8f: {  	_ = 	snop  }
0x90: {  	s18 =	sld [smem:$0x3FD0];
	(tm) =	ssettm $0x1  }
0x91: {  	s19 =	sld [smem:$0x3FFB];
	_ =	sdelay $0x3  }
0x92: {  	_ =	strace s19  }
0x93: {  	s2 =	sld [smem:$0x3FFC];
	_ =	sdelay $0x3  }
0x94: {  	_ =	strace s2  }
0x95: {  	s2 =	sld [smem:$0x3FFD];
	_ =	sdelay $0x3  }
0x96: {  	_ =	strace s2  }
0x97: {  	_ =	strace $0x8FFFFFFF  }
0x98: {  	s20 =	sld [smem:$0x3FDB];
	_ =	sdelay $0x1  }
0x99: {  	s4 =	simm.s32 $_scs_section_size  }
0x9a: {  	s5 =	simm.s32 $_size__tile_overlayer_lowered;
	s6 =	simm.s32 $_tile_overlayer_lowered  }
0x9b: {  	s7 =	simm.s32 $0x1BFF;
	s21 =	sshll.u32 s6, $0x1;
	s4 =	sadd.s32 s4, s20  }
0x9c: {  	s22 =	simm.s32 $0x0;
	s5 =	sshll.u32 s5, $0x1;
	s6 =	sadd.s32 s21, s4  }
0x9d: {  	[timem:s22], [sflag:s7] =	dma.local [hbm:s6], s5  }
0x9e: {  	_ =	swait.ge [sflag:s7], s5  }
0x9f: {  	s5 =	ssub.s32 $0x0, s5;
	[sflag:s7] =	ssyncset.done $0x0  }
0xa0: {  	[sflag:s7] =	ssyncadd.s32 s5;
	_ =	sdelay $0x1  }
0xa1: {  	s23 =	simm.s32 $0x1B8B  }
0xa2: {  	_ =	swait.ge [sflag:s23], $0x1  }
0xa3: {  	[sflag:s23] =	ssyncset.done $0x0  }
0xa4: {  	[sflag:s23] =	ssyncadd.s32 $0xFFFFFFFF  }
0xa5: {  	s5 =	sld [smem:$0x0]  }
0xa6: {  	s6 =	sand.u32 $0xFFFFFFFE, s1  }
0xa7: {  	p0 =	sne.s32 s1, s6  }
0xa8: {  	s6 =	sshll.u32 @p0 s6, $0xE  }
0xa9: {  	s6 =	sadd.s32 @p0 $0x11B8D, s6;
	s7 =	sshll.u32 @p0 s5, $0x11  }
0xaa: {  	s6 =	sor.u32 @p0 s7, s6  }
0xab: {  	[sflag:s6] =	ssyncadd.remote.s32 @p0 $0x1;
	_ =	sdelay $0x1  }
0xac: {  	s6 =	simm.s32 @p0 $0x1B8D  }
0xad: {  	_ =	swait.eq @p0 [sflag:s6], $0x1  }
0xae: {  	[sflag:s6] =	ssyncadd.s32 @p0 $0xFFFFFFFF  }
0xaf: {  	s7 =	sshll.u32 @!p0 s1, $0xE  }
0xb0: {  	s7 =	sor.u32 @!p0 $0x4000, s7;
	s6 =	simm.s32 @!p0 $0x1B8D  }
0xb1: {  	s5 =	sshll.u32 @!p0 s5, $0x11;
	s7 =	sadd.s32 @!p0 $0x11B8D, s7;
	_ =	swait.eq @!p0 [sflag:s6], $0x1  }
0xb2: {  	s5 =	sor.u32 @!p0 s5, s7;
	[sflag:s6] =	ssyncadd.s32 @!p0 $0xFFFFFFFF  }
0xb3: {  	s25 =	simm.s32 $0x1B8E;
	s24 =	sld [smem:$0x3FFE];
	[sflag:s5] =	ssyncadd.remote.s32 @!p0 $0x1  }
0xb4: {  	s26 =	simm.s32 $execute0_lowered;
	[smem:$0x3FD2] =	sst s25  }
0xb5: {  	s6 =	sshll.u32 s26, $0x1;
	_ =	strace $0x80000055;
	[dreg:$0x1] =	wrdreg $0xFFFFFFFF  }
0xb6: {  	s28 =	simm.s32 $_size_execute0_lowered;
	s4 =	sadd.s32 s4, s6;
	[dreg:$0x0] =	wrdreg $0x0  }
0xb7: {  	s6 =	sshll.u32 s28, $0x1;
	[dreg:$0x2] =	wrdreg s4  }
0xb8: {  	[dreg:$0x3] =	wrdreg s6  }
0xb9: {  	[dreg:$0x4] =	wrdreg $0xC0  }
0xba: {  	_ =	task [dreg:s22], $0x5FFFF  }
0xbb: {  	[dreg:$0x1] =	wrdreg $0xFFFFFFFF  }
0xbc: {  	[dreg:$0x0] =	wrdreg $0x60  }
0xbd: {  	[dreg:$0x2] =	wrdreg s24  }
0xbe: {  	[dreg:$0x3] =	wrdreg s18  }
0xbf: {  	[dreg:$0x4] =	wrdreg $0x0  }
0xc0: {  	[dreg:$0x5] =	wrdreg $0x9  }
0xc1: {  	_ =	task.clear_ibuf [dreg:s22], $0x6FFFF;
	_ =	strace $0x90000055  }
0xc2: {  	s29 =	simm.s32 $0x9;
	_ =	strace $0x80000057  }
0xc3: {  	_ =	swait.ge [sflag:s29], $0x1  }
0xc4: {  	[sflag:s29] =	ssyncadd.s32 $0xFFFFFFFF  }
0xc5: {  	_ =	strace $0x90000057  }
0xc6: {  	_ =	sfence  }
0xc7: {  	s30 =	sld [smem:$0x0];
	_ =	sdelay $0x2  }
0xc8: {  	s31 =	sshll.u32 s1, $0xD;
	s1 =	sshrl.u32 s1, $0x2  }
0xc9: {  	s4 =	sand.u32 $0x4000, s31;
	s1 =	sadd.s32 s1, s30  }
0xca: {  	s0 =	sor.u32 s4, s0;
	s1 =	sshll.u32 s1, $0x11  }
0xcb: {  	s0 =	sor.u32 s1, s0  }
0xcc: {  	s0 =	sadd.s32 $0x8F2B, s0  }
0xcd: {  	[sflag:s0] =	ssyncadd.remote.s32 $0x1  }
0xce: {  	_ =	sfence.sel $0xFFFF  }
0xcf: {  	[dreg:$0x0] =	wrdreg $0xFFFFFFFF;
	(pc) =	sbr.abs _section_cstart, $3  }
0xd0: {  	[dreg:$0x1] =	wrdreg $0xFFFFFFFF  }
0xd1: {  	_ =	task.clear_ibuf [dreg:s22], $0x2FFFF;
	_ =	strace $0x9FFFFFFF  }
0xd2: {  	(tm) =	ssettm $0x7FFFFFFF  }
0xd3: {  	_ =	shalt  }
tec
execute0_lowered:
.L_overlay_start_1:
0x0: {  	(tag) =	ssettag $0x1  }
0x1: {  	s0 =	rddreg [dreg:$0x0]  }
0x2: {  	s1 =	rddreg [dreg:$0x1]  }
0x3: {  	s2 =	rddreg [dreg:$0x2]  }
0x4: {  	s3 =	simm.s32 $0x0;
	s11 =	stileid.u32;
	s5 =	srdreg.scid  }
0x5: {  	s15 =	simm.s32 $0x5;
	s28 =	simm.s32 $0x4;
	s4 =	smul.u32 $0x14000, s11  }
0x6: {  	s29 =	simm.s32 $0x1A200;
	s30 =	simm.s32 $0x0;
	s16 =	smul.u32 $0x5000, s11  }
0x7: {  	[smem:$0x7FF] =	sst s3;
	s6 =	sand.u32 $0x1, s5;
	s12 =	smul.u32 $0x28000, s11  }
0x8: {  	s18 =	sshll.u32 s11, $0x6;
	_ =	strace $0x80000056;
	s9 =	smul.u32 $0x2800, s6  }
0x9: {  	s8 =	ssub.s32 $0x2, s6;
	s6 =	smul.u32 $0x14000, s6;
	s7 =	sshrl.u32 s4, $0x3  }
0xa: {  	s10 =	sshrl.u32 s8, $0x1;
	s14 =	sadd.s32 s4, s2;
	s4 =	sor.u32 $0x1C05, s18  }
0xb: {  	s18 =	simm.s32 $0x14100;
	s7 =	sadd.s32 s7, s0;
	s0 =	sadd.s32 $0x6AEA00, s0  }
0xc: {  	s8 =	ssub.s32 s8, s10;
	s9 =	sadd.s32 s9, s16;
	[dreg:$0x6] =	wrdreg s4  }
0xd: {  	s31 =	sshrl.u32 s14, $0x3;
	s16 =	simm.s32 $0x14000;
	s17 =	sadd.s32 $0x96A00, s7  }
0xe: {  	s5 =	sor.u32 $0x100, s9;
	s19 =	smax.u32 s8, $0x1;
	[dreg:$0x8] =	wrdreg s31  }
0xf: {  	s21 =	sor.u32 $0x80, s9;
	s24 =	sor.u32 $0x180, s9;
	[dreg:$0x5] =	wrdreg s17  }
0x10: {  	s26 =	sshrl.u32 s9, $0x3;
	[dreg:$0x7] =	wrdreg s19;
	s20 =	sshll.u32 s5, $0x3  }
0x11: {  	s5 =	sshrl.u32 s5, $0x3;
	s22 =	sshll.u32 s21, $0x3;
	s23 =	sshrl.u32 s21, $0x3  }
0x12: {  	s25 =	sshll.u32 s24, $0x3;
	s7 =	sshrl.u32 s24, $0x3;
	s13 =	sadd.s32 s26, s1  }
0x13: {  	s17 =	simm.s32 $0x14080;
	s19 =	simm.s32 $0x14180;
	s21 =	simm.s32 $0x80  }
0x14: {  	s24 =	simm.s32 $0x16200;
	s26 =	simm.s32 $0x18200;
	s4 =	sadd.s32 s20, s0  }
0x15: {  	s8 =	sadd.s32 s22, s0;
	s10 =	sadd.s32 s25, s0;
	s11 =	sadd.s32 s7, s1  }
0x16: {  	s0 =	sadd.s32 s12, s0;
	s20 =	simm.s32 $0x1;
	s22 =	simm.s32 $0x14200  }
0x17: {  	s25 =	simm.s32 $0x3;
	[dreg:$0x4] =	wrdreg s4;
	s4 =	sadd.s32 s5, s1  }
0x18: {  	s5 =	sadd.s32 s23, s1;
	s12 =	sadd.s32 s6, s0;
	s23 =	simm.s32 $0x2  }
.LBB2_1:
0x19: {  	s0 =	rddreg [dreg:$0x5]  }
0x1a: {  	s1 =	rddreg [dreg:$0x6]  }
0x1b: {  	s6 =	rddreg [dreg:$0x8]  }
0x1c: {  	[spmem:s6], [sflag:s1] =	dma.local [hbm:s0], $0x2800  }
0x1d: {  	_ =	swait.ge [sflag:s15], $0x2800  }
0x1e: {  	[sflag:s15] =	ssyncset.done $0x0  }
0x1f: {  	[sflag:s15] =	ssyncadd.s32 $0xFFFFD800  }
0x20: {  	[bflag:$0x0] =	sbarrier.arrive $0xFFFF  }
0x21: {  	[tilespmem:s16], [sflag:$0x1] =	stream.linear.gather [hbm4b:s13+s3], $0x80, $0x38;
	[tilespmem:$0x1C200] =	vst v63  }
0x22: {  	_ = 	snop  }
0x23: {  	[tilespmem:s17], [sflag:$0x2] =	stream.linear.gather [hbm4b:s5+s3], $0x80, $0x38;
	[tilespmem:$0x1C200] =	vst v63  }
0x24: {  	_ = 	snop  }
0x25: {  	[tilespmem:s18], [sflag:$0x3] =	stream.linear.gather [hbm4b:s4+s3], $0x80, $0x38;
	[tilespmem:$0x1C200] =	vst v63  }
0x26: {  	_ = 	snop  }
0x27: {  	[tilespmem:s19], [sflag:$0x4] =	stream.linear.gather [hbm4b:s11+s3], $0x80, $0x38;
	[tilespmem:$0x1C200] =	vst v63  }
0x28: {  	_ =	swait.ge [sflag:s20], $0x80  }
0x29: {  	[sflag:s20] =	ssyncset.done $0x0  }
0x2a: {  	[sflag:s20] =	ssyncadd.s32 $0xFFFFFF80  }
0x2b: {  	[tilespmem:s22], [sflag:$0x1] =	stream.indirect.gather [spmem:s2], $0x40, s16, s21, $0xb8;
	[tilespmem:$0x1C200] =	vst v63  }
0x2c: {  	_ =	swait.ge [sflag:s23], $0x80  }
0x2d: {  	[sflag:s23] =	ssyncset.done $0x0  }
0x2e: {  	[sflag:s23] =	ssyncadd.s32 $0xFFFFFF80  }
0x2f: {  	[tilespmem:s24], [sflag:$0x2] =	stream.indirect.gather [spmem:s2], $0x40, s17, s21, $0xb8;
	[tilespmem:$0x1C200] =	vst v63  }
0x30: {  	_ =	swait.ge [sflag:s25], $0x80  }
0x31: {  	[sflag:s25] =	ssyncset.done $0x0  }
0x32: {  	[sflag:s25] =	ssyncadd.s32 $0xFFFFFF80  }
0x33: {  	[tilespmem:s26], [sflag:$0x3] =	stream.indirect.gather [spmem:s2], $0x40, s18, s21, $0xb8;
	[tilespmem:$0x1C200] =	vst v63  }
0x34: {  	_ =	swait.ge [sflag:s28], $0x80  }
0x35: {  	[sflag:s28] =	ssyncset.done $0x0  }
0x36: {  	[sflag:s28] =	ssyncadd.s32 $0xFFFFFF80  }
0x37: {  	[tilespmem:s29], [sflag:$0x4] =	stream.indirect.gather [spmem:s2], $0x40, s19, s21, $0xb8;
	[tilespmem:$0x1C200] =	vst v63  }
0x38: {  	_ =	swait.ge [sflag:s20], $0x2000  }
0x39: {  	[sflag:s20] =	ssyncset.done $0x0  }
0x3a: {  	s6 =	sadd.s32 $0x0, s12;
	[sflag:s20] =	ssyncadd.s32 $0xFFFFE000  }
0x3b: {  	[hbm4b:s6+s3] =	stream.linear.scatter [tilespmem:s22], [sflag:$0x1], $0x2000, $0x38;
	[tilespmem:$0x1C200] =	vst v63  }
0x3c: {  	_ =	swait.ge [sflag:s23], $0x2000  }
0x3d: {  	[sflag:s23] =	ssyncset.done $0x0  }
0x3e: {  	s7 =	sadd.s32 $0x0, s8;
	[sflag:s23] =	ssyncadd.s32 $0xFFFFE000  }
0x3f: {  	[hbm4b:s7+s3] =	stream.linear.scatter [tilespmem:s24], [sflag:$0x2], $0x2000, $0x38;
	[tilespmem:$0x1C200] =	vst v63  }
0x40: {  	_ =	swait.ge [sflag:s25], $0x2000  }
0x41: {  	s9 =	rddreg [dreg:$0x4];
	[sflag:s25] =	ssyncset.done $0x0  }
0x42: {  	[sflag:s25] =	ssyncadd.s32 $0xFFFFE000;
	s0 =	sadd.s32 $0x0, s9  }
0x43: {  	[hbm4b:s0+s3] =	stream.linear.scatter [tilespmem:s26], [sflag:$0x3], $0x2000, $0x38;
	[tilespmem:$0x1C200] =	vst v63  }
0x44: {  	_ =	swait.ge [sflag:s28], $0x2000  }
0x45: {  	[sflag:s28] =	ssyncset.done $0x0  }
0x46: {  	s14 =	sadd.s32 $0x0, s10;
	[sflag:s28] =	ssyncadd.s32 $0xFFFFE000  }
0x47: {  	[hbm4b:s14+s3] =	stream.linear.scatter [tilespmem:s29], [sflag:$0x4], $0x2000, $0x38;
	[tilespmem:$0x1C200] =	vst v63  }
0x48: {  	_ =	swait.ge [sflag:s20], $0x2000  }
0x49: {  	[sflag:s20] =	ssyncset.done $0x0  }
0x4a: {  	[sflag:s20] =	ssyncadd.s32 $0xFFFFE000  }
0x4b: {  	_ =	swait.ge [sflag:s23], $0x2000  }
0x4c: {  	[sflag:s23] =	ssyncset.done $0x0  }
0x4d: {  	[sflag:s23] =	ssyncadd.s32 $0xFFFFE000  }
0x4e: {  	_ =	swait.ge [sflag:s25], $0x2000  }
0x4f: {  	[sflag:s25] =	ssyncset.done $0x0  }
0x50: {  	s31 =	simm.s32 $0x1000;
	[sflag:s25] =	ssyncadd.s32 $0xFFFFE000  }
0x51: {  	s1 =	sadd.s32 $0x40, s13;
	s7 =	smov.u32 s4;
	_ =	swait.ge [sflag:s28], $0x2000  }
0x52: {  	s9 =	smov.u32 s5;
	s0 =	sadd.s32 $0x40, s11;
	[sflag:s28] =	ssyncset.done $0x0  }
.LBB2_2:
0x53: {  	[sflag:s28] =	ssyncadd.s32 $0xFFFFE000  }
0x54: {  	[tilespmem:s16], [sflag:$0x1] =	stream.linear.gather [hbm4b:s1+s3], $0x80, $0x38;
	[tilespmem:$0x1C200] =	vst v63  }
0x55: {  	s9 =	sadd.s32 $0x40, s9  }
0x56: {  	[tilespmem:s17], [sflag:$0x2] =	stream.linear.gather [hbm4b:s9+s3], $0x80, $0x38;
	[tilespmem:$0x1C200] =	vst v63  }
0x57: {  	s7 =	sadd.s32 $0x40, s7  }
0x58: {  	[tilespmem:s18], [sflag:$0x3] =	stream.linear.gather [hbm4b:s7+s3], $0x80, $0x38;
	[tilespmem:$0x1C200] =	vst v63  }
0x59: {  	_ = 	snop  }
0x5a: {  	[tilespmem:s19], [sflag:$0x4] =	stream.linear.gather [hbm4b:s0+s3], $0x80, $0x38;
	[tilespmem:$0x1C200] =	vst v63  }
0x5b: {  	_ =	swait.ge [sflag:s20], $0x80  }
0x5c: {  	[sflag:s20] =	ssyncset.done $0x0  }
0x5d: {  	[sflag:s20] =	ssyncadd.s32 $0xFFFFFF80  }
0x5e: {  	[tilespmem:s22], [sflag:$0x1] =	stream.indirect.gather [spmem:s2], $0x40, s16, s21, $0xb8;
	[tilespmem:$0x1C200] =	vst v63  }
0x5f: {  	_ =	swait.ge [sflag:s23], $0x80  }
0x60: {  	[sflag:s23] =	ssyncset.done $0x0  }
0x61: {  	[sflag:s23] =	ssyncadd.s32 $0xFFFFFF80  }
0x62: {  	[tilespmem:s24], [sflag:$0x2] =	stream.indirect.gather [spmem:s2], $0x40, s17, s21, $0xb8;
	[tilespmem:$0x1C200] =	vst v63  }
0x63: {  	_ =	swait.ge [sflag:s25], $0x80  }
0x64: {  	[sflag:s25] =	ssyncset.done $0x0  }
0x65: {  	[sflag:s25] =	ssyncadd.s32 $0xFFFFFF80  }
0x66: {  	[tilespmem:s26], [sflag:$0x3] =	stream.indirect.gather [spmem:s2], $0x40, s18, s21, $0xb8;
	[tilespmem:$0x1C200] =	vst v63  }
0x67: {  	_ =	swait.ge [sflag:s28], $0x80  }
0x68: {  	[sflag:s28] =	ssyncset.done $0x0  }
0x69: {  	[sflag:s28] =	ssyncadd.s32 $0xFFFFFF80  }
0x6a: {  	[tilespmem:s29], [sflag:$0x4] =	stream.indirect.gather [spmem:s2], $0x40, s19, s21, $0xb8;
	[tilespmem:$0x1C200] =	vst v63  }
0x6b: {  	_ =	swait.ge [sflag:s20], $0x2000  }
0x6c: {  	s6 =	smov.u32 s31;
	[sflag:s20] =	ssyncset.done $0x0  }
0x6d: {  	s14 =	sadd.s32 s6, s12;
	[sflag:s20] =	ssyncadd.s32 $0xFFFFE000  }
0x6e: {  	[hbm4b:s14+s3] =	stream.linear.scatter [tilespmem:s22], [sflag:$0x1], $0x2000, $0x38;
	[tilespmem:$0x1C200] =	vst v63  }
0x6f: {  	_ =	swait.ge [sflag:s23], $0x2000  }
0x70: {  	[sflag:s23] =	ssyncset.done $0x0  }
0x71: {  	s14 =	sadd.s32 s6, s8;
	[sflag:s23] =	ssyncadd.s32 $0xFFFFE000  }
0x72: {  	[hbm4b:s14+s3] =	stream.linear.scatter [tilespmem:s24], [sflag:$0x2], $0x2000, $0x38;
	[tilespmem:$0x1C200] =	vst v63  }
0x73: {  	_ =	swait.ge [sflag:s25], $0x2000  }
0x74: {  	s14 =	rddreg [dreg:$0x4];
	[sflag:s25] =	ssyncset.done $0x0  }
0x75: {  	[sflag:s25] =	ssyncadd.s32 $0xFFFFE000;
	s14 =	sadd.s32 s6, s14  }
0x76: {  	[hbm4b:s14+s3] =	stream.linear.scatter [tilespmem:s26], [sflag:$0x3], $0x2000, $0x38;
	[tilespmem:$0x1C200] =	vst v63  }
0x77: {  	_ =	swait.ge [sflag:s28], $0x2000  }
0x78: {  	[sflag:s28] =	ssyncset.done $0x0  }
0x79: {  	s6 =	sadd.s32 s6, s10;
	[sflag:s28] =	ssyncadd.s32 $0xFFFFE000  }
0x7a: {  	[hbm4b:s6+s3] =	stream.linear.scatter [tilespmem:s29], [sflag:$0x4], $0x2000, $0x38;
	[tilespmem:$0x1C200] =	vst v63  }
0x7b: {  	_ =	swait.ge [sflag:s20], $0x2000  }
0x7c: {  	[sflag:s20] =	ssyncset.done $0x0  }
0x7d: {  	[sflag:s20] =	ssyncadd.s32 $0xFFFFE000  }
0x7e: {  	_ =	swait.ge [sflag:s23], $0x2000  }
0x7f: {  	[sflag:s23] =	ssyncset.done $0x0  }
0x80: {  	p0 =	sne.s32 s31, $0x13000;
	[sflag:s23] =	ssyncadd.s32 $0xFFFFE000  }
.Ltmp0:
0x81: {  	_ =	swait.ge [sflag:s25], $0x2000;
	(pc) =	sbr.rel @p0 .LBB2_2-.Ltmp0, $4  }
0x82: {  	[sflag:s25] =	ssyncset.done $0x0  }
0x83: {  	[sflag:s25] =	ssyncadd.s32 $0xFFFFE000  }
0x84: {  	s31 =	sadd.s32 $0x1000, s31;
	_ =	swait.ge [sflag:s28], $0x2000  }
0x85: {  	s1 =	sadd.s32 $0x40, s1;
	s0 =	sadd.s32 $0x40, s0;
	[sflag:s28] =	ssyncset.done $0x0  }
0x86: {  	s30 =	sadd.s32 $0x1, s30;
	s0 =	rddreg [dreg:$0x7]  }
0x87: {  	p0 =	sne.s32 s30, s0  }
.Ltmp1:
0x88: {  	_ = 	snop;
	(pc) =	sbr.rel @p0 .LBB2_1-.Ltmp1, $2  }
0x89: {  	_ =	sdelay $0x2  }
0x8a: {  	[sflag:s28] =	ssyncadd.s32 $0xFFFFE000  }
0x8b: {  	_ =	sfence.sel $0x180000  }
0x8c: {  	[bflag:$0x0] =	sbarrier.arrive $0xFFFF  }
0x8d: {  	_ =	strace $0x90000056  }
0x8e: {  	s0 =	stileid.u32;
	[bflag:$0x2] =	sbarrier.arrive $0xFFFF  }
0x8f: {  	p0 =	sne.s32 s0, $0x0;
	s0 =	rddreg [dreg:$0x3]  }
0x90: {  	s0 =	sadd.s32 @!p0 $0x100000, s0  }
0x91: {  	[sflag:s0] =	ssyncadd.tile.s32 @!p0 $0x1;
	_ =	shalt  }
.Lfunc_end2:
_tile_overlayer_lowered:
.L_overlay_start_2:
0x92: {  	(tag) =	ssettag $0x2  }
0x93: {  	s0 =	rddreg [dreg:$0x0];
	s2 =	stileid.u32  }
0x94: {  	s1 =	rddreg [dreg:$0x1];
	p0 =	sne.s32 s2, $0x0  }
0x95: {  	s3 =	rddreg [dreg:$0x2];
	[bflag:$0x3] =	sbarrier.arrive $0xFFFF;
	s2 =	simm.s32 @!p0 $0x1C05  }
0x96: {  	[timem:s3], [sflag:s2] =	dma.local @!p0 [hbm:s0], s1  }
0x97: {  	s0 =	simm.s32 @!p0 $0x5  }
0x98: {  	_ =	swait.ge @!p0 [sflag:s0], s1  }
0x99: {  	s1 =	ssub.s32 @!p0 $0x0, s1;
	[sflag:s0] =	ssyncset.done @!p0 $0x0  }
0x9a: {  	[sflag:s0] =	ssyncadd.s32 @!p0 s1  }
0x9b: {  	[bflag:$0x3] =	sbarrier.arrive $0xFFFF  }
0x9c: {  	_ =	shalt  }

// kernel: kernel.35.cloned.1.call-start
scs
__scs_entry_jumppad:
0x0: {  	(pc) =	sbr.rel $0x88, $3  }
0x1: {  	(tag) =	ssettag $0x0;
	lr =	simm.s32 $0x1  }
0x2: {  	[smem:$0x3F7D] =	sst lr;
	_ =	strace $0xD0000000  }
0x3: {  	_ = 	snop  }
0x4: {  	_ = 	snop  }
0x5: {  	_ = 	snop  }
0x6: {  	_ = 	snop  }
0x7: {  	_ = 	snop  }
__scs_overlays_trampoline_lowered:
0x8: {  	[smem:$0x3F8C] =	sst s0  }
0x9: {  	[smem:$0x3F8D] =	sst s1  }
0xa: {  	[smem:$0x3F8E] =	sst s2  }
0xb: {  	[smem:$0x3F8F] =	sst s3  }
0xc: {  	[smem:$0x3F90] =	sst s4  }
0xd: {  	[smem:$0x3F91] =	sst s5  }
0xe: {  	[smem:$0x3F92] =	sst s6  }
0xf: {  	[smem:$0x3F93] =	sst s7  }
0x10: {  	[smem:$0x3F94] =	sst s8  }
0x11: {  	[smem:$0x3F95] =	sst s9;
	s0 =	simm.s32 @!p0 $0x0  }
0x12: {  	s1 =	sld [smem:$0x3F7B];
	s0 =	simm.s32 @p0 $0x1  }
0x13: {  	[smem:$0x3F96] =	sst s0;
	s0 =	simm.s32 @!p1 $0x0  }
0x14: {  	s2 =	sld [smem:$0x3F7A];
	s0 =	simm.s32 @p1 $0x1  }
0x15: {  	[smem:$0x3F97] =	sst s0;
	s0 =	simm.s32 @!p2 $0x0  }
0x16: {  	s3 =	sld [smem:$0x3FDB];
	s0 =	simm.s32 @p2 $0x1  }
0x17: {  	s4 =	simm.s32 $0x1BF5;
	[smem:$0x3F99] =	sst s0  }
0x18: {  	s0 =	sld [smem:$0x3F7C];
	_ =	swait.ge [sflag:s4], $0x0  }
0x19: {  	s7 =	sld [smem:$0x3F7D]  }
0x1a: {  	s8 =	sadd.s32 $0xFFFFE003, lr  }
0x1b: {  	s9 =	sadd.s32 $0xFFFFFEF7, lr;
	s5 =	simm.s32 $0xFFFFFFFF;
	p2 =	slt.u32 s8, $0xFFFFF086  }
0x1c: {  	p1 =	slt.u32 s9, $0xF7A;
	s5 =	simm.s32 @!p2 $0x0  }
0x1d: {  	s5 =	simm.s32 @p1 $0x1;
	p0 =	seq.s32 s7, s2  }
0x1e: {  	s7 =	smul.u32 @!p0 $0xF7A, s2;
	p2 =	seq.s32 @!p0 s5, $0x0  }
0x1f: {  	s9 =	smul.u32 $0xF7A, s1;
	s8 =	simm.s32 @!p0 $0x1BF5;
	p2 =	por !p2, p0  }
0x20: {  	[sflag:s8] =	ssyncset.s32 @!p0 $0xFFFFF086;
	s6 =	sadd.s32 @!p0 s3, s7;
	s7 =	simm.s32 @!p0 $0x108  }
0x21: {  	s3 =	sadd.s32 s3, s9;
	s6 =	sadd.s32 @!p0 $0x88, s6;
	s7 =	simm.s32 @p2 $0x1082  }
0x22: {  	[simem:s7], [sflag:s8] =	dma.local @!p0 [hbm:s6], $0xF7A  }
0x23: {  	s9 =	sor.u32 $0xD0000000, s2;
	s6 =	simm.s32 $0x108;
	_ =	swait.ge @!p0 [sflag:s8], $0x0  }
0x24: {  	s3 =	sadd.s32 $0x88, s3;
	s6 =	simm.s32 @!p1 $0x1082;
	[sflag:s4] =	ssyncset.s32 $0xFFFFF086  }
0x25: {  	[simem:s6], [sflag:s4] =	dma.local [hbm:s3], $0xF7A  }
0x26: {  	[smem:$0x3F7D] =	sst s1;
	(tag) =	ssettag s2;
	_ =	strace s9  }
0x27: {  	s1 =	sld [smem:$0x3F8D]  }
0x28: {  	s2 =	sld [smem:$0x3F8E]  }
0x29: {  	s4 =	sld [smem:$0x3F90]  }
0x2a: {  	p0 =	seq.s32 s5, $0x0;
	s5 =	sld [smem:$0x3F91]  }
0x2b: {  	s6 =	sld [smem:$0x3F92]  }
0x2c: {  	s7 =	sld [smem:$0x3F93]  }
0x2d: {  	s3 =	simm.s32 $0x108;
	s8 =	sld [smem:$0x3F94]  }
0x2e: {  	s3 =	simm.s32 @!p0 $0x1082;
	s9 =	sld [smem:$0x3F95]  }
0x2f: {  	lr =	sadd.s32 s0, s3;
	s0 =	sld [smem:$0x3F8C]  }
0x30: {  	s3 =	sld [smem:$0x3F8F]  }
0x31: {  	[smem:$0x3F98] =	sst s10  }
0x32: {  	s10 =	sld [smem:$0x3F96];
	_ =	sdelay $0x3  }
0x33: {  	p0 =	seq.s32 s10, $0x1;
	s10 =	sld [smem:$0x3F98];
	_ =	sdelay $0x3  }
0x34: {  	[smem:$0x3F98] =	sst s10  }
0x35: {  	s10 =	sld [smem:$0x3F97];
	_ =	sdelay $0x3  }
0x36: {  	p1 =	seq.s32 s10, $0x1;
	s10 =	sld [smem:$0x3F98];
	_ =	sdelay $0x3  }
0x37: {  	[smem:$0x3F98] =	sst s10  }
0x38: {  	s10 =	sld [smem:$0x3F99]  }
0x39: {  	_ = 	snop;
	(pc) =	sbr.ind lr, $3  }
0x3a: {  	_ = 	snop  }
0x3b: {  	_ = 	snop  }
0x3c: {  	p2 =	seq.s32 s10, $0x1;
	s10 =	sld [smem:$0x3F98]  }
0x3d: {  	_ =	shalt  }
0x3e: {  	_ =	shalt  }
0x3f: {  	_ =	shalt  }
0x40: {  	_ =	shalt  }
0x41: {  	_ =	shalt  }
0x42: {  	_ =	shalt  }
0x43: {  	_ =	shalt  }
0x44: {  	_ =	shalt  }
0x45: {  	_ =	shalt  }
0x46: {  	_ =	shalt  }
0x47: {  	_ =	shalt  }
0x48: {  	_ =	shalt  }
0x49: {  	_ =	shalt  }
0x4a: {  	_ =	shalt  }
0x4b: {  	_ =	shalt  }
0x4c: {  	_ =	shalt  }
0x4d: {  	_ =	shalt  }
0x4e: {  	_ =	shalt  }
0x4f: {  	_ =	shalt  }
0x50: {  	_ =	shalt  }
0x51: {  	_ =	shalt  }
0x52: {  	_ =	shalt  }
0x53: {  	_ =	shalt  }
0x54: {  	_ =	shalt  }
0x55: {  	_ =	shalt  }
0x56: {  	_ =	shalt  }
0x57: {  	_ =	shalt  }
0x58: {  	_ =	shalt  }
0x59: {  	_ =	shalt  }
0x5a: {  	_ =	shalt  }
0x5b: {  	_ =	shalt  }
0x5c: {  	_ =	shalt  }
0x5d: {  	_ =	shalt  }
0x5e: {  	_ =	shalt  }
0x5f: {  	_ =	shalt  }
0x60: {  	_ =	shalt  }
0x61: {  	_ =	shalt  }
0x62: {  	_ =	shalt  }
0x63: {  	_ =	shalt  }
0x64: {  	_ =	shalt  }
0x65: {  	_ =	shalt  }
0x66: {  	_ =	shalt  }
0x67: {  	_ =	shalt  }
0x68: {  	_ =	shalt  }
0x69: {  	_ =	shalt  }
0x6a: {  	_ =	shalt  }
0x6b: {  	_ =	shalt  }
0x6c: {  	_ =	shalt  }
0x6d: {  	_ =	shalt  }
0x6e: {  	_ =	shalt  }
0x6f: {  	_ =	shalt  }
0x70: {  	_ =	shalt  }
0x71: {  	_ =	shalt  }
0x72: {  	_ =	shalt  }
0x73: {  	_ =	shalt  }
0x74: {  	_ =	shalt  }
0x75: {  	_ =	shalt  }
0x76: {  	_ =	shalt  }
0x77: {  	_ =	shalt  }
0x78: {  	_ =	shalt  }
0x79: {  	_ =	shalt  }
0x7a: {  	_ =	shalt  }
0x7b: {  	_ =	shalt  }
0x7c: {  	_ =	shalt  }
0x7d: {  	_ =	shalt  }
0x7e: {  	_ =	shalt  }
0x7f: {  	_ =	shalt  }
0x80: {  	_ =	shalt  }
0x81: {  	_ =	shalt  }
0x82: {  	_ =	shalt  }
0x83: {  	_ =	shalt  }
0x84: {  	_ =	shalt  }
0x85: {  	_ =	shalt  }
0x86: {  	_ =	shalt  }
0x87: {  	_ =	shalt  }
.Lfunc_end0:
.L_simem_size_0:
called_computation.6_lowered:
.L_overlay_start_0:
0x88: {  	s2 =	sld [smem:$0x3FD9]  }
0x89: {  	s3 =	sld [smem:$0x3FFE];
	_ =	sdelay $0x1  }
0x8a: {  	s1 =	srdreg.scid  }
0x8b: {  	s0 =	sand.u32 $0x1, s1  }
0x8c: {  	s17 =	sshll.u32 s0, $0xA;
	s2 =	sadd.s32 s3, s2  }
0x8d: {  	s2 =	sadd.s32 s2, s17  }
0x8e: {  	[smem:$0x3FA4] =	sst s2  }
0x8f: {  	_ = 	snop  }
0x90: {  	(tm) =	ssettm $0x1  }
0x91: {  	s18 =	sld [smem:$0x3FFB];
	_ =	sdelay $0x3  }
0x92: {  	_ =	strace s18  }
0x93: {  	s2 =	sld [smem:$0x3FFC];
	_ =	sdelay $0x3  }
0x94: {  	_ =	strace s2  }
0x95: {  	s2 =	sld [smem:$0x3FFD];
	_ =	sdelay $0x3  }
0x96: {  	_ =	strace s2  }
0x97: {  	_ =	strace $0x8FFFFFFF  }
0x98: {  	s19 =	sld [smem:$0x3FDB];
	_ =	sdelay $0x1  }
0x99: {  	s20 =	simm.s32 $_scs_section_size  }
0x9a: {  	s4 =	simm.s32 $_size__tile_overlayer_lowered;
	s5 =	simm.s32 $_tile_overlayer_lowered  }
0x9b: {  	s6 =	simm.s32 $0x1BFF;
	s21 =	sshll.u32 s5, $0x1;
	s3 =	sadd.s32 s20, s19  }
0x9c: {  	s22 =	simm.s32 $0x0;
	s4 =	sshll.u32 s4, $0x1;
	s5 =	sadd.s32 s21, s3  }
0x9d: {  	[timem:s22], [sflag:s6] =	dma.local [hbm:s5], s4  }
0x9e: {  	_ =	swait.ge [sflag:s6], s4  }
0x9f: {  	s4 =	ssub.s32 $0x0, s4;
	[sflag:s6] =	ssyncset.done $0x0  }
0xa0: {  	[sflag:s6] =	ssyncadd.s32 s4;
	_ =	sdelay $0x1  }
0xa1: {  	s23 =	simm.s32 $0x1B8B  }
0xa2: {  	_ =	swait.ge [sflag:s23], $0x1  }
0xa3: {  	[sflag:s23] =	ssyncset.done $0x0  }
0xa4: {  	[sflag:s23] =	ssyncadd.s32 $0xFFFFFFFF  }
0xa5: {  	s4 =	sld [smem:$0x0]  }
0xa6: {  	s5 =	sand.u32 $0xFFFFFFFE, s1  }
0xa7: {  	p0 =	sne.s32 s1, s5  }
0xa8: {  	s5 =	sshll.u32 @p0 s5, $0xE  }
0xa9: {  	s5 =	sadd.s32 @p0 $0x11B8D, s5;
	s6 =	sshll.u32 @p0 s4, $0x11  }
0xaa: {  	s5 =	sor.u32 @p0 s6, s5  }
0xab: {  	[sflag:s5] =	ssyncadd.remote.s32 @p0 $0x1;
	_ =	sdelay $0x1  }
0xac: {  	s5 =	simm.s32 @p0 $0x1B8D  }
0xad: {  	_ =	swait.eq @p0 [sflag:s5], $0x1  }
0xae: {  	[sflag:s5] =	ssyncadd.s32 @p0 $0xFFFFFFFF  }
0xaf: {  	s6 =	sshll.u32 @!p0 s1, $0xE  }
0xb0: {  	s6 =	sor.u32 @!p0 $0x4000, s6;
	s5 =	simm.s32 @!p0 $0x1B8D  }
0xb1: {  	s4 =	sshll.u32 @!p0 s4, $0x11;
	s6 =	sadd.s32 @!p0 $0x11B8D, s6;
	_ =	swait.eq @!p0 [sflag:s5], $0x1  }
0xb2: {  	s4 =	sor.u32 @!p0 s4, s6;
	[sflag:s5] =	ssyncadd.s32 @!p0 $0xFFFFFFFF  }
0xb3: {  	s25 =	simm.s32 $0x1B8E;
	s24 =	sld [smem:$0x3FFE];
	[sflag:s4] =	ssyncadd.remote.s32 @!p0 $0x1  }
0xb4: {  	s26 =	simm.s32 $execute0_lowered;
	[smem:$0x3FD2] =	sst s25  }
0xb5: {  	s5 =	sshll.u32 s26, $0x1;
	_ =	strace $0x80000058;
	[dreg:$0x1] =	wrdreg $0xFFFFFFFF  }
0xb6: {  	s28 =	simm.s32 $_size_execute0_lowered;
	s3 =	sadd.s32 s3, s5;
	[dreg:$0x0] =	wrdreg $0x0  }
0xb7: {  	s5 =	sshll.u32 s28, $0x1;
	[dreg:$0x2] =	wrdreg s3  }
0xb8: {  	[dreg:$0x3] =	wrdreg s5  }
0xb9: {  	[dreg:$0x4] =	wrdreg $0xC0  }
0xba: {  	_ =	task [dreg:s22], $0x5FFFF  }
0xbb: {  	[dreg:$0x1] =	wrdreg $0xFFFFFFFF  }
0xbc: {  	[dreg:$0x0] =	wrdreg $0x60  }
0xbd: {  	[dreg:$0x2] =	wrdreg s24  }
0xbe: {  	[dreg:$0x3] =	wrdreg $0x0  }
0xbf: {  	[dreg:$0x4] =	wrdreg $0xA  }
0xc0: {  	_ =	task.clear_ibuf [dreg:s22], $0x5FFFF;
	_ =	strace $0x90000058  }
0xc1: {  	s29 =	simm.s32 $0xA;
	_ =	strace $0x8000005A  }
0xc2: {  	_ =	swait.ge [sflag:s29], $0x1  }
0xc3: {  	[sflag:s29] =	ssyncadd.s32 $0xFFFFFFFF  }
0xc4: {  	_ =	strace $0x9000005A  }
0xc5: {  	_ =	sfence  }
0xc6: {  	s30 =	sld [smem:$0x0];
	_ =	sdelay $0x2  }
0xc7: {  	s31 =	sshll.u32 s1, $0xD;
	s1 =	sshrl.u32 s1, $0x2  }
0xc8: {  	s4 =	sand.u32 $0x4000, s31;
	s1 =	sadd.s32 s1, s30  }
0xc9: {  	s0 =	sor.u32 s4, s0;
	s1 =	sshll.u32 s1, $0x11  }
0xca: {  	s0 =	sor.u32 s1, s0  }
0xcb: {  	s0 =	sadd.s32 $0x8F2B, s0  }
0xcc: {  	[sflag:s0] =	ssyncadd.remote.s32 $0x1  }
0xcd: {  	_ =	sfence.sel $0xFFFF  }
0xce: {  	[dreg:$0x0] =	wrdreg $0xFFFFFFFF;
	(pc) =	sbr.abs _section_cstart, $3  }
0xcf: {  	[dreg:$0x1] =	wrdreg $0xFFFFFFFF  }
0xd0: {  	_ =	task.clear_ibuf [dreg:s22], $0x2FFFF;
	_ =	strace $0x9FFFFFFF  }
0xd1: {  	(tm) =	ssettm $0x7FFFFFFF  }
tec
execute0_lowered:
.L_overlay_start_1:
0x0: {  	(tag) =	ssettag $0x1  }
0x1: {  	s0 =	rddreg [dreg:$0x0]  }
0x2: {  	s2 =	rddreg [dreg:$0x1]  }
0x3: {  	s3 =	simm.s32 $0x0;
	s1 =	srdreg.scid;
	s12 =	stileid.u32  }
0x4: {  	s13 =	simm.s32 $0x9;
	s28 =	simm.s32 $0x3;
	s29 =	simm.s32 $0x7  }
0x5: {  	s30 =	simm.s32 $0x4;
	s31 =	simm.s32 $0x8;
	s4 =	smul.u32 $0xA000, s12  }
0x6: {  	[smem:$0x7FF] =	sst s3;
	s1 =	sand.u32 $0x1, s1;
	s9 =	smul.u32 $0x2800, s12  }
0x7: {  	s6 =	sadd.s32 $0x92EA00, s0;
	s8 =	sadd.s32 $0xA800, s0;
	s23 =	smul.u32 $0x14000, s12  }
0x8: {  	s16 =	sshll.u32 s12, $0x6;
	s5 =	smul.u32 $0xA0000, s1;
	s7 =	ssub.s32 $0x2, s1  }
0x9: {  	_ =	strace $0x80000059;
	s11 =	smul.u32 $0x1400, s1;
	s10 =	sshrl.u32 s7, $0x1  }
0xa: {  	s1 =	smul.u32 $0xA000, s1;
	s5 =	sadd.s32 s4, s5;
	s14 =	ssub.s32 s7, s10  }
0xb: {  	s4 =	sadd.s32 s4, s2;
	s9 =	sadd.s32 s11, s9;
	s7 =	sor.u32 $0x1C09, s16  }
0xc: {  	s16 =	simm.s32 $0xA100;
	s5 =	sshrl.u32 s5, $0x3;
	s17 =	sor.u32 $0x100, s9  }
0xd: {  	s19 =	sor.u32 $0x80, s9;
	s22 =	sor.u32 $0x180, s9;
	s26 =	sshrl.u32 s9, $0x3  }
0xe: {  	s4 =	sshrl.u32 s4, $0x3;
	s0 =	sadd.s32 s5, s0;
	s5 =	smax.u32 s14, $0x1  }
0xf: {  	s18 =	sshll.u32 s17, $0x3;
	s20 =	sshll.u32 s19, $0x3;
	s24 =	sshrl.u32 s19, $0x3  }
0x10: {  	s25 =	sshll.u32 s22, $0x3;
	s14 =	simm.s32 $0xA000;
	s19 =	simm.s32 $0xC200  }
0x11: {  	[dreg:$0xe] =	wrdreg s4;
	s15 =	sadd.s32 $0x6EA00, s0;
	s0 =	sadd.s32 $0x46800, s0  }
0x12: {  	[dreg:$0x9] =	wrdreg s5;
	s5 =	sadd.s32 s18, s6;
	s21 =	sadd.s32 s20, s6  }
0x13: {  	s10 =	sadd.s32 s25, s6;
	s6 =	sadd.s32 s23, s6;
	[dreg:$0x7] =	wrdreg s15  }
0x14: {  	s18 =	simm.s32 $0xA200;
	s20 =	simm.s32 $0xE200;
	[dreg:$0x8] =	wrdreg s0  }
0x15: {  	s23 =	simm.s32 $0x5;
	s25 =	simm.s32 $0x2;
	[dreg:$0x3] =	wrdreg s5  }
0x16: {  	s0 =	sshrl.u32 s17, $0x3;
	[dreg:$0x4] =	wrdreg s21;
	s5 =	sadd.s32 s24, s8  }
0x17: {  	[dreg:$0x5] =	wrdreg s10;
	s1 =	sadd.s32 s1, s6;
	s15 =	simm.s32 $0xA080  }
0x18: {  	s17 =	simm.s32 $0xA180;
	s0 =	sadd.s32 s0, s8;
	[dreg:$0xb] =	wrdreg s5  }
0x19: {  	s21 =	simm.s32 $0x10200;
	[dreg:$0xa] =	wrdreg s0;
	s0 =	sshrl.u32 s22, $0x3  }
0x1a: {  	s24 =	simm.s32 $0x80;
	[dreg:$0x6] =	wrdreg s1;
	s0 =	sadd.s32 s0, s8  }
0x1b: {  	s22 =	simm.s32 $0x1;
	[dreg:$0xc] =	wrdreg s0;
	s0 =	sadd.s32 s26, s8  }
0x1c: {  	s26 =	simm.s32 $0x6;
	[dreg:$0xd] =	wrdreg s0;
	s0 =	simm.s32 $0x0  }
.LBB2_1:
0x1d: {  	s1 =	rddreg [dreg:$0x7]  }
0x1e: {  	[spmem:s4], [sflag:s7] =	dma.local [hbm:s1], $0x1400  }
0x1f: {  	_ =	swait.ge [sflag:s13], $0x1400  }
0x20: {  	[sflag:s13] =	ssyncset.done $0x0  }
0x21: {  	[sflag:s13] =	ssyncadd.s32 $0xFFFFEC00  }
0x22: {  	[bflag:$0x0] =	sbarrier.arrive $0xFFFF  }
0x23: {  	s12 =	smov.u32 s7;
	s7 =	rddreg [dreg:$0xd]  }
0x24: {  	s9 =	rddreg [dreg:$0xb]  }
0x25: {  	[tilespmem:s14], [sflag:$0x1] =	stream.linear.gather [hbm4b:s7+s3], $0x80, $0x38;
	[tilespmem:$0x12200] =	vst v63  }
0x26: {  	s10 =	rddreg [dreg:$0x6]  }
0x27: {  	[tilespmem:s15], [sflag:$0x2] =	stream.linear.gather [hbm4b:s9+s3], $0x80, $0x38;
	[tilespmem:$0x12200] =	vst v63  }
0x28: {  	s8 =	rddreg [dreg:$0xa]  }
0x29: {  	[tilespmem:s16], [sflag:$0x3] =	stream.linear.gather [hbm4b:s8+s3], $0x80, $0x38;
	[tilespmem:$0x12200] =	vst v63  }
0x2a: {  	s5 =	rddreg [dreg:$0xc]  }
0x2b: {  	[tilespmem:s17], [sflag:$0x4] =	stream.linear.gather [hbm4b:s5+s3], $0x80, $0x38;
	[tilespmem:$0x12200] =	vst v63  }
0x2c: {  	s11 =	rddreg [dreg:$0x4];
	s1 =	sadd.s32 $0x0, s10  }
0x2d: {  	[tilespmem:s18], [sflag:$0x5] =	stream.linear.gather [hbm4b:s1+s3], $0x2000, $0x38;
	[tilespmem:$0x12200] =	vst v63  }
0x2e: {  	s6 =	rddreg [dreg:$0x3];
	s10 =	sadd.s32 $0x0, s11  }
0x2f: {  	[tilespmem:s19], [sflag:$0x6] =	stream.linear.gather [hbm4b:s10+s3], $0x2000, $0x38;
	[tilespmem:$0x12200] =	vst v63  }
0x30: {  	s11 =	rddreg [dreg:$0x5];
	s10 =	sadd.s32 $0x0, s6  }
0x31: {  	[tilespmem:s20], [sflag:$0x7] =	stream.linear.gather [hbm4b:s10+s3], $0x2000, $0x38;
	[tilespmem:$0x12200] =	vst v63  }
0x32: {  	s11 =	sadd.s32 $0x0, s11  }
0x33: {  	[tilespmem:s21], [sflag:$0x8] =	stream.linear.gather [hbm4b:s11+s3], $0x2000, $0x38;
	[tilespmem:$0x12200] =	vst v63  }
0x34: {  	_ =	swait.ge [sflag:s22], $0x80  }
0x35: {  	[sflag:s22] =	ssyncset.done $0x0  }
0x36: {  	[sflag:s22] =	ssyncadd.s32 $0xFFFFFF80  }
0x37: {  	_ =	swait.ge [sflag:s23], $0x2000  }
0x38: {  	[sflag:s23] =	ssyncset.done $0x0  }
0x39: {  	[sflag:s23] =	ssyncadd.s32 $0xFFFFE000  }
0x3a: {  	[spmem:s2] =	stream.indirect.scatter.add.f32 [tilespmem:s18], [sflag:$0x9], $0x40, s14, s24, $0xb8;
	[tilespmem:$0x12200] =	vst v63  }
0x3b: {  	_ =	swait.ge [sflag:s13], $0x2000  }
0x3c: {  	[sflag:s13] =	ssyncset.done $0x0  }
0x3d: {  	[sflag:s13] =	ssyncadd.s32 $0xFFFFE000  }
0x3e: {  	_ =	swait.ge [sflag:s25], $0x80  }
0x3f: {  	[sflag:s25] =	ssyncset.done $0x0  }
0x40: {  	[sflag:s25] =	ssyncadd.s32 $0xFFFFFF80  }
0x41: {  	_ =	swait.ge [sflag:s26], $0x2000  }
0x42: {  	[sflag:s26] =	ssyncset.done $0x0  }
0x43: {  	[sflag:s26] =	ssyncadd.s32 $0xFFFFE000  }
0x44: {  	[spmem:s2] =	stream.indirect.scatter.add.f32 [tilespmem:s19], [sflag:$0x9], $0x40, s15, s24, $0xb8;
	[tilespmem:$0x12200] =	vst v63  }
0x45: {  	_ =	swait.ge [sflag:s13], $0x2000  }
0x46: {  	[sflag:s13] =	ssyncset.done $0x0  }
0x47: {  	[sflag:s13] =	ssyncadd.s32 $0xFFFFE000  }
0x48: {  	_ =	swait.ge [sflag:s28], $0x80  }
0x49: {  	[sflag:s28] =	ssyncset.done $0x0  }
0x4a: {  	[sflag:s28] =	ssyncadd.s32 $0xFFFFFF80  }
0x4b: {  	_ =	swait.ge [sflag:s29], $0x2000  }
0x4c: {  	[sflag:s29] =	ssyncset.done $0x0  }
0x4d: {  	[sflag:s29] =	ssyncadd.s32 $0xFFFFE000  }
0x4e: {  	[spmem:s2] =	stream.indirect.scatter.add.f32 [tilespmem:s20], [sflag:$0x9], $0x40, s16, s24, $0xb8;
	[tilespmem:$0x12200] =	vst v63  }
0x4f: {  	_ =	swait.ge [sflag:s13], $0x2000  }
0x50: {  	[sflag:s13] =	ssyncset.done $0x0  }
0x51: {  	[sflag:s13] =	ssyncadd.s32 $0xFFFFE000  }
0x52: {  	_ =	swait.ge [sflag:s30], $0x80  }
0x53: {  	[sflag:s30] =	ssyncset.done $0x0  }
0x54: {  	[sflag:s30] =	ssyncadd.s32 $0xFFFFFF80  }
0x55: {  	_ =	swait.ge [sflag:s31], $0x2000  }
0x56: {  	[sflag:s31] =	ssyncset.done $0x0  }
0x57: {  	[sflag:s31] =	ssyncadd.s32 $0xFFFFE000  }
0x58: {  	[spmem:s2] =	stream.indirect.scatter.add.f32 [tilespmem:s21], [sflag:$0x9], $0x40, s17, s24, $0xb8;
	[tilespmem:$0x12200] =	vst v63  }
0x59: {  	s4 =	sadd.s32 $0x40, s5;
	_ =	swait.ge [sflag:s13], $0x2000  }
0x5a: {  	s1 =	simm.s32 $0x1000;
	s6 =	sadd.s32 $0x40, s7;
	[sflag:s13] =	ssyncset.done $0x0  }
.LBB2_2:
0x5b: {  	[sflag:s13] =	ssyncadd.s32 $0xFFFFE000  }
0x5c: {  	[tilespmem:s14], [sflag:$0x1] =	stream.linear.gather [hbm4b:s6+s3], $0x80, $0x38;
	[tilespmem:$0x12200] =	vst v63  }
0x5d: {  	s9 =	sadd.s32 $0x40, s9  }
0x5e: {  	[tilespmem:s15], [sflag:$0x2] =	stream.linear.gather [hbm4b:s9+s3], $0x80, $0x38;
	[tilespmem:$0x12200] =	vst v63  }
0x5f: {  	s8 =	sadd.s32 $0x40, s8  }
0x60: {  	[tilespmem:s16], [sflag:$0x3] =	stream.linear.gather [hbm4b:s8+s3], $0x80, $0x38;
	[tilespmem:$0x12200] =	vst v63  }
0x61: {  	s7 =	smov.u32 s1;
	s5 =	rddreg [dreg:$0x6]  }
0x62: {  	[tilespmem:s17], [sflag:$0x4] =	stream.linear.gather [hbm4b:s4+s3], $0x80, $0x38;
	[tilespmem:$0x12200] =	vst v63  }
0x63: {  	s10 =	rddreg [dreg:$0x4];
	s5 =	sadd.s32 s7, s5  }
0x64: {  	[tilespmem:s18], [sflag:$0x5] =	stream.linear.gather [hbm4b:s5+s3], $0x2000, $0x38;
	[tilespmem:$0x12200] =	vst v63  }
0x65: {  	s11 =	rddreg [dreg:$0x3];
	s5 =	sadd.s32 s7, s10  }
0x66: {  	[tilespmem:s19], [sflag:$0x6] =	stream.linear.gather [hbm4b:s5+s3], $0x2000, $0x38;
	[tilespmem:$0x12200] =	vst v63  }
0x67: {  	s11 =	sadd.s32 s7, s11;
	s10 =	rddreg [dreg:$0x5]  }
0x68: {  	[tilespmem:s20], [sflag:$0x7] =	stream.linear.gather [hbm4b:s11+s3], $0x2000, $0x38;
	[tilespmem:$0x12200] =	vst v63  }
0x69: {  	s11 =	sadd.s32 s7, s10  }
0x6a: {  	[tilespmem:s21], [sflag:$0x8] =	stream.linear.gather [hbm4b:s11+s3], $0x2000, $0x38;
	[tilespmem:$0x12200] =	vst v63  }
0x6b: {  	_ =	swait.ge [sflag:s22], $0x80  }
0x6c: {  	[sflag:s22] =	ssyncset.done $0x0  }
0x6d: {  	[sflag:s22] =	ssyncadd.s32 $0xFFFFFF80  }
0x6e: {  	_ =	swait.ge [sflag:s23], $0x2000  }
0x6f: {  	[sflag:s23] =	ssyncset.done $0x0  }
0x70: {  	[sflag:s23] =	ssyncadd.s32 $0xFFFFE000  }
0x71: {  	[spmem:s2] =	stream.indirect.scatter.add.f32 [tilespmem:s18], [sflag:$0x9], $0x40, s14, s24, $0xb8;
	[tilespmem:$0x12200] =	vst v63  }
0x72: {  	_ =	swait.ge [sflag:s13], $0x2000  }
0x73: {  	[sflag:s13] =	ssyncset.done $0x0  }
0x74: {  	[sflag:s13] =	ssyncadd.s32 $0xFFFFE000  }
0x75: {  	_ =	swait.ge [sflag:s25], $0x80  }
0x76: {  	[sflag:s25] =	ssyncset.done $0x0  }
0x77: {  	[sflag:s25] =	ssyncadd.s32 $0xFFFFFF80  }
0x78: {  	_ =	swait.ge [sflag:s26], $0x2000  }
0x79: {  	[sflag:s26] =	ssyncset.done $0x0  }
0x7a: {  	[sflag:s26] =	ssyncadd.s32 $0xFFFFE000  }
0x7b: {  	[spmem:s2] =	stream.indirect.scatter.add.f32 [tilespmem:s19], [sflag:$0x9], $0x40, s15, s24, $0xb8;
	[tilespmem:$0x12200] =	vst v63  }
0x7c: {  	_ =	swait.ge [sflag:s13], $0x2000  }
0x7d: {  	[sflag:s13] =	ssyncset.done $0x0  }
0x7e: {  	[sflag:s13] =	ssyncadd.s32 $0xFFFFE000  }
0x7f: {  	_ =	swait.ge [sflag:s28], $0x80  }
0x80: {  	[sflag:s28] =	ssyncset.done $0x0  }
0x81: {  	[sflag:s28] =	ssyncadd.s32 $0xFFFFFF80  }
0x82: {  	_ =	swait.ge [sflag:s29], $0x2000  }
0x83: {  	[sflag:s29] =	ssyncset.done $0x0  }
0x84: {  	[sflag:s29] =	ssyncadd.s32 $0xFFFFE000  }
0x85: {  	[spmem:s2] =	stream.indirect.scatter.add.f32 [tilespmem:s20], [sflag:$0x9], $0x40, s16, s24, $0xb8;
	[tilespmem:$0x12200] =	vst v63  }
0x86: {  	_ =	swait.ge [sflag:s13], $0x2000  }
0x87: {  	[sflag:s13] =	ssyncset.done $0x0  }
0x88: {  	[sflag:s13] =	ssyncadd.s32 $0xFFFFE000  }
0x89: {  	_ =	swait.ge [sflag:s30], $0x80  }
0x8a: {  	[sflag:s30] =	ssyncset.done $0x0  }
0x8b: {  	[sflag:s30] =	ssyncadd.s32 $0xFFFFFF80  }
0x8c: {  	p0 =	sne.s32 s1, $0x9000;
	_ =	swait.ge [sflag:s31], $0x2000  }
.Ltmp0:
0x8d: {  	[sflag:s31] =	ssyncset.done $0x0;
	(pc) =	sbr.rel @p0 .LBB2_2-.Ltmp0, $4  }
0x8e: {  	[sflag:s31] =	ssyncadd.s32 $0xFFFFE000  }
0x8f: {  	[spmem:s2] =	stream.indirect.scatter.add.f32 [tilespmem:s21], [sflag:$0x9], $0x40, s17, s24, $0xb8;
	[tilespmem:$0x12200] =	vst v63  }
0x90: {  	s1 =	sadd.s32 $0x1000, s1;
	_ =	swait.ge [sflag:s13], $0x2000  }
0x91: {  	s6 =	sadd.s32 $0x40, s6;
	s4 =	sadd.s32 $0x40, s4;
	[sflag:s13] =	ssyncset.done $0x0  }
0x92: {  	[sflag:s13] =	ssyncadd.s32 $0xFFFFE000  }
0x93: {  	[bflag:$0x0] =	sbarrier.arrive $0xFFFF  }
0x94: {  	s1 =	rddreg [dreg:$0x8]  }
0x95: {  	s4 =	rddreg [dreg:$0xe]  }
0x96: {  	[hbm:s1], [sflag:s12] =	dma.local [spmem:s4], $0x1400  }
0x97: {  	_ =	swait.ge [sflag:s13], $0x1400  }
0x98: {  	s7 =	smov.u32 s12;
	s0 =	sadd.s32 $0x1, s0;
	s12 =	rddreg [dreg:$0x9]  }
0x99: {  	p0 =	sne.s32 s0, s12  }
.Ltmp1:
0x9a: {  	_ = 	snop;
	(pc) =	sbr.rel @p0 .LBB2_1-.Ltmp1, $3  }
0x9b: {  	_ =	sdelay $0x1  }
0x9c: {  	[sflag:s13] =	ssyncset.done $0x0  }
0x9d: {  	[sflag:s13] =	ssyncadd.s32 $0xFFFFEC00  }
0x9e: {  	_ =	sfence.sel $0x180000  }
0x9f: {  	[bflag:$0x0] =	sbarrier.arrive $0xFFFF  }
0xa0: {  	_ =	strace $0x90000059  }
0xa1: {  	s0 =	stileid.u32;
	[bflag:$0x2] =	sbarrier.arrive $0xFFFF  }
0xa2: {  	p0 =	sne.s32 s0, $0x0;
	s0 =	rddreg [dreg:$0x2]  }
0xa3: {  	s0 =	sadd.s32 @!p0 $0x100000, s0  }
0xa4: {  	[sflag:s0] =	ssyncadd.tile.s32 @!p0 $0x1;
	_ =	shalt  }
.Lfunc_end2:
_tile_overlayer_lowered:
.L_overlay_start_2:
0xa5: {  	(tag) =	ssettag $0x2  }
0xa6: {  	s0 =	rddreg [dreg:$0x0];
	s2 =	stileid.u32  }
0xa7: {  	s1 =	rddreg [dreg:$0x1];
	p0 =	sne.s32 s2, $0x0  }
0xa8: {  	s3 =	rddreg [dreg:$0x2];
	[bflag:$0x3] =	sbarrier.arrive $0xFFFF;
	s2 =	simm.s32 @!p0 $0x1C09  }
0xa9: {  	[timem:s3], [sflag:s2] =	dma.local @!p0 [hbm:s0], s1  }
0xaa: {  	s0 =	simm.s32 @!p0 $0x9  }
0xab: {  	_ =	swait.ge @!p0 [sflag:s0], s1  }
0xac: {  	s1 =	ssub.s32 @!p0 $0x0, s1;
	[sflag:s0] =	ssyncset.done @!p0 $0x0  }
0xad: {  	[sflag:s0] =	ssyncadd.s32 @!p0 s1  }
0xae: {  	[bflag:$0x3] =	sbarrier.arrive $0xFFFF  }
0xaf: {  	_ =	shalt  }

// kernel: kernel.38.cloned.1.call-start
scs
__scs_entry_jumppad:
0x0: {  	(pc) =	sbr.rel $0x88, $3  }
0x1: {  	(tag) =	ssettag $0x0;
	lr =	simm.s32 $0x1  }
0x2: {  	[smem:$0x3F7D] =	sst lr;
	_ =	strace $0xD0000000  }
0x3: {  	_ = 	snop  }
0x4: {  	_ = 	snop  }
0x5: {  	_ = 	snop  }
0x6: {  	_ = 	snop  }
0x7: {  	_ = 	snop  }
__scs_overlays_trampoline_lowered:
0x8: {  	[smem:$0x3F8C] =	sst s0  }
0x9: {  	[smem:$0x3F8D] =	sst s1  }
0xa: {  	[smem:$0x3F8E] =	sst s2  }
0xb: {  	[smem:$0x3F8F] =	sst s3  }
0xc: {  	[smem:$0x3F90] =	sst s4  }
0xd: {  	[smem:$0x3F91] =	sst s5  }
0xe: {  	[smem:$0x3F92] =	sst s6  }
0xf: {  	[smem:$0x3F93] =	sst s7  }
0x10: {  	[smem:$0x3F94] =	sst s8  }
0x11: {  	[smem:$0x3F95] =	sst s9;
	s0 =	simm.s32 @!p0 $0x0  }
0x12: {  	s1 =	sld [smem:$0x3F7B];
	s0 =	simm.s32 @p0 $0x1  }
0x13: {  	[smem:$0x3F96] =	sst s0;
	s0 =	simm.s32 @!p1 $0x0  }
0x14: {  	s2 =	sld [smem:$0x3F7A];
	s0 =	simm.s32 @p1 $0x1  }
0x15: {  	[smem:$0x3F97] =	sst s0;
	s0 =	simm.s32 @!p2 $0x0  }
0x16: {  	s3 =	sld [smem:$0x3FDB];
	s0 =	simm.s32 @p2 $0x1  }
0x17: {  	s4 =	simm.s32 $0x1BF5;
	[smem:$0x3F99] =	sst s0  }
0x18: {  	s0 =	sld [smem:$0x3F7C];
	_ =	swait.ge [sflag:s4], $0x0  }
0x19: {  	s7 =	sld [smem:$0x3F7D]  }
0x1a: {  	s8 =	sadd.s32 $0xFFFFE003, lr  }
0x1b: {  	s9 =	sadd.s32 $0xFFFFFEF7, lr;
	s5 =	simm.s32 $0xFFFFFFFF;
	p2 =	slt.u32 s8, $0xFFFFF086  }
0x1c: {  	p1 =	slt.u32 s9, $0xF7A;
	s5 =	simm.s32 @!p2 $0x0  }
0x1d: {  	s5 =	simm.s32 @p1 $0x1;
	p0 =	seq.s32 s7, s2  }
0x1e: {  	s7 =	smul.u32 @!p0 $0xF7A, s2;
	p2 =	seq.s32 @!p0 s5, $0x0  }
0x1f: {  	s9 =	smul.u32 $0xF7A, s1;
	s8 =	simm.s32 @!p0 $0x1BF5;
	p2 =	por !p2, p0  }
0x20: {  	[sflag:s8] =	ssyncset.s32 @!p0 $0xFFFFF086;
	s6 =	sadd.s32 @!p0 s3, s7;
	s7 =	simm.s32 @!p0 $0x108  }
0x21: {  	s3 =	sadd.s32 s3, s9;
	s6 =	sadd.s32 @!p0 $0x88, s6;
	s7 =	simm.s32 @p2 $0x1082  }
0x22: {  	[simem:s7], [sflag:s8] =	dma.local @!p0 [hbm:s6], $0xF7A  }
0x23: {  	s9 =	sor.u32 $0xD0000000, s2;
	s6 =	simm.s32 $0x108;
	_ =	swait.ge @!p0 [sflag:s8], $0x0  }
0x24: {  	s3 =	sadd.s32 $0x88, s3;
	s6 =	simm.s32 @!p1 $0x1082;
	[sflag:s4] =	ssyncset.s32 $0xFFFFF086  }
0x25: {  	[simem:s6], [sflag:s4] =	dma.local [hbm:s3], $0xF7A  }
0x26: {  	[smem:$0x3F7D] =	sst s1;
	(tag) =	ssettag s2;
	_ =	strace s9  }
0x27: {  	s1 =	sld [smem:$0x3F8D]  }
0x28: {  	s2 =	sld [smem:$0x3F8E]  }
0x29: {  	s4 =	sld [smem:$0x3F90]  }
0x2a: {  	p0 =	seq.s32 s5, $0x0;
	s5 =	sld [smem:$0x3F91]  }
0x2b: {  	s6 =	sld [smem:$0x3F92]  }
0x2c: {  	s7 =	sld [smem:$0x3F93]  }
0x2d: {  	s3 =	simm.s32 $0x108;
	s8 =	sld [smem:$0x3F94]  }
0x2e: {  	s3 =	simm.s32 @!p0 $0x1082;
	s9 =	sld [smem:$0x3F95]  }
0x2f: {  	lr =	sadd.s32 s0, s3;
	s0 =	sld [smem:$0x3F8C]  }
0x30: {  	s3 =	sld [smem:$0x3F8F]  }
0x31: {  	[smem:$0x3F98] =	sst s10  }
0x32: {  	s10 =	sld [smem:$0x3F96];
	_ =	sdelay $0x3  }
0x33: {  	p0 =	seq.s32 s10, $0x1;
	s10 =	sld [smem:$0x3F98];
	_ =	sdelay $0x3  }
0x34: {  	[smem:$0x3F98] =	sst s10  }
0x35: {  	s10 =	sld [smem:$0x3F97];
	_ =	sdelay $0x3  }
0x36: {  	p1 =	seq.s32 s10, $0x1;
	s10 =	sld [smem:$0x3F98];
	_ =	sdelay $0x3  }
0x37: {  	[smem:$0x3F98] =	sst s10  }
0x38: {  	s10 =	sld [smem:$0x3F99]  }
0x39: {  	_ = 	snop;
	(pc) =	sbr.ind lr, $3  }
0x3a: {  	_ = 	snop  }
0x3b: {  	_ = 	snop  }
0x3c: {  	p2 =	seq.s32 s10, $0x1;
	s10 =	sld [smem:$0x3F98]  }
0x3d: {  	_ =	shalt  }
0x3e: {  	_ =	shalt  }
0x3f: {  	_ =	shalt  }
0x40: {  	_ =	shalt  }
0x41: {  	_ =	shalt  }
0x42: {  	_ =	shalt  }
0x43: {  	_ =	shalt  }
0x44: {  	_ =	shalt  }
0x45: {  	_ =	shalt  }
0x46: {  	_ =	shalt  }
0x47: {  	_ =	shalt  }
0x48: {  	_ =	shalt  }
0x49: {  	_ =	shalt  }
0x4a: {  	_ =	shalt  }
0x4b: {  	_ =	shalt  }
0x4c: {  	_ =	shalt  }
0x4d: {  	_ =	shalt  }
0x4e: {  	_ =	shalt  }
0x4f: {  	_ =	shalt  }
0x50: {  	_ =	shalt  }
0x51: {  	_ =	shalt  }
0x52: {  	_ =	shalt  }
0x53: {  	_ =	shalt  }
0x54: {  	_ =	shalt  }
0x55: {  	_ =	shalt  }
0x56: {  	_ =	shalt  }
0x57: {  	_ =	shalt  }
0x58: {  	_ =	shalt  }
0x59: {  	_ =	shalt  }
0x5a: {  	_ =	shalt  }
0x5b: {  	_ =	shalt  }
0x5c: {  	_ =	shalt  }
0x5d: {  	_ =	shalt  }
0x5e: {  	_ =	shalt  }
0x5f: {  	_ =	shalt  }
0x60: {  	_ =	shalt  }
0x61: {  	_ =	shalt  }
0x62: {  	_ =	shalt  }
0x63: {  	_ =	shalt  }
0x64: {  	_ =	shalt  }
0x65: {  	_ =	shalt  }
0x66: {  	_ =	shalt  }
0x67: {  	_ =	shalt  }
0x68: {  	_ =	shalt  }
0x69: {  	_ =	shalt  }
0x6a: {  	_ =	shalt  }
0x6b: {  	_ =	shalt  }
0x6c: {  	_ =	shalt  }
0x6d: {  	_ =	shalt  }
0x6e: {  	_ =	shalt  }
0x6f: {  	_ =	shalt  }
0x70: {  	_ =	shalt  }
0x71: {  	_ =	shalt  }
0x72: {  	_ =	shalt  }
0x73: {  	_ =	shalt  }
0x74: {  	_ =	shalt  }
0x75: {  	_ =	shalt  }
0x76: {  	_ =	shalt  }
0x77: {  	_ =	shalt  }
0x78: {  	_ =	shalt  }
0x79: {  	_ =	shalt  }
0x7a: {  	_ =	shalt  }
0x7b: {  	_ =	shalt  }
0x7c: {  	_ =	shalt  }
0x7d: {  	_ =	shalt  }
0x7e: {  	_ =	shalt  }
0x7f: {  	_ =	shalt  }
0x80: {  	_ =	shalt  }
0x81: {  	_ =	shalt  }
0x82: {  	_ =	shalt  }
0x83: {  	_ =	shalt  }
0x84: {  	_ =	shalt  }
0x85: {  	_ =	shalt  }
0x86: {  	_ =	shalt  }
0x87: {  	_ =	shalt  }
.Lfunc_end0:
.L_simem_size_0:
called_computation.7_lowered:
.L_overlay_start_0:
0x88: {  	s2 =	sld [smem:$0x3FD9]  }
0x89: {  	s3 =	sld [smem:$0x3FFE];
	_ =	sdelay $0x1  }
0x8a: {  	s1 =	srdreg.scid  }
0x8b: {  	s0 =	sand.u32 $0x1, s1  }
0x8c: {  	s16 =	sshll.u32 s0, $0xA;
	s2 =	sadd.s32 s3, s2  }
0x8d: {  	s2 =	sadd.s32 s2, s16  }
0x8e: {  	[smem:$0x3FA4] =	sst s2  }
0x8f: {  	_ = 	snop  }
0x90: {  	(tm) =	ssettm $0x1  }
0x91: {  	s17 =	sld [smem:$0x3FFB];
	_ =	sdelay $0x3  }
0x92: {  	_ =	strace s17  }
0x93: {  	s2 =	sld [smem:$0x3FFC];
	_ =	sdelay $0x3  }
0x94: {  	_ =	strace s2  }
0x95: {  	s2 =	sld [smem:$0x3FFD];
	_ =	sdelay $0x3  }
0x96: {  	_ =	strace s2  }
0x97: {  	_ =	strace $0x8FFFFFFF  }
0x98: {  	s18 =	sld [smem:$0x3FDB];
	_ =	sdelay $0x1  }
0x99: {  	s19 =	simm.s32 $_scs_section_size  }
0x9a: {  	s4 =	simm.s32 $_size__tile_overlayer_lowered;
	s5 =	simm.s32 $_tile_overlayer_lowered  }
0x9b: {  	s22 =	simm.s32 $0x1BFF;
	s21 =	sshll.u32 s5, $0x1;
	s2 =	sadd.s32 s19, s18  }
0x9c: {  	s6 =	simm.s32 $0x0;
	s20 =	sshll.u32 s4, $0x1;
	s4 =	sadd.s32 s21, s2  }
0x9d: {  	[timem:s6], [sflag:s22] =	dma.local [hbm:s4], s20  }
0x9e: {  	_ =	swait.ge [sflag:s22], s20  }
0x9f: {  	s3 =	ssub.s32 $0x0, s20;
	[sflag:s22] =	ssyncset.done $0x0  }
0xa0: {  	[sflag:s22] =	ssyncadd.s32 s3;
	_ =	sdelay $0x1  }
0xa1: {  	s23 =	simm.s32 $0x1B8B  }
0xa2: {  	_ =	swait.ge [sflag:s23], $0x1  }
0xa3: {  	[sflag:s23] =	ssyncset.done $0x0  }
0xa4: {  	s25 =	simm.s32 $0x1B8E;
	s24 =	sld [smem:$0x3FFE];
	[sflag:s23] =	ssyncadd.s32 $0xFFFFFFFF  }
0xa5: {  	s26 =	simm.s32 $execute0_lowered;
	[smem:$0x3FD2] =	sst s25  }
0xa6: {  	s4 =	sshll.u32 s26, $0x1;
	_ =	strace $0x8000005B;
	[dreg:$0x1] =	wrdreg $0xFFFFFFFF  }
0xa7: {  	s28 =	simm.s32 $_size_execute0_lowered;
	s2 =	sadd.s32 s2, s4;
	[dreg:$0x0] =	wrdreg $0x0  }
0xa8: {  	s4 =	sshll.u32 s28, $0x1;
	[dreg:$0x2] =	wrdreg s2  }
0xa9: {  	[dreg:$0x3] =	wrdreg s4  }
0xaa: {  	[dreg:$0x4] =	wrdreg $0xC0  }
0xab: {  	_ =	task [dreg:s6], $0x5FFFF  }
0xac: {  	[dreg:$0x1] =	wrdreg $0xFFFFFFFF  }
0xad: {  	[dreg:$0x0] =	wrdreg $0x60  }
0xae: {  	[dreg:$0x2] =	wrdreg s24  }
0xaf: {  	[dreg:$0x3] =	wrdreg $0x0  }
0xb0: {  	[dreg:$0x4] =	wrdreg $0x9  }
0xb1: {  	_ =	task.clear_ibuf [dreg:s6], $0x5FFFF;
	_ =	strace $0x9000005B  }
0xb2: {  	s29 =	simm.s32 $0x9;
	_ =	strace $0x8000005D  }
0xb3: {  	_ =	swait.ge [sflag:s29], $0x1  }
0xb4: {  	[sflag:s29] =	ssyncadd.s32 $0xFFFFFFFF  }
0xb5: {  	_ =	strace $0x9000005D  }
0xb6: {  	_ =	sfence  }
0xb7: {  	s30 =	sld [smem:$0x0];
	_ =	sdelay $0x2  }
0xb8: {  	s31 =	sshll.u32 s1, $0xD;
	s1 =	sshrl.u32 s1, $0x2  }
0xb9: {  	s3 =	sand.u32 $0x4000, s31;
	s1 =	sadd.s32 s1, s30  }
0xba: {  	s0 =	sor.u32 s3, s0;
	s1 =	sshll.u32 s1, $0x11  }
0xbb: {  	s0 =	sor.u32 s1, s0  }
0xbc: {  	s0 =	sadd.s32 $0x8F2B, s0  }
0xbd: {  	[sflag:s0] =	ssyncadd.remote.s32 $0x1  }
0xbe: {  	_ =	sfence.sel $0xFFFF  }
0xbf: {  	[dreg:$0x0] =	wrdreg $0xFFFFFFFF;
	(pc) =	sbr.abs _section_cstart, $3  }
0xc0: {  	[dreg:$0x1] =	wrdreg $0xFFFFFFFF  }
0xc1: {  	_ =	task.clear_ibuf [dreg:s6], $0x2FFFF;
	_ =	strace $0x9FFFFFFF  }
0xc2: {  	(tm) =	ssettm $0x7FFFFFFF  }
0xc3: {  	_ =	shalt  }
tec
execute0_lowered:
.L_overlay_start_1:
0x0: {  	(tag) =	ssettag $0x1  }
0x1: {  	s0 =	rddreg [dreg:$0x0]  }
0x2: {  	s2 =	rddreg [dreg:$0x1]  }
0x3: {  	s3 =	simm.s32 $0x0;
	s1 =	srdreg.scid;
	s12 =	stileid.u32  }
0x4: {  	s13 =	simm.s32 $0x9;
	s28 =	simm.s32 $0x3;
	s29 =	simm.s32 $0x7  }
0x5: {  	s30 =	simm.s32 $0x4;
	s31 =	simm.s32 $0x8;
	s4 =	smul.u32 $0xA000, s12  }
0x6: {  	[smem:$0x7FF] =	sst s3;
	s1 =	sand.u32 $0x1, s1;
	s9 =	smul.u32 $0x2800, s12  }
0x7: {  	s6 =	sadd.s32 $0x1FEA00, s0;
	s8 =	sadd.s32 $0xF800, s0;
	s23 =	smul.u32 $0x14000, s12  }
0x8: {  	s16 =	sshll.u32 s12, $0x6;
	s5 =	smul.u32 $0xA0000, s1;
	s7 =	ssub.s32 $0x2, s1  }
0x9: {  	_ =	strace $0x8000005C;
	s11 =	smul.u32 $0x1400, s1;
	s10 =	sshrl.u32 s7, $0x1  }
0xa: {  	s1 =	smul.u32 $0xA000, s1;
	s5 =	sadd.s32 s4, s5;
	s14 =	ssub.s32 s7, s10  }
0xb: {  	s4 =	sadd.s32 s4, s2;
	s9 =	sadd.s32 s11, s9;
	s7 =	sor.u32 $0x1C09, s16  }
0xc: {  	s16 =	simm.s32 $0xA100;
	s5 =	sshrl.u32 s5, $0x3;
	s17 =	sor.u32 $0x100, s9  }
0xd: {  	s19 =	sor.u32 $0x80, s9;
	s22 =	sor.u32 $0x180, s9;
	s26 =	sshrl.u32 s9, $0x3  }
0xe: {  	s4 =	sshrl.u32 s4, $0x3;
	s0 =	sadd.s32 s5, s0;
	s5 =	smax.u32 s14, $0x1  }
0xf: {  	s18 =	sshll.u32 s17, $0x3;
	s20 =	sshll.u32 s19, $0x3;
	s24 =	sshrl.u32 s19, $0x3  }
0x10: {  	s25 =	sshll.u32 s22, $0x3;
	s14 =	simm.s32 $0xA000;
	s19 =	simm.s32 $0xC200  }
0x11: {  	[dreg:$0xe] =	wrdreg s4;
	s15 =	sadd.s32 $0x46800, s0;
	s0 =	sadd.s32 $0x6E800, s0  }
0x12: {  	[dreg:$0x9] =	wrdreg s5;
	s5 =	sadd.s32 s18, s6;
	s21 =	sadd.s32 s20, s6  }
0x13: {  	s10 =	sadd.s32 s25, s6;
	s6 =	sadd.s32 s23, s6;
	[dreg:$0x7] =	wrdreg s15  }
0x14: {  	s18 =	simm.s32 $0xA200;
	s20 =	simm.s32 $0xE200;
	[dreg:$0x8] =	wrdreg s0  }
0x15: {  	s23 =	simm.s32 $0x5;
	s25 =	simm.s32 $0x2;
	[dreg:$0x3] =	wrdreg s5  }
0x16: {  	s0 =	sshrl.u32 s17, $0x3;
	[dreg:$0x4] =	wrdreg s21;
	s5 =	sadd.s32 s24, s8  }
0x17: {  	[dreg:$0x5] =	wrdreg s10;
	s1 =	sadd.s32 s1, s6;
	s15 =	simm.s32 $0xA080  }
0x18: {  	s17 =	simm.s32 $0xA180;
	s0 =	sadd.s32 s0, s8;
	[dreg:$0xb] =	wrdreg s5  }
0x19: {  	s21 =	simm.s32 $0x10200;
	[dreg:$0xa] =	wrdreg s0;
	s0 =	sshrl.u32 s22, $0x3  }
0x1a: {  	s24 =	simm.s32 $0x80;
	[dreg:$0x6] =	wrdreg s1;
	s0 =	sadd.s32 s0, s8  }
0x1b: {  	s22 =	simm.s32 $0x1;
	[dreg:$0xc] =	wrdreg s0;
	s0 =	sadd.s32 s26, s8  }
0x1c: {  	s26 =	simm.s32 $0x6;
	[dreg:$0xd] =	wrdreg s0;
	s0 =	simm.s32 $0x0  }
.LBB2_1:
0x1d: {  	s1 =	rddreg [dreg:$0x7]  }
0x1e: {  	[spmem:s4], [sflag:s7] =	dma.local [hbm:s1], $0x1400  }
0x1f: {  	_ =	swait.ge [sflag:s13], $0x1400  }
0x20: {  	[sflag:s13] =	ssyncset.done $0x0  }
0x21: {  	[sflag:s13] =	ssyncadd.s32 $0xFFFFEC00  }
0x22: {  	[bflag:$0x0] =	sbarrier.arrive $0xFFFF  }
0x23: {  	s12 =	smov.u32 s7;
	s7 =	rddreg [dreg:$0xd]  }
0x24: {  	s9 =	rddreg [dreg:$0xb]  }
0x25: {  	[tilespmem:s14], [sflag:$0x1] =	stream.linear.gather [hbm4b:s7+s3], $0x80, $0x38;
	[tilespmem:$0x12200] =	vst v63  }
0x26: {  	s10 =	rddreg [dreg:$0x6]  }
0x27: {  	[tilespmem:s15], [sflag:$0x2] =	stream.linear.gather [hbm4b:s9+s3], $0x80, $0x38;
	[tilespmem:$0x12200] =	vst v63  }
0x28: {  	s8 =	rddreg [dreg:$0xa]  }
0x29: {  	[tilespmem:s16], [sflag:$0x3] =	stream.linear.gather [hbm4b:s8+s3], $0x80, $0x38;
	[tilespmem:$0x12200] =	vst v63  }
0x2a: {  	s5 =	rddreg [dreg:$0xc]  }
0x2b: {  	[tilespmem:s17], [sflag:$0x4] =	stream.linear.gather [hbm4b:s5+s3], $0x80, $0x38;
	[tilespmem:$0x12200] =	vst v63  }
0x2c: {  	s11 =	rddreg [dreg:$0x4];
	s1 =	sadd.s32 $0x0, s10  }
0x2d: {  	[tilespmem:s18], [sflag:$0x5] =	stream.linear.gather [hbm4b:s1+s3], $0x2000, $0x38;
	[tilespmem:$0x12200] =	vst v63  }
0x2e: {  	s6 =	rddreg [dreg:$0x3];
	s10 =	sadd.s32 $0x0, s11  }
0x2f: {  	[tilespmem:s19], [sflag:$0x6] =	stream.linear.gather [hbm4b:s10+s3], $0x2000, $0x38;
	[tilespmem:$0x12200] =	vst v63  }
0x30: {  	s11 =	rddreg [dreg:$0x5];
	s10 =	sadd.s32 $0x0, s6  }
0x31: {  	[tilespmem:s20], [sflag:$0x7] =	stream.linear.gather [hbm4b:s10+s3], $0x2000, $0x38;
	[tilespmem:$0x12200] =	vst v63  }
0x32: {  	s11 =	sadd.s32 $0x0, s11  }
0x33: {  	[tilespmem:s21], [sflag:$0x8] =	stream.linear.gather [hbm4b:s11+s3], $0x2000, $0x38;
	[tilespmem:$0x12200] =	vst v63  }
0x34: {  	_ =	swait.ge [sflag:s22], $0x80  }
0x35: {  	[sflag:s22] =	ssyncset.done $0x0  }
0x36: {  	[sflag:s22] =	ssyncadd.s32 $0xFFFFFF80  }
0x37: {  	_ =	swait.ge [sflag:s23], $0x2000  }
0x38: {  	[sflag:s23] =	ssyncset.done $0x0  }
0x39: {  	[sflag:s23] =	ssyncadd.s32 $0xFFFFE000  }
0x3a: {  	[spmem:s2] =	stream.indirect.scatter.add.f32 [tilespmem:s18], [sflag:$0x9], $0x40, s14, s24, $0xb8;
	[tilespmem:$0x12200] =	vst v63  }
0x3b: {  	_ =	swait.ge [sflag:s13], $0x2000  }
0x3c: {  	[sflag:s13] =	ssyncset.done $0x0  }
0x3d: {  	[sflag:s13] =	ssyncadd.s32 $0xFFFFE000  }
0x3e: {  	_ =	swait.ge [sflag:s25], $0x80  }
0x3f: {  	[sflag:s25] =	ssyncset.done $0x0  }
0x40: {  	[sflag:s25] =	ssyncadd.s32 $0xFFFFFF80  }
0x41: {  	_ =	swait.ge [sflag:s26], $0x2000  }
0x42: {  	[sflag:s26] =	ssyncset.done $0x0  }
0x43: {  	[sflag:s26] =	ssyncadd.s32 $0xFFFFE000  }
0x44: {  	[spmem:s2] =	stream.indirect.scatter.add.f32 [tilespmem:s19], [sflag:$0x9], $0x40, s15, s24, $0xb8;
	[tilespmem:$0x12200] =	vst v63  }
0x45: {  	_ =	swait.ge [sflag:s13], $0x2000  }
0x46: {  	[sflag:s13] =	ssyncset.done $0x0  }
0x47: {  	[sflag:s13] =	ssyncadd.s32 $0xFFFFE000  }
0x48: {  	_ =	swait.ge [sflag:s28], $0x80  }
0x49: {  	[sflag:s28] =	ssyncset.done $0x0  }
0x4a: {  	[sflag:s28] =	ssyncadd.s32 $0xFFFFFF80  }
0x4b: {  	_ =	swait.ge [sflag:s29], $0x2000  }
0x4c: {  	[sflag:s29] =	ssyncset.done $0x0  }
0x4d: {  	[sflag:s29] =	ssyncadd.s32 $0xFFFFE000  }
0x4e: {  	[spmem:s2] =	stream.indirect.scatter.add.f32 [tilespmem:s20], [sflag:$0x9], $0x40, s16, s24, $0xb8;
	[tilespmem:$0x12200] =	vst v63  }
0x4f: {  	_ =	swait.ge [sflag:s13], $0x2000  }
0x50: {  	[sflag:s13] =	ssyncset.done $0x0  }
0x51: {  	[sflag:s13] =	ssyncadd.s32 $0xFFFFE000  }
0x52: {  	_ =	swait.ge [sflag:s30], $0x80  }
0x53: {  	[sflag:s30] =	ssyncset.done $0x0  }
0x54: {  	[sflag:s30] =	ssyncadd.s32 $0xFFFFFF80  }
0x55: {  	_ =	swait.ge [sflag:s31], $0x2000  }
0x56: {  	[sflag:s31] =	ssyncset.done $0x0  }
0x57: {  	[sflag:s31] =	ssyncadd.s32 $0xFFFFE000  }
0x58: {  	[spmem:s2] =	stream.indirect.scatter.add.f32 [tilespmem:s21], [sflag:$0x9], $0x40, s17, s24, $0xb8;
	[tilespmem:$0x12200] =	vst v63  }
0x59: {  	s4 =	sadd.s32 $0x40, s5;
	_ =	swait.ge [sflag:s13], $0x2000  }
0x5a: {  	s1 =	simm.s32 $0x1000;
	s6 =	sadd.s32 $0x40, s7;
	[sflag:s13] =	ssyncset.done $0x0  }
.LBB2_2:
0x5b: {  	[sflag:s13] =	ssyncadd.s32 $0xFFFFE000  }
0x5c: {  	[tilespmem:s14], [sflag:$0x1] =	stream.linear.gather [hbm4b:s6+s3], $0x80, $0x38;
	[tilespmem:$0x12200] =	vst v63  }
0x5d: {  	s9 =	sadd.s32 $0x40, s9  }
0x5e: {  	[tilespmem:s15], [sflag:$0x2] =	stream.linear.gather [hbm4b:s9+s3], $0x80, $0x38;
	[tilespmem:$0x12200] =	vst v63  }
0x5f: {  	s8 =	sadd.s32 $0x40, s8  }
0x60: {  	[tilespmem:s16], [sflag:$0x3] =	stream.linear.gather [hbm4b:s8+s3], $0x80, $0x38;
	[tilespmem:$0x12200] =	vst v63  }
0x61: {  	s7 =	smov.u32 s1;
	s5 =	rddreg [dreg:$0x6]  }
0x62: {  	[tilespmem:s17], [sflag:$0x4] =	stream.linear.gather [hbm4b:s4+s3], $0x80, $0x38;
	[tilespmem:$0x12200] =	vst v63  }
0x63: {  	s10 =	rddreg [dreg:$0x4];
	s5 =	sadd.s32 s7, s5  }
0x64: {  	[tilespmem:s18], [sflag:$0x5] =	stream.linear.gather [hbm4b:s5+s3], $0x2000, $0x38;
	[tilespmem:$0x12200] =	vst v63  }
0x65: {  	s11 =	rddreg [dreg:$0x3];
	s5 =	sadd.s32 s7, s10  }
0x66: {  	[tilespmem:s19], [sflag:$0x6] =	stream.linear.gather [hbm4b:s5+s3], $0x2000, $0x38;
	[tilespmem:$0x12200] =	vst v63  }
0x67: {  	s11 =	sadd.s32 s7, s11;
	s10 =	rddreg [dreg:$0x5]  }
0x68: {  	[tilespmem:s20], [sflag:$0x7] =	stream.linear.gather [hbm4b:s11+s3], $0x2000, $0x38;
	[tilespmem:$0x12200] =	vst v63  }
0x69: {  	s11 =	sadd.s32 s7, s10  }
0x6a: {  	[tilespmem:s21], [sflag:$0x8] =	stream.linear.gather [hbm4b:s11+s3], $0x2000, $0x38;
	[tilespmem:$0x12200] =	vst v63  }
0x6b: {  	_ =	swait.ge [sflag:s22], $0x80  }
0x6c: {  	[sflag:s22] =	ssyncset.done $0x0  }
0x6d: {  	[sflag:s22] =	ssyncadd.s32 $0xFFFFFF80  }
0x6e: {  	_ =	swait.ge [sflag:s23], $0x2000  }
0x6f: {  	[sflag:s23] =	ssyncset.done $0x0  }
0x70: {  	[sflag:s23] =	ssyncadd.s32 $0xFFFFE000  }
0x71: {  	[spmem:s2] =	stream.indirect.scatter.add.f32 [tilespmem:s18], [sflag:$0x9], $0x40, s14, s24, $0xb8;
	[tilespmem:$0x12200] =	vst v63  }
0x72: {  	_ =	swait.ge [sflag:s13], $0x2000  }
0x73: {  	[sflag:s13] =	ssyncset.done $0x0  }
0x74: {  	[sflag:s13] =	ssyncadd.s32 $0xFFFFE000  }
0x75: {  	_ =	swait.ge [sflag:s25], $0x80  }
0x76: {  	[sflag:s25] =	ssyncset.done $0x0  }
0x77: {  	[sflag:s25] =	ssyncadd.s32 $0xFFFFFF80  }
0x78: {  	_ =	swait.ge [sflag:s26], $0x2000  }
0x79: {  	[sflag:s26] =	ssyncset.done $0x0  }
0x7a: {  	[sflag:s26] =	ssyncadd.s32 $0xFFFFE000  }
0x7b: {  	[spmem:s2] =	stream.indirect.scatter.add.f32 [tilespmem:s19], [sflag:$0x9], $0x40, s15, s24, $0xb8;
	[tilespmem:$0x12200] =	vst v63  }
0x7c: {  	_ =	swait.ge [sflag:s13], $0x2000  }
0x7d: {  	[sflag:s13] =	ssyncset.done $0x0  }
0x7e: {  	[sflag:s13] =	ssyncadd.s32 $0xFFFFE000  }
0x7f: {  	_ =	swait.ge [sflag:s28], $0x80  }
0x80: {  	[sflag:s28] =	ssyncset.done $0x0  }
0x81: {  	[sflag:s28] =	ssyncadd.s32 $0xFFFFFF80  }
0x82: {  	_ =	swait.ge [sflag:s29], $0x2000  }
0x83: {  	[sflag:s29] =	ssyncset.done $0x0  }
0x84: {  	[sflag:s29] =	ssyncadd.s32 $0xFFFFE000  }
0x85: {  	[spmem:s2] =	stream.indirect.scatter.add.f32 [tilespmem:s20], [sflag:$0x9], $0x40, s16, s24, $0xb8;
	[tilespmem:$0x12200] =	vst v63  }
0x86: {  	_ =	swait.ge [sflag:s13], $0x2000  }
0x87: {  	[sflag:s13] =	ssyncset.done $0x0  }
0x88: {  	[sflag:s13] =	ssyncadd.s32 $0xFFFFE000  }
0x89: {  	_ =	swait.ge [sflag:s30], $0x80  }
0x8a: {  	[sflag:s30] =	ssyncset.done $0x0  }
0x8b: {  	[sflag:s30] =	ssyncadd.s32 $0xFFFFFF80  }
0x8c: {  	p0 =	sne.s32 s1, $0x9000;
	_ =	swait.ge [sflag:s31], $0x2000  }
.Ltmp0:
0x8d: {  	[sflag:s31] =	ssyncset.done $0x0;
	(pc) =	sbr.rel @p0 .LBB2_2-.Ltmp0, $4  }
0x8e: {  	[sflag:s31] =	ssyncadd.s32 $0xFFFFE000  }
0x8f: {  	[spmem:s2] =	stream.indirect.scatter.add.f32 [tilespmem:s21], [sflag:$0x9], $0x40, s17, s24, $0xb8;
	[tilespmem:$0x12200] =	vst v63  }
0x90: {  	s1 =	sadd.s32 $0x1000, s1;
	_ =	swait.ge [sflag:s13], $0x2000  }
0x91: {  	s6 =	sadd.s32 $0x40, s6;
	s4 =	sadd.s32 $0x40, s4;
	[sflag:s13] =	ssyncset.done $0x0  }
0x92: {  	[sflag:s13] =	ssyncadd.s32 $0xFFFFE000  }
0x93: {  	[bflag:$0x0] =	sbarrier.arrive $0xFFFF  }
0x94: {  	s1 =	rddreg [dreg:$0x8]  }
0x95: {  	s4 =	rddreg [dreg:$0xe]  }
0x96: {  	[hbm:s1], [sflag:s12] =	dma.local [spmem:s4], $0x1400  }
0x97: {  	_ =	swait.ge [sflag:s13], $0x1400  }
0x98: {  	s7 =	smov.u32 s12;
	s0 =	sadd.s32 $0x1, s0;
	s12 =	rddreg [dreg:$0x9]  }
0x99: {  	p0 =	sne.s32 s0, s12  }
.Ltmp1:
0x9a: {  	_ = 	snop;
	(pc) =	sbr.rel @p0 .LBB2_1-.Ltmp1, $3  }
0x9b: {  	_ =	sdelay $0x1  }
0x9c: {  	[sflag:s13] =	ssyncset.done $0x0  }
0x9d: {  	[sflag:s13] =	ssyncadd.s32 $0xFFFFEC00  }
0x9e: {  	_ =	sfence.sel $0x180000  }
0x9f: {  	[bflag:$0x0] =	sbarrier.arrive $0xFFFF  }
0xa0: {  	_ =	strace $0x9000005C  }
0xa1: {  	s0 =	stileid.u32;
	[bflag:$0x2] =	sbarrier.arrive $0xFFFF  }
0xa2: {  	p0 =	sne.s32 s0, $0x0;
	s0 =	rddreg [dreg:$0x2]  }
0xa3: {  	s0 =	sadd.s32 @!p0 $0x100000, s0  }
0xa4: {  	[sflag:s0] =	ssyncadd.tile.s32 @!p0 $0x1;
	_ =	shalt  }
.Lfunc_end2:
_tile_overlayer_lowered:
.L_overlay_start_2:
0xa5: {  	(tag) =	ssettag $0x2  }
0xa6: {  	s0 =	rddreg [dreg:$0x0];
	s2 =	stileid.u32  }
0xa7: {  	s1 =	rddreg [dreg:$0x1];
	p0 =	sne.s32 s2, $0x0  }
0xa8: {  	s3 =	rddreg [dreg:$0x2];
	[bflag:$0x3] =	sbarrier.arrive $0xFFFF;
	s2 =	simm.s32 @!p0 $0x1C09  }
0xa9: {  	[timem:s3], [sflag:s2] =	dma.local @!p0 [hbm:s0], s1  }
0xaa: {  	s0 =	simm.s32 @!p0 $0x9  }
0xab: {  	_ =	swait.ge @!p0 [sflag:s0], s1  }
0xac: {  	s1 =	ssub.s32 @!p0 $0x0, s1;
	[sflag:s0] =	ssyncset.done @!p0 $0x0  }
0xad: {  	[sflag:s0] =	ssyncadd.s32 @!p0 s1  }
0xae: {  	[bflag:$0x3] =	sbarrier.arrive $0xFFFF  }
0xaf: {  	_ =	shalt  }

</sc_bundles>
